<compile_context>
chip_gen: v7x
topology: tpu7x:2x2x1
jax: 0.10.2.dev20260603
libtpu: 0.0.44.dev20260713+nightly
codegen_flags: <defaults>
</compile_context>

<pallas_src>
import functools
import numpy as np
import jax
import jax.numpy as jnp
from jax import lax
from jax.experimental import pallas as pl
from jax.experimental.pallas import tpu as pltpu
from jax.experimental.pallas import tpu_sc as plsc

NC = 2
NS = 16
NW = NC * NS
L = 16

K = 128
IDX_BLK = 8
BN_INV = float(1.0 / np.sqrt(1.0 + 1e-5))


def _flat_id():
    return lax.axis_index("c") * NS + lax.axis_index("s")


def _zero_vmem_rows(ref, rows, cols):
    def row(i, _):
        for k in range(cols // L):
            ref[i, pl.ds(k * L, L)] = jnp.zeros((L,), jnp.float32)
        return 0

    lax.fori_loop(0, rows, row, 0)


def _agg_body(n_pad, n_chunks, hs_hbm, src_hbm, dst_hbm, out_hbm,
              src_v, dst_v, rows0_v, rows1_v, acc, sem0, sem1):
    c = lax.axis_index("c")
    s = lax.axis_index("s")
    wid = _flat_id()
    d = hs_hbm.shape[1]
    rpt = n_pad // NS

    _zero_vmem_rows(rows0_v, K, d)
    for t in range(rpt // K):
        pltpu.sync_copy(rows0_v, acc.at[pl.ds(s * rpt + t * K, K)])
    plsc.subcore_barrier()

    rows = (rows0_v, rows1_v)
    sems = (sem0, sem1)

    def block(b, _):
        pltpu.sync_copy(src_hbm.at[wid, pl.ds(b * IDX_BLK, IDX_BLK)], src_v)
        pltpu.sync_copy(dst_hbm.at[wid, pl.ds(b * IDX_BLK, IDX_BLK)], dst_v)
        cp = pltpu.async_copy(hs_hbm.at[src_v.at[0]], rows[0], sems[0])
        for j in range(IDX_BLK):
            nxt = None
            if j + 1 < IDX_BLK:
                nxt = pltpu.async_copy(
                    hs_hbm.at[src_v.at[j + 1]], rows[(j + 1) % 2], sems[(j + 1) % 2]
                )
            cp.wait()
            pltpu.sync_copy(rows[j % 2], acc.at[dst_v.at[j]], add=True)
            cp = nxt
        return 0

    lax.fori_loop(0, n_chunks // IDX_BLK, block, 0)
    plsc.subcore_barrier()

    for t in range(rpt // K):
        r0 = s * rpt + t * K
        pltpu.sync_copy(acc.at[pl.ds(r0, K)], out_hbm.at[c, pl.ds(r0, K)])


def _sc_mesh():
    return plsc.VectorSubcoreMesh(core_axis_name="c", subcore_axis_name="s")


def _aggregate(hs, src3, dst3, n_pad, n_chunks):
    d = hs.shape[1]
    return pl.kernel(
        functools.partial(_agg_body, n_pad, n_chunks),
        out_type=jax.ShapeDtypeStruct((NC, n_pad, d), jnp.float32),
        mesh=_sc_mesh(),
        scratch_types=[
            pltpu.VMEM((IDX_BLK, K), jnp.int32),
            pltpu.VMEM((IDX_BLK, K), jnp.int32),
            pltpu.VMEM((K, d), jnp.float32),
            pltpu.VMEM((K, d), jnp.float32),
            pltpu.VMEM_SHARED((n_pad, d), jnp.float32),
            pltpu.SemaphoreType.DMA,
            pltpu.SemaphoreType.DMA,
        ],
        name="gcn_aggregate_sc",
    )(hs, src3, dst3)




def _mm_body(xb, w1, h_o):
    h_o[...] = jnp.dot(xb[...], w1[...], preferred_element_type=jnp.float32)


def _stage1_body(dega, degb, hb, dis_o, hs_o):
    deg = dega[...] + degb[...] + 1.0
    dis = lax.rsqrt(deg)
    dis_o[...] = dis
    hs_o[...] = hb[...] * dis


def _stage2_body(a0, a1, hs1, dis, b1, g1, be1, w2, hs2_o):
    pre = dis[...] * (a0[...] + a1[...] + hs1[...]) + b1[...]
    bn = pre * (g1[...] * BN_INV) + be1[...]
    r = jnp.maximum(bn, 0.0)
    h2 = jnp.dot(r, w2[...], preferred_element_type=jnp.float32)
    hs2_o[...] = h2 * dis[...]


def _stage3_body(a0, a1, hs2, dis, b2, g2, be2, pw1, pb1, pw2, pb2, h_o, z_o):
    pre = dis[...] * (a0[...] + a1[...] + hs2[...]) + b2[...]
    h = pre * (g2[...] * BN_INV) + be2[...]
    h_o[...] = h
    t = jnp.maximum(
        jnp.dot(h, pw1[...], preferred_element_type=jnp.float32) + pb1[...], 0.0
    )
    z_o[...] = jnp.dot(t, pw2[...], preferred_element_type=jnp.float32) + pb2[...]


def _row_spec(r, d):
    return pl.BlockSpec((r, d), lambda i: (i, 0))


def _rep_spec(shape):
    return pl.BlockSpec(shape, lambda i: tuple(0 for _ in shape))


def kernel(x, edge_index, W1, b1, g1, be1, W2, b2, g2, be2, PW1, Pb1, PW2, Pb2):
    n, d = x.shape
    e = edge_index.shape[1]
    e_per = e // NW
    assert e % NW == 0
    n_chunks = -(-e_per // (IDX_BLK * K)) * IDX_BLK
    n_pad = ((n + NS * K - 1) // (NS * K)) * (NS * K)
    assert n_pad > n
    r = n_pad // 8
    grid = n_pad // r

    pad_per = n_chunks * K - e_per
    src3 = jnp.pad(edge_index[0].reshape(NW, e_per), ((0, 0), (0, pad_per)),
                   constant_values=0).reshape(NW, n_chunks, K)
    dst3 = jnp.pad(edge_index[1].reshape(NW, e_per), ((0, 0), (0, pad_per)),
                   constant_values=n_pad - 1).reshape(NW, n_chunks, K)
    xp = jnp.pad(x, ((0, n_pad - n), (0, 0)))

    src3_seq = (jnp.arange(NW * n_chunks * K, dtype=jnp.int32)
                % n_pad).reshape(NW, n_chunks, K)
    deg2 = _aggregate(jnp.ones((n_pad, d), jnp.float32), src3_seq, dst3,
                      n_pad, n_chunks)
    dega = deg2[0, :, :1]
    degb = deg2[1, :, :1]

    h1 = pl.pallas_call(
        _mm_body,
        grid=(grid,),
        in_specs=[_row_spec(r, d), _rep_spec((d, d))],
        out_specs=[_row_spec(r, d)],
        out_shape=[jax.ShapeDtypeStruct((n_pad, d), jnp.float32)],
        name="gcn_mm1_tc",
    )(xp, W1)[0]

    vecs = [v.reshape(1, d) for v in (b1, g1, be1, b2, g2, be2, Pb1, Pb2)]
    b1r, g1r, be1r, b2r, g2r, be2r, pb1r, pb2r = vecs

    dis, hs1 = pl.pallas_call(
        _stage1_body,
        grid=(grid,),
        in_specs=[_row_spec(r, 1), _row_spec(r, 1), _row_spec(r, d)],
        out_specs=[_row_spec(r, 1), _row_spec(r, d)],
        out_shape=[
            jax.ShapeDtypeStruct((n_pad, 1), jnp.float32),
            jax.ShapeDtypeStruct((n_pad, d), jnp.float32),
        ],
        name="gcn_stage1_tc",
    )(dega, degb, h1)

    agg1 = _aggregate(hs1, src3, dst3, n_pad, n_chunks)

    hs2 = pl.pallas_call(
        _stage2_body,
        grid=(grid,),
        in_specs=[
            _row_spec(r, d), _row_spec(r, d), _row_spec(r, d), _row_spec(r, 1),
            _rep_spec((1, d)), _rep_spec((1, d)), _rep_spec((1, d)),
            _rep_spec((d, d)),
        ],
        out_specs=[_row_spec(r, d)],
        out_shape=[jax.ShapeDtypeStruct((n_pad, d), jnp.float32)],
        name="gcn_stage2_tc",
    )(agg1[0], agg1[1], hs1, dis, b1r, g1r, be1r, W2)[0]

    agg2 = _aggregate(hs2, src3, dst3, n_pad, n_chunks)

    h, z = pl.pallas_call(
        _stage3_body,
        grid=(grid,),
        in_specs=[
            _row_spec(r, d), _row_spec(r, d), _row_spec(r, d), _row_spec(r, 1),
            _rep_spec((1, d)), _rep_spec((1, d)), _rep_spec((1, d)),
            _rep_spec((d, d)), _rep_spec((1, d)), _rep_spec((d, d)),
            _rep_spec((1, d)),
        ],
        out_specs=[_row_spec(r, d), _row_spec(r, d)],
        out_shape=[
            jax.ShapeDtypeStruct((n_pad, d), jnp.float32),
            jax.ShapeDtypeStruct((n_pad, d), jnp.float32),
        ],
        name="gcn_stage3_tc",
    )(agg2[0], agg2[1], hs2, dis, b2r, g2r, be2r, PW1, pb1r, PW2, pb2r)

    return (h[:n], z[:n])

# --- scband reference (transcript-rebuilt; emitter-appended) ---
"""Pipeline reference for scband-gcl-encoder-33663953666677 (READ-ONLY COPY).

The authoritative reference and input builder live on the scoring server;
editing this copy changes nothing except your own understanding.
"""

import jax, jax.numpy as jnp
import numpy as np

N = 10000
E = 320000
D = 128


def setup_inputs(seed: int = 0) -> dict:
    key = jax.random.key(seed)
    ks = jax.random.split(key, 16)
    s = 1.0 / np.sqrt(D)
    inp = {}
    inp["x"] = jax.random.normal(ks[0], (N, D), dtype=jnp.float32)
    inp["edge_index"] = jax.random.randint(ks[1], (2, E), 0, N, dtype=jnp.int32)
    inp["W1"] = jax.random.normal(ks[2], (D, D), dtype=jnp.float32) * s
    inp["b1"] = jnp.zeros((D,), dtype=jnp.float32)
    inp["g1"] = jnp.ones((D,), dtype=jnp.float32)
    inp["be1"] = jnp.zeros((D,), dtype=jnp.float32)
    inp["W2"] = jax.random.normal(ks[3], (D, D), dtype=jnp.float32) * s
    inp["b2"] = jnp.zeros((D,), dtype=jnp.float32)
    inp["g2"] = jnp.ones((D,), dtype=jnp.float32)
    inp["be2"] = jnp.zeros((D,), dtype=jnp.float32)
    inp["PW1"] = jax.random.normal(ks[4], (D, D), dtype=jnp.float32) * s
    inp["Pb1"] = jnp.zeros((D,), dtype=jnp.float32)
    inp["PW2"] = jax.random.normal(ks[5], (D, D), dtype=jnp.float32) * s
    inp["Pb2"] = jnp.zeros((D,), dtype=jnp.float32)
    return inp


def _gcn_conv(x, edge_index, W, b):
    # PyG GCNConv (eval): add self-loops, symmetric normalization, linear, aggregate, bias
    src = edge_index[0]
    dst = edge_index[1]
    loop = jnp.arange(N, dtype=src.dtype)
    src = jnp.concatenate([src, loop])
    dst = jnp.concatenate([dst, loop])
    ones = jnp.ones(src.shape[0], dtype=x.dtype)
    deg = jax.ops.segment_sum(ones, dst, num_segments=N)
    deg_inv_sqrt = jnp.where(deg > 0, jax.lax.rsqrt(jnp.maximum(deg, 1e-12)), 0.0)
    norm = deg_inv_sqrt[src] * deg_inv_sqrt[dst]
    h = x @ W
    msg = h[src] * norm[:, None]
    out = jax.ops.segment_sum(msg, dst, num_segments=N)
    return out + b


def _batchnorm_eval(x, gamma, beta, eps=1e-5):
    # BatchNorm1d eval mode with running_mean=0, running_var=1
    return x * (gamma / jnp.sqrt(1.0 + eps)) + beta


def reference(x, edge_index, W1, b1, g1, be1, W2, b2, g2, be2, PW1, Pb1, PW2, Pb2):
    h = _gcn_conv(x, edge_index, W1, b1)
    h = _batchnorm_eval(h, g1, be1)
    h = jax.nn.relu(h)
    # dropout p=0.5 is a no-op in eval mode
    h = _gcn_conv(h, edge_index, W2, b2)
    h = _batchnorm_eval(h, g2, be2)
    z = jax.nn.relu(h @ PW1 + Pb1) @ PW2 + Pb2
    return (h, z)

if __name__ == "__main__":
    import jax
    _d = setup_inputs()
    print(jax.jit(kernel)(*tuple(_d.values())))

</pallas_src>

<mosaic_0001>
#map = affine_map<(d0, d1) -> (0, 0)>
#map1 = affine_map<(d0, d1) -> (0, 0, 0)>
module attributes {stable_mosaic.version = 14 : i64} {
  func.func @gcn_aggregate_sc(%arg0: i32, %arg1: i32, %arg2: memref<10240x128xf32, #tpu.memory_space<hbm>>, %arg3: memref<32x80x128xi32, #tpu.memory_space<hbm>>, %arg4: memref<32x80x128xi32, #tpu.memory_space<hbm>>, %arg5: memref<2x10240x128xf32, #tpu.memory_space<hbm>>, %arg6: memref<8x128xi32, #tpu.memory_space<vmem>>, %arg7: memref<8x128xi32, #tpu.memory_space<vmem>>, %arg8: memref<128x128xf32, #tpu.memory_space<vmem>>, %arg9: memref<128x128xf32, #tpu.memory_space<vmem>>, %arg10: memref<10240x128xf32, #tpu.memory_space<vmem_shared>>, %arg11: memref<!tpu.dma_semaphore, #tpu.memory_space<semaphore_mem>>, %arg12: memref<!tpu.dma_semaphore, #tpu.memory_space<semaphore_mem>>) attributes {dimension_semantics = [#tpu.dimension_semantics<core_parallel>, #tpu.dimension_semantics<subcore_parallel>], iteration_bounds = array<i64: 2, 16>, scalar_prefetch = 0 : i64, scratch_operands = 7 : i64, tpu.core_type = #tpu.core_type<sc_vector_subcore>, window_params = [{transform_indices = #map}, {transform_indices = #map1}, {transform_indices = #map1}, {transform_indices = #map1}]} {
    %mul3A = arith.constant 16 : i32
    %mul3A_0 = arith.muli %arg0, %mul3A : i32
    %add3A = arith.addi %mul3A_0, %arg1 : i32
    %scan3A = arith.constant 0 : i32
    %scan3A_1 = arith.constant 0 : i32
    %scan3A_2 = arith.constant 128 : i32
    %scan3A_3 = arith.addi %scan3A_1, %scan3A_2 : i32
    %scan3A_4 = arith.constant 1 : i32
    %scan3A_5 = scf.for %scan3A_55 = %scan3A_1 to %scan3A_3 step %scan3A_4 iter_args(%scan3A_56 = %scan3A) -> (i32)  : i32 {
      %broadcast_in_dim3A = arith.constant 0.000000e+00 : f32
      %broadcast_in_dim3A_57 = vector.broadcast %broadcast_in_dim3A : f32 to vector<16xf32>
      %swap3A = arith.index_cast %scan3A_55 : i32 to index
      %swap3A_58 = arith.constant 0 : index
      %swap3A_59 = tpu.vector_load %arg8[%swap3A, %swap3A_58] {strides = array<i32>} : memref<128x128xf32, #tpu.memory_space<vmem>>, vector<1x16xf32>,
      %swap3A_60 = vector.shape_cast %swap3A_59 : vector<1x16xf32> to vector<16xf32>
      %swap3A_61 = vector.shape_cast %broadcast_in_dim3A_57 : vector<16xf32> to vector<1x16xf32>
      tpu.vector_store %arg8[%swap3A, %swap3A_58], %swap3A_61 {strides = array<i32>} : memref<128x128xf32, #tpu.memory_space<vmem>>, vector<1x16xf32>,
      %broadcast_in_dim3A_62 = arith.constant 0.000000e+00 : f32
      %broadcast_in_dim3A_63 = vector.broadcast %broadcast_in_dim3A_62 : f32 to vector<16xf32>
      %swap3A_64 = arith.index_cast %scan3A_55 : i32 to index
      %swap3A_65 = arith.constant 16 : index
      %swap3A_66 = tpu.vector_load %arg8[%swap3A_64, %swap3A_65] {strides = array<i32>} : memref<128x128xf32, #tpu.memory_space<vmem>>, vector<1x16xf32>,
      %swap3A_67 = vector.shape_cast %swap3A_66 : vector<1x16xf32> to vector<16xf32>
      %swap3A_68 = vector.shape_cast %broadcast_in_dim3A_63 : vector<16xf32> to vector<1x16xf32>
      tpu.vector_store %arg8[%swap3A_64, %swap3A_65], %swap3A_68 {strides = array<i32>} : memref<128x128xf32, #tpu.memory_space<vmem>>, vector<1x16xf32>,
      %broadcast_in_dim3A_69 = arith.constant 0.000000e+00 : f32
      %broadcast_in_dim3A_70 = vector.broadcast %broadcast_in_dim3A_69 : f32 to vector<16xf32>
      %swap3A_71 = arith.index_cast %scan3A_55 : i32 to index
      %swap3A_72 = arith.constant 32 : index
      %swap3A_73 = tpu.vector_load %arg8[%swap3A_71, %swap3A_72] {strides = array<i32>} : memref<128x128xf32, #tpu.memory_space<vmem>>, vector<1x16xf32>,
      %swap3A_74 = vector.shape_cast %swap3A_73 : vector<1x16xf32> to vector<16xf32>
      %swap3A_75 = vector.shape_cast %broadcast_in_dim3A_70 : vector<16xf32> to vector<1x16xf32>
      tpu.vector_store %arg8[%swap3A_71, %swap3A_72], %swap3A_75 {strides = array<i32>} : memref<128x128xf32, #tpu.memory_space<vmem>>, vector<1x16xf32>,
      %broadcast_in_dim3A_76 = arith.constant 0.000000e+00 : f32
      %broadcast_in_dim3A_77 = vector.broadcast %broadcast_in_dim3A_76 : f32 to vector<16xf32>
      %swap3A_78 = arith.index_cast %scan3A_55 : i32 to index
      %swap3A_79 = arith.constant 48 : index
      %swap3A_80 = tpu.vector_load %arg8[%swap3A_78, %swap3A_79] {strides = array<i32>} : memref<128x128xf32, #tpu.memory_space<vmem>>, vector<1x16xf32>,
      %swap3A_81 = vector.shape_cast %swap3A_80 : vector<1x16xf32> to vector<16xf32>
      %swap3A_82 = vector.shape_cast %broadcast_in_dim3A_77 : vector<16xf32> to vector<1x16xf32>
      tpu.vector_store %arg8[%swap3A_78, %swap3A_79], %swap3A_82 {strides = array<i32>} : memref<128x128xf32, #tpu.memory_space<vmem>>, vector<1x16xf32>,
      %broadcast_in_dim3A_83 = arith.constant 0.000000e+00 : f32
      %broadcast_in_dim3A_84 = vector.broadcast %broadcast_in_dim3A_83 : f32 to vector<16xf32>
      %swap3A_85 = arith.index_cast %scan3A_55 : i32 to index
      %swap3A_86 = arith.constant 64 : index
      %swap3A_87 = tpu.vector_load %arg8[%swap3A_85, %swap3A_86] {strides = array<i32>} : memref<128x128xf32, #tpu.memory_space<vmem>>, vector<1x16xf32>,
      %swap3A_88 = vector.shape_cast %swap3A_87 : vector<1x16xf32> to vector<16xf32>
      %swap3A_89 = vector.shape_cast %broadcast_in_dim3A_84 : vector<16xf32> to vector<1x16xf32>
      tpu.vector_store %arg8[%swap3A_85, %swap3A_86], %swap3A_89 {strides = array<i32>} : memref<128x128xf32, #tpu.memory_space<vmem>>, vector<1x16xf32>,
      %broadcast_in_dim3A_90 = arith.constant 0.000000e+00 : f32
      %broadcast_in_dim3A_91 = vector.broadcast %broadcast_in_dim3A_90 : f32 to vector<16xf32>
      %swap3A_92 = arith.index_cast %scan3A_55 : i32 to index
      %swap3A_93 = arith.constant 80 : index
      %swap3A_94 = tpu.vector_load %arg8[%swap3A_92, %swap3A_93] {strides = array<i32>} : memref<128x128xf32, #tpu.memory_space<vmem>>, vector<1x16xf32>,
      %swap3A_95 = vector.shape_cast %swap3A_94 : vector<1x16xf32> to vector<16xf32>
      %swap3A_96 = vector.shape_cast %broadcast_in_dim3A_91 : vector<16xf32> to vector<1x16xf32>
      tpu.vector_store %arg8[%swap3A_92, %swap3A_93], %swap3A_96 {strides = array<i32>} : memref<128x128xf32, #tpu.memory_space<vmem>>, vector<1x16xf32>,
      %broadcast_in_dim3A_97 = arith.constant 0.000000e+00 : f32
      %broadcast_in_dim3A_98 = vector.broadcast %broadcast_in_dim3A_97 : f32 to vector<16xf32>
      %swap3A_99 = arith.index_cast %scan3A_55 : i32 to index
      %swap3A_100 = arith.constant 96 : index
      %swap3A_101 = tpu.vector_load %arg8[%swap3A_99, %swap3A_100] {strides = array<i32>} : memref<128x128xf32, #tpu.memory_space<vmem>>, vector<1x16xf32>,
      %swap3A_102 = vector.shape_cast %swap3A_101 : vector<1x16xf32> to vector<16xf32>
      %swap3A_103 = vector.shape_cast %broadcast_in_dim3A_98 : vector<16xf32> to vector<1x16xf32>
      tpu.vector_store %arg8[%swap3A_99, %swap3A_100], %swap3A_103 {strides = array<i32>} : memref<128x128xf32, #tpu.memory_space<vmem>>, vector<1x16xf32>,
      %broadcast_in_dim3A_104 = arith.constant 0.000000e+00 : f32
      %broadcast_in_dim3A_105 = vector.broadcast %broadcast_in_dim3A_104 : f32 to vector<16xf32>
      %swap3A_106 = arith.index_cast %scan3A_55 : i32 to index
      %swap3A_107 = arith.constant 112 : index
      %swap3A_108 = tpu.vector_load %arg8[%swap3A_106, %swap3A_107] {strides = array<i32>} : memref<128x128xf32, #tpu.memory_space<vmem>>, vector<1x16xf32>,
      %swap3A_109 = vector.shape_cast %swap3A_108 : vector<1x16xf32> to vector<16xf32>
      %swap3A_110 = vector.shape_cast %broadcast_in_dim3A_105 : vector<16xf32> to vector<1x16xf32>
      tpu.vector_store %arg8[%swap3A_106, %swap3A_107], %swap3A_110 {strides = array<i32>} : memref<128x128xf32, #tpu.memory_space<vmem>>, vector<1x16xf32>,
      %scan3A_111 = arith.constant 0 : i32
      scf.yield %scan3A_111 : i32
    }
    %scan3A_6 = arith.constant 128 : i32
    %mul3A_7 = arith.constant 640 : i32
    %mul3A_8 = arith.muli %arg1, %mul3A_7 : i32
    %add3A_9 = arith.constant 0 : i32
    %add3A_10 = arith.addi %mul3A_8, %add3A_9 : i32
    "tpu.region"() ({
      %run_scoped3A = tpu.sem_alloc : memref<!tpu.dma_semaphore, #tpu.memory_space<semaphore_mem>>
      %dma_start3A = arith.constant 0 : i32
      %dma_start3A_55 = tpu.memref_slice %arg10[%add3A_10, %dma_start3A] : memref<10240x128xf32, #tpu.memory_space<vmem_shared>> -> memref<128x128xf32, #tpu.memory_space<vmem_shared>>
      %dma_start3A_56 = arith.constant 0 : i32
      %dma_start3A_57 = tpu.memref_slice %arg10[%add3A_10, %dma_start3A_56] : memref<10240x128xf32, #tpu.memory_space<vmem_shared>> -> memref<128x128xf32, #tpu.memory_space<vmem_shared>>
      tpu.enqueue_dma source(%arg8 : memref<128x128xf32, #tpu.memory_space<vmem>>) target(%dma_start3A_57 : memref<128x128xf32, #tpu.memory_space<vmem_shared>>) target_semaphore(%run_scoped3A : memref<!tpu.dma_semaphore, #tpu.memory_space<semaphore_mem>>)
      %dma_wait3A = arith.constant 0 : i32
      %dma_wait3A_58 = tpu.memref_slice %arg10[%add3A_10, %dma_wait3A] : memref<10240x128xf32, #tpu.memory_space<vmem_shared>> -> memref<128x128xf32, #tpu.memory_space<vmem_shared>>
      %dma_wait3A_59 = arith.constant 0 : i32
      %dma_wait3A_60 = tpu.memref_slice %arg10[%add3A_10, %dma_wait3A_59] : memref<10240x128xf32, #tpu.memory_space<vmem_shared>> -> memref<128x128xf32, #tpu.memory_space<vmem_shared>>
      tpu.wait_dma2 semaphore(%run_scoped3A : memref<!tpu.dma_semaphore, #tpu.memory_space<semaphore_mem>>) src(%arg8 : memref<128x128xf32, #tpu.memory_space<vmem>>) dst(%dma_wait3A_60 : memref<128x128xf32, #tpu.memory_space<vmem_shared>>)
      tpu.yield
    }) : () -> ()
    %mul3A_11 = arith.constant 640 : i32
    %mul3A_12 = arith.muli %arg1, %mul3A_11 : i32
    %add3A_13 = arith.constant 128 : i32
    %add3A_14 = arith.addi %mul3A_12, %add3A_13 : i32
    "tpu.region"() ({
      %run_scoped3A = tpu.sem_alloc : memref<!tpu.dma_semaphore, #tpu.memory_space<semaphore_mem>>
      %dma_start3A = arith.constant 0 : i32
      %dma_start3A_55 = tpu.memref_slice %arg10[%add3A_14, %dma_start3A] : memref<10240x128xf32, #tpu.memory_space<vmem_shared>> -> memref<128x128xf32, #tpu.memory_space<vmem_shared>>
      %dma_start3A_56 = arith.constant 0 : i32
      %dma_start3A_57 = tpu.memref_slice %arg10[%add3A_14, %dma_start3A_56] : memref<10240x128xf32, #tpu.memory_space<vmem_shared>> -> memref<128x128xf32, #tpu.memory_space<vmem_shared>>
      tpu.enqueue_dma source(%arg8 : memref<128x128xf32, #tpu.memory_space<vmem>>) target(%dma_start3A_57 : memref<128x128xf32, #tpu.memory_space<vmem_shared>>) target_semaphore(%run_scoped3A : memref<!tpu.dma_semaphore, #tpu.memory_space<semaphore_mem>>)
      %dma_wait3A = arith.constant 0 : i32
      %dma_wait3A_58 = tpu.memref_slice %arg10[%add3A_14, %dma_wait3A] : memref<10240x128xf32, #tpu.memory_space<vmem_shared>> -> memref<128x128xf32, #tpu.memory_space<vmem_shared>>
      %dma_wait3A_59 = arith.constant 0 : i32
      %dma_wait3A_60 = tpu.memref_slice %arg10[%add3A_14, %dma_wait3A_59] : memref<10240x128xf32, #tpu.memory_space<vmem_shared>> -> memref<128x128xf32, #tpu.memory_space<vmem_shared>>
      tpu.wait_dma2 semaphore(%run_scoped3A : memref<!tpu.dma_semaphore, #tpu.memory_space<semaphore_mem>>) src(%arg8 : memref<128x128xf32, #tpu.memory_space<vmem>>) dst(%dma_wait3A_60 : memref<128x128xf32, #tpu.memory_space<vmem_shared>>)
      tpu.yield
    }) : () -> ()
    %mul3A_15 = arith.constant 640 : i32
    %mul3A_16 = arith.muli %arg1, %mul3A_15 : i32
    %add3A_17 = arith.constant 256 : i32
    %add3A_18 = arith.addi %mul3A_16, %add3A_17 : i32
    "tpu.region"() ({
      %run_scoped3A = tpu.sem_alloc : memref<!tpu.dma_semaphore, #tpu.memory_space<semaphore_mem>>
      %dma_start3A = arith.constant 0 : i32
      %dma_start3A_55 = tpu.memref_slice %arg10[%add3A_18, %dma_start3A] : memref<10240x128xf32, #tpu.memory_space<vmem_shared>> -> memref<128x128xf32, #tpu.memory_space<vmem_shared>>
      %dma_start3A_56 = arith.constant 0 : i32
      %dma_start3A_57 = tpu.memref_slice %arg10[%add3A_18, %dma_start3A_56] : memref<10240x128xf32, #tpu.memory_space<vmem_shared>> -> memref<128x128xf32, #tpu.memory_space<vmem_shared>>
      tpu.enqueue_dma source(%arg8 : memref<128x128xf32, #tpu.memory_space<vmem>>) target(%dma_start3A_57 : memref<128x128xf32, #tpu.memory_space<vmem_shared>>) target_semaphore(%run_scoped3A : memref<!tpu.dma_semaphore, #tpu.memory_space<semaphore_mem>>)
      %dma_wait3A = arith.constant 0 : i32
      %dma_wait3A_58 = tpu.memref_slice %arg10[%add3A_18, %dma_wait3A] : memref<10240x128xf32, #tpu.memory_space<vmem_shared>> -> memref<128x128xf32, #tpu.memory_space<vmem_shared>>
      %dma_wait3A_59 = arith.constant 0 : i32
      %dma_wait3A_60 = tpu.memref_slice %arg10[%add3A_18, %dma_wait3A_59] : memref<10240x128xf32, #tpu.memory_space<vmem_shared>> -> memref<128x128xf32, #tpu.memory_space<vmem_shared>>
      tpu.wait_dma2 semaphore(%run_scoped3A : memref<!tpu.dma_semaphore, #tpu.memory_space<semaphore_mem>>) src(%arg8 : memref<128x128xf32, #tpu.memory_space<vmem>>) dst(%dma_wait3A_60 : memref<128x128xf32, #tpu.memory_space<vmem_shared>>)
      tpu.yield
    }) : () -> ()
    %mul3A_19 = arith.constant 640 : i32
    %mul3A_20 = arith.muli %arg1, %mul3A_19 : i32
    %add3A_21 = arith.constant 384 : i32
    %add3A_22 = arith.addi %mul3A_20, %add3A_21 : i32
    "tpu.region"() ({
      %run_scoped3A = tpu.sem_alloc : memref<!tpu.dma_semaphore, #tpu.memory_space<semaphore_mem>>
      %dma_start3A = arith.constant 0 : i32
      %dma_start3A_55 = tpu.memref_slice %arg10[%add3A_22, %dma_start3A] : memref<10240x128xf32, #tpu.memory_space<vmem_shared>> -> memref<128x128xf32, #tpu.memory_space<vmem_shared>>
      %dma_start3A_56 = arith.constant 0 : i32
      %dma_start3A_57 = tpu.memref_slice %arg10[%add3A_22, %dma_start3A_56] : memref<10240x128xf32, #tpu.memory_space<vmem_shared>> -> memref<128x128xf32, #tpu.memory_space<vmem_shared>>
      tpu.enqueue_dma source(%arg8 : memref<128x128xf32, #tpu.memory_space<vmem>>) target(%dma_start3A_57 : memref<128x128xf32, #tpu.memory_space<vmem_shared>>) target_semaphore(%run_scoped3A : memref<!tpu.dma_semaphore, #tpu.memory_space<semaphore_mem>>)
      %dma_wait3A = arith.constant 0 : i32
      %dma_wait3A_58 = tpu.memref_slice %arg10[%add3A_22, %dma_wait3A] : memref<10240x128xf32, #tpu.memory_space<vmem_shared>> -> memref<128x128xf32, #tpu.memory_space<vmem_shared>>
      %dma_wait3A_59 = arith.constant 0 : i32
      %dma_wait3A_60 = tpu.memref_slice %arg10[%add3A_22, %dma_wait3A_59] : memref<10240x128xf32, #tpu.memory_space<vmem_shared>> -> memref<128x128xf32, #tpu.memory_space<vmem_shared>>
      tpu.wait_dma2 semaphore(%run_scoped3A : memref<!tpu.dma_semaphore, #tpu.memory_space<semaphore_mem>>) src(%arg8 : memref<128x128xf32, #tpu.memory_space<vmem>>) dst(%dma_wait3A_60 : memref<128x128xf32, #tpu.memory_space<vmem_shared>>)
      tpu.yield
    }) : () -> ()
    %mul3A_23 = arith.constant 640 : i32
    %mul3A_24 = arith.muli %arg1, %mul3A_23 : i32
    %add3A_25 = arith.constant 512 : i32
    %add3A_26 = arith.addi %mul3A_24, %add3A_25 : i32
    "tpu.region"() ({
      %run_scoped3A = tpu.sem_alloc : memref<!tpu.dma_semaphore, #tpu.memory_space<semaphore_mem>>
      %dma_start3A = arith.constant 0 : i32
      %dma_start3A_55 = tpu.memref_slice %arg10[%add3A_26, %dma_start3A] : memref<10240x128xf32, #tpu.memory_space<vmem_shared>> -> memref<128x128xf32, #tpu.memory_space<vmem_shared>>
      %dma_start3A_56 = arith.constant 0 : i32
      %dma_start3A_57 = tpu.memref_slice %arg10[%add3A_26, %dma_start3A_56] : memref<10240x128xf32, #tpu.memory_space<vmem_shared>> -> memref<128x128xf32, #tpu.memory_space<vmem_shared>>
      tpu.enqueue_dma source(%arg8 : memref<128x128xf32, #tpu.memory_space<vmem>>) target(%dma_start3A_57 : memref<128x128xf32, #tpu.memory_space<vmem_shared>>) target_semaphore(%run_scoped3A : memref<!tpu.dma_semaphore, #tpu.memory_space<semaphore_mem>>)
      %dma_wait3A = arith.constant 0 : i32
      %dma_wait3A_58 = tpu.memref_slice %arg10[%add3A_26, %dma_wait3A] : memref<10240x128xf32, #tpu.memory_space<vmem_shared>> -> memref<128x128xf32, #tpu.memory_space<vmem_shared>>
      %dma_wait3A_59 = arith.constant 0 : i32
      %dma_wait3A_60 = tpu.memref_slice %arg10[%add3A_26, %dma_wait3A_59] : memref<10240x128xf32, #tpu.memory_space<vmem_shared>> -> memref<128x128xf32, #tpu.memory_space<vmem_shared>>
      tpu.wait_dma2 semaphore(%run_scoped3A : memref<!tpu.dma_semaphore, #tpu.memory_space<semaphore_mem>>) src(%arg8 : memref<128x128xf32, #tpu.memory_space<vmem>>) dst(%dma_wait3A_60 : memref<128x128xf32, #tpu.memory_space<vmem_shared>>)
      tpu.yield
    }) : () -> ()
    %barrier3A = arith.constant 0 : index
    tpu.barrier barrier_id(%barrier3A)
    %scan3A_27 = arith.constant 0 : i32
    %scan3A_28 = arith.constant 0 : i32
    %scan3A_29 = arith.constant 10 : i32
    %scan3A_30 = arith.addi %scan3A_28, %scan3A_29 : i32
    %scan3A_31 = arith.constant 1 : i32
    %scan3A_32 = scf.for %scan3A_55 = %scan3A_28 to %scan3A_30 step %scan3A_31 iter_args(%scan3A_56 = %scan3A_27) -> (i32)  : i32 {
      %mul3A_57 = arith.constant 8 : i32
      %mul3A_58 = arith.muli %scan3A_55, %mul3A_57 : i32
      "tpu.region"() ({
        %run_scoped3A_179 = tpu.sem_alloc : memref<!tpu.dma_semaphore, #tpu.memory_space<semaphore_mem>>
        %dma_start3A_180 = arith.constant 0 : i32
        %dma_start3A_181 = tpu.memref_slice %arg3[%add3A, %mul3A_58, %dma_start3A_180] : memref<32x80x128xi32, #tpu.memory_space<hbm>> -> memref<1x8x128xi32, #tpu.memory_space<hbm>>
        %dma_start3A_182 = tpu.memref_squeeze %dma_start3A_181 : memref<1x8x128xi32, #tpu.memory_space<hbm>> -> memref<8x128xi32, #tpu.memory_space<hbm>>
        %dma_start3A_183 = arith.constant 0 : i32
        %dma_start3A_184 = tpu.memref_slice %arg3[%add3A, %mul3A_58, %dma_start3A_183] : memref<32x80x128xi32, #tpu.memory_space<hbm>> -> memref<1x8x128xi32, #tpu.memory_space<hbm>>
        %dma_start3A_185 = tpu.memref_squeeze %dma_start3A_184 : memref<1x8x128xi32, #tpu.memory_space<hbm>> -> memref<8x128xi32, #tpu.memory_space<hbm>>
        tpu.enqueue_dma source(%dma_start3A_185 : memref<8x128xi32, #tpu.memory_space<hbm>>) target(%arg6 : memref<8x128xi32, #tpu.memory_space<vmem>>) target_semaphore(%run_scoped3A_179 : memref<!tpu.dma_semaphore, #tpu.memory_space<semaphore_mem>>)
        %dma_wait3A_186 = arith.constant 0 : i32
        %dma_wait3A_187 = tpu.memref_slice %arg3[%add3A, %mul3A_58, %dma_wait3A_186] : memref<32x80x128xi32, #tpu.memory_space<hbm>> -> memref<1x8x128xi32, #tpu.memory_space<hbm>>
        %dma_wait3A_188 = tpu.memref_squeeze %dma_wait3A_187 : memref<1x8x128xi32, #tpu.memory_space<hbm>> -> memref<8x128xi32, #tpu.memory_space<hbm>>
        %dma_wait3A_189 = arith.constant 0 : i32
        %dma_wait3A_190 = tpu.memref_slice %arg3[%add3A, %mul3A_58, %dma_wait3A_189] : memref<32x80x128xi32, #tpu.memory_space<hbm>> -> memref<1x8x128xi32, #tpu.memory_space<hbm>>
        %dma_wait3A_191 = tpu.memref_squeeze %dma_wait3A_190 : memref<1x8x128xi32, #tpu.memory_space<hbm>> -> memref<8x128xi32, #tpu.memory_space<hbm>>
        tpu.wait_dma2 semaphore(%run_scoped3A_179 : memref<!tpu.dma_semaphore, #tpu.memory_space<semaphore_mem>>) src(%dma_wait3A_191 : memref<8x128xi32, #tpu.memory_space<hbm>>) dst(%arg6 : memref<8x128xi32, #tpu.memory_space<vmem>>)
        tpu.yield
      }) : () -> ()
      %mul3A_59 = arith.constant 8 : i32
      %mul3A_60 = arith.muli %scan3A_55, %mul3A_59 : i32
      "tpu.region"() ({
        %run_scoped3A_179 = tpu.sem_alloc : memref<!tpu.dma_semaphore, #tpu.memory_space<semaphore_mem>>
        %dma_start3A_180 = arith.constant 0 : i32
        %dma_start3A_181 = tpu.memref_slice %arg4[%add3A, %mul3A_60, %dma_start3A_180] : memref<32x80x128xi32, #tpu.memory_space<hbm>> -> memref<1x8x128xi32, #tpu.memory_space<hbm>>
        %dma_start3A_182 = tpu.memref_squeeze %dma_start3A_181 : memref<1x8x128xi32, #tpu.memory_space<hbm>> -> memref<8x128xi32, #tpu.memory_space<hbm>>
        %dma_start3A_183 = arith.constant 0 : i32
        %dma_start3A_184 = tpu.memref_slice %arg4[%add3A, %mul3A_60, %dma_start3A_183] : memref<32x80x128xi32, #tpu.memory_space<hbm>> -> memref<1x8x128xi32, #tpu.memory_space<hbm>>
        %dma_start3A_185 = tpu.memref_squeeze %dma_start3A_184 : memref<1x8x128xi32, #tpu.memory_space<hbm>> -> memref<8x128xi32, #tpu.memory_space<hbm>>
        tpu.enqueue_dma source(%dma_start3A_185 : memref<8x128xi32, #tpu.memory_space<hbm>>) target(%arg7 : memref<8x128xi32, #tpu.memory_space<vmem>>) target_semaphore(%run_scoped3A_179 : memref<!tpu.dma_semaphore, #tpu.memory_space<semaphore_mem>>)
        %dma_wait3A_186 = arith.constant 0 : i32
        %dma_wait3A_187 = tpu.memref_slice %arg4[%add3A, %mul3A_60, %dma_wait3A_186] : memref<32x80x128xi32, #tpu.memory_space<hbm>> -> memref<1x8x128xi32, #tpu.memory_space<hbm>>
        %dma_wait3A_188 = tpu.memref_squeeze %dma_wait3A_187 : memref<1x8x128xi32, #tpu.memory_space<hbm>> -> memref<8x128xi32, #tpu.memory_space<hbm>>
        %dma_wait3A_189 = arith.constant 0 : i32
        %dma_wait3A_190 = tpu.memref_slice %arg4[%add3A, %mul3A_60, %dma_wait3A_189] : memref<32x80x128xi32, #tpu.memory_space<hbm>> -> memref<1x8x128xi32, #tpu.memory_space<hbm>>
        %dma_wait3A_191 = tpu.memref_squeeze %dma_wait3A_190 : memref<1x8x128xi32, #tpu.memory_space<hbm>> -> memref<8x128xi32, #tpu.memory_space<hbm>>
        tpu.wait_dma2 semaphore(%run_scoped3A_179 : memref<!tpu.dma_semaphore, #tpu.memory_space<semaphore_mem>>) src(%dma_wait3A_191 : memref<8x128xi32, #tpu.memory_space<hbm>>) dst(%arg7 : memref<8x128xi32, #tpu.memory_space<vmem>>)
        tpu.yield
      }) : () -> ()
      %dma_start3A = arith.constant 0 : i32
      %dma_start3A_61 = arith.constant 0 : i32
      %dma_start3A_62 = tpu.memref_slice %arg6[%dma_start3A, %dma_start3A_61] : memref<8x128xi32, #tpu.memory_space<vmem>> -> memref<1x128xi32, #tpu.memory_space<vmem>>
      %dma_start3A_63 = tpu.memref_squeeze %dma_start3A_62 : memref<1x128xi32, #tpu.memory_space<vmem>> -> memref<128xi32, #tpu.memory_space<vmem>>
      %dma_start3A_64 = arith.constant 0 : i32
      %dma_start3A_65 = arith.constant 0 : i32
      %dma_start3A_66 = tpu.memref_slice %arg2[%dma_start3A_64, %dma_start3A_65] : memref<10240x128xf32, #tpu.memory_space<hbm>> -> memref<10240x128xf32, #tpu.memory_space<hbm>>
      tpu.enqueue_indirect_dma source(%dma_start3A_66 : memref<10240x128xf32, #tpu.memory_space<hbm>>) target(%arg8 : memref<128x128xf32, #tpu.memory_space<vmem>>) offsets(%dma_start3A_63 : memref<128xi32, #tpu.memory_space<vmem>>) semaphore(%arg11 : memref<!tpu.dma_semaphore, #tpu.memory_space<semaphore_mem>>)
      %dma_start3A_67 = arith.constant 1 : i32
      %dma_start3A_68 = arith.constant 0 : i32
      %dma_start3A_69 = tpu.memref_slice %arg6[%dma_start3A_67, %dma_start3A_68] : memref<8x128xi32, #tpu.memory_space<vmem>> -> memref<1x128xi32, #tpu.memory_space<vmem>>
      %dma_start3A_70 = tpu.memref_squeeze %dma_start3A_69 : memref<1x128xi32, #tpu.memory_space<vmem>> -> memref<128xi32, #tpu.memory_space<vmem>>
      %dma_start3A_71 = arith.constant 0 : i32
      %dma_start3A_72 = arith.constant 0 : i32
      %dma_start3A_73 = tpu.memref_slice %arg2[%dma_start3A_71, %dma_start3A_72] : memref<10240x128xf32, #tpu.memory_space<hbm>> -> memref<10240x128xf32, #tpu.memory_space<hbm>>
      tpu.enqueue_indirect_dma source(%dma_start3A_73 : memref<10240x128xf32, #tpu.memory_space<hbm>>) target(%arg9 : memref<128x128xf32, #tpu.memory_space<vmem>>) offsets(%dma_start3A_70 : memref<128xi32, #tpu.memory_space<vmem>>) semaphore(%arg12 : memref<!tpu.dma_semaphore, #tpu.memory_space<semaphore_mem>>)
      %dma_wait3A = arith.constant 0 : i32
      %dma_wait3A_74 = arith.constant 0 : i32
      %dma_wait3A_75 = tpu.memref_slice %arg6[%dma_wait3A, %dma_wait3A_74] : memref<8x128xi32, #tpu.memory_space<vmem>> -> memref<1x128xi32, #tpu.memory_space<vmem>>
      %dma_wait3A_76 = tpu.memref_squeeze %dma_wait3A_75 : memref<1x128xi32, #tpu.memory_space<vmem>> -> memref<128xi32, #tpu.memory_space<vmem>>
      %dma_wait3A_77 = arith.constant 0 : i32
      %dma_wait3A_78 = arith.constant 0 : i32
      %dma_wait3A_79 = tpu.memref_slice %arg2[%dma_wait3A_77, %dma_wait3A_78] : memref<10240x128xf32, #tpu.memory_space<hbm>> -> memref<10240x128xf32, #tpu.memory_space<hbm>>
      tpu.wait_indirect_dma semaphore(%arg11 : memref<!tpu.dma_semaphore, #tpu.memory_space<semaphore_mem>>) src(%dma_wait3A_79 : memref<10240x128xf32, #tpu.memory_space<hbm>>) dst(%arg8 : memref<128x128xf32, #tpu.memory_space<vmem>>)
      %run_scoped3A = arith.constant 0 : i32
      "tpu.region"() ({
        %run_scoped3A_179 = tpu.sem_alloc : memref<!tpu.dma_semaphore, #tpu.memory_space<semaphore_mem>>
        %dma_start3A_180 = arith.constant 0 : i32
        %dma_start3A_181 = tpu.memref_slice %arg7[%run_scoped3A, %dma_start3A_180] : memref<8x128xi32, #tpu.memory_space<vmem>> -> memref<1x128xi32, #tpu.memory_space<vmem>>
        %dma_start3A_182 = tpu.memref_squeeze %dma_start3A_181 : memref<1x128xi32, #tpu.memory_space<vmem>> -> memref<128xi32, #tpu.memory_space<vmem>>
        %dma_start3A_183 = arith.constant 0 : i32
        %dma_start3A_184 = arith.constant 0 : i32
        %dma_start3A_185 = tpu.memref_slice %arg10[%dma_start3A_183, %dma_start3A_184] : memref<10240x128xf32, #tpu.memory_space<vmem_shared>> -> memref<10240x128xf32, #tpu.memory_space<vmem_shared>>
        tpu.enqueue_indirect_dma source(%arg8 : memref<128x128xf32, #tpu.memory_space<vmem>>) target(%dma_start3A_185 : memref<10240x128xf32, #tpu.memory_space<vmem_shared>>) offsets(%dma_start3A_182 : memref<128xi32, #tpu.memory_space<vmem>>) semaphore(%run_scoped3A_179 : memref<!tpu.dma_semaphore, #tpu.memory_space<semaphore_mem>>) {add = true}
        %dma_wait3A_186 = arith.constant 0 : i32
        %dma_wait3A_187 = tpu.memref_slice %arg7[%run_scoped3A, %dma_wait3A_186] : memref<8x128xi32, #tpu.memory_space<vmem>> -> memref<1x128xi32, #tpu.memory_space<vmem>>
        %dma_wait3A_188 = tpu.memref_squeeze %dma_wait3A_187 : memref<1x128xi32, #tpu.memory_space<vmem>> -> memref<128xi32, #tpu.memory_space<vmem>>
        %dma_wait3A_189 = arith.constant 0 : i32
        %dma_wait3A_190 = arith.constant 0 : i32
        %dma_wait3A_191 = tpu.memref_slice %arg10[%dma_wait3A_189, %dma_wait3A_190] : memref<10240x128xf32, #tpu.memory_space<vmem_shared>> -> memref<10240x128xf32, #tpu.memory_space<vmem_shared>>
        tpu.wait_indirect_dma semaphore(%run_scoped3A_179 : memref<!tpu.dma_semaphore, #tpu.memory_space<semaphore_mem>>) src(%arg8 : memref<128x128xf32, #tpu.memory_space<vmem>>) dst(%dma_wait3A_191 : memref<10240x128xf32, #tpu.memory_space<vmem_shared>>)
        tpu.yield
      }) : () -> ()
      %dma_start3A_80 = arith.constant 2 : i32
      %dma_start3A_81 = arith.constant 0 : i32
      %dma_start3A_82 = tpu.memref_slice %arg6[%dma_start3A_80, %dma_start3A_81] : memref<8x128xi32, #tpu.memory_space<vmem>> -> memref<1x128xi32, #tpu.memory_space<vmem>>
      %dma_start3A_83 = tpu.memref_squeeze %dma_start3A_82 : memref<1x128xi32, #tpu.memory_space<vmem>> -> memref<128xi32, #tpu.memory_space<vmem>>
      %dma_start3A_84 = arith.constant 0 : i32
      %dma_start3A_85 = arith.constant 0 : i32
      %dma_start3A_86 = tpu.memref_slice %arg2[%dma_start3A_84, %dma_start3A_85] : memref<10240x128xf32, #tpu.memory_space<hbm>> -> memref<10240x128xf32, #tpu.memory_space<hbm>>
      tpu.enqueue_indirect_dma source(%dma_start3A_86 : memref<10240x128xf32, #tpu.memory_space<hbm>>) target(%arg8 : memref<128x128xf32, #tpu.memory_space<vmem>>) offsets(%dma_start3A_83 : memref<128xi32, #tpu.memory_space<vmem>>) semaphore(%arg11 : memref<!tpu.dma_semaphore, #tpu.memory_space<semaphore_mem>>)
      %dma_wait3A_87 = arith.constant 1 : i32
      %dma_wait3A_88 = arith.constant 0 : i32
      %dma_wait3A_89 = tpu.memref_slice %arg6[%dma_wait3A_87, %dma_wait3A_88] : memref<8x128xi32, #tpu.memory_space<vmem>> -> memref<1x128xi32, #tpu.memory_space<vmem>>
      %dma_wait3A_90 = tpu.memref_squeeze %dma_wait3A_89 : memref<1x128xi32, #tpu.memory_space<vmem>> -> memref<128xi32, #tpu.memory_space<vmem>>
      %dma_wait3A_91 = arith.constant 0 : i32
      %dma_wait3A_92 = arith.constant 0 : i32
      %dma_wait3A_93 = tpu.memref_slice %arg2[%dma_wait3A_91, %dma_wait3A_92] : memref<10240x128xf32, #tpu.memory_space<hbm>> -> memref<10240x128xf32, #tpu.memory_space<hbm>>
      tpu.wait_indirect_dma semaphore(%arg12 : memref<!tpu.dma_semaphore, #tpu.memory_space<semaphore_mem>>) src(%dma_wait3A_93 : memref<10240x128xf32, #tpu.memory_space<hbm>>) dst(%arg9 : memref<128x128xf32, #tpu.memory_space<vmem>>)
      %run_scoped3A_94 = arith.constant 1 : i32
      "tpu.region"() ({
        %run_scoped3A_179 = tpu.sem_alloc : memref<!tpu.dma_semaphore, #tpu.memory_space<semaphore_mem>>
        %dma_start3A_180 = arith.constant 0 : i32
        %dma_start3A_181 = tpu.memref_slice %arg7[%run_scoped3A_94, %dma_start3A_180] : memref<8x128xi32, #tpu.memory_space<vmem>> -> memref<1x128xi32, #tpu.memory_space<vmem>>
        %dma_start3A_182 = tpu.memref_squeeze %dma_start3A_181 : memref<1x128xi32, #tpu.memory_space<vmem>> -> memref<128xi32, #tpu.memory_space<vmem>>
        %dma_start3A_183 = arith.constant 0 : i32
        %dma_start3A_184 = arith.constant 0 : i32
        %dma_start3A_185 = tpu.memref_slice %arg10[%dma_start3A_183, %dma_start3A_184] : memref<10240x128xf32, #tpu.memory_space<vmem_shared>> -> memref<10240x128xf32, #tpu.memory_space<vmem_shared>>
        tpu.enqueue_indirect_dma source(%arg9 : memref<128x128xf32, #tpu.memory_space<vmem>>) target(%dma_start3A_185 : memref<10240x128xf32, #tpu.memory_space<vmem_shared>>) offsets(%dma_start3A_182 : memref<128xi32, #tpu.memory_space<vmem>>) semaphore(%run_scoped3A_179 : memref<!tpu.dma_semaphore, #tpu.memory_space<semaphore_mem>>) {add = true}
        %dma_wait3A_186 = arith.constant 0 : i32
        %dma_wait3A_187 = tpu.memref_slice %arg7[%run_scoped3A_94, %dma_wait3A_186] : memref<8x128xi32, #tpu.memory_space<vmem>> -> memref<1x128xi32, #tpu.memory_space<vmem>>
        %dma_wait3A_188 = tpu.memref_squeeze %dma_wait3A_187 : memref<1x128xi32, #tpu.memory_space<vmem>> -> memref<128xi32, #tpu.memory_space<vmem>>
        %dma_wait3A_189 = arith.constant 0 : i32
        %dma_wait3A_190 = arith.constant 0 : i32
        %dma_wait3A_191 = tpu.memref_slice %arg10[%dma_wait3A_189, %dma_wait3A_190] : memref<10240x128xf32, #tpu.memory_space<vmem_shared>> -> memref<10240x128xf32, #tpu.memory_space<vmem_shared>>
        tpu.wait_indirect_dma semaphore(%run_scoped3A_179 : memref<!tpu.dma_semaphore, #tpu.memory_space<semaphore_mem>>) src(%arg9 : memref<128x128xf32, #tpu.memory_space<vmem>>) dst(%dma_wait3A_191 : memref<10240x128xf32, #tpu.memory_space<vmem_shared>>)
        tpu.yield
      }) : () -> ()
      %dma_start3A_95 = arith.constant 3 : i32
      %dma_start3A_96 = arith.constant 0 : i32
      %dma_start3A_97 = tpu.memref_slice %arg6[%dma_start3A_95, %dma_start3A_96] : memref<8x128xi32, #tpu.memory_space<vmem>> -> memref<1x128xi32, #tpu.memory_space<vmem>>
      %dma_start3A_98 = tpu.memref_squeeze %dma_start3A_97 : memref<1x128xi32, #tpu.memory_space<vmem>> -> memref<128xi32, #tpu.memory_space<vmem>>
      %dma_start3A_99 = arith.constant 0 : i32
      %dma_start3A_100 = arith.constant 0 : i32
      %dma_start3A_101 = tpu.memref_slice %arg2[%dma_start3A_99, %dma_start3A_100] : memref<10240x128xf32, #tpu.memory_space<hbm>> -> memref<10240x128xf32, #tpu.memory_space<hbm>>
      tpu.enqueue_indirect_dma source(%dma_start3A_101 : memref<10240x128xf32, #tpu.memory_space<hbm>>) target(%arg9 : memref<128x128xf32, #tpu.memory_space<vmem>>) offsets(%dma_start3A_98 : memref<128xi32, #tpu.memory_space<vmem>>) semaphore(%arg12 : memref<!tpu.dma_semaphore, #tpu.memory_space<semaphore_mem>>)
      %dma_wait3A_102 = arith.constant 2 : i32
      %dma_wait3A_103 = arith.constant 0 : i32
      %dma_wait3A_104 = tpu.memref_slice %arg6[%dma_wait3A_102, %dma_wait3A_103] : memref<8x128xi32, #tpu.memory_space<vmem>> -> memref<1x128xi32, #tpu.memory_space<vmem>>
      %dma_wait3A_105 = tpu.memref_squeeze %dma_wait3A_104 : memref<1x128xi32, #tpu.memory_space<vmem>> -> memref<128xi32, #tpu.memory_space<vmem>>
      %dma_wait3A_106 = arith.constant 0 : i32
      %dma_wait3A_107 = arith.constant 0 : i32
      %dma_wait3A_108 = tpu.memref_slice %arg2[%dma_wait3A_106, %dma_wait3A_107] : memref<10240x128xf32, #tpu.memory_space<hbm>> -> memref<10240x128xf32, #tpu.memory_space<hbm>>
      tpu.wait_indirect_dma semaphore(%arg11 : memref<!tpu.dma_semaphore, #tpu.memory_space<semaphore_mem>>) src(%dma_wait3A_108 : memref<10240x128xf32, #tpu.memory_space<hbm>>) dst(%arg8 : memref<128x128xf32, #tpu.memory_space<vmem>>)
      %run_scoped3A_109 = arith.constant 2 : i32
      "tpu.region"() ({
        %run_scoped3A_179 = tpu.sem_alloc : memref<!tpu.dma_semaphore, #tpu.memory_space<semaphore_mem>>
        %dma_start3A_180 = arith.constant 0 : i32
        %dma_start3A_181 = tpu.memref_slice %arg7[%run_scoped3A_109, %dma_start3A_180] : memref<8x128xi32, #tpu.memory_space<vmem>> -> memref<1x128xi32, #tpu.memory_space<vmem>>
        %dma_start3A_182 = tpu.memref_squeeze %dma_start3A_181 : memref<1x128xi32, #tpu.memory_space<vmem>> -> memref<128xi32, #tpu.memory_space<vmem>>
        %dma_start3A_183 = arith.constant 0 : i32
        %dma_start3A_184 = arith.constant 0 : i32
        %dma_start3A_185 = tpu.memref_slice %arg10[%dma_start3A_183, %dma_start3A_184] : memref<10240x128xf32, #tpu.memory_space<vmem_shared>> -> memref<10240x128xf32, #tpu.memory_space<vmem_shared>>
        tpu.enqueue_indirect_dma source(%arg8 : memref<128x128xf32, #tpu.memory_space<vmem>>) target(%dma_start3A_185 : memref<10240x128xf32, #tpu.memory_space<vmem_shared>>) offsets(%dma_start3A_182 : memref<128xi32, #tpu.memory_space<vmem>>) semaphore(%run_scoped3A_179 : memref<!tpu.dma_semaphore, #tpu.memory_space<semaphore_mem>>) {add = true}
        %dma_wait3A_186 = arith.constant 0 : i32
        %dma_wait3A_187 = tpu.memref_slice %arg7[%run_scoped3A_109, %dma_wait3A_186] : memref<8x128xi32, #tpu.memory_space<vmem>> -> memref<1x128xi32, #tpu.memory_space<vmem>>
        %dma_wait3A_188 = tpu.memref_squeeze %dma_wait3A_187 : memref<1x128xi32, #tpu.memory_space<vmem>> -> memref<128xi32, #tpu.memory_space<vmem>>
        %dma_wait3A_189 = arith.constant 0 : i32
        %dma_wait3A_190 = arith.constant 0 : i32
        %dma_wait3A_191 = tpu.memref_slice %arg10[%dma_wait3A_189, %dma_wait3A_190] : memref<10240x128xf32, #tpu.memory_space<vmem_shared>> -> memref<10240x128xf32, #tpu.memory_space<vmem_shared>>
        tpu.wait_indirect_dma semaphore(%run_scoped3A_179 : memref<!tpu.dma_semaphore, #tpu.memory_space<semaphore_mem>>) src(%arg8 : memref<128x128xf32, #tpu.memory_space<vmem>>) dst(%dma_wait3A_191 : memref<10240x128xf32, #tpu.memory_space<vmem_shared>>)
        tpu.yield
      }) : () -> ()
      %dma_start3A_110 = arith.constant 4 : i32
      %dma_start3A_111 = arith.constant 0 : i32
      %dma_start3A_112 = tpu.memref_slice %arg6[%dma_start3A_110, %dma_start3A_111] : memref<8x128xi32, #tpu.memory_space<vmem>> -> memref<1x128xi32, #tpu.memory_space<vmem>>
      %dma_start3A_113 = tpu.memref_squeeze %dma_start3A_112 : memref<1x128xi32, #tpu.memory_space<vmem>> -> memref<128xi32, #tpu.memory_space<vmem>>
      %dma_start3A_114 = arith.constant 0 : i32
      %dma_start3A_115 = arith.constant 0 : i32
      %dma_start3A_116 = tpu.memref_slice %arg2[%dma_start3A_114, %dma_start3A_115] : memref<10240x128xf32, #tpu.memory_space<hbm>> -> memref<10240x128xf32, #tpu.memory_space<hbm>>
      tpu.enqueue_indirect_dma source(%dma_start3A_116 : memref<10240x128xf32, #tpu.memory_space<hbm>>) target(%arg8 : memref<128x128xf32, #tpu.memory_space<vmem>>) offsets(%dma_start3A_113 : memref<128xi32, #tpu.memory_space<vmem>>) semaphore(%arg11 : memref<!tpu.dma_semaphore, #tpu.memory_space<semaphore_mem>>)
      %dma_wait3A_117 = arith.constant 3 : i32
      %dma_wait3A_118 = arith.constant 0 : i32
      %dma_wait3A_119 = tpu.memref_slice %arg6[%dma_wait3A_117, %dma_wait3A_118] : memref<8x128xi32, #tpu.memory_space<vmem>> -> memref<1x128xi32, #tpu.memory_space<vmem>>
      %dma_wait3A_120 = tpu.memref_squeeze %dma_wait3A_119 : memref<1x128xi32, #tpu.memory_space<vmem>> -> memref<128xi32, #tpu.memory_space<vmem>>
      %dma_wait3A_121 = arith.constant 0 : i32
      %dma_wait3A_122 = arith.constant 0 : i32
      %dma_wait3A_123 = tpu.memref_slice %arg2[%dma_wait3A_121, %dma_wait3A_122] : memref<10240x128xf32, #tpu.memory_space<hbm>> -> memref<10240x128xf32, #tpu.memory_space<hbm>>
      tpu.wait_indirect_dma semaphore(%arg12 : memref<!tpu.dma_semaphore, #tpu.memory_space<semaphore_mem>>) src(%dma_wait3A_123 : memref<10240x128xf32, #tpu.memory_space<hbm>>) dst(%arg9 : memref<128x128xf32, #tpu.memory_space<vmem>>)
      %run_scoped3A_124 = arith.constant 3 : i32
      "tpu.region"() ({
        %run_scoped3A_179 = tpu.sem_alloc : memref<!tpu.dma_semaphore, #tpu.memory_space<semaphore_mem>>
        %dma_start3A_180 = arith.constant 0 : i32
        %dma_start3A_181 = tpu.memref_slice %arg7[%run_scoped3A_124, %dma_start3A_180] : memref<8x128xi32, #tpu.memory_space<vmem>> -> memref<1x128xi32, #tpu.memory_space<vmem>>
        %dma_start3A_182 = tpu.memref_squeeze %dma_start3A_181 : memref<1x128xi32, #tpu.memory_space<vmem>> -> memref<128xi32, #tpu.memory_space<vmem>>
        %dma_start3A_183 = arith.constant 0 : i32
        %dma_start3A_184 = arith.constant 0 : i32
        %dma_start3A_185 = tpu.memref_slice %arg10[%dma_start3A_183, %dma_start3A_184] : memref<10240x128xf32, #tpu.memory_space<vmem_shared>> -> memref<10240x128xf32, #tpu.memory_space<vmem_shared>>
        tpu.enqueue_indirect_dma source(%arg9 : memref<128x128xf32, #tpu.memory_space<vmem>>) target(%dma_start3A_185 : memref<10240x128xf32, #tpu.memory_space<vmem_shared>>) offsets(%dma_start3A_182 : memref<128xi32, #tpu.memory_space<vmem>>) semaphore(%run_scoped3A_179 : memref<!tpu.dma_semaphore, #tpu.memory_space<semaphore_mem>>) {add = true}
        %dma_wait3A_186 = arith.constant 0 : i32
        %dma_wait3A_187 = tpu.memref_slice %arg7[%run_scoped3A_124, %dma_wait3A_186] : memref<8x128xi32, #tpu.memory_space<vmem>> -> memref<1x128xi32, #tpu.memory_space<vmem>>
        %dma_wait3A_188 = tpu.memref_squeeze %dma_wait3A_187 : memref<1x128xi32, #tpu.memory_space<vmem>> -> memref<128xi32, #tpu.memory_space<vmem>>
        %dma_wait3A_189 = arith.constant 0 : i32
        %dma_wait3A_190 = arith.constant 0 : i32
        %dma_wait3A_191 = tpu.memref_slice %arg10[%dma_wait3A_189, %dma_wait3A_190] : memref<10240x128xf32, #tpu.memory_space<vmem_shared>> -> memref<10240x128xf32, #tpu.memory_space<vmem_shared>>
        tpu.wait_indirect_dma semaphore(%run_scoped3A_179 : memref<!tpu.dma_semaphore, #tpu.memory_space<semaphore_mem>>) src(%arg9 : memref<128x128xf32, #tpu.memory_space<vmem>>) dst(%dma_wait3A_191 : memref<10240x128xf32, #tpu.memory_space<vmem_shared>>)
        tpu.yield
      }) : () -> ()
      %dma_start3A_125 = arith.constant 5 : i32
      %dma_start3A_126 = arith.constant 0 : i32
      %dma_start3A_127 = tpu.memref_slice %arg6[%dma_start3A_125, %dma_start3A_126] : memref<8x128xi32, #tpu.memory_space<vmem>> -> memref<1x128xi32, #tpu.memory_space<vmem>>
      %dma_start3A_128 = tpu.memref_squeeze %dma_start3A_127 : memref<1x128xi32, #tpu.memory_space<vmem>> -> memref<128xi32, #tpu.memory_space<vmem>>
      %dma_start3A_129 = arith.constant 0 : i32
      %dma_start3A_130 = arith.constant 0 : i32
      %dma_start3A_131 = tpu.memref_slice %arg2[%dma_start3A_129, %dma_start3A_130] : memref<10240x128xf32, #tpu.memory_space<hbm>> -> memref<10240x128xf32, #tpu.memory_space<hbm>>
      tpu.enqueue_indirect_dma source(%dma_start3A_131 : memref<10240x128xf32, #tpu.memory_space<hbm>>) target(%arg9 : memref<128x128xf32, #tpu.memory_space<vmem>>) offsets(%dma_start3A_128 : memref<128xi32, #tpu.memory_space<vmem>>) semaphore(%arg12 : memref<!tpu.dma_semaphore, #tpu.memory_space<semaphore_mem>>)
      %dma_wait3A_132 = arith.constant 4 : i32
      %dma_wait3A_133 = arith.constant 0 : i32
      %dma_wait3A_134 = tpu.memref_slice %arg6[%dma_wait3A_132, %dma_wait3A_133] : memref<8x128xi32, #tpu.memory_space<vmem>> -> memref<1x128xi32, #tpu.memory_space<vmem>>
      %dma_wait3A_135 = tpu.memref_squeeze %dma_wait3A_134 : memref<1x128xi32, #tpu.memory_space<vmem>> -> memref<128xi32, #tpu.memory_space<vmem>>
      %dma_wait3A_136 = arith.constant 0 : i32
      %dma_wait3A_137 = arith.constant 0 : i32
      %dma_wait3A_138 = tpu.memref_slice %arg2[%dma_wait3A_136, %dma_wait3A_137] : memref<10240x128xf32, #tpu.memory_space<hbm>> -> memref<10240x128xf32, #tpu.memory_space<hbm>>
      tpu.wait_indirect_dma semaphore(%arg11 : memref<!tpu.dma_semaphore, #tpu.memory_space<semaphore_mem>>) src(%dma_wait3A_138 : memref<10240x128xf32, #tpu.memory_space<hbm>>) dst(%arg8 : memref<128x128xf32, #tpu.memory_space<vmem>>)
      %run_scoped3A_139 = arith.constant 4 : i32
      "tpu.region"() ({
        %run_scoped3A_179 = tpu.sem_alloc : memref<!tpu.dma_semaphore, #tpu.memory_space<semaphore_mem>>
        %dma_start3A_180 = arith.constant 0 : i32
        %dma_start3A_181 = tpu.memref_slice %arg7[%run_scoped3A_139, %dma_start3A_180] : memref<8x128xi32, #tpu.memory_space<vmem>> -> memref<1x128xi32, #tpu.memory_space<vmem>>
        %dma_start3A_182 = tpu.memref_squeeze %dma_start3A_181 : memref<1x128xi32, #tpu.memory_space<vmem>> -> memref<128xi32, #tpu.memory_space<vmem>>
        %dma_start3A_183 = arith.constant 0 : i32
        %dma_start3A_184 = arith.constant 0 : i32
        %dma_start3A_185 = tpu.memref_slice %arg10[%dma_start3A_183, %dma_start3A_184] : memref<10240x128xf32, #tpu.memory_space<vmem_shared>> -> memref<10240x128xf32, #tpu.memory_space<vmem_shared>>
        tpu.enqueue_indirect_dma source(%arg8 : memref<128x128xf32, #tpu.memory_space<vmem>>) target(%dma_start3A_185 : memref<10240x128xf32, #tpu.memory_space<vmem_shared>>) offsets(%dma_start3A_182 : memref<128xi32, #tpu.memory_space<vmem>>) semaphore(%run_scoped3A_179 : memref<!tpu.dma_semaphore, #tpu.memory_space<semaphore_mem>>) {add = true}
        %dma_wait3A_186 = arith.constant 0 : i32
        %dma_wait3A_187 = tpu.memref_slice %arg7[%run_scoped3A_139, %dma_wait3A_186] : memref<8x128xi32, #tpu.memory_space<vmem>> -> memref<1x128xi32, #tpu.memory_space<vmem>>
        %dma_wait3A_188 = tpu.memref_squeeze %dma_wait3A_187 : memref<1x128xi32, #tpu.memory_space<vmem>> -> memref<128xi32, #tpu.memory_space<vmem>>
        %dma_wait3A_189 = arith.constant 0 : i32
        %dma_wait3A_190 = arith.constant 0 : i32
        %dma_wait3A_191 = tpu.memref_slice %arg10[%dma_wait3A_189, %dma_wait3A_190] : memref<10240x128xf32, #tpu.memory_space<vmem_shared>> -> memref<10240x128xf32, #tpu.memory_space<vmem_shared>>
        tpu.wait_indirect_dma semaphore(%run_scoped3A_179 : memref<!tpu.dma_semaphore, #tpu.memory_space<semaphore_mem>>) src(%arg8 : memref<128x128xf32, #tpu.memory_space<vmem>>) dst(%dma_wait3A_191 : memref<10240x128xf32, #tpu.memory_space<vmem_shared>>)
        tpu.yield
      }) : () -> ()
      %dma_start3A_140 = arith.constant 6 : i32
      %dma_start3A_141 = arith.constant 0 : i32
      %dma_start3A_142 = tpu.memref_slice %arg6[%dma_start3A_140, %dma_start3A_141] : memref<8x128xi32, #tpu.memory_space<vmem>> -> memref<1x128xi32, #tpu.memory_space<vmem>>
      %dma_start3A_143 = tpu.memref_squeeze %dma_start3A_142 : memref<1x128xi32, #tpu.memory_space<vmem>> -> memref<128xi32, #tpu.memory_space<vmem>>
      %dma_start3A_144 = arith.constant 0 : i32
      %dma_start3A_145 = arith.constant 0 : i32
      %dma_start3A_146 = tpu.memref_slice %arg2[%dma_start3A_144, %dma_start3A_145] : memref<10240x128xf32, #tpu.memory_space<hbm>> -> memref<10240x128xf32, #tpu.memory_space<hbm>>
      tpu.enqueue_indirect_dma source(%dma_start3A_146 : memref<10240x128xf32, #tpu.memory_space<hbm>>) target(%arg8 : memref<128x128xf32, #tpu.memory_space<vmem>>) offsets(%dma_start3A_143 : memref<128xi32, #tpu.memory_space<vmem>>) semaphore(%arg11 : memref<!tpu.dma_semaphore, #tpu.memory_space<semaphore_mem>>)
      %dma_wait3A_147 = arith.constant 5 : i32
      %dma_wait3A_148 = arith.constant 0 : i32
      %dma_wait3A_149 = tpu.memref_slice %arg6[%dma_wait3A_147, %dma_wait3A_148] : memref<8x128xi32, #tpu.memory_space<vmem>> -> memref<1x128xi32, #tpu.memory_space<vmem>>
      %dma_wait3A_150 = tpu.memref_squeeze %dma_wait3A_149 : memref<1x128xi32, #tpu.memory_space<vmem>> -> memref<128xi32, #tpu.memory_space<vmem>>
      %dma_wait3A_151 = arith.constant 0 : i32
      %dma_wait3A_152 = arith.constant 0 : i32
      %dma_wait3A_153 = tpu.memref_slice %arg2[%dma_wait3A_151, %dma_wait3A_152] : memref<10240x128xf32, #tpu.memory_space<hbm>> -> memref<10240x128xf32, #tpu.memory_space<hbm>>
      tpu.wait_indirect_dma semaphore(%arg12 : memref<!tpu.dma_semaphore, #tpu.memory_space<semaphore_mem>>) src(%dma_wait3A_153 : memref<10240x128xf32, #tpu.memory_space<hbm>>) dst(%arg9 : memref<128x128xf32, #tpu.memory_space<vmem>>)
      %run_scoped3A_154 = arith.constant 5 : i32
      "tpu.region"() ({
        %run_scoped3A_179 = tpu.sem_alloc : memref<!tpu.dma_semaphore, #tpu.memory_space<semaphore_mem>>
        %dma_start3A_180 = arith.constant 0 : i32
        %dma_start3A_181 = tpu.memref_slice %arg7[%run_scoped3A_154, %dma_start3A_180] : memref<8x128xi32, #tpu.memory_space<vmem>> -> memref<1x128xi32, #tpu.memory_space<vmem>>
        %dma_start3A_182 = tpu.memref_squeeze %dma_start3A_181 : memref<1x128xi32, #tpu.memory_space<vmem>> -> memref<128xi32, #tpu.memory_space<vmem>>
        %dma_start3A_183 = arith.constant 0 : i32
        %dma_start3A_184 = arith.constant 0 : i32
        %dma_start3A_185 = tpu.memref_slice %arg10[%dma_start3A_183, %dma_start3A_184] : memref<10240x128xf32, #tpu.memory_space<vmem_shared>> -> memref<10240x128xf32, #tpu.memory_space<vmem_shared>>
        tpu.enqueue_indirect_dma source(%arg9 : memref<128x128xf32, #tpu.memory_space<vmem>>) target(%dma_start3A_185 : memref<10240x128xf32, #tpu.memory_space<vmem_shared>>) offsets(%dma_start3A_182 : memref<128xi32, #tpu.memory_space<vmem>>) semaphore(%run_scoped3A_179 : memref<!tpu.dma_semaphore, #tpu.memory_space<semaphore_mem>>) {add = true}
        %dma_wait3A_186 = arith.constant 0 : i32
        %dma_wait3A_187 = tpu.memref_slice %arg7[%run_scoped3A_154, %dma_wait3A_186] : memref<8x128xi32, #tpu.memory_space<vmem>> -> memref<1x128xi32, #tpu.memory_space<vmem>>
        %dma_wait3A_188 = tpu.memref_squeeze %dma_wait3A_187 : memref<1x128xi32, #tpu.memory_space<vmem>> -> memref<128xi32, #tpu.memory_space<vmem>>
        %dma_wait3A_189 = arith.constant 0 : i32
        %dma_wait3A_190 = arith.constant 0 : i32
        %dma_wait3A_191 = tpu.memref_slice %arg10[%dma_wait3A_189, %dma_wait3A_190] : memref<10240x128xf32, #tpu.memory_space<vmem_shared>> -> memref<10240x128xf32, #tpu.memory_space<vmem_shared>>
        tpu.wait_indirect_dma semaphore(%run_scoped3A_179 : memref<!tpu.dma_semaphore, #tpu.memory_space<semaphore_mem>>) src(%arg9 : memref<128x128xf32, #tpu.memory_space<vmem>>) dst(%dma_wait3A_191 : memref<10240x128xf32, #tpu.memory_space<vmem_shared>>)
        tpu.yield
      }) : () -> ()
      %dma_start3A_155 = arith.constant 7 : i32
      %dma_start3A_156 = arith.constant 0 : i32
      %dma_start3A_157 = tpu.memref_slice %arg6[%dma_start3A_155, %dma_start3A_156] : memref<8x128xi32, #tpu.memory_space<vmem>> -> memref<1x128xi32, #tpu.memory_space<vmem>>
      %dma_start3A_158 = tpu.memref_squeeze %dma_start3A_157 : memref<1x128xi32, #tpu.memory_space<vmem>> -> memref<128xi32, #tpu.memory_space<vmem>>
      %dma_start3A_159 = arith.constant 0 : i32
      %dma_start3A_160 = arith.constant 0 : i32
      %dma_start3A_161 = tpu.memref_slice %arg2[%dma_start3A_159, %dma_start3A_160] : memref<10240x128xf32, #tpu.memory_space<hbm>> -> memref<10240x128xf32, #tpu.memory_space<hbm>>
      tpu.enqueue_indirect_dma source(%dma_start3A_161 : memref<10240x128xf32, #tpu.memory_space<hbm>>) target(%arg9 : memref<128x128xf32, #tpu.memory_space<vmem>>) offsets(%dma_start3A_158 : memref<128xi32, #tpu.memory_space<vmem>>) semaphore(%arg12 : memref<!tpu.dma_semaphore, #tpu.memory_space<semaphore_mem>>)
      %dma_wait3A_162 = arith.constant 6 : i32
      %dma_wait3A_163 = arith.constant 0 : i32
      %dma_wait3A_164 = tpu.memref_slice %arg6[%dma_wait3A_162, %dma_wait3A_163] : memref<8x128xi32, #tpu.memory_space<vmem>> -> memref<1x128xi32, #tpu.memory_space<vmem>>
      %dma_wait3A_165 = tpu.memref_squeeze %dma_wait3A_164 : memref<1x128xi32, #tpu.memory_space<vmem>> -> memref<128xi32, #tpu.memory_space<vmem>>
      %dma_wait3A_166 = arith.constant 0 : i32
      %dma_wait3A_167 = arith.constant 0 : i32
      %dma_wait3A_168 = tpu.memref_slice %arg2[%dma_wait3A_166, %dma_wait3A_167] : memref<10240x128xf32, #tpu.memory_space<hbm>> -> memref<10240x128xf32, #tpu.memory_space<hbm>>
      tpu.wait_indirect_dma semaphore(%arg11 : memref<!tpu.dma_semaphore, #tpu.memory_space<semaphore_mem>>) src(%dma_wait3A_168 : memref<10240x128xf32, #tpu.memory_space<hbm>>) dst(%arg8 : memref<128x128xf32, #tpu.memory_space<vmem>>)
      %run_scoped3A_169 = arith.constant 6 : i32
      "tpu.region"() ({
        %run_scoped3A_179 = tpu.sem_alloc : memref<!tpu.dma_semaphore, #tpu.memory_space<semaphore_mem>>
        %dma_start3A_180 = arith.constant 0 : i32
        %dma_start3A_181 = tpu.memref_slice %arg7[%run_scoped3A_169, %dma_start3A_180] : memref<8x128xi32, #tpu.memory_space<vmem>> -> memref<1x128xi32, #tpu.memory_space<vmem>>
        %dma_start3A_182 = tpu.memref_squeeze %dma_start3A_181 : memref<1x128xi32, #tpu.memory_space<vmem>> -> memref<128xi32, #tpu.memory_space<vmem>>
        %dma_start3A_183 = arith.constant 0 : i32
        %dma_start3A_184 = arith.constant 0 : i32
        %dma_start3A_185 = tpu.memref_slice %arg10[%dma_start3A_183, %dma_start3A_184] : memref<10240x128xf32, #tpu.memory_space<vmem_shared>> -> memref<10240x128xf32, #tpu.memory_space<vmem_shared>>
        tpu.enqueue_indirect_dma source(%arg8 : memref<128x128xf32, #tpu.memory_space<vmem>>) target(%dma_start3A_185 : memref<10240x128xf32, #tpu.memory_space<vmem_shared>>) offsets(%dma_start3A_182 : memref<128xi32, #tpu.memory_space<vmem>>) semaphore(%run_scoped3A_179 : memref<!tpu.dma_semaphore, #tpu.memory_space<semaphore_mem>>) {add = true}
        %dma_wait3A_186 = arith.constant 0 : i32
        %dma_wait3A_187 = tpu.memref_slice %arg7[%run_scoped3A_169, %dma_wait3A_186] : memref<8x128xi32, #tpu.memory_space<vmem>> -> memref<1x128xi32, #tpu.memory_space<vmem>>
        %dma_wait3A_188 = tpu.memref_squeeze %dma_wait3A_187 : memref<1x128xi32, #tpu.memory_space<vmem>> -> memref<128xi32, #tpu.memory_space<vmem>>
        %dma_wait3A_189 = arith.constant 0 : i32
        %dma_wait3A_190 = arith.constant 0 : i32
        %dma_wait3A_191 = tpu.memref_slice %arg10[%dma_wait3A_189, %dma_wait3A_190] : memref<10240x128xf32, #tpu.memory_space<vmem_shared>> -> memref<10240x128xf32, #tpu.memory_space<vmem_shared>>
        tpu.wait_indirect_dma semaphore(%run_scoped3A_179 : memref<!tpu.dma_semaphore, #tpu.memory_space<semaphore_mem>>) src(%arg8 : memref<128x128xf32, #tpu.memory_space<vmem>>) dst(%dma_wait3A_191 : memref<10240x128xf32, #tpu.memory_space<vmem_shared>>)
        tpu.yield
      }) : () -> ()
      %dma_wait3A_170 = arith.constant 7 : i32
      %dma_wait3A_171 = arith.constant 0 : i32
      %dma_wait3A_172 = tpu.memref_slice %arg6[%dma_wait3A_170, %dma_wait3A_171] : memref<8x128xi32, #tpu.memory_space<vmem>> -> memref<1x128xi32, #tpu.memory_space<vmem>>
      %dma_wait3A_173 = tpu.memref_squeeze %dma_wait3A_172 : memref<1x128xi32, #tpu.memory_space<vmem>> -> memref<128xi32, #tpu.memory_space<vmem>>
      %dma_wait3A_174 = arith.constant 0 : i32
      %dma_wait3A_175 = arith.constant 0 : i32
      %dma_wait3A_176 = tpu.memref_slice %arg2[%dma_wait3A_174, %dma_wait3A_175] : memref<10240x128xf32, #tpu.memory_space<hbm>> -> memref<10240x128xf32, #tpu.memory_space<hbm>>
      tpu.wait_indirect_dma semaphore(%arg12 : memref<!tpu.dma_semaphore, #tpu.memory_space<semaphore_mem>>) src(%dma_wait3A_176 : memref<10240x128xf32, #tpu.memory_space<hbm>>) dst(%arg9 : memref<128x128xf32, #tpu.memory_space<vmem>>)
      %run_scoped3A_177 = arith.constant 7 : i32
      "tpu.region"() ({
        %run_scoped3A_179 = tpu.sem_alloc : memref<!tpu.dma_semaphore, #tpu.memory_space<semaphore_mem>>
        %dma_start3A_180 = arith.constant 0 : i32
        %dma_start3A_181 = tpu.memref_slice %arg7[%run_scoped3A_177, %dma_start3A_180] : memref<8x128xi32, #tpu.memory_space<vmem>> -> memref<1x128xi32, #tpu.memory_space<vmem>>
        %dma_start3A_182 = tpu.memref_squeeze %dma_start3A_181 : memref<1x128xi32, #tpu.memory_space<vmem>> -> memref<128xi32, #tpu.memory_space<vmem>>
        %dma_start3A_183 = arith.constant 0 : i32
        %dma_start3A_184 = arith.constant 0 : i32
        %dma_start3A_185 = tpu.memref_slice %arg10[%dma_start3A_183, %dma_start3A_184] : memref<10240x128xf32, #tpu.memory_space<vmem_shared>> -> memref<10240x128xf32, #tpu.memory_space<vmem_shared>>
        tpu.enqueue_indirect_dma source(%arg9 : memref<128x128xf32, #tpu.memory_space<vmem>>) target(%dma_start3A_185 : memref<10240x128xf32, #tpu.memory_space<vmem_shared>>) offsets(%dma_start3A_182 : memref<128xi32, #tpu.memory_space<vmem>>) semaphore(%run_scoped3A_179 : memref<!tpu.dma_semaphore, #tpu.memory_space<semaphore_mem>>) {add = true}
        %dma_wait3A_186 = arith.constant 0 : i32
        %dma_wait3A_187 = tpu.memref_slice %arg7[%run_scoped3A_177, %dma_wait3A_186] : memref<8x128xi32, #tpu.memory_space<vmem>> -> memref<1x128xi32, #tpu.memory_space<vmem>>
        %dma_wait3A_188 = tpu.memref_squeeze %dma_wait3A_187 : memref<1x128xi32, #tpu.memory_space<vmem>> -> memref<128xi32, #tpu.memory_space<vmem>>
        %dma_wait3A_189 = arith.constant 0 : i32
        %dma_wait3A_190 = arith.constant 0 : i32
        %dma_wait3A_191 = tpu.memref_slice %arg10[%dma_wait3A_189, %dma_wait3A_190] : memref<10240x128xf32, #tpu.memory_space<vmem_shared>> -> memref<10240x128xf32, #tpu.memory_space<vmem_shared>>
        tpu.wait_indirect_dma semaphore(%run_scoped3A_179 : memref<!tpu.dma_semaphore, #tpu.memory_space<semaphore_mem>>) src(%arg9 : memref<128x128xf32, #tpu.memory_space<vmem>>) dst(%dma_wait3A_191 : memref<10240x128xf32, #tpu.memory_space<vmem_shared>>)
        tpu.yield
      }) : () -> ()
      %scan3A_178 = arith.constant 0 : i32
      scf.yield %scan3A_178 : i32
    }
    %scan3A_33 = arith.constant 10 : i32
    %barrier3A_34 = arith.constant 0 : index
    tpu.barrier barrier_id(%barrier3A_34)
    %mul3A_35 = arith.constant 640 : i32
    %mul3A_36 = arith.muli %arg1, %mul3A_35 : i32
    %add3A_37 = arith.constant 0 : i32
    %add3A_38 = arith.addi %mul3A_36, %add3A_37 : i32
    "tpu.region"() ({
      %run_scoped3A = tpu.sem_alloc : memref<!tpu.dma_semaphore, #tpu.memory_space<semaphore_mem>>
      %dma_start3A = arith.constant 0 : i32
      %dma_start3A_55 = tpu.memref_slice %arg5[%arg0, %add3A_38, %dma_start3A] : memref<2x10240x128xf32, #tpu.memory_space<hbm>> -> memref<1x128x128xf32, #tpu.memory_space<hbm>>
      %dma_start3A_56 = tpu.memref_squeeze %dma_start3A_55 : memref<1x128x128xf32, #tpu.memory_space<hbm>> -> memref<128x128xf32, #tpu.memory_space<hbm>>
      %dma_start3A_57 = arith.constant 0 : i32
      %dma_start3A_58 = tpu.memref_slice %arg10[%add3A_38, %dma_start3A_57] : memref<10240x128xf32, #tpu.memory_space<vmem_shared>> -> memref<128x128xf32, #tpu.memory_space<vmem_shared>>
      tpu.enqueue_dma source(%dma_start3A_58 : memref<128x128xf32, #tpu.memory_space<vmem_shared>>) target(%dma_start3A_56 : memref<128x128xf32, #tpu.memory_space<hbm>>) target_semaphore(%run_scoped3A : memref<!tpu.dma_semaphore, #tpu.memory_space<semaphore_mem>>)
      %dma_wait3A = arith.constant 0 : i32
      %dma_wait3A_59 = tpu.memref_slice %arg5[%arg0, %add3A_38, %dma_wait3A] : memref<2x10240x128xf32, #tpu.memory_space<hbm>> -> memref<1x128x128xf32, #tpu.memory_space<hbm>>
      %dma_wait3A_60 = tpu.memref_squeeze %dma_wait3A_59 : memref<1x128x128xf32, #tpu.memory_space<hbm>> -> memref<128x128xf32, #tpu.memory_space<hbm>>
      %dma_wait3A_61 = arith.constant 0 : i32
      %dma_wait3A_62 = tpu.memref_slice %arg10[%add3A_38, %dma_wait3A_61] : memref<10240x128xf32, #tpu.memory_space<vmem_shared>> -> memref<128x128xf32, #tpu.memory_space<vmem_shared>>
      tpu.wait_dma2 semaphore(%run_scoped3A : memref<!tpu.dma_semaphore, #tpu.memory_space<semaphore_mem>>) src(%dma_wait3A_62 : memref<128x128xf32, #tpu.memory_space<vmem_shared>>) dst(%dma_wait3A_60 : memref<128x128xf32, #tpu.memory_space<hbm>>)
      tpu.yield
    }) : () -> ()
    %mul3A_39 = arith.constant 640 : i32
    %mul3A_40 = arith.muli %arg1, %mul3A_39 : i32
    %add3A_41 = arith.constant 128 : i32
    %add3A_42 = arith.addi %mul3A_40, %add3A_41 : i32
    "tpu.region"() ({
      %run_scoped3A = tpu.sem_alloc : memref<!tpu.dma_semaphore, #tpu.memory_space<semaphore_mem>>
      %dma_start3A = arith.constant 0 : i32
      %dma_start3A_55 = tpu.memref_slice %arg5[%arg0, %add3A_42, %dma_start3A] : memref<2x10240x128xf32, #tpu.memory_space<hbm>> -> memref<1x128x128xf32, #tpu.memory_space<hbm>>
      %dma_start3A_56 = tpu.memref_squeeze %dma_start3A_55 : memref<1x128x128xf32, #tpu.memory_space<hbm>> -> memref<128x128xf32, #tpu.memory_space<hbm>>
      %dma_start3A_57 = arith.constant 0 : i32
      %dma_start3A_58 = tpu.memref_slice %arg10[%add3A_42, %dma_start3A_57] : memref<10240x128xf32, #tpu.memory_space<vmem_shared>> -> memref<128x128xf32, #tpu.memory_space<vmem_shared>>
      tpu.enqueue_dma source(%dma_start3A_58 : memref<128x128xf32, #tpu.memory_space<vmem_shared>>) target(%dma_start3A_56 : memref<128x128xf32, #tpu.memory_space<hbm>>) target_semaphore(%run_scoped3A : memref<!tpu.dma_semaphore, #tpu.memory_space<semaphore_mem>>)
      %dma_wait3A = arith.constant 0 : i32
      %dma_wait3A_59 = tpu.memref_slice %arg5[%arg0, %add3A_42, %dma_wait3A] : memref<2x10240x128xf32, #tpu.memory_space<hbm>> -> memref<1x128x128xf32, #tpu.memory_space<hbm>>
      %dma_wait3A_60 = tpu.memref_squeeze %dma_wait3A_59 : memref<1x128x128xf32, #tpu.memory_space<hbm>> -> memref<128x128xf32, #tpu.memory_space<hbm>>
      %dma_wait3A_61 = arith.constant 0 : i32
      %dma_wait3A_62 = tpu.memref_slice %arg10[%add3A_42, %dma_wait3A_61] : memref<10240x128xf32, #tpu.memory_space<vmem_shared>> -> memref<128x128xf32, #tpu.memory_space<vmem_shared>>
      tpu.wait_dma2 semaphore(%run_scoped3A : memref<!tpu.dma_semaphore, #tpu.memory_space<semaphore_mem>>) src(%dma_wait3A_62 : memref<128x128xf32, #tpu.memory_space<vmem_shared>>) dst(%dma_wait3A_60 : memref<128x128xf32, #tpu.memory_space<hbm>>)
      tpu.yield
    }) : () -> ()
    %mul3A_43 = arith.constant 640 : i32
    %mul3A_44 = arith.muli %arg1, %mul3A_43 : i32
    %add3A_45 = arith.constant 256 : i32
    %add3A_46 = arith.addi %mul3A_44, %add3A_45 : i32
    "tpu.region"() ({
      %run_scoped3A = tpu.sem_alloc : memref<!tpu.dma_semaphore, #tpu.memory_space<semaphore_mem>>
      %dma_start3A = arith.constant 0 : i32
      %dma_start3A_55 = tpu.memref_slice %arg5[%arg0, %add3A_46, %dma_start3A] : memref<2x10240x128xf32, #tpu.memory_space<hbm>> -> memref<1x128x128xf32, #tpu.memory_space<hbm>>
      %dma_start3A_56 = tpu.memref_squeeze %dma_start3A_55 : memref<1x128x128xf32, #tpu.memory_space<hbm>> -> memref<128x128xf32, #tpu.memory_space<hbm>>
      %dma_start3A_57 = arith.constant 0 : i32
      %dma_start3A_58 = tpu.memref_slice %arg10[%add3A_46, %dma_start3A_57] : memref<10240x128xf32, #tpu.memory_space<vmem_shared>> -> memref<128x128xf32, #tpu.memory_space<vmem_shared>>
      tpu.enqueue_dma source(%dma_start3A_58 : memref<128x128xf32, #tpu.memory_space<vmem_shared>>) target(%dma_start3A_56 : memref<128x128xf32, #tpu.memory_space<hbm>>) target_semaphore(%run_scoped3A : memref<!tpu.dma_semaphore, #tpu.memory_space<semaphore_mem>>)
      %dma_wait3A = arith.constant 0 : i32
      %dma_wait3A_59 = tpu.memref_slice %arg5[%arg0, %add3A_46, %dma_wait3A] : memref<2x10240x128xf32, #tpu.memory_space<hbm>> -> memref<1x128x128xf32, #tpu.memory_space<hbm>>
      %dma_wait3A_60 = tpu.memref_squeeze %dma_wait3A_59 : memref<1x128x128xf32, #tpu.memory_space<hbm>> -> memref<128x128xf32, #tpu.memory_space<hbm>>
      %dma_wait3A_61 = arith.constant 0 : i32
      %dma_wait3A_62 = tpu.memref_slice %arg10[%add3A_46, %dma_wait3A_61] : memref<10240x128xf32, #tpu.memory_space<vmem_shared>> -> memref<128x128xf32, #tpu.memory_space<vmem_shared>>
      tpu.wait_dma2 semaphore(%run_scoped3A : memref<!tpu.dma_semaphore, #tpu.memory_space<semaphore_mem>>) src(%dma_wait3A_62 : memref<128x128xf32, #tpu.memory_space<vmem_shared>>) dst(%dma_wait3A_60 : memref<128x128xf32, #tpu.memory_space<hbm>>)
      tpu.yield
    }) : () -> ()
    %mul3A_47 = arith.constant 640 : i32
    %mul3A_48 = arith.muli %arg1, %mul3A_47 : i32
    %add3A_49 = arith.constant 384 : i32
    %add3A_50 = arith.addi %mul3A_48, %add3A_49 : i32
    "tpu.region"() ({
      %run_scoped3A = tpu.sem_alloc : memref<!tpu.dma_semaphore, #tpu.memory_space<semaphore_mem>>
      %dma_start3A = arith.constant 0 : i32
      %dma_start3A_55 = tpu.memref_slice %arg5[%arg0, %add3A_50, %dma_start3A] : memref<2x10240x128xf32, #tpu.memory_space<hbm>> -> memref<1x128x128xf32, #tpu.memory_space<hbm>>
      %dma_start3A_56 = tpu.memref_squeeze %dma_start3A_55 : memref<1x128x128xf32, #tpu.memory_space<hbm>> -> memref<128x128xf32, #tpu.memory_space<hbm>>
      %dma_start3A_57 = arith.constant 0 : i32
      %dma_start3A_58 = tpu.memref_slice %arg10[%add3A_50, %dma_start3A_57] : memref<10240x128xf32, #tpu.memory_space<vmem_shared>> -> memref<128x128xf32, #tpu.memory_space<vmem_shared>>
      tpu.enqueue_dma source(%dma_start3A_58 : memref<128x128xf32, #tpu.memory_space<vmem_shared>>) target(%dma_start3A_56 : memref<128x128xf32, #tpu.memory_space<hbm>>) target_semaphore(%run_scoped3A : memref<!tpu.dma_semaphore, #tpu.memory_space<semaphore_mem>>)
      %dma_wait3A = arith.constant 0 : i32
      %dma_wait3A_59 = tpu.memref_slice %arg5[%arg0, %add3A_50, %dma_wait3A] : memref<2x10240x128xf32, #tpu.memory_space<hbm>> -> memref<1x128x128xf32, #tpu.memory_space<hbm>>
      %dma_wait3A_60 = tpu.memref_squeeze %dma_wait3A_59 : memref<1x128x128xf32, #tpu.memory_space<hbm>> -> memref<128x128xf32, #tpu.memory_space<hbm>>
      %dma_wait3A_61 = arith.constant 0 : i32
      %dma_wait3A_62 = tpu.memref_slice %arg10[%add3A_50, %dma_wait3A_61] : memref<10240x128xf32, #tpu.memory_space<vmem_shared>> -> memref<128x128xf32, #tpu.memory_space<vmem_shared>>
      tpu.wait_dma2 semaphore(%run_scoped3A : memref<!tpu.dma_semaphore, #tpu.memory_space<semaphore_mem>>) src(%dma_wait3A_62 : memref<128x128xf32, #tpu.memory_space<vmem_shared>>) dst(%dma_wait3A_60 : memref<128x128xf32, #tpu.memory_space<hbm>>)
      tpu.yield
    }) : () -> ()
    %mul3A_51 = arith.constant 640 : i32
    %mul3A_52 = arith.muli %arg1, %mul3A_51 : i32
    %add3A_53 = arith.constant 512 : i32
    %add3A_54 = arith.addi %mul3A_52, %add3A_53 : i32
    "tpu.region"() ({
      %run_scoped3A = tpu.sem_alloc : memref<!tpu.dma_semaphore, #tpu.memory_space<semaphore_mem>>
      %dma_start3A = arith.constant 0 : i32
      %dma_start3A_55 = tpu.memref_slice %arg5[%arg0, %add3A_54, %dma_start3A] : memref<2x10240x128xf32, #tpu.memory_space<hbm>> -> memref<1x128x128xf32, #tpu.memory_space<hbm>>
      %dma_start3A_56 = tpu.memref_squeeze %dma_start3A_55 : memref<1x128x128xf32, #tpu.memory_space<hbm>> -> memref<128x128xf32, #tpu.memory_space<hbm>>
      %dma_start3A_57 = arith.constant 0 : i32
      %dma_start3A_58 = tpu.memref_slice %arg10[%add3A_54, %dma_start3A_57] : memref<10240x128xf32, #tpu.memory_space<vmem_shared>> -> memref<128x128xf32, #tpu.memory_space<vmem_shared>>
      tpu.enqueue_dma source(%dma_start3A_58 : memref<128x128xf32, #tpu.memory_space<vmem_shared>>) target(%dma_start3A_56 : memref<128x128xf32, #tpu.memory_space<hbm>>) target_semaphore(%run_scoped3A : memref<!tpu.dma_semaphore, #tpu.memory_space<semaphore_mem>>)
      %dma_wait3A = arith.constant 0 : i32
      %dma_wait3A_59 = tpu.memref_slice %arg5[%arg0, %add3A_54, %dma_wait3A] : memref<2x10240x128xf32, #tpu.memory_space<hbm>> -> memref<1x128x128xf32, #tpu.memory_space<hbm>>
      %dma_wait3A_60 = tpu.memref_squeeze %dma_wait3A_59 : memref<1x128x128xf32, #tpu.memory_space<hbm>> -> memref<128x128xf32, #tpu.memory_space<hbm>>
      %dma_wait3A_61 = arith.constant 0 : i32
      %dma_wait3A_62 = tpu.memref_slice %arg10[%add3A_54, %dma_wait3A_61] : memref<10240x128xf32, #tpu.memory_space<vmem_shared>> -> memref<128x128xf32, #tpu.memory_space<vmem_shared>>
      tpu.wait_dma2 semaphore(%run_scoped3A : memref<!tpu.dma_semaphore, #tpu.memory_space<semaphore_mem>>) src(%dma_wait3A_62 : memref<128x128xf32, #tpu.memory_space<vmem_shared>>) dst(%dma_wait3A_60 : memref<128x128xf32, #tpu.memory_space<hbm>>)
      tpu.yield
    }) : () -> ()
    return
  }
}

#map = affine_map<(d0, d1) -> (0, 0)>
#map1 = affine_map<(d0, d1) -> (0, 0, 0)>
module attributes {stable_mosaic.version = 14 : i64} {
  func.func @gcn_aggregate_sc(%arg0: i32, %arg1: i32, %arg2: memref<10240x128xf32, #tpu.memory_space<hbm>>, %arg3: memref<32x80x128xi32, #tpu.memory_space<hbm>>, %arg4: memref<32x80x128xi32, #tpu.memory_space<hbm>>, %arg5: memref<2x10240x128xf32, #tpu.memory_space<hbm>>, %arg6: memref<8x128xi32, #tpu.memory_space<vmem>>, %arg7: memref<8x128xi32, #tpu.memory_space<vmem>>, %arg8: memref<128x128xf32, #tpu.memory_space<vmem>>, %arg9: memref<128x128xf32, #tpu.memory_space<vmem>>, %arg10: memref<10240x128xf32, #tpu.memory_space<vmem_shared>>, %arg11: memref<!tpu.dma_semaphore, #tpu.memory_space<semaphore_mem>>, %arg12: memref<!tpu.dma_semaphore, #tpu.memory_space<semaphore_mem>>) attributes {dimension_semantics = [#tpu.dimension_semantics<core_parallel>, #tpu.dimension_semantics<subcore_parallel>], iteration_bounds = array<i64: 2, 16>, scalar_prefetch = 0 : i64, scratch_operands = 7 : i64, tpu.core_type = #tpu.core_type<sc_vector_subcore>, window_params = [{transform_indices = #map}, {transform_indices = #map1}, {transform_indices = #map1}, {transform_indices = #map1}]} {
    %mul3A = arith.constant 16 : i32
    %mul3A_0 = arith.muli %arg0, %mul3A : i32
    %add3A = arith.addi %mul3A_0, %arg1 : i32
    %scan3A = arith.constant 0 : i32
    %scan3A_1 = arith.constant 0 : i32
    %scan3A_2 = arith.constant 128 : i32
    %scan3A_3 = arith.addi %scan3A_1, %scan3A_2 : i32
    %scan3A_4 = arith.constant 1 : i32
    %scan3A_5 = scf.for %scan3A_55 = %scan3A_1 to %scan3A_3 step %scan3A_4 iter_args(%scan3A_56 = %scan3A) -> (i32)  : i32 {
      %broadcast_in_dim3A = arith.constant 0.000000e+00 : f32
      %broadcast_in_dim3A_57 = vector.broadcast %broadcast_in_dim3A : f32 to vector<16xf32>
      %swap3A = arith.index_cast %scan3A_55 : i32 to index
      %swap3A_58 = arith.constant 0 : index
      %swap3A_59 = tpu.vector_load %arg8[%swap3A, %swap3A_58] {strides = array<i32>} : memref<128x128xf32, #tpu.memory_space<vmem>>, vector<1x16xf32>,
      %swap3A_60 = vector.shape_cast %swap3A_59 : vector<1x16xf32> to vector<16xf32>
      %swap3A_61 = vector.shape_cast %broadcast_in_dim3A_57 : vector<16xf32> to vector<1x16xf32>
      tpu.vector_store %arg8[%swap3A, %swap3A_58], %swap3A_61 {strides = array<i32>} : memref<128x128xf32, #tpu.memory_space<vmem>>, vector<1x16xf32>,
      %broadcast_in_dim3A_62 = arith.constant 0.000000e+00 : f32
      %broadcast_in_dim3A_63 = vector.broadcast %broadcast_in_dim3A_62 : f32 to vector<16xf32>
      %swap3A_64 = arith.index_cast %scan3A_55 : i32 to index
      %swap3A_65 = arith.constant 16 : index
      %swap3A_66 = tpu.vector_load %arg8[%swap3A_64, %swap3A_65] {strides = array<i32>} : memref<128x128xf32, #tpu.memory_space<vmem>>, vector<1x16xf32>,
      %swap3A_67 = vector.shape_cast %swap3A_66 : vector<1x16xf32> to vector<16xf32>
      %swap3A_68 = vector.shape_cast %broadcast_in_dim3A_63 : vector<16xf32> to vector<1x16xf32>
      tpu.vector_store %arg8[%swap3A_64, %swap3A_65], %swap3A_68 {strides = array<i32>} : memref<128x128xf32, #tpu.memory_space<vmem>>, vector<1x16xf32>,
      %broadcast_in_dim3A_69 = arith.constant 0.000000e+00 : f32
      %broadcast_in_dim3A_70 = vector.broadcast %broadcast_in_dim3A_69 : f32 to vector<16xf32>
      %swap3A_71 = arith.index_cast %scan3A_55 : i32 to index
      %swap3A_72 = arith.constant 32 : index
      %swap3A_73 = tpu.vector_load %arg8[%swap3A_71, %swap3A_72] {strides = array<i32>} : memref<128x128xf32, #tpu.memory_space<vmem>>, vector<1x16xf32>,
      %swap3A_74 = vector.shape_cast %swap3A_73 : vector<1x16xf32> to vector<16xf32>
      %swap3A_75 = vector.shape_cast %broadcast_in_dim3A_70 : vector<16xf32> to vector<1x16xf32>
      tpu.vector_store %arg8[%swap3A_71, %swap3A_72], %swap3A_75 {strides = array<i32>} : memref<128x128xf32, #tpu.memory_space<vmem>>, vector<1x16xf32>,
      %broadcast_in_dim3A_76 = arith.constant 0.000000e+00 : f32
      %broadcast_in_dim3A_77 = vector.broadcast %broadcast_in_dim3A_76 : f32 to vector<16xf32>
      %swap3A_78 = arith.index_cast %scan3A_55 : i32 to index
      %swap3A_79 = arith.constant 48 : index
      %swap3A_80 = tpu.vector_load %arg8[%swap3A_78, %swap3A_79] {strides = array<i32>} : memref<128x128xf32, #tpu.memory_space<vmem>>, vector<1x16xf32>,
      %swap3A_81 = vector.shape_cast %swap3A_80 : vector<1x16xf32> to vector<16xf32>
      %swap3A_82 = vector.shape_cast %broadcast_in_dim3A_77 : vector<16xf32> to vector<1x16xf32>
      tpu.vector_store %arg8[%swap3A_78, %swap3A_79], %swap3A_82 {strides = array<i32>} : memref<128x128xf32, #tpu.memory_space<vmem>>, vector<1x16xf32>,
      %broadcast_in_dim3A_83 = arith.constant 0.000000e+00 : f32
      %broadcast_in_dim3A_84 = vector.broadcast %broadcast_in_dim3A_83 : f32 to vector<16xf32>
      %swap3A_85 = arith.index_cast %scan3A_55 : i32 to index
      %swap3A_86 = arith.constant 64 : index
      %swap3A_87 = tpu.vector_load %arg8[%swap3A_85, %swap3A_86] {strides = array<i32>} : memref<128x128xf32, #tpu.memory_space<vmem>>, vector<1x16xf32>,
      %swap3A_88 = vector.shape_cast %swap3A_87 : vector<1x16xf32> to vector<16xf32>
      %swap3A_89 = vector.shape_cast %broadcast_in_dim3A_84 : vector<16xf32> to vector<1x16xf32>
      tpu.vector_store %arg8[%swap3A_85, %swap3A_86], %swap3A_89 {strides = array<i32>} : memref<128x128xf32, #tpu.memory_space<vmem>>, vector<1x16xf32>,
      %broadcast_in_dim3A_90 = arith.constant 0.000000e+00 : f32
      %broadcast_in_dim3A_91 = vector.broadcast %broadcast_in_dim3A_90 : f32 to vector<16xf32>
      %swap3A_92 = arith.index_cast %scan3A_55 : i32 to index
      %swap3A_93 = arith.constant 80 : index
      %swap3A_94 = tpu.vector_load %arg8[%swap3A_92, %swap3A_93] {strides = array<i32>} : memref<128x128xf32, #tpu.memory_space<vmem>>, vector<1x16xf32>,
      %swap3A_95 = vector.shape_cast %swap3A_94 : vector<1x16xf32> to vector<16xf32>
      %swap3A_96 = vector.shape_cast %broadcast_in_dim3A_91 : vector<16xf32> to vector<1x16xf32>
      tpu.vector_store %arg8[%swap3A_92, %swap3A_93], %swap3A_96 {strides = array<i32>} : memref<128x128xf32, #tpu.memory_space<vmem>>, vector<1x16xf32>,
      %broadcast_in_dim3A_97 = arith.constant 0.000000e+00 : f32
      %broadcast_in_dim3A_98 = vector.broadcast %broadcast_in_dim3A_97 : f32 to vector<16xf32>
      %swap3A_99 = arith.index_cast %scan3A_55 : i32 to index
      %swap3A_100 = arith.constant 96 : index
      %swap3A_101 = tpu.vector_load %arg8[%swap3A_99, %swap3A_100] {strides = array<i32>} : memref<128x128xf32, #tpu.memory_space<vmem>>, vector<1x16xf32>,
      %swap3A_102 = vector.shape_cast %swap3A_101 : vector<1x16xf32> to vector<16xf32>
      %swap3A_103 = vector.shape_cast %broadcast_in_dim3A_98 : vector<16xf32> to vector<1x16xf32>
      tpu.vector_store %arg8[%swap3A_99, %swap3A_100], %swap3A_103 {strides = array<i32>} : memref<128x128xf32, #tpu.memory_space<vmem>>, vector<1x16xf32>,
      %broadcast_in_dim3A_104 = arith.constant 0.000000e+00 : f32
      %broadcast_in_dim3A_105 = vector.broadcast %broadcast_in_dim3A_104 : f32 to vector<16xf32>
      %swap3A_106 = arith.index_cast %scan3A_55 : i32 to index
      %swap3A_107 = arith.constant 112 : index
      %swap3A_108 = tpu.vector_load %arg8[%swap3A_106, %swap3A_107] {strides = array<i32>} : memref<128x128xf32, #tpu.memory_space<vmem>>, vector<1x16xf32>,
      %swap3A_109 = vector.shape_cast %swap3A_108 : vector<1x16xf32> to vector<16xf32>
      %swap3A_110 = vector.shape_cast %broadcast_in_dim3A_105 : vector<16xf32> to vector<1x16xf32>
      tpu.vector_store %arg8[%swap3A_106, %swap3A_107], %swap3A_110 {strides = array<i32>} : memref<128x128xf32, #tpu.memory_space<vmem>>, vector<1x16xf32>,
      %scan3A_111 = arith.constant 0 : i32
      scf.yield %scan3A_111 : i32
    }
    %scan3A_6 = arith.constant 128 : i32
    %mul3A_7 = arith.constant 640 : i32
    %mul3A_8 = arith.muli %arg1, %mul3A_7 : i32
    %add3A_9 = arith.constant 0 : i32
    %add3A_10 = arith.addi %mul3A_8, %add3A_9 : i32
    "tpu.region"() ({
      %run_scoped3A = tpu.sem_alloc : memref<!tpu.dma_semaphore, #tpu.memory_space<semaphore_mem>>
      %dma_start3A = arith.constant 0 : i32
      %dma_start3A_55 = tpu.memref_slice %arg10[%add3A_10, %dma_start3A] : memref<10240x128xf32, #tpu.memory_space<vmem_shared>> -> memref<128x128xf32, #tpu.memory_space<vmem_shared>>
      %dma_start3A_56 = arith.constant 0 : i32
      %dma_start3A_57 = tpu.memref_slice %arg10[%add3A_10, %dma_start3A_56] : memref<10240x128xf32, #tpu.memory_space<vmem_shared>> -> memref<128x128xf32, #tpu.memory_space<vmem_shared>>
      tpu.enqueue_dma source(%arg8 : memref<128x128xf32, #tpu.memory_space<vmem>>) target(%dma_start3A_57 : memref<128x128xf32, #tpu.memory_space<vmem_shared>>) target_semaphore(%run_scoped3A : memref<!tpu.dma_semaphore, #tpu.memory_space<semaphore_mem>>)
      %dma_wait3A = arith.constant 0 : i32
      %dma_wait3A_58 = tpu.memref_slice %arg10[%add3A_10, %dma_wait3A] : memref<10240x128xf32, #tpu.memory_space<vmem_shared>> -> memref<128x128xf32, #tpu.memory_space<vmem_shared>>
      %dma_wait3A_59 = arith.constant 0 : i32
      %dma_wait3A_60 = tpu.memref_slice %arg10[%add3A_10, %dma_wait3A_59] : memref<10240x128xf32, #tpu.memory_space<vmem_shared>> -> memref<128x128xf32, #tpu.memory_space<vmem_shared>>
      tpu.wait_dma2 semaphore(%run_scoped3A : memref<!tpu.dma_semaphore, #tpu.memory_space<semaphore_mem>>) src(%arg8 : memref<128x128xf32, #tpu.memory_space<vmem>>) dst(%dma_wait3A_60 : memref<128x128xf32, #tpu.memory_space<vmem_shared>>)
      tpu.yield
    }) : () -> ()
    %mul3A_11 = arith.constant 640 : i32
    %mul3A_12 = arith.muli %arg1, %mul3A_11 : i32
    %add3A_13 = arith.constant 128 : i32
    %add3A_14 = arith.addi %mul3A_12, %add3A_13 : i32
    "tpu.region"() ({
      %run_scoped3A = tpu.sem_alloc : memref<!tpu.dma_semaphore, #tpu.memory_space<semaphore_mem>>
      %dma_start3A = arith.constant 0 : i32
      %dma_start3A_55 = tpu.memref_slice %arg10[%add3A_14, %dma_start3A] : memref<10240x128xf32, #tpu.memory_space<vmem_shared>> -> memref<128x128xf32, #tpu.memory_space<vmem_shared>>
      %dma_start3A_56 = arith.constant 0 : i32
      %dma_start3A_57 = tpu.memref_slice %arg10[%add3A_14, %dma_start3A_56] : memref<10240x128xf32, #tpu.memory_space<vmem_shared>> -> memref<128x128xf32, #tpu.memory_space<vmem_shared>>
      tpu.enqueue_dma source(%arg8 : memref<128x128xf32, #tpu.memory_space<vmem>>) target(%dma_start3A_57 : memref<128x128xf32, #tpu.memory_space<vmem_shared>>) target_semaphore(%run_scoped3A : memref<!tpu.dma_semaphore, #tpu.memory_space<semaphore_mem>>)
      %dma_wait3A = arith.constant 0 : i32
      %dma_wait3A_58 = tpu.memref_slice %arg10[%add3A_14, %dma_wait3A] : memref<10240x128xf32, #tpu.memory_space<vmem_shared>> -> memref<128x128xf32, #tpu.memory_space<vmem_shared>>
      %dma_wait3A_59 = arith.constant 0 : i32
      %dma_wait3A_60 = tpu.memref_slice %arg10[%add3A_14, %dma_wait3A_59] : memref<10240x128xf32, #tpu.memory_space<vmem_shared>> -> memref<128x128xf32, #tpu.memory_space<vmem_shared>>
      tpu.wait_dma2 semaphore(%run_scoped3A : memref<!tpu.dma_semaphore, #tpu.memory_space<semaphore_mem>>) src(%arg8 : memref<128x128xf32, #tpu.memory_space<vmem>>) dst(%dma_wait3A_60 : memref<128x128xf32, #tpu.memory_space<vmem_shared>>)
      tpu.yield
    }) : () -> ()
    %mul3A_15 = arith.constant 640 : i32
    %mul3A_16 = arith.muli %arg1, %mul3A_15 : i32
    %add3A_17 = arith.constant 256 : i32
    %add3A_18 = arith.addi %mul3A_16, %add3A_17 : i32
    "tpu.region"() ({
      %run_scoped3A = tpu.sem_alloc : memref<!tpu.dma_semaphore, #tpu.memory_space<semaphore_mem>>
      %dma_start3A = arith.constant 0 : i32
      %dma_start3A_55 = tpu.memref_slice %arg10[%add3A_18, %dma_start3A] : memref<10240x128xf32, #tpu.memory_space<vmem_shared>> -> memref<128x128xf32, #tpu.memory_space<vmem_shared>>
      %dma_start3A_56 = arith.constant 0 : i32
      %dma_start3A_57 = tpu.memref_slice %arg10[%add3A_18, %dma_start3A_56] : memref<10240x128xf32, #tpu.memory_space<vmem_shared>> -> memref<128x128xf32, #tpu.memory_space<vmem_shared>>
      tpu.enqueue_dma source(%arg8 : memref<128x128xf32, #tpu.memory_space<vmem>>) target(%dma_start3A_57 : memref<128x128xf32, #tpu.memory_space<vmem_shared>>) target_semaphore(%run_scoped3A : memref<!tpu.dma_semaphore, #tpu.memory_space<semaphore_mem>>)
      %dma_wait3A = arith.constant 0 : i32
      %dma_wait3A_58 = tpu.memref_slice %arg10[%add3A_18, %dma_wait3A] : memref<10240x128xf32, #tpu.memory_space<vmem_shared>> -> memref<128x128xf32, #tpu.memory_space<vmem_shared>>
      %dma_wait3A_59 = arith.constant 0 : i32
      %dma_wait3A_60 = tpu.memref_slice %arg10[%add3A_18, %dma_wait3A_59] : memref<10240x128xf32, #tpu.memory_space<vmem_shared>> -> memref<128x128xf32, #tpu.memory_space<vmem_shared>>
      tpu.wait_dma2 semaphore(%run_scoped3A : memref<!tpu.dma_semaphore, #tpu.memory_space<semaphore_mem>>) src(%arg8 : memref<128x128xf32, #tpu.memory_space<vmem>>) dst(%dma_wait3A_60 : memref<128x128xf32, #tpu.memory_space<vmem_shared>>)
      tpu.yield
    }) : () -> ()
    %mul3A_19 = arith.constant 640 : i32
    %mul3A_20 = arith.muli %arg1, %mul3A_19 : i32
    %add3A_21 = arith.constant 384 : i32
    %add3A_22 = arith.addi %mul3A_20, %add3A_21 : i32
    "tpu.region"() ({
      %run_scoped3A = tpu.sem_alloc : memref<!tpu.dma_semaphore, #tpu.memory_space<semaphore_mem>>
      %dma_start3A = arith.constant 0 : i32
      %dma_start3A_55 = tpu.memref_slice %arg10[%add3A_22, %dma_start3A] : memref<10240x128xf32, #tpu.memory_space<vmem_shared>> -> memref<128x128xf32, #tpu.memory_space<vmem_shared>>
      %dma_start3A_56 = arith.constant 0 : i32
      %dma_start3A_57 = tpu.memref_slice %arg10[%add3A_22, %dma_start3A_56] : memref<10240x128xf32, #tpu.memory_space<vmem_shared>> -> memref<128x128xf32, #tpu.memory_space<vmem_shared>>
      tpu.enqueue_dma source(%arg8 : memref<128x128xf32, #tpu.memory_space<vmem>>) target(%dma_start3A_57 : memref<128x128xf32, #tpu.memory_space<vmem_shared>>) target_semaphore(%run_scoped3A : memref<!tpu.dma_semaphore, #tpu.memory_space<semaphore_mem>>)
      %dma_wait3A = arith.constant 0 : i32
      %dma_wait3A_58 = tpu.memref_slice %arg10[%add3A_22, %dma_wait3A] : memref<10240x128xf32, #tpu.memory_space<vmem_shared>> -> memref<128x128xf32, #tpu.memory_space<vmem_shared>>
      %dma_wait3A_59 = arith.constant 0 : i32
      %dma_wait3A_60 = tpu.memref_slice %arg10[%add3A_22, %dma_wait3A_59] : memref<10240x128xf32, #tpu.memory_space<vmem_shared>> -> memref<128x128xf32, #tpu.memory_space<vmem_shared>>
      tpu.wait_dma2 semaphore(%run_scoped3A : memref<!tpu.dma_semaphore, #tpu.memory_space<semaphore_mem>>) src(%arg8 : memref<128x128xf32, #tpu.memory_space<vmem>>) dst(%dma_wait3A_60 : memref<128x128xf32, #tpu.memory_space<vmem_shared>>)
      tpu.yield
    }) : () -> ()
    %mul3A_23 = arith.constant 640 : i32
    %mul3A_24 = arith.muli %arg1, %mul3A_23 : i32
    %add3A_25 = arith.constant 512 : i32
    %add3A_26 = arith.addi %mul3A_24, %add3A_25 : i32
    "tpu.region"() ({
      %run_scoped3A = tpu.sem_alloc : memref<!tpu.dma_semaphore, #tpu.memory_space<semaphore_mem>>
      %dma_start3A = arith.constant 0 : i32
      %dma_start3A_55 = tpu.memref_slice %arg10[%add3A_26, %dma_start3A] : memref<10240x128xf32, #tpu.memory_space<vmem_shared>> -> memref<128x128xf32, #tpu.memory_space<vmem_shared>>
      %dma_start3A_56 = arith.constant 0 : i32
      %dma_start3A_57 = tpu.memref_slice %arg10[%add3A_26, %dma_start3A_56] : memref<10240x128xf32, #tpu.memory_space<vmem_shared>> -> memref<128x128xf32, #tpu.memory_space<vmem_shared>>
      tpu.enqueue_dma source(%arg8 : memref<128x128xf32, #tpu.memory_space<vmem>>) target(%dma_start3A_57 : memref<128x128xf32, #tpu.memory_space<vmem_shared>>) target_semaphore(%run_scoped3A : memref<!tpu.dma_semaphore, #tpu.memory_space<semaphore_mem>>)
      %dma_wait3A = arith.constant 0 : i32
      %dma_wait3A_58 = tpu.memref_slice %arg10[%add3A_26, %dma_wait3A] : memref<10240x128xf32, #tpu.memory_space<vmem_shared>> -> memref<128x128xf32, #tpu.memory_space<vmem_shared>>
      %dma_wait3A_59 = arith.constant 0 : i32
      %dma_wait3A_60 = tpu.memref_slice %arg10[%add3A_26, %dma_wait3A_59] : memref<10240x128xf32, #tpu.memory_space<vmem_shared>> -> memref<128x128xf32, #tpu.memory_space<vmem_shared>>
      tpu.wait_dma2 semaphore(%run_scoped3A : memref<!tpu.dma_semaphore, #tpu.memory_space<semaphore_mem>>) src(%arg8 : memref<128x128xf32, #tpu.memory_space<vmem>>) dst(%dma_wait3A_60 : memref<128x128xf32, #tpu.memory_space<vmem_shared>>)
      tpu.yield
    }) : () -> ()
    %barrier3A = arith.constant 0 : index
    tpu.barrier barrier_id(%barrier3A)
    %scan3A_27 = arith.constant 0 : i32
    %scan3A_28 = arith.constant 0 : i32
    %scan3A_29 = arith.constant 10 : i32
    %scan3A_30 = arith.addi %scan3A_28, %scan3A_29 : i32
    %scan3A_31 = arith.constant 1 : i32
    %scan3A_32 = scf.for %scan3A_55 = %scan3A_28 to %scan3A_30 step %scan3A_31 iter_args(%scan3A_56 = %scan3A_27) -> (i32)  : i32 {
      %mul3A_57 = arith.constant 8 : i32
      %mul3A_58 = arith.muli %scan3A_55, %mul3A_57 : i32
      "tpu.region"() ({
        %run_scoped3A_179 = tpu.sem_alloc : memref<!tpu.dma_semaphore, #tpu.memory_space<semaphore_mem>>
        %dma_start3A_180 = arith.constant 0 : i32
        %dma_start3A_181 = tpu.memref_slice %arg3[%add3A, %mul3A_58, %dma_start3A_180] : memref<32x80x128xi32, #tpu.memory_space<hbm>> -> memref<1x8x128xi32, #tpu.memory_space<hbm>>
        %dma_start3A_182 = tpu.memref_squeeze %dma_start3A_181 : memref<1x8x128xi32, #tpu.memory_space<hbm>> -> memref<8x128xi32, #tpu.memory_space<hbm>>
        %dma_start3A_183 = arith.constant 0 : i32
        %dma_start3A_184 = tpu.memref_slice %arg3[%add3A, %mul3A_58, %dma_start3A_183] : memref<32x80x128xi32, #tpu.memory_space<hbm>> -> memref<1x8x128xi32, #tpu.memory_space<hbm>>
        %dma_start3A_185 = tpu.memref_squeeze %dma_start3A_184 : memref<1x8x128xi32, #tpu.memory_space<hbm>> -> memref<8x128xi32, #tpu.memory_space<hbm>>
        tpu.enqueue_dma source(%dma_start3A_185 : memref<8x128xi32, #tpu.memory_space<hbm>>) target(%arg6 : memref<8x128xi32, #tpu.memory_space<vmem>>) target_semaphore(%run_scoped3A_179 : memref<!tpu.dma_semaphore, #tpu.memory_space<semaphore_mem>>)
        %dma_wait3A_186 = arith.constant 0 : i32
        %dma_wait3A_187 = tpu.memref_slice %arg3[%add3A, %mul3A_58, %dma_wait3A_186] : memref<32x80x128xi32, #tpu.memory_space<hbm>> -> memref<1x8x128xi32, #tpu.memory_space<hbm>>
        %dma_wait3A_188 = tpu.memref_squeeze %dma_wait3A_187 : memref<1x8x128xi32, #tpu.memory_space<hbm>> -> memref<8x128xi32, #tpu.memory_space<hbm>>
        %dma_wait3A_189 = arith.constant 0 : i32
        %dma_wait3A_190 = tpu.memref_slice %arg3[%add3A, %mul3A_58, %dma_wait3A_189] : memref<32x80x128xi32, #tpu.memory_space<hbm>> -> memref<1x8x128xi32, #tpu.memory_space<hbm>>
        %dma_wait3A_191 = tpu.memref_squeeze %dma_wait3A_190 : memref<1x8x128xi32, #tpu.memory_space<hbm>> -> memref<8x128xi32, #tpu.memory_space<hbm>>
        tpu.wait_dma2 semaphore(%run_scoped3A_179 : memref<!tpu.dma_semaphore, #tpu.memory_space<semaphore_mem>>) src(%dma_wait3A_191 : memref<8x128xi32, #tpu.memory_space<hbm>>) dst(%arg6 : memref<8x128xi32, #tpu.memory_space<vmem>>)
        tpu.yield
      }) : () -> ()
      %mul3A_59 = arith.constant 8 : i32
      %mul3A_60 = arith.muli %scan3A_55, %mul3A_59 : i32
      "tpu.region"() ({
        %run_scoped3A_179 = tpu.sem_alloc : memref<!tpu.dma_semaphore, #tpu.memory_space<semaphore_mem>>
        %dma_start3A_180 = arith.constant 0 : i32
        %dma_start3A_181 = tpu.memref_slice %arg4[%add3A, %mul3A_60, %dma_start3A_180] : memref<32x80x128xi32, #tpu.memory_space<hbm>> -> memref<1x8x128xi32, #tpu.memory_space<hbm>>
        %dma_start3A_182 = tpu.memref_squeeze %dma_start3A_181 : memref<1x8x128xi32, #tpu.memory_space<hbm>> -> memref<8x128xi32, #tpu.memory_space<hbm>>
        %dma_start3A_183 = arith.constant 0 : i32
        %dma_start3A_184 = tpu.memref_slice %arg4[%add3A, %mul3A_60, %dma_start3A_183] : memref<32x80x128xi32, #tpu.memory_space<hbm>> -> memref<1x8x128xi32, #tpu.memory_space<hbm>>
        %dma_start3A_185 = tpu.memref_squeeze %dma_start3A_184 : memref<1x8x128xi32, #tpu.memory_space<hbm>> -> memref<8x128xi32, #tpu.memory_space<hbm>>
        tpu.enqueue_dma source(%dma_start3A_185 : memref<8x128xi32, #tpu.memory_space<hbm>>) target(%arg7 : memref<8x128xi32, #tpu.memory_space<vmem>>) target_semaphore(%run_scoped3A_179 : memref<!tpu.dma_semaphore, #tpu.memory_space<semaphore_mem>>)
        %dma_wait3A_186 = arith.constant 0 : i32
        %dma_wait3A_187 = tpu.memref_slice %arg4[%add3A, %mul3A_60, %dma_wait3A_186] : memref<32x80x128xi32, #tpu.memory_space<hbm>> -> memref<1x8x128xi32, #tpu.memory_space<hbm>>
        %dma_wait3A_188 = tpu.memref_squeeze %dma_wait3A_187 : memref<1x8x128xi32, #tpu.memory_space<hbm>> -> memref<8x128xi32, #tpu.memory_space<hbm>>
        %dma_wait3A_189 = arith.constant 0 : i32
        %dma_wait3A_190 = tpu.memref_slice %arg4[%add3A, %mul3A_60, %dma_wait3A_189] : memref<32x80x128xi32, #tpu.memory_space<hbm>> -> memref<1x8x128xi32, #tpu.memory_space<hbm>>
        %dma_wait3A_191 = tpu.memref_squeeze %dma_wait3A_190 : memref<1x8x128xi32, #tpu.memory_space<hbm>> -> memref<8x128xi32, #tpu.memory_space<hbm>>
        tpu.wait_dma2 semaphore(%run_scoped3A_179 : memref<!tpu.dma_semaphore, #tpu.memory_space<semaphore_mem>>) src(%dma_wait3A_191 : memref<8x128xi32, #tpu.memory_space<hbm>>) dst(%arg7 : memref<8x128xi32, #tpu.memory_space<vmem>>)
        tpu.yield
      }) : () -> ()
      %dma_start3A = arith.constant 0 : i32
      %dma_start3A_61 = arith.constant 0 : i32
      %dma_start3A_62 = tpu.memref_slice %arg6[%dma_start3A, %dma_start3A_61] : memref<8x128xi32, #tpu.memory_space<vmem>> -> memref<1x128xi32, #tpu.memory_space<vmem>>
      %dma_start3A_63 = tpu.memref_squeeze %dma_start3A_62 : memref<1x128xi32, #tpu.memory_space<vmem>> -> memref<128xi32, #tpu.memory_space<vmem>>
      %dma_start3A_64 = arith.constant 0 : i32
      %dma_start3A_65 = arith.constant 0 : i32
      %dma_start3A_66 = tpu.memref_slice %arg2[%dma_start3A_64, %dma_start3A_65] : memref<10240x128xf32, #tpu.memory_space<hbm>> -> memref<10240x128xf32, #tpu.memory_space<hbm>>
      tpu.enqueue_indirect_dma source(%dma_start3A_66 : memref<10240x128xf32, #tpu.memory_space<hbm>>) target(%arg8 : memref<128x128xf32, #tpu.memory_space<vmem>>) offsets(%dma_start3A_63 : memref<128xi32, #tpu.memory_space<vmem>>) semaphore(%arg11 : memref<!tpu.dma_semaphore, #tpu.memory_space<semaphore_mem>>)
      %dma_start3A_67 = arith.constant 1 : i32
      %dma_start3A_68 = arith.constant 0 : i32
      %dma_start3A_69 = tpu.memref_slice %arg6[%dma_start3A_67, %dma_start3A_68] : memref<8x128xi32, #tpu.memory_space<vmem>> -> memref<1x128xi32, #tpu.memory_space<vmem>>
      %dma_start3A_70 = tpu.memref_squeeze %dma_start3A_69 : memref<1x128xi32, #tpu.memory_space<vmem>> -> memref<128xi32, #tpu.memory_space<vmem>>
      %dma_start3A_71 = arith.constant 0 : i32
      %dma_start3A_72 = arith.constant 0 : i32
      %dma_start3A_73 = tpu.memref_slice %arg2[%dma_start3A_71, %dma_start3A_72] : memref<10240x128xf32, #tpu.memory_space<hbm>> -> memref<10240x128xf32, #tpu.memory_space<hbm>>
      tpu.enqueue_indirect_dma source(%dma_start3A_73 : memref<10240x128xf32, #tpu.memory_space<hbm>>) target(%arg9 : memref<128x128xf32, #tpu.memory_space<vmem>>) offsets(%dma_start3A_70 : memref<128xi32, #tpu.memory_space<vmem>>) semaphore(%arg12 : memref<!tpu.dma_semaphore, #tpu.memory_space<semaphore_mem>>)
      %dma_wait3A = arith.constant 0 : i32
      %dma_wait3A_74 = arith.constant 0 : i32
      %dma_wait3A_75 = tpu.memref_slice %arg6[%dma_wait3A, %dma_wait3A_74] : memref<8x128xi32, #tpu.memory_space<vmem>> -> memref<1x128xi32, #tpu.memory_space<vmem>>
      %dma_wait3A_76 = tpu.memref_squeeze %dma_wait3A_75 : memref<1x128xi32, #tpu.memory_space<vmem>> -> memref<128xi32, #tpu.memory_space<vmem>>
      %dma_wait3A_77 = arith.constant 0 : i32
      %dma_wait3A_78 = arith.constant 0 : i32
      %dma_wait3A_79 = tpu.memref_slice %arg2[%dma_wait3A_77, %dma_wait3A_78] : memref<10240x128xf32, #tpu.memory_space<hbm>> -> memref<10240x128xf32, #tpu.memory_space<hbm>>
      tpu.wait_indirect_dma semaphore(%arg11 : memref<!tpu.dma_semaphore, #tpu.memory_space<semaphore_mem>>) src(%dma_wait3A_79 : memref<10240x128xf32, #tpu.memory_space<hbm>>) dst(%arg8 : memref<128x128xf32, #tpu.memory_space<vmem>>)
      %run_scoped3A = arith.constant 0 : i32
      "tpu.region"() ({
        %run_scoped3A_179 = tpu.sem_alloc : memref<!tpu.dma_semaphore, #tpu.memory_space<semaphore_mem>>
        %dma_start3A_180 = arith.constant 0 : i32
        %dma_start3A_181 = tpu.memref_slice %arg7[%run_scoped3A, %dma_start3A_180] : memref<8x128xi32, #tpu.memory_space<vmem>> -> memref<1x128xi32, #tpu.memory_space<vmem>>
        %dma_start3A_182 = tpu.memref_squeeze %dma_start3A_181 : memref<1x128xi32, #tpu.memory_space<vmem>> -> memref<128xi32, #tpu.memory_space<vmem>>
        %dma_start3A_183 = arith.constant 0 : i32
        %dma_start3A_184 = arith.constant 0 : i32
        %dma_start3A_185 = tpu.memref_slice %arg10[%dma_start3A_183, %dma_start3A_184] : memref<10240x128xf32, #tpu.memory_space<vmem_shared>> -> memref<10240x128xf32, #tpu.memory_space<vmem_shared>>
        tpu.enqueue_indirect_dma source(%arg8 : memref<128x128xf32, #tpu.memory_space<vmem>>) target(%dma_start3A_185 : memref<10240x128xf32, #tpu.memory_space<vmem_shared>>) offsets(%dma_start3A_182 : memref<128xi32, #tpu.memory_space<vmem>>) semaphore(%run_scoped3A_179 : memref<!tpu.dma_semaphore, #tpu.memory_space<semaphore_mem>>) {add = true}
        %dma_wait3A_186 = arith.constant 0 : i32
        %dma_wait3A_187 = tpu.memref_slice %arg7[%run_scoped3A, %dma_wait3A_186] : memref<8x128xi32, #tpu.memory_space<vmem>> -> memref<1x128xi32, #tpu.memory_space<vmem>>
        %dma_wait3A_188 = tpu.memref_squeeze %dma_wait3A_187 : memref<1x128xi32, #tpu.memory_space<vmem>> -> memref<128xi32, #tpu.memory_space<vmem>>
        %dma_wait3A_189 = arith.constant 0 : i32
        %dma_wait3A_190 = arith.constant 0 : i32
        %dma_wait3A_191 = tpu.memref_slice %arg10[%dma_wait3A_189, %dma_wait3A_190] : memref<10240x128xf32, #tpu.memory_space<vmem_shared>> -> memref<10240x128xf32, #tpu.memory_space<vmem_shared>>
        tpu.wait_indirect_dma semaphore(%run_scoped3A_179 : memref<!tpu.dma_semaphore, #tpu.memory_space<semaphore_mem>>) src(%arg8 : memref<128x128xf32, #tpu.memory_space<vmem>>) dst(%dma_wait3A_191 : memref<10240x128xf32, #tpu.memory_space<vmem_shared>>)
        tpu.yield
      }) : () -> ()
      %dma_start3A_80 = arith.constant 2 : i32
      %dma_start3A_81 = arith.constant 0 : i32
      %dma_start3A_82 = tpu.memref_slice %arg6[%dma_start3A_80, %dma_start3A_81] : memref<8x128xi32, #tpu.memory_space<vmem>> -> memref<1x128xi32, #tpu.memory_space<vmem>>
      %dma_start3A_83 = tpu.memref_squeeze %dma_start3A_82 : memref<1x128xi32, #tpu.memory_space<vmem>> -> memref<128xi32, #tpu.memory_space<vmem>>
      %dma_start3A_84 = arith.constant 0 : i32
      %dma_start3A_85 = arith.constant 0 : i32
      %dma_start3A_86 = tpu.memref_slice %arg2[%dma_start3A_84, %dma_start3A_85] : memref<10240x128xf32, #tpu.memory_space<hbm>> -> memref<10240x128xf32, #tpu.memory_space<hbm>>
      tpu.enqueue_indirect_dma source(%dma_start3A_86 : memref<10240x128xf32, #tpu.memory_space<hbm>>) target(%arg8 : memref<128x128xf32, #tpu.memory_space<vmem>>) offsets(%dma_start3A_83 : memref<128xi32, #tpu.memory_space<vmem>>) semaphore(%arg11 : memref<!tpu.dma_semaphore, #tpu.memory_space<semaphore_mem>>)
      %dma_wait3A_87 = arith.constant 1 : i32
      %dma_wait3A_88 = arith.constant 0 : i32
      %dma_wait3A_89 = tpu.memref_slice %arg6[%dma_wait3A_87, %dma_wait3A_88] : memref<8x128xi32, #tpu.memory_space<vmem>> -> memref<1x128xi32, #tpu.memory_space<vmem>>
      %dma_wait3A_90 = tpu.memref_squeeze %dma_wait3A_89 : memref<1x128xi32, #tpu.memory_space<vmem>> -> memref<128xi32, #tpu.memory_space<vmem>>
      %dma_wait3A_91 = arith.constant 0 : i32
      %dma_wait3A_92 = arith.constant 0 : i32
      %dma_wait3A_93 = tpu.memref_slice %arg2[%dma_wait3A_91, %dma_wait3A_92] : memref<10240x128xf32, #tpu.memory_space<hbm>> -> memref<10240x128xf32, #tpu.memory_space<hbm>>
      tpu.wait_indirect_dma semaphore(%arg12 : memref<!tpu.dma_semaphore, #tpu.memory_space<semaphore_mem>>) src(%dma_wait3A_93 : memref<10240x128xf32, #tpu.memory_space<hbm>>) dst(%arg9 : memref<128x128xf32, #tpu.memory_space<vmem>>)
      %run_scoped3A_94 = arith.constant 1 : i32
      "tpu.region"() ({
        %run_scoped3A_179 = tpu.sem_alloc : memref<!tpu.dma_semaphore, #tpu.memory_space<semaphore_mem>>
        %dma_start3A_180 = arith.constant 0 : i32
        %dma_start3A_181 = tpu.memref_slice %arg7[%run_scoped3A_94, %dma_start3A_180] : memref<8x128xi32, #tpu.memory_space<vmem>> -> memref<1x128xi32, #tpu.memory_space<vmem>>
        %dma_start3A_182 = tpu.memref_squeeze %dma_start3A_181 : memref<1x128xi32, #tpu.memory_space<vmem>> -> memref<128xi32, #tpu.memory_space<vmem>>
        %dma_start3A_183 = arith.constant 0 : i32
        %dma_start3A_184 = arith.constant 0 : i32
        %dma_start3A_185 = tpu.memref_slice %arg10[%dma_start3A_183, %dma_start3A_184] : memref<10240x128xf32, #tpu.memory_space<vmem_shared>> -> memref<10240x128xf32, #tpu.memory_space<vmem_shared>>
        tpu.enqueue_indirect_dma source(%arg9 : memref<128x128xf32, #tpu.memory_space<vmem>>) target(%dma_start3A_185 : memref<10240x128xf32, #tpu.memory_space<vmem_shared>>) offsets(%dma_start3A_182 : memref<128xi32, #tpu.memory_space<vmem>>) semaphore(%run_scoped3A_179 : memref<!tpu.dma_semaphore, #tpu.memory_space<semaphore_mem>>) {add = true}
        %dma_wait3A_186 = arith.constant 0 : i32
        %dma_wait3A_187 = tpu.memref_slice %arg7[%run_scoped3A_94, %dma_wait3A_186] : memref<8x128xi32, #tpu.memory_space<vmem>> -> memref<1x128xi32, #tpu.memory_space<vmem>>
        %dma_wait3A_188 = tpu.memref_squeeze %dma_wait3A_187 : memref<1x128xi32, #tpu.memory_space<vmem>> -> memref<128xi32, #tpu.memory_space<vmem>>
        %dma_wait3A_189 = arith.constant 0 : i32
        %dma_wait3A_190 = arith.constant 0 : i32
        %dma_wait3A_191 = tpu.memref_slice %arg10[%dma_wait3A_189, %dma_wait3A_190] : memref<10240x128xf32, #tpu.memory_space<vmem_shared>> -> memref<10240x128xf32, #tpu.memory_space<vmem_shared>>
        tpu.wait_indirect_dma semaphore(%run_scoped3A_179 : memref<!tpu.dma_semaphore, #tpu.memory_space<semaphore_mem>>) src(%arg9 : memref<128x128xf32, #tpu.memory_space<vmem>>) dst(%dma_wait3A_191 : memref<10240x128xf32, #tpu.memory_space<vmem_shared>>)
        tpu.yield
      }) : () -> ()
      %dma_start3A_95 = arith.constant 3 : i32
      %dma_start3A_96 = arith.constant 0 : i32
      %dma_start3A_97 = tpu.memref_slice %arg6[%dma_start3A_95, %dma_start3A_96] : memref<8x128xi32, #tpu.memory_space<vmem>> -> memref<1x128xi32, #tpu.memory_space<vmem>>
      %dma_start3A_98 = tpu.memref_squeeze %dma_start3A_97 : memref<1x128xi32, #tpu.memory_space<vmem>> -> memref<128xi32, #tpu.memory_space<vmem>>
      %dma_start3A_99 = arith.constant 0 : i32
      %dma_start3A_100 = arith.constant 0 : i32
      %dma_start3A_101 = tpu.memref_slice %arg2[%dma_start3A_99, %dma_start3A_100] : memref<10240x128xf32, #tpu.memory_space<hbm>> -> memref<10240x128xf32, #tpu.memory_space<hbm>>
      tpu.enqueue_indirect_dma source(%dma_start3A_101 : memref<10240x128xf32, #tpu.memory_space<hbm>>) target(%arg9 : memref<128x128xf32, #tpu.memory_space<vmem>>) offsets(%dma_start3A_98 : memref<128xi32, #tpu.memory_space<vmem>>) semaphore(%arg12 : memref<!tpu.dma_semaphore, #tpu.memory_space<semaphore_mem>>)
      %dma_wait3A_102 = arith.constant 2 : i32
      %dma_wait3A_103 = arith.constant 0 : i32
      %dma_wait3A_104 = tpu.memref_slice %arg6[%dma_wait3A_102, %dma_wait3A_103] : memref<8x128xi32, #tpu.memory_space<vmem>> -> memref<1x128xi32, #tpu.memory_space<vmem>>
      %dma_wait3A_105 = tpu.memref_squeeze %dma_wait3A_104 : memref<1x128xi32, #tpu.memory_space<vmem>> -> memref<128xi32, #tpu.memory_space<vmem>>
      %dma_wait3A_106 = arith.constant 0 : i32
      %dma_wait3A_107 = arith.constant 0 : i32
      %dma_wait3A_108 = tpu.memref_slice %arg2[%dma_wait3A_106, %dma_wait3A_107] : memref<10240x128xf32, #tpu.memory_space<hbm>> -> memref<10240x128xf32, #tpu.memory_space<hbm>>
      tpu.wait_indirect_dma semaphore(%arg11 : memref<!tpu.dma_semaphore, #tpu.memory_space<semaphore_mem>>) src(%dma_wait3A_108 : memref<10240x128xf32, #tpu.memory_space<hbm>>) dst(%arg8 : memref<128x128xf32, #tpu.memory_space<vmem>>)
      %run_scoped3A_109 = arith.constant 2 : i32
      "tpu.region"() ({
        %run_scoped3A_179 = tpu.sem_alloc : memref<!tpu.dma_semaphore, #tpu.memory_space<semaphore_mem>>
        %dma_start3A_180 = arith.constant 0 : i32
        %dma_start3A_181 = tpu.memref_slice %arg7[%run_scoped3A_109, %dma_start3A_180] : memref<8x128xi32, #tpu.memory_space<vmem>> -> memref<1x128xi32, #tpu.memory_space<vmem>>
        %dma_start3A_182 = tpu.memref_squeeze %dma_start3A_181 : memref<1x128xi32, #tpu.memory_space<vmem>> -> memref<128xi32, #tpu.memory_space<vmem>>
        %dma_start3A_183 = arith.constant 0 : i32
        %dma_start3A_184 = arith.constant 0 : i32
        %dma_start3A_185 = tpu.memref_slice %arg10[%dma_start3A_183, %dma_start3A_184] : memref<10240x128xf32, #tpu.memory_space<vmem_shared>> -> memref<10240x128xf32, #tpu.memory_space<vmem_shared>>
        tpu.enqueue_indirect_dma source(%arg8 : memref<128x128xf32, #tpu.memory_space<vmem>>) target(%dma_start3A_185 : memref<10240x128xf32, #tpu.memory_space<vmem_shared>>) offsets(%dma_start3A_182 : memref<128xi32, #tpu.memory_space<vmem>>) semaphore(%run_scoped3A_179 : memref<!tpu.dma_semaphore, #tpu.memory_space<semaphore_mem>>) {add = true}
        %dma_wait3A_186 = arith.constant 0 : i32
        %dma_wait3A_187 = tpu.memref_slice %arg7[%run_scoped3A_109, %dma_wait3A_186] : memref<8x128xi32, #tpu.memory_space<vmem>> -> memref<1x128xi32, #tpu.memory_space<vmem>>
        %dma_wait3A_188 = tpu.memref_squeeze %dma_wait3A_187 : memref<1x128xi32, #tpu.memory_space<vmem>> -> memref<128xi32, #tpu.memory_space<vmem>>
        %dma_wait3A_189 = arith.constant 0 : i32
        %dma_wait3A_190 = arith.constant 0 : i32
        %dma_wait3A_191 = tpu.memref_slice %arg10[%dma_wait3A_189, %dma_wait3A_190] : memref<10240x128xf32, #tpu.memory_space<vmem_shared>> -> memref<10240x128xf32, #tpu.memory_space<vmem_shared>>
        tpu.wait_indirect_dma semaphore(%run_scoped3A_179 : memref<!tpu.dma_semaphore, #tpu.memory_space<semaphore_mem>>) src(%arg8 : memref<128x128xf32, #tpu.memory_space<vmem>>) dst(%dma_wait3A_191 : memref<10240x128xf32, #tpu.memory_space<vmem_shared>>)
        tpu.yield
      }) : () -> ()
      %dma_start3A_110 = arith.constant 4 : i32
      %dma_start3A_111 = arith.constant 0 : i32
      %dma_start3A_112 = tpu.memref_slice %arg6[%dma_start3A_110, %dma_start3A_111] : memref<8x128xi32, #tpu.memory_space<vmem>> -> memref<1x128xi32, #tpu.memory_space<vmem>>
      %dma_start3A_113 = tpu.memref_squeeze %dma_start3A_112 : memref<1x128xi32, #tpu.memory_space<vmem>> -> memref<128xi32, #tpu.memory_space<vmem>>
      %dma_start3A_114 = arith.constant 0 : i32
      %dma_start3A_115 = arith.constant 0 : i32
      %dma_start3A_116 = tpu.memref_slice %arg2[%dma_start3A_114, %dma_start3A_115] : memref<10240x128xf32, #tpu.memory_space<hbm>> -> memref<10240x128xf32, #tpu.memory_space<hbm>>
      tpu.enqueue_indirect_dma source(%dma_start3A_116 : memref<10240x128xf32, #tpu.memory_space<hbm>>) target(%arg8 : memref<128x128xf32, #tpu.memory_space<vmem>>) offsets(%dma_start3A_113 : memref<128xi32, #tpu.memory_space<vmem>>) semaphore(%arg11 : memref<!tpu.dma_semaphore, #tpu.memory_space<semaphore_mem>>)
      %dma_wait3A_117 = arith.constant 3 : i32
      %dma_wait3A_118 = arith.constant 0 : i32
      %dma_wait3A_119 = tpu.memref_slice %arg6[%dma_wait3A_117, %dma_wait3A_118] : memref<8x128xi32, #tpu.memory_space<vmem>> -> memref<1x128xi32, #tpu.memory_space<vmem>>
      %dma_wait3A_120 = tpu.memref_squeeze %dma_wait3A_119 : memref<1x128xi32, #tpu.memory_space<vmem>> -> memref<128xi32, #tpu.memory_space<vmem>>
      %dma_wait3A_121 = arith.constant 0 : i32
      %dma_wait3A_122 = arith.constant 0 : i32
      %dma_wait3A_123 = tpu.memref_slice %arg2[%dma_wait3A_121, %dma_wait3A_122] : memref<10240x128xf32, #tpu.memory_space<hbm>> -> memref<10240x128xf32, #tpu.memory_space<hbm>>
      tpu.wait_indirect_dma semaphore(%arg12 : memref<!tpu.dma_semaphore, #tpu.memory_space<semaphore_mem>>) src(%dma_wait3A_123 : memref<10240x128xf32, #tpu.memory_space<hbm>>) dst(%arg9 : memref<128x128xf32, #tpu.memory_space<vmem>>)
      %run_scoped3A_124 = arith.constant 3 : i32
      "tpu.region"() ({
        %run_scoped3A_179 = tpu.sem_alloc : memref<!tpu.dma_semaphore, #tpu.memory_space<semaphore_mem>>
        %dma_start3A_180 = arith.constant 0 : i32
        %dma_start3A_181 = tpu.memref_slice %arg7[%run_scoped3A_124, %dma_start3A_180] : memref<8x128xi32, #tpu.memory_space<vmem>> -> memref<1x128xi32, #tpu.memory_space<vmem>>
        %dma_start3A_182 = tpu.memref_squeeze %dma_start3A_181 : memref<1x128xi32, #tpu.memory_space<vmem>> -> memref<128xi32, #tpu.memory_space<vmem>>
        %dma_start3A_183 = arith.constant 0 : i32
        %dma_start3A_184 = arith.constant 0 : i32
        %dma_start3A_185 = tpu.memref_slice %arg10[%dma_start3A_183, %dma_start3A_184] : memref<10240x128xf32, #tpu.memory_space<vmem_shared>> -> memref<10240x128xf32, #tpu.memory_space<vmem_shared>>
        tpu.enqueue_indirect_dma source(%arg9 : memref<128x128xf32, #tpu.memory_space<vmem>>) target(%dma_start3A_185 : memref<10240x128xf32, #tpu.memory_space<vmem_shared>>) offsets(%dma_start3A_182 : memref<128xi32, #tpu.memory_space<vmem>>) semaphore(%run_scoped3A_179 : memref<!tpu.dma_semaphore, #tpu.memory_space<semaphore_mem>>) {add = true}
        %dma_wait3A_186 = arith.constant 0 : i32
        %dma_wait3A_187 = tpu.memref_slice %arg7[%run_scoped3A_124, %dma_wait3A_186] : memref<8x128xi32, #tpu.memory_space<vmem>> -> memref<1x128xi32, #tpu.memory_space<vmem>>
        %dma_wait3A_188 = tpu.memref_squeeze %dma_wait3A_187 : memref<1x128xi32, #tpu.memory_space<vmem>> -> memref<128xi32, #tpu.memory_space<vmem>>
        %dma_wait3A_189 = arith.constant 0 : i32
        %dma_wait3A_190 = arith.constant 0 : i32
        %dma_wait3A_191 = tpu.memref_slice %arg10[%dma_wait3A_189, %dma_wait3A_190] : memref<10240x128xf32, #tpu.memory_space<vmem_shared>> -> memref<10240x128xf32, #tpu.memory_space<vmem_shared>>
        tpu.wait_indirect_dma semaphore(%run_scoped3A_179 : memref<!tpu.dma_semaphore, #tpu.memory_space<semaphore_mem>>) src(%arg9 : memref<128x128xf32, #tpu.memory_space<vmem>>) dst(%dma_wait3A_191 : memref<10240x128xf32, #tpu.memory_space<vmem_shared>>)
        tpu.yield
      }) : () -> ()
      %dma_start3A_125 = arith.constant 5 : i32
      %dma_start3A_126 = arith.constant 0 : i32
      %dma_start3A_127 = tpu.memref_slice %arg6[%dma_start3A_125, %dma_start3A_126] : memref<8x128xi32, #tpu.memory_space<vmem>> -> memref<1x128xi32, #tpu.memory_space<vmem>>
      %dma_start3A_128 = tpu.memref_squeeze %dma_start3A_127 : memref<1x128xi32, #tpu.memory_space<vmem>> -> memref<128xi32, #tpu.memory_space<vmem>>
      %dma_start3A_129 = arith.constant 0 : i32
      %dma_start3A_130 = arith.constant 0 : i32
      %dma_start3A_131 = tpu.memref_slice %arg2[%dma_start3A_129, %dma_start3A_130] : memref<10240x128xf32, #tpu.memory_space<hbm>> -> memref<10240x128xf32, #tpu.memory_space<hbm>>
      tpu.enqueue_indirect_dma source(%dma_start3A_131 : memref<10240x128xf32, #tpu.memory_space<hbm>>) target(%arg9 : memref<128x128xf32, #tpu.memory_space<vmem>>) offsets(%dma_start3A_128 : memref<128xi32, #tpu.memory_space<vmem>>) semaphore(%arg12 : memref<!tpu.dma_semaphore, #tpu.memory_space<semaphore_mem>>)
      %dma_wait3A_132 = arith.constant 4 : i32
      %dma_wait3A_133 = arith.constant 0 : i32
      %dma_wait3A_134 = tpu.memref_slice %arg6[%dma_wait3A_132, %dma_wait3A_133] : memref<8x128xi32, #tpu.memory_space<vmem>> -> memref<1x128xi32, #tpu.memory_space<vmem>>
      %dma_wait3A_135 = tpu.memref_squeeze %dma_wait3A_134 : memref<1x128xi32, #tpu.memory_space<vmem>> -> memref<128xi32, #tpu.memory_space<vmem>>
      %dma_wait3A_136 = arith.constant 0 : i32
      %dma_wait3A_137 = arith.constant 0 : i32
      %dma_wait3A_138 = tpu.memref_slice %arg2[%dma_wait3A_136, %dma_wait3A_137] : memref<10240x128xf32, #tpu.memory_space<hbm>> -> memref<10240x128xf32, #tpu.memory_space<hbm>>
      tpu.wait_indirect_dma semaphore(%arg11 : memref<!tpu.dma_semaphore, #tpu.memory_space<semaphore_mem>>) src(%dma_wait3A_138 : memref<10240x128xf32, #tpu.memory_space<hbm>>) dst(%arg8 : memref<128x128xf32, #tpu.memory_space<vmem>>)
      %run_scoped3A_139 = arith.constant 4 : i32
      "tpu.region"() ({
        %run_scoped3A_179 = tpu.sem_alloc : memref<!tpu.dma_semaphore, #tpu.memory_space<semaphore_mem>>
        %dma_start3A_180 = arith.constant 0 : i32
        %dma_start3A_181 = tpu.memref_slice %arg7[%run_scoped3A_139, %dma_start3A_180] : memref<8x128xi32, #tpu.memory_space<vmem>> -> memref<1x128xi32, #tpu.memory_space<vmem>>
        %dma_start3A_182 = tpu.memref_squeeze %dma_start3A_181 : memref<1x128xi32, #tpu.memory_space<vmem>> -> memref<128xi32, #tpu.memory_space<vmem>>
        %dma_start3A_183 = arith.constant 0 : i32
        %dma_start3A_184 = arith.constant 0 : i32
        %dma_start3A_185 = tpu.memref_slice %arg10[%dma_start3A_183, %dma_start3A_184] : memref<10240x128xf32, #tpu.memory_space<vmem_shared>> -> memref<10240x128xf32, #tpu.memory_space<vmem_shared>>
        tpu.enqueue_indirect_dma source(%arg8 : memref<128x128xf32, #tpu.memory_space<vmem>>) target(%dma_start3A_185 : memref<10240x128xf32, #tpu.memory_space<vmem_shared>>) offsets(%dma_start3A_182 : memref<128xi32, #tpu.memory_space<vmem>>) semaphore(%run_scoped3A_179 : memref<!tpu.dma_semaphore, #tpu.memory_space<semaphore_mem>>) {add = true}
        %dma_wait3A_186 = arith.constant 0 : i32
        %dma_wait3A_187 = tpu.memref_slice %arg7[%run_scoped3A_139, %dma_wait3A_186] : memref<8x128xi32, #tpu.memory_space<vmem>> -> memref<1x128xi32, #tpu.memory_space<vmem>>
        %dma_wait3A_188 = tpu.memref_squeeze %dma_wait3A_187 : memref<1x128xi32, #tpu.memory_space<vmem>> -> memref<128xi32, #tpu.memory_space<vmem>>
        %dma_wait3A_189 = arith.constant 0 : i32
        %dma_wait3A_190 = arith.constant 0 : i32
        %dma_wait3A_191 = tpu.memref_slice %arg10[%dma_wait3A_189, %dma_wait3A_190] : memref<10240x128xf32, #tpu.memory_space<vmem_shared>> -> memref<10240x128xf32, #tpu.memory_space<vmem_shared>>
        tpu.wait_indirect_dma semaphore(%run_scoped3A_179 : memref<!tpu.dma_semaphore, #tpu.memory_space<semaphore_mem>>) src(%arg8 : memref<128x128xf32, #tpu.memory_space<vmem>>) dst(%dma_wait3A_191 : memref<10240x128xf32, #tpu.memory_space<vmem_shared>>)
        tpu.yield
      }) : () -> ()
      %dma_start3A_140 = arith.constant 6 : i32
      %dma_start3A_141 = arith.constant 0 : i32
      %dma_start3A_142 = tpu.memref_slice %arg6[%dma_start3A_140, %dma_start3A_141] : memref<8x128xi32, #tpu.memory_space<vmem>> -> memref<1x128xi32, #tpu.memory_space<vmem>>
      %dma_start3A_143 = tpu.memref_squeeze %dma_start3A_142 : memref<1x128xi32, #tpu.memory_space<vmem>> -> memref<128xi32, #tpu.memory_space<vmem>>
      %dma_start3A_144 = arith.constant 0 : i32
      %dma_start3A_145 = arith.constant 0 : i32
      %dma_start3A_146 = tpu.memref_slice %arg2[%dma_start3A_144, %dma_start3A_145] : memref<10240x128xf32, #tpu.memory_space<hbm>> -> memref<10240x128xf32, #tpu.memory_space<hbm>>
      tpu.enqueue_indirect_dma source(%dma_start3A_146 : memref<10240x128xf32, #tpu.memory_space<hbm>>) target(%arg8 : memref<128x128xf32, #tpu.memory_space<vmem>>) offsets(%dma_start3A_143 : memref<128xi32, #tpu.memory_space<vmem>>) semaphore(%arg11 : memref<!tpu.dma_semaphore, #tpu.memory_space<semaphore_mem>>)
      %dma_wait3A_147 = arith.constant 5 : i32
      %dma_wait3A_148 = arith.constant 0 : i32
      %dma_wait3A_149 = tpu.memref_slice %arg6[%dma_wait3A_147, %dma_wait3A_148] : memref<8x128xi32, #tpu.memory_space<vmem>> -> memref<1x128xi32, #tpu.memory_space<vmem>>
      %dma_wait3A_150 = tpu.memref_squeeze %dma_wait3A_149 : memref<1x128xi32, #tpu.memory_space<vmem>> -> memref<128xi32, #tpu.memory_space<vmem>>
      %dma_wait3A_151 = arith.constant 0 : i32
      %dma_wait3A_152 = arith.constant 0 : i32
      %dma_wait3A_153 = tpu.memref_slice %arg2[%dma_wait3A_151, %dma_wait3A_152] : memref<10240x128xf32, #tpu.memory_space<hbm>> -> memref<10240x128xf32, #tpu.memory_space<hbm>>
      tpu.wait_indirect_dma semaphore(%arg12 : memref<!tpu.dma_semaphore, #tpu.memory_space<semaphore_mem>>) src(%dma_wait3A_153 : memref<10240x128xf32, #tpu.memory_space<hbm>>) dst(%arg9 : memref<128x128xf32, #tpu.memory_space<vmem>>)
      %run_scoped3A_154 = arith.constant 5 : i32
      "tpu.region"() ({
        %run_scoped3A_179 = tpu.sem_alloc : memref<!tpu.dma_semaphore, #tpu.memory_space<semaphore_mem>>
        %dma_start3A_180 = arith.constant 0 : i32
        %dma_start3A_181 = tpu.memref_slice %arg7[%run_scoped3A_154, %dma_start3A_180] : memref<8x128xi32, #tpu.memory_space<vmem>> -> memref<1x128xi32, #tpu.memory_space<vmem>>
        %dma_start3A_182 = tpu.memref_squeeze %dma_start3A_181 : memref<1x128xi32, #tpu.memory_space<vmem>> -> memref<128xi32, #tpu.memory_space<vmem>>
        %dma_start3A_183 = arith.constant 0 : i32
        %dma_start3A_184 = arith.constant 0 : i32
        %dma_start3A_185 = tpu.memref_slice %arg10[%dma_start3A_183, %dma_start3A_184] : memref<10240x128xf32, #tpu.memory_space<vmem_shared>> -> memref<10240x128xf32, #tpu.memory_space<vmem_shared>>
        tpu.enqueue_indirect_dma source(%arg9 : memref<128x128xf32, #tpu.memory_space<vmem>>) target(%dma_start3A_185 : memref<10240x128xf32, #tpu.memory_space<vmem_shared>>) offsets(%dma_start3A_182 : memref<128xi32, #tpu.memory_space<vmem>>) semaphore(%run_scoped3A_179 : memref<!tpu.dma_semaphore, #tpu.memory_space<semaphore_mem>>) {add = true}
        %dma_wait3A_186 = arith.constant 0 : i32
        %dma_wait3A_187 = tpu.memref_slice %arg7[%run_scoped3A_154, %dma_wait3A_186] : memref<8x128xi32, #tpu.memory_space<vmem>> -> memref<1x128xi32, #tpu.memory_space<vmem>>
        %dma_wait3A_188 = tpu.memref_squeeze %dma_wait3A_187 : memref<1x128xi32, #tpu.memory_space<vmem>> -> memref<128xi32, #tpu.memory_space<vmem>>
        %dma_wait3A_189 = arith.constant 0 : i32
        %dma_wait3A_190 = arith.constant 0 : i32
        %dma_wait3A_191 = tpu.memref_slice %arg10[%dma_wait3A_189, %dma_wait3A_190] : memref<10240x128xf32, #tpu.memory_space<vmem_shared>> -> memref<10240x128xf32, #tpu.memory_space<vmem_shared>>
        tpu.wait_indirect_dma semaphore(%run_scoped3A_179 : memref<!tpu.dma_semaphore, #tpu.memory_space<semaphore_mem>>) src(%arg9 : memref<128x128xf32, #tpu.memory_space<vmem>>) dst(%dma_wait3A_191 : memref<10240x128xf32, #tpu.memory_space<vmem_shared>>)
        tpu.yield
      }) : () -> ()
      %dma_start3A_155 = arith.constant 7 : i32
      %dma_start3A_156 = arith.constant 0 : i32
      %dma_start3A_157 = tpu.memref_slice %arg6[%dma_start3A_155, %dma_start3A_156] : memref<8x128xi32, #tpu.memory_space<vmem>> -> memref<1x128xi32, #tpu.memory_space<vmem>>
      %dma_start3A_158 = tpu.memref_squeeze %dma_start3A_157 : memref<1x128xi32, #tpu.memory_space<vmem>> -> memref<128xi32, #tpu.memory_space<vmem>>
      %dma_start3A_159 = arith.constant 0 : i32
      %dma_start3A_160 = arith.constant 0 : i32
      %dma_start3A_161 = tpu.memref_slice %arg2[%dma_start3A_159, %dma_start3A_160] : memref<10240x128xf32, #tpu.memory_space<hbm>> -> memref<10240x128xf32, #tpu.memory_space<hbm>>
      tpu.enqueue_indirect_dma source(%dma_start3A_161 : memref<10240x128xf32, #tpu.memory_space<hbm>>) target(%arg9 : memref<128x128xf32, #tpu.memory_space<vmem>>) offsets(%dma_start3A_158 : memref<128xi32, #tpu.memory_space<vmem>>) semaphore(%arg12 : memref<!tpu.dma_semaphore, #tpu.memory_space<semaphore_mem>>)
      %dma_wait3A_162 = arith.constant 6 : i32
      %dma_wait3A_163 = arith.constant 0 : i32
      %dma_wait3A_164 = tpu.memref_slice %arg6[%dma_wait3A_162, %dma_wait3A_163] : memref<8x128xi32, #tpu.memory_space<vmem>> -> memref<1x128xi32, #tpu.memory_space<vmem>>
      %dma_wait3A_165 = tpu.memref_squeeze %dma_wait3A_164 : memref<1x128xi32, #tpu.memory_space<vmem>> -> memref<128xi32, #tpu.memory_space<vmem>>
      %dma_wait3A_166 = arith.constant 0 : i32
      %dma_wait3A_167 = arith.constant 0 : i32
      %dma_wait3A_168 = tpu.memref_slice %arg2[%dma_wait3A_166, %dma_wait3A_167] : memref<10240x128xf32, #tpu.memory_space<hbm>> -> memref<10240x128xf32, #tpu.memory_space<hbm>>
      tpu.wait_indirect_dma semaphore(%arg11 : memref<!tpu.dma_semaphore, #tpu.memory_space<semaphore_mem>>) src(%dma_wait3A_168 : memref<10240x128xf32, #tpu.memory_space<hbm>>) dst(%arg8 : memref<128x128xf32, #tpu.memory_space<vmem>>)
      %run_scoped3A_169 = arith.constant 6 : i32
      "tpu.region"() ({
        %run_scoped3A_179 = tpu.sem_alloc : memref<!tpu.dma_semaphore, #tpu.memory_space<semaphore_mem>>
        %dma_start3A_180 = arith.constant 0 : i32
        %dma_start3A_181 = tpu.memref_slice %arg7[%run_scoped3A_169, %dma_start3A_180] : memref<8x128xi32, #tpu.memory_space<vmem>> -> memref<1x128xi32, #tpu.memory_space<vmem>>
        %dma_start3A_182 = tpu.memref_squeeze %dma_start3A_181 : memref<1x128xi32, #tpu.memory_space<vmem>> -> memref<128xi32, #tpu.memory_space<vmem>>
        %dma_start3A_183 = arith.constant 0 : i32
        %dma_start3A_184 = arith.constant 0 : i32
        %dma_start3A_185 = tpu.memref_slice %arg10[%dma_start3A_183, %dma_start3A_184] : memref<10240x128xf32, #tpu.memory_space<vmem_shared>> -> memref<10240x128xf32, #tpu.memory_space<vmem_shared>>
        tpu.enqueue_indirect_dma source(%arg8 : memref<128x128xf32, #tpu.memory_space<vmem>>) target(%dma_start3A_185 : memref<10240x128xf32, #tpu.memory_space<vmem_shared>>) offsets(%dma_start3A_182 : memref<128xi32, #tpu.memory_space<vmem>>) semaphore(%run_scoped3A_179 : memref<!tpu.dma_semaphore, #tpu.memory_space<semaphore_mem>>) {add = true}
        %dma_wait3A_186 = arith.constant 0 : i32
        %dma_wait3A_187 = tpu.memref_slice %arg7[%run_scoped3A_169, %dma_wait3A_186] : memref<8x128xi32, #tpu.memory_space<vmem>> -> memref<1x128xi32, #tpu.memory_space<vmem>>
        %dma_wait3A_188 = tpu.memref_squeeze %dma_wait3A_187 : memref<1x128xi32, #tpu.memory_space<vmem>> -> memref<128xi32, #tpu.memory_space<vmem>>
        %dma_wait3A_189 = arith.constant 0 : i32
        %dma_wait3A_190 = arith.constant 0 : i32
        %dma_wait3A_191 = tpu.memref_slice %arg10[%dma_wait3A_189, %dma_wait3A_190] : memref<10240x128xf32, #tpu.memory_space<vmem_shared>> -> memref<10240x128xf32, #tpu.memory_space<vmem_shared>>
        tpu.wait_indirect_dma semaphore(%run_scoped3A_179 : memref<!tpu.dma_semaphore, #tpu.memory_space<semaphore_mem>>) src(%arg8 : memref<128x128xf32, #tpu.memory_space<vmem>>) dst(%dma_wait3A_191 : memref<10240x128xf32, #tpu.memory_space<vmem_shared>>)
        tpu.yield
      }) : () -> ()
      %dma_wait3A_170 = arith.constant 7 : i32
      %dma_wait3A_171 = arith.constant 0 : i32
      %dma_wait3A_172 = tpu.memref_slice %arg6[%dma_wait3A_170, %dma_wait3A_171] : memref<8x128xi32, #tpu.memory_space<vmem>> -> memref<1x128xi32, #tpu.memory_space<vmem>>
      %dma_wait3A_173 = tpu.memref_squeeze %dma_wait3A_172 : memref<1x128xi32, #tpu.memory_space<vmem>> -> memref<128xi32, #tpu.memory_space<vmem>>
      %dma_wait3A_174 = arith.constant 0 : i32
      %dma_wait3A_175 = arith.constant 0 : i32
      %dma_wait3A_176 = tpu.memref_slice %arg2[%dma_wait3A_174, %dma_wait3A_175] : memref<10240x128xf32, #tpu.memory_space<hbm>> -> memref<10240x128xf32, #tpu.memory_space<hbm>>
      tpu.wait_indirect_dma semaphore(%arg12 : memref<!tpu.dma_semaphore, #tpu.memory_space<semaphore_mem>>) src(%dma_wait3A_176 : memref<10240x128xf32, #tpu.memory_space<hbm>>) dst(%arg9 : memref<128x128xf32, #tpu.memory_space<vmem>>)
      %run_scoped3A_177 = arith.constant 7 : i32
      "tpu.region"() ({
        %run_scoped3A_179 = tpu.sem_alloc : memref<!tpu.dma_semaphore, #tpu.memory_space<semaphore_mem>>
        %dma_start3A_180 = arith.constant 0 : i32
        %dma_start3A_181 = tpu.memref_slice %arg7[%run_scoped3A_177, %dma_start3A_180] : memref<8x128xi32, #tpu.memory_space<vmem>> -> memref<1x128xi32, #tpu.memory_space<vmem>>
        %dma_start3A_182 = tpu.memref_squeeze %dma_start3A_181 : memref<1x128xi32, #tpu.memory_space<vmem>> -> memref<128xi32, #tpu.memory_space<vmem>>
        %dma_start3A_183 = arith.constant 0 : i32
        %dma_start3A_184 = arith.constant 0 : i32
        %dma_start3A_185 = tpu.memref_slice %arg10[%dma_start3A_183, %dma_start3A_184] : memref<10240x128xf32, #tpu.memory_space<vmem_shared>> -> memref<10240x128xf32, #tpu.memory_space<vmem_shared>>
        tpu.enqueue_indirect_dma source(%arg9 : memref<128x128xf32, #tpu.memory_space<vmem>>) target(%dma_start3A_185 : memref<10240x128xf32, #tpu.memory_space<vmem_shared>>) offsets(%dma_start3A_182 : memref<128xi32, #tpu.memory_space<vmem>>) semaphore(%run_scoped3A_179 : memref<!tpu.dma_semaphore, #tpu.memory_space<semaphore_mem>>) {add = true}
        %dma_wait3A_186 = arith.constant 0 : i32
        %dma_wait3A_187 = tpu.memref_slice %arg7[%run_scoped3A_177, %dma_wait3A_186] : memref<8x128xi32, #tpu.memory_space<vmem>> -> memref<1x128xi32, #tpu.memory_space<vmem>>
        %dma_wait3A_188 = tpu.memref_squeeze %dma_wait3A_187 : memref<1x128xi32, #tpu.memory_space<vmem>> -> memref<128xi32, #tpu.memory_space<vmem>>
        %dma_wait3A_189 = arith.constant 0 : i32
        %dma_wait3A_190 = arith.constant 0 : i32
        %dma_wait3A_191 = tpu.memref_slice %arg10[%dma_wait3A_189, %dma_wait3A_190] : memref<10240x128xf32, #tpu.memory_space<vmem_shared>> -> memref<10240x128xf32, #tpu.memory_space<vmem_shared>>
        tpu.wait_indirect_dma semaphore(%run_scoped3A_179 : memref<!tpu.dma_semaphore, #tpu.memory_space<semaphore_mem>>) src(%arg9 : memref<128x128xf32, #tpu.memory_space<vmem>>) dst(%dma_wait3A_191 : memref<10240x128xf32, #tpu.memory_space<vmem_shared>>)
        tpu.yield
      }) : () -> ()
      %scan3A_178 = arith.constant 0 : i32
      scf.yield %scan3A_178 : i32
    }
    %scan3A_33 = arith.constant 10 : i32
    %barrier3A_34 = arith.constant 0 : index
    tpu.barrier barrier_id(%barrier3A_34)
    %mul3A_35 = arith.constant 640 : i32
    %mul3A_36 = arith.muli %arg1, %mul3A_35 : i32
    %add3A_37 = arith.constant 0 : i32
    %add3A_38 = arith.addi %mul3A_36, %add3A_37 : i32
    "tpu.region"() ({
      %run_scoped3A = tpu.sem_alloc : memref<!tpu.dma_semaphore, #tpu.memory_space<semaphore_mem>>
      %dma_start3A = arith.constant 0 : i32
      %dma_start3A_55 = tpu.memref_slice %arg5[%arg0, %add3A_38, %dma_start3A] : memref<2x10240x128xf32, #tpu.memory_space<hbm>> -> memref<1x128x128xf32, #tpu.memory_space<hbm>>
      %dma_start3A_56 = tpu.memref_squeeze %dma_start3A_55 : memref<1x128x128xf32, #tpu.memory_space<hbm>> -> memref<128x128xf32, #tpu.memory_space<hbm>>
      %dma_start3A_57 = arith.constant 0 : i32
      %dma_start3A_58 = tpu.memref_slice %arg10[%add3A_38, %dma_start3A_57] : memref<10240x128xf32, #tpu.memory_space<vmem_shared>> -> memref<128x128xf32, #tpu.memory_space<vmem_shared>>
      tpu.enqueue_dma source(%dma_start3A_58 : memref<128x128xf32, #tpu.memory_space<vmem_shared>>) target(%dma_start3A_56 : memref<128x128xf32, #tpu.memory_space<hbm>>) target_semaphore(%run_scoped3A : memref<!tpu.dma_semaphore, #tpu.memory_space<semaphore_mem>>)
      %dma_wait3A = arith.constant 0 : i32
      %dma_wait3A_59 = tpu.memref_slice %arg5[%arg0, %add3A_38, %dma_wait3A] : memref<2x10240x128xf32, #tpu.memory_space<hbm>> -> memref<1x128x128xf32, #tpu.memory_space<hbm>>
      %dma_wait3A_60 = tpu.memref_squeeze %dma_wait3A_59 : memref<1x128x128xf32, #tpu.memory_space<hbm>> -> memref<128x128xf32, #tpu.memory_space<hbm>>
      %dma_wait3A_61 = arith.constant 0 : i32
      %dma_wait3A_62 = tpu.memref_slice %arg10[%add3A_38, %dma_wait3A_61] : memref<10240x128xf32, #tpu.memory_space<vmem_shared>> -> memref<128x128xf32, #tpu.memory_space<vmem_shared>>
      tpu.wait_dma2 semaphore(%run_scoped3A : memref<!tpu.dma_semaphore, #tpu.memory_space<semaphore_mem>>) src(%dma_wait3A_62 : memref<128x128xf32, #tpu.memory_space<vmem_shared>>) dst(%dma_wait3A_60 : memref<128x128xf32, #tpu.memory_space<hbm>>)
      tpu.yield
    }) : () -> ()
    %mul3A_39 = arith.constant 640 : i32
    %mul3A_40 = arith.muli %arg1, %mul3A_39 : i32
    %add3A_41 = arith.constant 128 : i32
    %add3A_42 = arith.addi %mul3A_40, %add3A_41 : i32
    "tpu.region"() ({
      %run_scoped3A = tpu.sem_alloc : memref<!tpu.dma_semaphore, #tpu.memory_space<semaphore_mem>>
      %dma_start3A = arith.constant 0 : i32
      %dma_start3A_55 = tpu.memref_slice %arg5[%arg0, %add3A_42, %dma_start3A] : memref<2x10240x128xf32, #tpu.memory_space<hbm>> -> memref<1x128x128xf32, #tpu.memory_space<hbm>>
      %dma_start3A_56 = tpu.memref_squeeze %dma_start3A_55 : memref<1x128x128xf32, #tpu.memory_space<hbm>> -> memref<128x128xf32, #tpu.memory_space<hbm>>
      %dma_start3A_57 = arith.constant 0 : i32
      %dma_start3A_58 = tpu.memref_slice %arg10[%add3A_42, %dma_start3A_57] : memref<10240x128xf32, #tpu.memory_space<vmem_shared>> -> memref<128x128xf32, #tpu.memory_space<vmem_shared>>
      tpu.enqueue_dma source(%dma_start3A_58 : memref<128x128xf32, #tpu.memory_space<vmem_shared>>) target(%dma_start3A_56 : memref<128x128xf32, #tpu.memory_space<hbm>>) target_semaphore(%run_scoped3A : memref<!tpu.dma_semaphore, #tpu.memory_space<semaphore_mem>>)
      %dma_wait3A = arith.constant 0 : i32
      %dma_wait3A_59 = tpu.memref_slice %arg5[%arg0, %add3A_42, %dma_wait3A] : memref<2x10240x128xf32, #tpu.memory_space<hbm>> -> memref<1x128x128xf32, #tpu.memory_space<hbm>>
      %dma_wait3A_60 = tpu.memref_squeeze %dma_wait3A_59 : memref<1x128x128xf32, #tpu.memory_space<hbm>> -> memref<128x128xf32, #tpu.memory_space<hbm>>
      %dma_wait3A_61 = arith.constant 0 : i32
      %dma_wait3A_62 = tpu.memref_slice %arg10[%add3A_42, %dma_wait3A_61] : memref<10240x128xf32, #tpu.memory_space<vmem_shared>> -> memref<128x128xf32, #tpu.memory_space<vmem_shared>>
      tpu.wait_dma2 semaphore(%run_scoped3A : memref<!tpu.dma_semaphore, #tpu.memory_space<semaphore_mem>>) src(%dma_wait3A_62 : memref<128x128xf32, #tpu.memory_space<vmem_shared>>) dst(%dma_wait3A_60 : memref<128x128xf32, #tpu.memory_space<hbm>>)
      tpu.yield
    }) : () -> ()
    %mul3A_43 = arith.constant 640 : i32
    %mul3A_44 = arith.muli %arg1, %mul3A_43 : i32
    %add3A_45 = arith.constant 256 : i32
    %add3A_46 = arith.addi %mul3A_44, %add3A_45 : i32
    "tpu.region"() ({
      %run_scoped3A = tpu.sem_alloc : memref<!tpu.dma_semaphore, #tpu.memory_space<semaphore_mem>>
      %dma_start3A = arith.constant 0 : i32
      %dma_start3A_55 = tpu.memref_slice %arg5[%arg0, %add3A_46, %dma_start3A] : memref<2x10240x128xf32, #tpu.memory_space<hbm>> -> memref<1x128x128xf32, #tpu.memory_space<hbm>>
      %dma_start3A_56 = tpu.memref_squeeze %dma_start3A_55 : memref<1x128x128xf32, #tpu.memory_space<hbm>> -> memref<128x128xf32, #tpu.memory_space<hbm>>
      %dma_start3A_57 = arith.constant 0 : i32
      %dma_start3A_58 = tpu.memref_slice %arg10[%add3A_46, %dma_start3A_57] : memref<10240x128xf32, #tpu.memory_space<vmem_shared>> -> memref<128x128xf32, #tpu.memory_space<vmem_shared>>
      tpu.enqueue_dma source(%dma_start3A_58 : memref<128x128xf32, #tpu.memory_space<vmem_shared>>) target(%dma_start3A_56 : memref<128x128xf32, #tpu.memory_space<hbm>>) target_semaphore(%run_scoped3A : memref<!tpu.dma_semaphore, #tpu.memory_space<semaphore_mem>>)
      %dma_wait3A = arith.constant 0 : i32
      %dma_wait3A_59 = tpu.memref_slice %arg5[%arg0, %add3A_46, %dma_wait3A] : memref<2x10240x128xf32, #tpu.memory_space<hbm>> -> memref<1x128x128xf32, #tpu.memory_space<hbm>>
      %dma_wait3A_60 = tpu.memref_squeeze %dma_wait3A_59 : memref<1x128x128xf32, #tpu.memory_space<hbm>> -> memref<128x128xf32, #tpu.memory_space<hbm>>
      %dma_wait3A_61 = arith.constant 0 : i32
      %dma_wait3A_62 = tpu.memref_slice %arg10[%add3A_46, %dma_wait3A_61] : memref<10240x128xf32, #tpu.memory_space<vmem_shared>> -> memref<128x128xf32, #tpu.memory_space<vmem_shared>>
      tpu.wait_dma2 semaphore(%run_scoped3A : memref<!tpu.dma_semaphore, #tpu.memory_space<semaphore_mem>>) src(%dma_wait3A_62 : memref<128x128xf32, #tpu.memory_space<vmem_shared>>) dst(%dma_wait3A_60 : memref<128x128xf32, #tpu.memory_space<hbm>>)
      tpu.yield
    }) : () -> ()
    %mul3A_47 = arith.constant 640 : i32
    %mul3A_48 = arith.muli %arg1, %mul3A_47 : i32
    %add3A_49 = arith.constant 384 : i32
    %add3A_50 = arith.addi %mul3A_48, %add3A_49 : i32
    "tpu.region"() ({
      %run_scoped3A = tpu.sem_alloc : memref<!tpu.dma_semaphore, #tpu.memory_space<semaphore_mem>>
      %dma_start3A = arith.constant 0 : i32
      %dma_start3A_55 = tpu.memref_slice %arg5[%arg0, %add3A_50, %dma_start3A] : memref<2x10240x128xf32, #tpu.memory_space<hbm>> -> memref<1x128x128xf32, #tpu.memory_space<hbm>>
      %dma_start3A_56 = tpu.memref_squeeze %dma_start3A_55 : memref<1x128x128xf32, #tpu.memory_space<hbm>> -> memref<128x128xf32, #tpu.memory_space<hbm>>
      %dma_start3A_57 = arith.constant 0 : i32
      %dma_start3A_58 = tpu.memref_slice %arg10[%add3A_50, %dma_start3A_57] : memref<10240x128xf32, #tpu.memory_space<vmem_shared>> -> memref<128x128xf32, #tpu.memory_space<vmem_shared>>
      tpu.enqueue_dma source(%dma_start3A_58 : memref<128x128xf32, #tpu.memory_space<vmem_shared>>) target(%dma_start3A_56 : memref<128x128xf32, #tpu.memory_space<hbm>>) target_semaphore(%run_scoped3A : memref<!tpu.dma_semaphore, #tpu.memory_space<semaphore_mem>>)
      %dma_wait3A = arith.constant 0 : i32
      %dma_wait3A_59 = tpu.memref_slice %arg5[%arg0, %add3A_50, %dma_wait3A] : memref<2x10240x128xf32, #tpu.memory_space<hbm>> -> memref<1x128x128xf32, #tpu.memory_space<hbm>>
      %dma_wait3A_60 = tpu.memref_squeeze %dma_wait3A_59 : memref<1x128x128xf32, #tpu.memory_space<hbm>> -> memref<128x128xf32, #tpu.memory_space<hbm>>
      %dma_wait3A_61 = arith.constant 0 : i32
      %dma_wait3A_62 = tpu.memref_slice %arg10[%add3A_50, %dma_wait3A_61] : memref<10240x128xf32, #tpu.memory_space<vmem_shared>> -> memref<128x128xf32, #tpu.memory_space<vmem_shared>>
      tpu.wait_dma2 semaphore(%run_scoped3A : memref<!tpu.dma_semaphore, #tpu.memory_space<semaphore_mem>>) src(%dma_wait3A_62 : memref<128x128xf32, #tpu.memory_space<vmem_shared>>) dst(%dma_wait3A_60 : memref<128x128xf32, #tpu.memory_space<hbm>>)
      tpu.yield
    }) : () -> ()
    %mul3A_51 = arith.constant 640 : i32
    %mul3A_52 = arith.muli %arg1, %mul3A_51 : i32
    %add3A_53 = arith.constant 512 : i32
    %add3A_54 = arith.addi %mul3A_52, %add3A_53 : i32
    "tpu.region"() ({
      %run_scoped3A = tpu.sem_alloc : memref<!tpu.dma_semaphore, #tpu.memory_space<semaphore_mem>>
      %dma_start3A = arith.constant 0 : i32
      %dma_start3A_55 = tpu.memref_slice %arg5[%arg0, %add3A_54, %dma_start3A] : memref<2x10240x128xf32, #tpu.memory_space<hbm>> -> memref<1x128x128xf32, #tpu.memory_space<hbm>>
      %dma_start3A_56 = tpu.memref_squeeze %dma_start3A_55 : memref<1x128x128xf32, #tpu.memory_space<hbm>> -> memref<128x128xf32, #tpu.memory_space<hbm>>
      %dma_start3A_57 = arith.constant 0 : i32
      %dma_start3A_58 = tpu.memref_slice %arg10[%add3A_54, %dma_start3A_57] : memref<10240x128xf32, #tpu.memory_space<vmem_shared>> -> memref<128x128xf32, #tpu.memory_space<vmem_shared>>
      tpu.enqueue_dma source(%dma_start3A_58 : memref<128x128xf32, #tpu.memory_space<vmem_shared>>) target(%dma_start3A_56 : memref<128x128xf32, #tpu.memory_space<hbm>>) target_semaphore(%run_scoped3A : memref<!tpu.dma_semaphore, #tpu.memory_space<semaphore_mem>>)
      %dma_wait3A = arith.constant 0 : i32
      %dma_wait3A_59 = tpu.memref_slice %arg5[%arg0, %add3A_54, %dma_wait3A] : memref<2x10240x128xf32, #tpu.memory_space<hbm>> -> memref<1x128x128xf32, #tpu.memory_space<hbm>>
      %dma_wait3A_60 = tpu.memref_squeeze %dma_wait3A_59 : memref<1x128x128xf32, #tpu.memory_space<hbm>> -> memref<128x128xf32, #tpu.memory_space<hbm>>
      %dma_wait3A_61 = arith.constant 0 : i32
      %dma_wait3A_62 = tpu.memref_slice %arg10[%add3A_54, %dma_wait3A_61] : memref<10240x128xf32, #tpu.memory_space<vmem_shared>> -> memref<128x128xf32, #tpu.memory_space<vmem_shared>>
      tpu.wait_dma2 semaphore(%run_scoped3A : memref<!tpu.dma_semaphore, #tpu.memory_space<semaphore_mem>>) src(%dma_wait3A_62 : memref<128x128xf32, #tpu.memory_space<vmem_shared>>) dst(%dma_wait3A_60 : memref<128x128xf32, #tpu.memory_space<hbm>>)
      tpu.yield
    }) : () -> ()
    return
  }
}

#map = affine_map<(d0, d1) -> (0, 0)>
#map1 = affine_map<(d0, d1) -> (0, 0, 0)>
module attributes {stable_mosaic.version = 14 : i64} {
  func.func @gcn_aggregate_sc(%arg0: i32, %arg1: i32, %arg2: memref<10240x128xf32, #tpu.memory_space<hbm>>, %arg3: memref<32x80x128xi32, #tpu.memory_space<hbm>>, %arg4: memref<32x80x128xi32, #tpu.memory_space<hbm>>, %arg5: memref<2x10240x128xf32, #tpu.memory_space<hbm>>, %arg6: memref<8x128xi32, #tpu.memory_space<vmem>>, %arg7: memref<8x128xi32, #tpu.memory_space<vmem>>, %arg8: memref<128x128xf32, #tpu.memory_space<vmem>>, %arg9: memref<128x128xf32, #tpu.memory_space<vmem>>, %arg10: memref<10240x128xf32, #tpu.memory_space<vmem_shared>>, %arg11: memref<!tpu.dma_semaphore, #tpu.memory_space<semaphore_mem>>, %arg12: memref<!tpu.dma_semaphore, #tpu.memory_space<semaphore_mem>>) attributes {dimension_semantics = [#tpu.dimension_semantics<core_parallel>, #tpu.dimension_semantics<subcore_parallel>], iteration_bounds = array<i64: 2, 16>, scalar_prefetch = 0 : i64, scratch_operands = 7 : i64, tpu.core_type = #tpu.core_type<sc_vector_subcore>, window_params = [{transform_indices = #map}, {transform_indices = #map1}, {transform_indices = #map1}, {transform_indices = #map1}]} {
    %mul3A = arith.constant 16 : i32
    %mul3A_0 = arith.muli %arg0, %mul3A : i32
    %add3A = arith.addi %mul3A_0, %arg1 : i32
    %scan3A = arith.constant 0 : i32
    %scan3A_1 = arith.constant 0 : i32
    %scan3A_2 = arith.constant 128 : i32
    %scan3A_3 = arith.addi %scan3A_1, %scan3A_2 : i32
    %scan3A_4 = arith.constant 1 : i32
    %scan3A_5 = scf.for %scan3A_55 = %scan3A_1 to %scan3A_3 step %scan3A_4 iter_args(%scan3A_56 = %scan3A) -> (i32)  : i32 {
      %broadcast_in_dim3A = arith.constant 0.000000e+00 : f32
      %broadcast_in_dim3A_57 = vector.broadcast %broadcast_in_dim3A : f32 to vector<16xf32>
      %swap3A = arith.index_cast %scan3A_55 : i32 to index
      %swap3A_58 = arith.constant 0 : index
      %swap3A_59 = tpu.vector_load %arg8[%swap3A, %swap3A_58] {strides = array<i32>} : memref<128x128xf32, #tpu.memory_space<vmem>>, vector<1x16xf32>,
      %swap3A_60 = vector.shape_cast %swap3A_59 : vector<1x16xf32> to vector<16xf32>
      %swap3A_61 = vector.shape_cast %broadcast_in_dim3A_57 : vector<16xf32> to vector<1x16xf32>
      tpu.vector_store %arg8[%swap3A, %swap3A_58], %swap3A_61 {strides = array<i32>} : memref<128x128xf32, #tpu.memory_space<vmem>>, vector<1x16xf32>,
      %broadcast_in_dim3A_62 = arith.constant 0.000000e+00 : f32
      %broadcast_in_dim3A_63 = vector.broadcast %broadcast_in_dim3A_62 : f32 to vector<16xf32>
      %swap3A_64 = arith.index_cast %scan3A_55 : i32 to index
      %swap3A_65 = arith.constant 16 : index
      %swap3A_66 = tpu.vector_load %arg8[%swap3A_64, %swap3A_65] {strides = array<i32>} : memref<128x128xf32, #tpu.memory_space<vmem>>, vector<1x16xf32>,
      %swap3A_67 = vector.shape_cast %swap3A_66 : vector<1x16xf32> to vector<16xf32>
      %swap3A_68 = vector.shape_cast %broadcast_in_dim3A_63 : vector<16xf32> to vector<1x16xf32>
      tpu.vector_store %arg8[%swap3A_64, %swap3A_65], %swap3A_68 {strides = array<i32>} : memref<128x128xf32, #tpu.memory_space<vmem>>, vector<1x16xf32>,
      %broadcast_in_dim3A_69 = arith.constant 0.000000e+00 : f32
      %broadcast_in_dim3A_70 = vector.broadcast %broadcast_in_dim3A_69 : f32 to vector<16xf32>
      %swap3A_71 = arith.index_cast %scan3A_55 : i32 to index
      %swap3A_72 = arith.constant 32 : index
      %swap3A_73 = tpu.vector_load %arg8[%swap3A_71, %swap3A_72] {strides = array<i32>} : memref<128x128xf32, #tpu.memory_space<vmem>>, vector<1x16xf32>,
      %swap3A_74 = vector.shape_cast %swap3A_73 : vector<1x16xf32> to vector<16xf32>
      %swap3A_75 = vector.shape_cast %broadcast_in_dim3A_70 : vector<16xf32> to vector<1x16xf32>
      tpu.vector_store %arg8[%swap3A_71, %swap3A_72], %swap3A_75 {strides = array<i32>} : memref<128x128xf32, #tpu.memory_space<vmem>>, vector<1x16xf32>,
      %broadcast_in_dim3A_76 = arith.constant 0.000000e+00 : f32
      %broadcast_in_dim3A_77 = vector.broadcast %broadcast_in_dim3A_76 : f32 to vector<16xf32>
      %swap3A_78 = arith.index_cast %scan3A_55 : i32 to index
      %swap3A_79 = arith.constant 48 : index
      %swap3A_80 = tpu.vector_load %arg8[%swap3A_78, %swap3A_79] {strides = array<i32>} : memref<128x128xf32, #tpu.memory_space<vmem>>, vector<1x16xf32>,
      %swap3A_81 = vector.shape_cast %swap3A_80 : vector<1x16xf32> to vector<16xf32>
      %swap3A_82 = vector.shape_cast %broadcast_in_dim3A_77 : vector<16xf32> to vector<1x16xf32>
      tpu.vector_store %arg8[%swap3A_78, %swap3A_79], %swap3A_82 {strides = array<i32>} : memref<128x128xf32, #tpu.memory_space<vmem>>, vector<1x16xf32>,
      %broadcast_in_dim3A_83 = arith.constant 0.000000e+00 : f32
      %broadcast_in_dim3A_84 = vector.broadcast %broadcast_in_dim3A_83 : f32 to vector<16xf32>
      %swap3A_85 = arith.index_cast %scan3A_55 : i32 to index
      %swap3A_86 = arith.constant 64 : index
      %swap3A_87 = tpu.vector_load %arg8[%swap3A_85, %swap3A_86] {strides = array<i32>} : memref<128x128xf32, #tpu.memory_space<vmem>>, vector<1x16xf32>,
      %swap3A_88 = vector.shape_cast %swap3A_87 : vector<1x16xf32> to vector<16xf32>
      %swap3A_89 = vector.shape_cast %broadcast_in_dim3A_84 : vector<16xf32> to vector<1x16xf32>
      tpu.vector_store %arg8[%swap3A_85, %swap3A_86], %swap3A_89 {strides = array<i32>} : memref<128x128xf32, #tpu.memory_space<vmem>>, vector<1x16xf32>,
      %broadcast_in_dim3A_90 = arith.constant 0.000000e+00 : f32
      %broadcast_in_dim3A_91 = vector.broadcast %broadcast_in_dim3A_90 : f32 to vector<16xf32>
      %swap3A_92 = arith.index_cast %scan3A_55 : i32 to index
      %swap3A_93 = arith.constant 80 : index
      %swap3A_94 = tpu.vector_load %arg8[%swap3A_92, %swap3A_93] {strides = array<i32>} : memref<128x128xf32, #tpu.memory_space<vmem>>, vector<1x16xf32>,
      %swap3A_95 = vector.shape_cast %swap3A_94 : vector<1x16xf32> to vector<16xf32>
      %swap3A_96 = vector.shape_cast %broadcast_in_dim3A_91 : vector<16xf32> to vector<1x16xf32>
      tpu.vector_store %arg8[%swap3A_92, %swap3A_93], %swap3A_96 {strides = array<i32>} : memref<128x128xf32, #tpu.memory_space<vmem>>, vector<1x16xf32>,
      %broadcast_in_dim3A_97 = arith.constant 0.000000e+00 : f32
      %broadcast_in_dim3A_98 = vector.broadcast %broadcast_in_dim3A_97 : f32 to vector<16xf32>
      %swap3A_99 = arith.index_cast %scan3A_55 : i32 to index
      %swap3A_100 = arith.constant 96 : index
      %swap3A_101 = tpu.vector_load %arg8[%swap3A_99, %swap3A_100] {strides = array<i32>} : memref<128x128xf32, #tpu.memory_space<vmem>>, vector<1x16xf32>,
      %swap3A_102 = vector.shape_cast %swap3A_101 : vector<1x16xf32> to vector<16xf32>
      %swap3A_103 = vector.shape_cast %broadcast_in_dim3A_98 : vector<16xf32> to vector<1x16xf32>
      tpu.vector_store %arg8[%swap3A_99, %swap3A_100], %swap3A_103 {strides = array<i32>} : memref<128x128xf32, #tpu.memory_space<vmem>>, vector<1x16xf32>,
      %broadcast_in_dim3A_104 = arith.constant 0.000000e+00 : f32
      %broadcast_in_dim3A_105 = vector.broadcast %broadcast_in_dim3A_104 : f32 to vector<16xf32>
      %swap3A_106 = arith.index_cast %scan3A_55 : i32 to index
      %swap3A_107 = arith.constant 112 : index
      %swap3A_108 = tpu.vector_load %arg8[%swap3A_106, %swap3A_107] {strides = array<i32>} : memref<128x128xf32, #tpu.memory_space<vmem>>, vector<1x16xf32>,
      %swap3A_109 = vector.shape_cast %swap3A_108 : vector<1x16xf32> to vector<16xf32>
      %swap3A_110 = vector.shape_cast %broadcast_in_dim3A_105 : vector<16xf32> to vector<1x16xf32>
      tpu.vector_store %arg8[%swap3A_106, %swap3A_107], %swap3A_110 {strides = array<i32>} : memref<128x128xf32, #tpu.memory_space<vmem>>, vector<1x16xf32>,
      %scan3A_111 = arith.constant 0 : i32
      scf.yield %scan3A_111 : i32
    }
    %scan3A_6 = arith.constant 128 : i32
    %mul3A_7 = arith.constant 640 : i32
    %mul3A_8 = arith.muli %arg1, %mul3A_7 : i32
    %add3A_9 = arith.constant 0 : i32
    %add3A_10 = arith.addi %mul3A_8, %add3A_9 : i32
    "tpu.region"() ({
      %run_scoped3A = tpu.sem_alloc : memref<!tpu.dma_semaphore, #tpu.memory_space<semaphore_mem>>
      %dma_start3A = arith.constant 0 : i32
      %dma_start3A_55 = tpu.memref_slice %arg10[%add3A_10, %dma_start3A] : memref<10240x128xf32, #tpu.memory_space<vmem_shared>> -> memref<128x128xf32, #tpu.memory_space<vmem_shared>>
      %dma_start3A_56 = arith.constant 0 : i32
      %dma_start3A_57 = tpu.memref_slice %arg10[%add3A_10, %dma_start3A_56] : memref<10240x128xf32, #tpu.memory_space<vmem_shared>> -> memref<128x128xf32, #tpu.memory_space<vmem_shared>>
      tpu.enqueue_dma source(%arg8 : memref<128x128xf32, #tpu.memory_space<vmem>>) target(%dma_start3A_57 : memref<128x128xf32, #tpu.memory_space<vmem_shared>>) target_semaphore(%run_scoped3A : memref<!tpu.dma_semaphore, #tpu.memory_space<semaphore_mem>>)
      %dma_wait3A = arith.constant 0 : i32
      %dma_wait3A_58 = tpu.memref_slice %arg10[%add3A_10, %dma_wait3A] : memref<10240x128xf32, #tpu.memory_space<vmem_shared>> -> memref<128x128xf32, #tpu.memory_space<vmem_shared>>
      %dma_wait3A_59 = arith.constant 0 : i32
      %dma_wait3A_60 = tpu.memref_slice %arg10[%add3A_10, %dma_wait3A_59] : memref<10240x128xf32, #tpu.memory_space<vmem_shared>> -> memref<128x128xf32, #tpu.memory_space<vmem_shared>>
      tpu.wait_dma2 semaphore(%run_scoped3A : memref<!tpu.dma_semaphore, #tpu.memory_space<semaphore_mem>>) src(%arg8 : memref<128x128xf32, #tpu.memory_space<vmem>>) dst(%dma_wait3A_60 : memref<128x128xf32, #tpu.memory_space<vmem_shared>>)
      tpu.yield
    }) : () -> ()
    %mul3A_11 = arith.constant 640 : i32
    %mul3A_12 = arith.muli %arg1, %mul3A_11 : i32
    %add3A_13 = arith.constant 128 : i32
    %add3A_14 = arith.addi %mul3A_12, %add3A_13 : i32
    "tpu.region"() ({
      %run_scoped3A = tpu.sem_alloc : memref<!tpu.dma_semaphore, #tpu.memory_space<semaphore_mem>>
      %dma_start3A = arith.constant 0 : i32
      %dma_start3A_55 = tpu.memref_slice %arg10[%add3A_14, %dma_start3A] : memref<10240x128xf32, #tpu.memory_space<vmem_shared>> -> memref<128x128xf32, #tpu.memory_space<vmem_shared>>
      %dma_start3A_56 = arith.constant 0 : i32
      %dma_start3A_57 = tpu.memref_slice %arg10[%add3A_14, %dma_start3A_56] : memref<10240x128xf32, #tpu.memory_space<vmem_shared>> -> memref<128x128xf32, #tpu.memory_space<vmem_shared>>
      tpu.enqueue_dma source(%arg8 : memref<128x128xf32, #tpu.memory_space<vmem>>) target(%dma_start3A_57 : memref<128x128xf32, #tpu.memory_space<vmem_shared>>) target_semaphore(%run_scoped3A : memref<!tpu.dma_semaphore, #tpu.memory_space<semaphore_mem>>)
      %dma_wait3A = arith.constant 0 : i32
      %dma_wait3A_58 = tpu.memref_slice %arg10[%add3A_14, %dma_wait3A] : memref<10240x128xf32, #tpu.memory_space<vmem_shared>> -> memref<128x128xf32, #tpu.memory_space<vmem_shared>>
      %dma_wait3A_59 = arith.constant 0 : i32
      %dma_wait3A_60 = tpu.memref_slice %arg10[%add3A_14, %dma_wait3A_59] : memref<10240x128xf32, #tpu.memory_space<vmem_shared>> -> memref<128x128xf32, #tpu.memory_space<vmem_shared>>
      tpu.wait_dma2 semaphore(%run_scoped3A : memref<!tpu.dma_semaphore, #tpu.memory_space<semaphore_mem>>) src(%arg8 : memref<128x128xf32, #tpu.memory_space<vmem>>) dst(%dma_wait3A_60 : memref<128x128xf32, #tpu.memory_space<vmem_shared>>)
      tpu.yield
    }) : () -> ()
    %mul3A_15 = arith.constant 640 : i32
    %mul3A_16 = arith.muli %arg1, %mul3A_15 : i32
    %add3A_17 = arith.constant 256 : i32
    %add3A_18 = arith.addi %mul3A_16, %add3A_17 : i32
    "tpu.region"() ({
      %run_scoped3A = tpu.sem_alloc : memref<!tpu.dma_semaphore, #tpu.memory_space<semaphore_mem>>
      %dma_start3A = arith.constant 0 : i32
      %dma_start3A_55 = tpu.memref_slice %arg10[%add3A_18, %dma_start3A] : memref<10240x128xf32, #tpu.memory_space<vmem_shared>> -> memref<128x128xf32, #tpu.memory_space<vmem_shared>>
      %dma_start3A_56 = arith.constant 0 : i32
      %dma_start3A_57 = tpu.memref_slice %arg10[%add3A_18, %dma_start3A_56] : memref<10240x128xf32, #tpu.memory_space<vmem_shared>> -> memref<128x128xf32, #tpu.memory_space<vmem_shared>>
      tpu.enqueue_dma source(%arg8 : memref<128x128xf32, #tpu.memory_space<vmem>>) target(%dma_start3A_57 : memref<128x128xf32, #tpu.memory_space<vmem_shared>>) target_semaphore(%run_scoped3A : memref<!tpu.dma_semaphore, #tpu.memory_space<semaphore_mem>>)
      %dma_wait3A = arith.constant 0 : i32
      %dma_wait3A_58 = tpu.memref_slice %arg10[%add3A_18, %dma_wait3A] : memref<10240x128xf32, #tpu.memory_space<vmem_shared>> -> memref<128x128xf32, #tpu.memory_space<vmem_shared>>
      %dma_wait3A_59 = arith.constant 0 : i32
      %dma_wait3A_60 = tpu.memref_slice %arg10[%add3A_18, %dma_wait3A_59] : memref<10240x128xf32, #tpu.memory_space<vmem_shared>> -> memref<128x128xf32, #tpu.memory_space<vmem_shared>>
      tpu.wait_dma2 semaphore(%run_scoped3A : memref<!tpu.dma_semaphore, #tpu.memory_space<semaphore_mem>>) src(%arg8 : memref<128x128xf32, #tpu.memory_space<vmem>>) dst(%dma_wait3A_60 : memref<128x128xf32, #tpu.memory_space<vmem_shared>>)
      tpu.yield
    }) : () -> ()
    %mul3A_19 = arith.constant 640 : i32
    %mul3A_20 = arith.muli %arg1, %mul3A_19 : i32
    %add3A_21 = arith.constant 384 : i32
    %add3A_22 = arith.addi %mul3A_20, %add3A_21 : i32
    "tpu.region"() ({
      %run_scoped3A = tpu.sem_alloc : memref<!tpu.dma_semaphore, #tpu.memory_space<semaphore_mem>>
      %dma_start3A = arith.constant 0 : i32
      %dma_start3A_55 = tpu.memref_slice %arg10[%add3A_22, %dma_start3A] : memref<10240x128xf32, #tpu.memory_space<vmem_shared>> -> memref<128x128xf32, #tpu.memory_space<vmem_shared>>
      %dma_start3A_56 = arith.constant 0 : i32
      %dma_start3A_57 = tpu.memref_slice %arg10[%add3A_22, %dma_start3A_56] : memref<10240x128xf32, #tpu.memory_space<vmem_shared>> -> memref<128x128xf32, #tpu.memory_space<vmem_shared>>
      tpu.enqueue_dma source(%arg8 : memref<128x128xf32, #tpu.memory_space<vmem>>) target(%dma_start3A_57 : memref<128x128xf32, #tpu.memory_space<vmem_shared>>) target_semaphore(%run_scoped3A : memref<!tpu.dma_semaphore, #tpu.memory_space<semaphore_mem>>)
      %dma_wait3A = arith.constant 0 : i32
      %dma_wait3A_58 = tpu.memref_slice %arg10[%add3A_22, %dma_wait3A] : memref<10240x128xf32, #tpu.memory_space<vmem_shared>> -> memref<128x128xf32, #tpu.memory_space<vmem_shared>>
      %dma_wait3A_59 = arith.constant 0 : i32
      %dma_wait3A_60 = tpu.memref_slice %arg10[%add3A_22, %dma_wait3A_59] : memref<10240x128xf32, #tpu.memory_space<vmem_shared>> -> memref<128x128xf32, #tpu.memory_space<vmem_shared>>
      tpu.wait_dma2 semaphore(%run_scoped3A : memref<!tpu.dma_semaphore, #tpu.memory_space<semaphore_mem>>) src(%arg8 : memref<128x128xf32, #tpu.memory_space<vmem>>) dst(%dma_wait3A_60 : memref<128x128xf32, #tpu.memory_space<vmem_shared>>)
      tpu.yield
    }) : () -> ()
    %mul3A_23 = arith.constant 640 : i32
    %mul3A_24 = arith.muli %arg1, %mul3A_23 : i32
    %add3A_25 = arith.constant 512 : i32
    %add3A_26 = arith.addi %mul3A_24, %add3A_25 : i32
    "tpu.region"() ({
      %run_scoped3A = tpu.sem_alloc : memref<!tpu.dma_semaphore, #tpu.memory_space<semaphore_mem>>
      %dma_start3A = arith.constant 0 : i32
      %dma_start3A_55 = tpu.memref_slice %arg10[%add3A_26, %dma_start3A] : memref<10240x128xf32, #tpu.memory_space<vmem_shared>> -> memref<128x128xf32, #tpu.memory_space<vmem_shared>>
      %dma_start3A_56 = arith.constant 0 : i32
      %dma_start3A_57 = tpu.memref_slice %arg10[%add3A_26, %dma_start3A_56] : memref<10240x128xf32, #tpu.memory_space<vmem_shared>> -> memref<128x128xf32, #tpu.memory_space<vmem_shared>>
      tpu.enqueue_dma source(%arg8 : memref<128x128xf32, #tpu.memory_space<vmem>>) target(%dma_start3A_57 : memref<128x128xf32, #tpu.memory_space<vmem_shared>>) target_semaphore(%run_scoped3A : memref<!tpu.dma_semaphore, #tpu.memory_space<semaphore_mem>>)
      %dma_wait3A = arith.constant 0 : i32
      %dma_wait3A_58 = tpu.memref_slice %arg10[%add3A_26, %dma_wait3A] : memref<10240x128xf32, #tpu.memory_space<vmem_shared>> -> memref<128x128xf32, #tpu.memory_space<vmem_shared>>
      %dma_wait3A_59 = arith.constant 0 : i32
      %dma_wait3A_60 = tpu.memref_slice %arg10[%add3A_26, %dma_wait3A_59] : memref<10240x128xf32, #tpu.memory_space<vmem_shared>> -> memref<128x128xf32, #tpu.memory_space<vmem_shared>>
      tpu.wait_dma2 semaphore(%run_scoped3A : memref<!tpu.dma_semaphore, #tpu.memory_space<semaphore_mem>>) src(%arg8 : memref<128x128xf32, #tpu.memory_space<vmem>>) dst(%dma_wait3A_60 : memref<128x128xf32, #tpu.memory_space<vmem_shared>>)
      tpu.yield
    }) : () -> ()
    %barrier3A = arith.constant 0 : index
    tpu.barrier barrier_id(%barrier3A)
    %scan3A_27 = arith.constant 0 : i32
    %scan3A_28 = arith.constant 0 : i32
    %scan3A_29 = arith.constant 10 : i32
    %scan3A_30 = arith.addi %scan3A_28, %scan3A_29 : i32
    %scan3A_31 = arith.constant 1 : i32
    %scan3A_32 = scf.for %scan3A_55 = %scan3A_28 to %scan3A_30 step %scan3A_31 iter_args(%scan3A_56 = %scan3A_27) -> (i32)  : i32 {
      %mul3A_57 = arith.constant 8 : i32
      %mul3A_58 = arith.muli %scan3A_55, %mul3A_57 : i32
      "tpu.region"() ({
        %run_scoped3A_179 = tpu.sem_alloc : memref<!tpu.dma_semaphore, #tpu.memory_space<semaphore_mem>>
        %dma_start3A_180 = arith.constant 0 : i32
        %dma_start3A_181 = tpu.memref_slice %arg3[%add3A, %mul3A_58, %dma_start3A_180] : memref<32x80x128xi32, #tpu.memory_space<hbm>> -> memref<1x8x128xi32, #tpu.memory_space<hbm>>
        %dma_start3A_182 = tpu.memref_squeeze %dma_start3A_181 : memref<1x8x128xi32, #tpu.memory_space<hbm>> -> memref<8x128xi32, #tpu.memory_space<hbm>>
        %dma_start3A_183 = arith.constant 0 : i32
        %dma_start3A_184 = tpu.memref_slice %arg3[%add3A, %mul3A_58, %dma_start3A_183] : memref<32x80x128xi32, #tpu.memory_space<hbm>> -> memref<1x8x128xi32, #tpu.memory_space<hbm>>
        %dma_start3A_185 = tpu.memref_squeeze %dma_start3A_184 : memref<1x8x128xi32, #tpu.memory_space<hbm>> -> memref<8x128xi32, #tpu.memory_space<hbm>>
        tpu.enqueue_dma source(%dma_start3A_185 : memref<8x128xi32, #tpu.memory_space<hbm>>) target(%arg6 : memref<8x128xi32, #tpu.memory_space<vmem>>) target_semaphore(%run_scoped3A_179 : memref<!tpu.dma_semaphore, #tpu.memory_space<semaphore_mem>>)
        %dma_wait3A_186 = arith.constant 0 : i32
        %dma_wait3A_187 = tpu.memref_slice %arg3[%add3A, %mul3A_58, %dma_wait3A_186] : memref<32x80x128xi32, #tpu.memory_space<hbm>> -> memref<1x8x128xi32, #tpu.memory_space<hbm>>
        %dma_wait3A_188 = tpu.memref_squeeze %dma_wait3A_187 : memref<1x8x128xi32, #tpu.memory_space<hbm>> -> memref<8x128xi32, #tpu.memory_space<hbm>>
        %dma_wait3A_189 = arith.constant 0 : i32
        %dma_wait3A_190 = tpu.memref_slice %arg3[%add3A, %mul3A_58, %dma_wait3A_189] : memref<32x80x128xi32, #tpu.memory_space<hbm>> -> memref<1x8x128xi32, #tpu.memory_space<hbm>>
        %dma_wait3A_191 = tpu.memref_squeeze %dma_wait3A_190 : memref<1x8x128xi32, #tpu.memory_space<hbm>> -> memref<8x128xi32, #tpu.memory_space<hbm>>
        tpu.wait_dma2 semaphore(%run_scoped3A_179 : memref<!tpu.dma_semaphore, #tpu.memory_space<semaphore_mem>>) src(%dma_wait3A_191 : memref<8x128xi32, #tpu.memory_space<hbm>>) dst(%arg6 : memref<8x128xi32, #tpu.memory_space<vmem>>)
        tpu.yield
      }) : () -> ()
      %mul3A_59 = arith.constant 8 : i32
      %mul3A_60 = arith.muli %scan3A_55, %mul3A_59 : i32
      "tpu.region"() ({
        %run_scoped3A_179 = tpu.sem_alloc : memref<!tpu.dma_semaphore, #tpu.memory_space<semaphore_mem>>
        %dma_start3A_180 = arith.constant 0 : i32
        %dma_start3A_181 = tpu.memref_slice %arg4[%add3A, %mul3A_60, %dma_start3A_180] : memref<32x80x128xi32, #tpu.memory_space<hbm>> -> memref<1x8x128xi32, #tpu.memory_space<hbm>>
        %dma_start3A_182 = tpu.memref_squeeze %dma_start3A_181 : memref<1x8x128xi32, #tpu.memory_space<hbm>> -> memref<8x128xi32, #tpu.memory_space<hbm>>
        %dma_start3A_183 = arith.constant 0 : i32
        %dma_start3A_184 = tpu.memref_slice %arg4[%add3A, %mul3A_60, %dma_start3A_183] : memref<32x80x128xi32, #tpu.memory_space<hbm>> -> memref<1x8x128xi32, #tpu.memory_space<hbm>>
        %dma_start3A_185 = tpu.memref_squeeze %dma_start3A_184 : memref<1x8x128xi32, #tpu.memory_space<hbm>> -> memref<8x128xi32, #tpu.memory_space<hbm>>
        tpu.enqueue_dma source(%dma_start3A_185 : memref<8x128xi32, #tpu.memory_space<hbm>>) target(%arg7 : memref<8x128xi32, #tpu.memory_space<vmem>>) target_semaphore(%run_scoped3A_179 : memref<!tpu.dma_semaphore, #tpu.memory_space<semaphore_mem>>)
        %dma_wait3A_186 = arith.constant 0 : i32
        %dma_wait3A_187 = tpu.memref_slice %arg4[%add3A, %mul3A_60, %dma_wait3A_186] : memref<32x80x128xi32, #tpu.memory_space<hbm>> -> memref<1x8x128xi32, #tpu.memory_space<hbm>>
        %dma_wait3A_188 = tpu.memref_squeeze %dma_wait3A_187 : memref<1x8x128xi32, #tpu.memory_space<hbm>> -> memref<8x128xi32, #tpu.memory_space<hbm>>
        %dma_wait3A_189 = arith.constant 0 : i32
        %dma_wait3A_190 = tpu.memref_slice %arg4[%add3A, %mul3A_60, %dma_wait3A_189] : memref<32x80x128xi32, #tpu.memory_space<hbm>> -> memref<1x8x128xi32, #tpu.memory_space<hbm>>
        %dma_wait3A_191 = tpu.memref_squeeze %dma_wait3A_190 : memref<1x8x128xi32, #tpu.memory_space<hbm>> -> memref<8x128xi32, #tpu.memory_space<hbm>>
        tpu.wait_dma2 semaphore(%run_scoped3A_179 : memref<!tpu.dma_semaphore, #tpu.memory_space<semaphore_mem>>) src(%dma_wait3A_191 : memref<8x128xi32, #tpu.memory_space<hbm>>) dst(%arg7 : memref<8x128xi32, #tpu.memory_space<vmem>>)
        tpu.yield
      }) : () -> ()
      %dma_start3A = arith.constant 0 : i32
      %dma_start3A_61 = arith.constant 0 : i32
      %dma_start3A_62 = tpu.memref_slice %arg6[%dma_start3A, %dma_start3A_61] : memref<8x128xi32, #tpu.memory_space<vmem>> -> memref<1x128xi32, #tpu.memory_space<vmem>>
      %dma_start3A_63 = tpu.memref_squeeze %dma_start3A_62 : memref<1x128xi32, #tpu.memory_space<vmem>> -> memref<128xi32, #tpu.memory_space<vmem>>
      %dma_start3A_64 = arith.constant 0 : i32
      %dma_start3A_65 = arith.constant 0 : i32
      %dma_start3A_66 = tpu.memref_slice %arg2[%dma_start3A_64, %dma_start3A_65] : memref<10240x128xf32, #tpu.memory_space<hbm>> -> memref<10240x128xf32, #tpu.memory_space<hbm>>
      tpu.enqueue_indirect_dma source(%dma_start3A_66 : memref<10240x128xf32, #tpu.memory_space<hbm>>) target(%arg8 : memref<128x128xf32, #tpu.memory_space<vmem>>) offsets(%dma_start3A_63 : memref<128xi32, #tpu.memory_space<vmem>>) semaphore(%arg11 : memref<!tpu.dma_semaphore, #tpu.memory_space<semaphore_mem>>)
      %dma_start3A_67 = arith.constant 1 : i32
      %dma_start3A_68 = arith.constant 0 : i32
      %dma_start3A_69 = tpu.memref_slice %arg6[%dma_start3A_67, %dma_start3A_68] : memref<8x128xi32, #tpu.memory_space<vmem>> -> memref<1x128xi32, #tpu.memory_space<vmem>>
      %dma_start3A_70 = tpu.memref_squeeze %dma_start3A_69 : memref<1x128xi32, #tpu.memory_space<vmem>> -> memref<128xi32, #tpu.memory_space<vmem>>
      %dma_start3A_71 = arith.constant 0 : i32
      %dma_start3A_72 = arith.constant 0 : i32
      %dma_start3A_73 = tpu.memref_slice %arg2[%dma_start3A_71, %dma_start3A_72] : memref<10240x128xf32, #tpu.memory_space<hbm>> -> memref<10240x128xf32, #tpu.memory_space<hbm>>
      tpu.enqueue_indirect_dma source(%dma_start3A_73 : memref<10240x128xf32, #tpu.memory_space<hbm>>) target(%arg9 : memref<128x128xf32, #tpu.memory_space<vmem>>) offsets(%dma_start3A_70 : memref<128xi32, #tpu.memory_space<vmem>>) semaphore(%arg12 : memref<!tpu.dma_semaphore, #tpu.memory_space<semaphore_mem>>)
      %dma_wait3A = arith.constant 0 : i32
      %dma_wait3A_74 = arith.constant 0 : i32
      %dma_wait3A_75 = tpu.memref_slice %arg6[%dma_wait3A, %dma_wait3A_74] : memref<8x128xi32, #tpu.memory_space<vmem>> -> memref<1x128xi32, #tpu.memory_space<vmem>>
      %dma_wait3A_76 = tpu.memref_squeeze %dma_wait3A_75 : memref<1x128xi32, #tpu.memory_space<vmem>> -> memref<128xi32, #tpu.memory_space<vmem>>
      %dma_wait3A_77 = arith.constant 0 : i32
      %dma_wait3A_78 = arith.constant 0 : i32
      %dma_wait3A_79 = tpu.memref_slice %arg2[%dma_wait3A_77, %dma_wait3A_78] : memref<10240x128xf32, #tpu.memory_space<hbm>> -> memref<10240x128xf32, #tpu.memory_space<hbm>>
      tpu.wait_indirect_dma semaphore(%arg11 : memref<!tpu.dma_semaphore, #tpu.memory_space<semaphore_mem>>) src(%dma_wait3A_79 : memref<10240x128xf32, #tpu.memory_space<hbm>>) dst(%arg8 : memref<128x128xf32, #tpu.memory_space<vmem>>)
      %run_scoped3A = arith.constant 0 : i32
      "tpu.region"() ({
        %run_scoped3A_179 = tpu.sem_alloc : memref<!tpu.dma_semaphore, #tpu.memory_space<semaphore_mem>>
        %dma_start3A_180 = arith.constant 0 : i32
        %dma_start3A_181 = tpu.memref_slice %arg7[%run_scoped3A, %dma_start3A_180] : memref<8x128xi32, #tpu.memory_space<vmem>> -> memref<1x128xi32, #tpu.memory_space<vmem>>
        %dma_start3A_182 = tpu.memref_squeeze %dma_start3A_181 : memref<1x128xi32, #tpu.memory_space<vmem>> -> memref<128xi32, #tpu.memory_space<vmem>>
        %dma_start3A_183 = arith.constant 0 : i32
        %dma_start3A_184 = arith.constant 0 : i32
        %dma_start3A_185 = tpu.memref_slice %arg10[%dma_start3A_183, %dma_start3A_184] : memref<10240x128xf32, #tpu.memory_space<vmem_shared>> -> memref<10240x128xf32, #tpu.memory_space<vmem_shared>>
        tpu.enqueue_indirect_dma source(%arg8 : memref<128x128xf32, #tpu.memory_space<vmem>>) target(%dma_start3A_185 : memref<10240x128xf32, #tpu.memory_space<vmem_shared>>) offsets(%dma_start3A_182 : memref<128xi32, #tpu.memory_space<vmem>>) semaphore(%run_scoped3A_179 : memref<!tpu.dma_semaphore, #tpu.memory_space<semaphore_mem>>) {add = true}
        %dma_wait3A_186 = arith.constant 0 : i32
        %dma_wait3A_187 = tpu.memref_slice %arg7[%run_scoped3A, %dma_wait3A_186] : memref<8x128xi32, #tpu.memory_space<vmem>> -> memref<1x128xi32, #tpu.memory_space<vmem>>
        %dma_wait3A_188 = tpu.memref_squeeze %dma_wait3A_187 : memref<1x128xi32, #tpu.memory_space<vmem>> -> memref<128xi32, #tpu.memory_space<vmem>>
        %dma_wait3A_189 = arith.constant 0 : i32
        %dma_wait3A_190 = arith.constant 0 : i32
        %dma_wait3A_191 = tpu.memref_slice %arg10[%dma_wait3A_189, %dma_wait3A_190] : memref<10240x128xf32, #tpu.memory_space<vmem_shared>> -> memref<10240x128xf32, #tpu.memory_space<vmem_shared>>
        tpu.wait_indirect_dma semaphore(%run_scoped3A_179 : memref<!tpu.dma_semaphore, #tpu.memory_space<semaphore_mem>>) src(%arg8 : memref<128x128xf32, #tpu.memory_space<vmem>>) dst(%dma_wait3A_191 : memref<10240x128xf32, #tpu.memory_space<vmem_shared>>)
        tpu.yield
      }) : () -> ()
      %dma_start3A_80 = arith.constant 2 : i32
      %dma_start3A_81 = arith.constant 0 : i32
      %dma_start3A_82 = tpu.memref_slice %arg6[%dma_start3A_80, %dma_start3A_81] : memref<8x128xi32, #tpu.memory_space<vmem>> -> memref<1x128xi32, #tpu.memory_space<vmem>>
      %dma_start3A_83 = tpu.memref_squeeze %dma_start3A_82 : memref<1x128xi32, #tpu.memory_space<vmem>> -> memref<128xi32, #tpu.memory_space<vmem>>
      %dma_start3A_84 = arith.constant 0 : i32
      %dma_start3A_85 = arith.constant 0 : i32
      %dma_start3A_86 = tpu.memref_slice %arg2[%dma_start3A_84, %dma_start3A_85] : memref<10240x128xf32, #tpu.memory_space<hbm>> -> memref<10240x128xf32, #tpu.memory_space<hbm>>
      tpu.enqueue_indirect_dma source(%dma_start3A_86 : memref<10240x128xf32, #tpu.memory_space<hbm>>) target(%arg8 : memref<128x128xf32, #tpu.memory_space<vmem>>) offsets(%dma_start3A_83 : memref<128xi32, #tpu.memory_space<vmem>>) semaphore(%arg11 : memref<!tpu.dma_semaphore, #tpu.memory_space<semaphore_mem>>)
      %dma_wait3A_87 = arith.constant 1 : i32
      %dma_wait3A_88 = arith.constant 0 : i32
      %dma_wait3A_89 = tpu.memref_slice %arg6[%dma_wait3A_87, %dma_wait3A_88] : memref<8x128xi32, #tpu.memory_space<vmem>> -> memref<1x128xi32, #tpu.memory_space<vmem>>
      %dma_wait3A_90 = tpu.memref_squeeze %dma_wait3A_89 : memref<1x128xi32, #tpu.memory_space<vmem>> -> memref<128xi32, #tpu.memory_space<vmem>>
      %dma_wait3A_91 = arith.constant 0 : i32
      %dma_wait3A_92 = arith.constant 0 : i32
      %dma_wait3A_93 = tpu.memref_slice %arg2[%dma_wait3A_91, %dma_wait3A_92] : memref<10240x128xf32, #tpu.memory_space<hbm>> -> memref<10240x128xf32, #tpu.memory_space<hbm>>
      tpu.wait_indirect_dma semaphore(%arg12 : memref<!tpu.dma_semaphore, #tpu.memory_space<semaphore_mem>>) src(%dma_wait3A_93 : memref<10240x128xf32, #tpu.memory_space<hbm>>) dst(%arg9 : memref<128x128xf32, #tpu.memory_space<vmem>>)
      %run_scoped3A_94 = arith.constant 1 : i32
      "tpu.region"() ({
        %run_scoped3A_179 = tpu.sem_alloc : memref<!tpu.dma_semaphore, #tpu.memory_space<semaphore_mem>>
        %dma_start3A_180 = arith.constant 0 : i32
        %dma_start3A_181 = tpu.memref_slice %arg7[%run_scoped3A_94, %dma_start3A_180] : memref<8x128xi32, #tpu.memory_space<vmem>> -> memref<1x128xi32, #tpu.memory_space<vmem>>
        %dma_start3A_182 = tpu.memref_squeeze %dma_start3A_181 : memref<1x128xi32, #tpu.memory_space<vmem>> -> memref<128xi32, #tpu.memory_space<vmem>>
        %dma_start3A_183 = arith.constant 0 : i32
        %dma_start3A_184 = arith.constant 0 : i32
        %dma_start3A_185 = tpu.memref_slice %arg10[%dma_start3A_183, %dma_start3A_184] : memref<10240x128xf32, #tpu.memory_space<vmem_shared>> -> memref<10240x128xf32, #tpu.memory_space<vmem_shared>>
        tpu.enqueue_indirect_dma source(%arg9 : memref<128x128xf32, #tpu.memory_space<vmem>>) target(%dma_start3A_185 : memref<10240x128xf32, #tpu.memory_space<vmem_shared>>) offsets(%dma_start3A_182 : memref<128xi32, #tpu.memory_space<vmem>>) semaphore(%run_scoped3A_179 : memref<!tpu.dma_semaphore, #tpu.memory_space<semaphore_mem>>) {add = true}
        %dma_wait3A_186 = arith.constant 0 : i32
        %dma_wait3A_187 = tpu.memref_slice %arg7[%run_scoped3A_94, %dma_wait3A_186] : memref<8x128xi32, #tpu.memory_space<vmem>> -> memref<1x128xi32, #tpu.memory_space<vmem>>
        %dma_wait3A_188 = tpu.memref_squeeze %dma_wait3A_187 : memref<1x128xi32, #tpu.memory_space<vmem>> -> memref<128xi32, #tpu.memory_space<vmem>>
        %dma_wait3A_189 = arith.constant 0 : i32
        %dma_wait3A_190 = arith.constant 0 : i32
        %dma_wait3A_191 = tpu.memref_slice %arg10[%dma_wait3A_189, %dma_wait3A_190] : memref<10240x128xf32, #tpu.memory_space<vmem_shared>> -> memref<10240x128xf32, #tpu.memory_space<vmem_shared>>
        tpu.wait_indirect_dma semaphore(%run_scoped3A_179 : memref<!tpu.dma_semaphore, #tpu.memory_space<semaphore_mem>>) src(%arg9 : memref<128x128xf32, #tpu.memory_space<vmem>>) dst(%dma_wait3A_191 : memref<10240x128xf32, #tpu.memory_space<vmem_shared>>)
        tpu.yield
      }) : () -> ()
      %dma_start3A_95 = arith.constant 3 : i32
      %dma_start3A_96 = arith.constant 0 : i32
      %dma_start3A_97 = tpu.memref_slice %arg6[%dma_start3A_95, %dma_start3A_96] : memref<8x128xi32, #tpu.memory_space<vmem>> -> memref<1x128xi32, #tpu.memory_space<vmem>>
      %dma_start3A_98 = tpu.memref_squeeze %dma_start3A_97 : memref<1x128xi32, #tpu.memory_space<vmem>> -> memref<128xi32, #tpu.memory_space<vmem>>
      %dma_start3A_99 = arith.constant 0 : i32
      %dma_start3A_100 = arith.constant 0 : i32
      %dma_start3A_101 = tpu.memref_slice %arg2[%dma_start3A_99, %dma_start3A_100] : memref<10240x128xf32, #tpu.memory_space<hbm>> -> memref<10240x128xf32, #tpu.memory_space<hbm>>
      tpu.enqueue_indirect_dma source(%dma_start3A_101 : memref<10240x128xf32, #tpu.memory_space<hbm>>) target(%arg9 : memref<128x128xf32, #tpu.memory_space<vmem>>) offsets(%dma_start3A_98 : memref<128xi32, #tpu.memory_space<vmem>>) semaphore(%arg12 : memref<!tpu.dma_semaphore, #tpu.memory_space<semaphore_mem>>)
      %dma_wait3A_102 = arith.constant 2 : i32
      %dma_wait3A_103 = arith.constant 0 : i32
      %dma_wait3A_104 = tpu.memref_slice %arg6[%dma_wait3A_102, %dma_wait3A_103] : memref<8x128xi32, #tpu.memory_space<vmem>> -> memref<1x128xi32, #tpu.memory_space<vmem>>
      %dma_wait3A_105 = tpu.memref_squeeze %dma_wait3A_104 : memref<1x128xi32, #tpu.memory_space<vmem>> -> memref<128xi32, #tpu.memory_space<vmem>>
      %dma_wait3A_106 = arith.constant 0 : i32
      %dma_wait3A_107 = arith.constant 0 : i32
      %dma_wait3A_108 = tpu.memref_slice %arg2[%dma_wait3A_106, %dma_wait3A_107] : memref<10240x128xf32, #tpu.memory_space<hbm>> -> memref<10240x128xf32, #tpu.memory_space<hbm>>
      tpu.wait_indirect_dma semaphore(%arg11 : memref<!tpu.dma_semaphore, #tpu.memory_space<semaphore_mem>>) src(%dma_wait3A_108 : memref<10240x128xf32, #tpu.memory_space<hbm>>) dst(%arg8 : memref<128x128xf32, #tpu.memory_space<vmem>>)
      %run_scoped3A_109 = arith.constant 2 : i32
      "tpu.region"() ({
        %run_scoped3A_179 = tpu.sem_alloc : memref<!tpu.dma_semaphore, #tpu.memory_space<semaphore_mem>>
        %dma_start3A_180 = arith.constant 0 : i32
        %dma_start3A_181 = tpu.memref_slice %arg7[%run_scoped3A_109, %dma_start3A_180] : memref<8x128xi32, #tpu.memory_space<vmem>> -> memref<1x128xi32, #tpu.memory_space<vmem>>
        %dma_start3A_182 = tpu.memref_squeeze %dma_start3A_181 : memref<1x128xi32, #tpu.memory_space<vmem>> -> memref<128xi32, #tpu.memory_space<vmem>>
        %dma_start3A_183 = arith.constant 0 : i32
        %dma_start3A_184 = arith.constant 0 : i32
        %dma_start3A_185 = tpu.memref_slice %arg10[%dma_start3A_183, %dma_start3A_184] : memref<10240x128xf32, #tpu.memory_space<vmem_shared>> -> memref<10240x128xf32, #tpu.memory_space<vmem_shared>>
        tpu.enqueue_indirect_dma source(%arg8 : memref<128x128xf32, #tpu.memory_space<vmem>>) target(%dma_start3A_185 : memref<10240x128xf32, #tpu.memory_space<vmem_shared>>) offsets(%dma_start3A_182 : memref<128xi32, #tpu.memory_space<vmem>>) semaphore(%run_scoped3A_179 : memref<!tpu.dma_semaphore, #tpu.memory_space<semaphore_mem>>) {add = true}
        %dma_wait3A_186 = arith.constant 0 : i32
        %dma_wait3A_187 = tpu.memref_slice %arg7[%run_scoped3A_109, %dma_wait3A_186] : memref<8x128xi32, #tpu.memory_space<vmem>> -> memref<1x128xi32, #tpu.memory_space<vmem>>
        %dma_wait3A_188 = tpu.memref_squeeze %dma_wait3A_187 : memref<1x128xi32, #tpu.memory_space<vmem>> -> memref<128xi32, #tpu.memory_space<vmem>>
        %dma_wait3A_189 = arith.constant 0 : i32
        %dma_wait3A_190 = arith.constant 0 : i32
        %dma_wait3A_191 = tpu.memref_slice %arg10[%dma_wait3A_189, %dma_wait3A_190] : memref<10240x128xf32, #tpu.memory_space<vmem_shared>> -> memref<10240x128xf32, #tpu.memory_space<vmem_shared>>
        tpu.wait_indirect_dma semaphore(%run_scoped3A_179 : memref<!tpu.dma_semaphore, #tpu.memory_space<semaphore_mem>>) src(%arg8 : memref<128x128xf32, #tpu.memory_space<vmem>>) dst(%dma_wait3A_191 : memref<10240x128xf32, #tpu.memory_space<vmem_shared>>)
        tpu.yield
      }) : () -> ()
      %dma_start3A_110 = arith.constant 4 : i32
      %dma_start3A_111 = arith.constant 0 : i32
      %dma_start3A_112 = tpu.memref_slice %arg6[%dma_start3A_110, %dma_start3A_111] : memref<8x128xi32, #tpu.memory_space<vmem>> -> memref<1x128xi32, #tpu.memory_space<vmem>>
      %dma_start3A_113 = tpu.memref_squeeze %dma_start3A_112 : memref<1x128xi32, #tpu.memory_space<vmem>> -> memref<128xi32, #tpu.memory_space<vmem>>
      %dma_start3A_114 = arith.constant 0 : i32
      %dma_start3A_115 = arith.constant 0 : i32
      %dma_start3A_116 = tpu.memref_slice %arg2[%dma_start3A_114, %dma_start3A_115] : memref<10240x128xf32, #tpu.memory_space<hbm>> -> memref<10240x128xf32, #tpu.memory_space<hbm>>
      tpu.enqueue_indirect_dma source(%dma_start3A_116 : memref<10240x128xf32, #tpu.memory_space<hbm>>) target(%arg8 : memref<128x128xf32, #tpu.memory_space<vmem>>) offsets(%dma_start3A_113 : memref<128xi32, #tpu.memory_space<vmem>>) semaphore(%arg11 : memref<!tpu.dma_semaphore, #tpu.memory_space<semaphore_mem>>)
      %dma_wait3A_117 = arith.constant 3 : i32
      %dma_wait3A_118 = arith.constant 0 : i32
      %dma_wait3A_119 = tpu.memref_slice %arg6[%dma_wait3A_117, %dma_wait3A_118] : memref<8x128xi32, #tpu.memory_space<vmem>> -> memref<1x128xi32, #tpu.memory_space<vmem>>
      %dma_wait3A_120 = tpu.memref_squeeze %dma_wait3A_119 : memref<1x128xi32, #tpu.memory_space<vmem>> -> memref<128xi32, #tpu.memory_space<vmem>>
      %dma_wait3A_121 = arith.constant 0 : i32
      %dma_wait3A_122 = arith.constant 0 : i32
      %dma_wait3A_123 = tpu.memref_slice %arg2[%dma_wait3A_121, %dma_wait3A_122] : memref<10240x128xf32, #tpu.memory_space<hbm>> -> memref<10240x128xf32, #tpu.memory_space<hbm>>
      tpu.wait_indirect_dma semaphore(%arg12 : memref<!tpu.dma_semaphore, #tpu.memory_space<semaphore_mem>>) src(%dma_wait3A_123 : memref<10240x128xf32, #tpu.memory_space<hbm>>) dst(%arg9 : memref<128x128xf32, #tpu.memory_space<vmem>>)
      %run_scoped3A_124 = arith.constant 3 : i32
      "tpu.region"() ({
        %run_scoped3A_179 = tpu.sem_alloc : memref<!tpu.dma_semaphore, #tpu.memory_space<semaphore_mem>>
        %dma_start3A_180 = arith.constant 0 : i32
        %dma_start3A_181 = tpu.memref_slice %arg7[%run_scoped3A_124, %dma_start3A_180] : memref<8x128xi32, #tpu.memory_space<vmem>> -> memref<1x128xi32, #tpu.memory_space<vmem>>
        %dma_start3A_182 = tpu.memref_squeeze %dma_start3A_181 : memref<1x128xi32, #tpu.memory_space<vmem>> -> memref<128xi32, #tpu.memory_space<vmem>>
        %dma_start3A_183 = arith.constant 0 : i32
        %dma_start3A_184 = arith.constant 0 : i32
        %dma_start3A_185 = tpu.memref_slice %arg10[%dma_start3A_183, %dma_start3A_184] : memref<10240x128xf32, #tpu.memory_space<vmem_shared>> -> memref<10240x128xf32, #tpu.memory_space<vmem_shared>>
        tpu.enqueue_indirect_dma source(%arg9 : memref<128x128xf32, #tpu.memory_space<vmem>>) target(%dma_start3A_185 : memref<10240x128xf32, #tpu.memory_space<vmem_shared>>) offsets(%dma_start3A_182 : memref<128xi32, #tpu.memory_space<vmem>>) semaphore(%run_scoped3A_179 : memref<!tpu.dma_semaphore, #tpu.memory_space<semaphore_mem>>) {add = true}
        %dma_wait3A_186 = arith.constant 0 : i32
        %dma_wait3A_187 = tpu.memref_slice %arg7[%run_scoped3A_124, %dma_wait3A_186] : memref<8x128xi32, #tpu.memory_space<vmem>> -> memref<1x128xi32, #tpu.memory_space<vmem>>
        %dma_wait3A_188 = tpu.memref_squeeze %dma_wait3A_187 : memref<1x128xi32, #tpu.memory_space<vmem>> -> memref<128xi32, #tpu.memory_space<vmem>>
        %dma_wait3A_189 = arith.constant 0 : i32
        %dma_wait3A_190 = arith.constant 0 : i32
        %dma_wait3A_191 = tpu.memref_slice %arg10[%dma_wait3A_189, %dma_wait3A_190] : memref<10240x128xf32, #tpu.memory_space<vmem_shared>> -> memref<10240x128xf32, #tpu.memory_space<vmem_shared>>
        tpu.wait_indirect_dma semaphore(%run_scoped3A_179 : memref<!tpu.dma_semaphore, #tpu.memory_space<semaphore_mem>>) src(%arg9 : memref<128x128xf32, #tpu.memory_space<vmem>>) dst(%dma_wait3A_191 : memref<10240x128xf32, #tpu.memory_space<vmem_shared>>)
        tpu.yield
      }) : () -> ()
      %dma_start3A_125 = arith.constant 5 : i32
      %dma_start3A_126 = arith.constant 0 : i32
      %dma_start3A_127 = tpu.memref_slice %arg6[%dma_start3A_125, %dma_start3A_126] : memref<8x128xi32, #tpu.memory_space<vmem>> -> memref<1x128xi32, #tpu.memory_space<vmem>>
      %dma_start3A_128 = tpu.memref_squeeze %dma_start3A_127 : memref<1x128xi32, #tpu.memory_space<vmem>> -> memref<128xi32, #tpu.memory_space<vmem>>
      %dma_start3A_129 = arith.constant 0 : i32
      %dma_start3A_130 = arith.constant 0 : i32
      %dma_start3A_131 = tpu.memref_slice %arg2[%dma_start3A_129, %dma_start3A_130] : memref<10240x128xf32, #tpu.memory_space<hbm>> -> memref<10240x128xf32, #tpu.memory_space<hbm>>
      tpu.enqueue_indirect_dma source(%dma_start3A_131 : memref<10240x128xf32, #tpu.memory_space<hbm>>) target(%arg9 : memref<128x128xf32, #tpu.memory_space<vmem>>) offsets(%dma_start3A_128 : memref<128xi32, #tpu.memory_space<vmem>>) semaphore(%arg12 : memref<!tpu.dma_semaphore, #tpu.memory_space<semaphore_mem>>)
      %dma_wait3A_132 = arith.constant 4 : i32
      %dma_wait3A_133 = arith.constant 0 : i32
      %dma_wait3A_134 = tpu.memref_slice %arg6[%dma_wait3A_132, %dma_wait3A_133] : memref<8x128xi32, #tpu.memory_space<vmem>> -> memref<1x128xi32, #tpu.memory_space<vmem>>
      %dma_wait3A_135 = tpu.memref_squeeze %dma_wait3A_134 : memref<1x128xi32, #tpu.memory_space<vmem>> -> memref<128xi32, #tpu.memory_space<vmem>>
      %dma_wait3A_136 = arith.constant 0 : i32
      %dma_wait3A_137 = arith.constant 0 : i32
      %dma_wait3A_138 = tpu.memref_slice %arg2[%dma_wait3A_136, %dma_wait3A_137] : memref<10240x128xf32, #tpu.memory_space<hbm>> -> memref<10240x128xf32, #tpu.memory_space<hbm>>
      tpu.wait_indirect_dma semaphore(%arg11 : memref<!tpu.dma_semaphore, #tpu.memory_space<semaphore_mem>>) src(%dma_wait3A_138 : memref<10240x128xf32, #tpu.memory_space<hbm>>) dst(%arg8 : memref<128x128xf32, #tpu.memory_space<vmem>>)
      %run_scoped3A_139 = arith.constant 4 : i32
      "tpu.region"() ({
        %run_scoped3A_179 = tpu.sem_alloc : memref<!tpu.dma_semaphore, #tpu.memory_space<semaphore_mem>>
        %dma_start3A_180 = arith.constant 0 : i32
        %dma_start3A_181 = tpu.memref_slice %arg7[%run_scoped3A_139, %dma_start3A_180] : memref<8x128xi32, #tpu.memory_space<vmem>> -> memref<1x128xi32, #tpu.memory_space<vmem>>
        %dma_start3A_182 = tpu.memref_squeeze %dma_start3A_181 : memref<1x128xi32, #tpu.memory_space<vmem>> -> memref<128xi32, #tpu.memory_space<vmem>>
        %dma_start3A_183 = arith.constant 0 : i32
        %dma_start3A_184 = arith.constant 0 : i32
        %dma_start3A_185 = tpu.memref_slice %arg10[%dma_start3A_183, %dma_start3A_184] : memref<10240x128xf32, #tpu.memory_space<vmem_shared>> -> memref<10240x128xf32, #tpu.memory_space<vmem_shared>>
        tpu.enqueue_indirect_dma source(%arg8 : memref<128x128xf32, #tpu.memory_space<vmem>>) target(%dma_start3A_185 : memref<10240x128xf32, #tpu.memory_space<vmem_shared>>) offsets(%dma_start3A_182 : memref<128xi32, #tpu.memory_space<vmem>>) semaphore(%run_scoped3A_179 : memref<!tpu.dma_semaphore, #tpu.memory_space<semaphore_mem>>) {add = true}
        %dma_wait3A_186 = arith.constant 0 : i32
        %dma_wait3A_187 = tpu.memref_slice %arg7[%run_scoped3A_139, %dma_wait3A_186] : memref<8x128xi32, #tpu.memory_space<vmem>> -> memref<1x128xi32, #tpu.memory_space<vmem>>
        %dma_wait3A_188 = tpu.memref_squeeze %dma_wait3A_187 : memref<1x128xi32, #tpu.memory_space<vmem>> -> memref<128xi32, #tpu.memory_space<vmem>>
        %dma_wait3A_189 = arith.constant 0 : i32
        %dma_wait3A_190 = arith.constant 0 : i32
        %dma_wait3A_191 = tpu.memref_slice %arg10[%dma_wait3A_189, %dma_wait3A_190] : memref<10240x128xf32, #tpu.memory_space<vmem_shared>> -> memref<10240x128xf32, #tpu.memory_space<vmem_shared>>
        tpu.wait_indirect_dma semaphore(%run_scoped3A_179 : memref<!tpu.dma_semaphore, #tpu.memory_space<semaphore_mem>>) src(%arg8 : memref<128x128xf32, #tpu.memory_space<vmem>>) dst(%dma_wait3A_191 : memref<10240x128xf32, #tpu.memory_space<vmem_shared>>)
        tpu.yield
      }) : () -> ()
      %dma_start3A_140 = arith.constant 6 : i32
      %dma_start3A_141 = arith.constant 0 : i32
      %dma_start3A_142 = tpu.memref_slice %arg6[%dma_start3A_140, %dma_start3A_141] : memref<8x128xi32, #tpu.memory_space<vmem>> -> memref<1x128xi32, #tpu.memory_space<vmem>>
      %dma_start3A_143 = tpu.memref_squeeze %dma_start3A_142 : memref<1x128xi32, #tpu.memory_space<vmem>> -> memref<128xi32, #tpu.memory_space<vmem>>
      %dma_start3A_144 = arith.constant 0 : i32
      %dma_start3A_145 = arith.constant 0 : i32
      %dma_start3A_146 = tpu.memref_slice %arg2[%dma_start3A_144, %dma_start3A_145] : memref<10240x128xf32, #tpu.memory_space<hbm>> -> memref<10240x128xf32, #tpu.memory_space<hbm>>
      tpu.enqueue_indirect_dma source(%dma_start3A_146 : memref<10240x128xf32, #tpu.memory_space<hbm>>) target(%arg8 : memref<128x128xf32, #tpu.memory_space<vmem>>) offsets(%dma_start3A_143 : memref<128xi32, #tpu.memory_space<vmem>>) semaphore(%arg11 : memref<!tpu.dma_semaphore, #tpu.memory_space<semaphore_mem>>)
      %dma_wait3A_147 = arith.constant 5 : i32
      %dma_wait3A_148 = arith.constant 0 : i32
      %dma_wait3A_149 = tpu.memref_slice %arg6[%dma_wait3A_147, %dma_wait3A_148] : memref<8x128xi32, #tpu.memory_space<vmem>> -> memref<1x128xi32, #tpu.memory_space<vmem>>
      %dma_wait3A_150 = tpu.memref_squeeze %dma_wait3A_149 : memref<1x128xi32, #tpu.memory_space<vmem>> -> memref<128xi32, #tpu.memory_space<vmem>>
      %dma_wait3A_151 = arith.constant 0 : i32
      %dma_wait3A_152 = arith.constant 0 : i32
      %dma_wait3A_153 = tpu.memref_slice %arg2[%dma_wait3A_151, %dma_wait3A_152] : memref<10240x128xf32, #tpu.memory_space<hbm>> -> memref<10240x128xf32, #tpu.memory_space<hbm>>
      tpu.wait_indirect_dma semaphore(%arg12 : memref<!tpu.dma_semaphore, #tpu.memory_space<semaphore_mem>>) src(%dma_wait3A_153 : memref<10240x128xf32, #tpu.memory_space<hbm>>) dst(%arg9 : memref<128x128xf32, #tpu.memory_space<vmem>>)
      %run_scoped3A_154 = arith.constant 5 : i32
      "tpu.region"() ({
        %run_scoped3A_179 = tpu.sem_alloc : memref<!tpu.dma_semaphore, #tpu.memory_space<semaphore_mem>>
        %dma_start3A_180 = arith.constant 0 : i32
        %dma_start3A_181 = tpu.memref_slice %arg7[%run_scoped3A_154, %dma_start3A_180] : memref<8x128xi32, #tpu.memory_space<vmem>> -> memref<1x128xi32, #tpu.memory_space<vmem>>
        %dma_start3A_182 = tpu.memref_squeeze %dma_start3A_181 : memref<1x128xi32, #tpu.memory_space<vmem>> -> memref<128xi32, #tpu.memory_space<vmem>>
        %dma_start3A_183 = arith.constant 0 : i32
        %dma_start3A_184 = arith.constant 0 : i32
        %dma_start3A_185 = tpu.memref_slice %arg10[%dma_start3A_183, %dma_start3A_184] : memref<10240x128xf32, #tpu.memory_space<vmem_shared>> -> memref<10240x128xf32, #tpu.memory_space<vmem_shared>>
        tpu.enqueue_indirect_dma source(%arg9 : memref<128x128xf32, #tpu.memory_space<vmem>>) target(%dma_start3A_185 : memref<10240x128xf32, #tpu.memory_space<vmem_shared>>) offsets(%dma_start3A_182 : memref<128xi32, #tpu.memory_space<vmem>>) semaphore(%run_scoped3A_179 : memref<!tpu.dma_semaphore, #tpu.memory_space<semaphore_mem>>) {add = true}
        %dma_wait3A_186 = arith.constant 0 : i32
        %dma_wait3A_187 = tpu.memref_slice %arg7[%run_scoped3A_154, %dma_wait3A_186] : memref<8x128xi32, #tpu.memory_space<vmem>> -> memref<1x128xi32, #tpu.memory_space<vmem>>
        %dma_wait3A_188 = tpu.memref_squeeze %dma_wait3A_187 : memref<1x128xi32, #tpu.memory_space<vmem>> -> memref<128xi32, #tpu.memory_space<vmem>>
        %dma_wait3A_189 = arith.constant 0 : i32
        %dma_wait3A_190 = arith.constant 0 : i32
        %dma_wait3A_191 = tpu.memref_slice %arg10[%dma_wait3A_189, %dma_wait3A_190] : memref<10240x128xf32, #tpu.memory_space<vmem_shared>> -> memref<10240x128xf32, #tpu.memory_space<vmem_shared>>
        tpu.wait_indirect_dma semaphore(%run_scoped3A_179 : memref<!tpu.dma_semaphore, #tpu.memory_space<semaphore_mem>>) src(%arg9 : memref<128x128xf32, #tpu.memory_space<vmem>>) dst(%dma_wait3A_191 : memref<10240x128xf32, #tpu.memory_space<vmem_shared>>)
        tpu.yield
      }) : () -> ()
      %dma_start3A_155 = arith.constant 7 : i32
      %dma_start3A_156 = arith.constant 0 : i32
      %dma_start3A_157 = tpu.memref_slice %arg6[%dma_start3A_155, %dma_start3A_156] : memref<8x128xi32, #tpu.memory_space<vmem>> -> memref<1x128xi32, #tpu.memory_space<vmem>>
      %dma_start3A_158 = tpu.memref_squeeze %dma_start3A_157 : memref<1x128xi32, #tpu.memory_space<vmem>> -> memref<128xi32, #tpu.memory_space<vmem>>
      %dma_start3A_159 = arith.constant 0 : i32
      %dma_start3A_160 = arith.constant 0 : i32
      %dma_start3A_161 = tpu.memref_slice %arg2[%dma_start3A_159, %dma_start3A_160] : memref<10240x128xf32, #tpu.memory_space<hbm>> -> memref<10240x128xf32, #tpu.memory_space<hbm>>
      tpu.enqueue_indirect_dma source(%dma_start3A_161 : memref<10240x128xf32, #tpu.memory_space<hbm>>) target(%arg9 : memref<128x128xf32, #tpu.memory_space<vmem>>) offsets(%dma_start3A_158 : memref<128xi32, #tpu.memory_space<vmem>>) semaphore(%arg12 : memref<!tpu.dma_semaphore, #tpu.memory_space<semaphore_mem>>)
      %dma_wait3A_162 = arith.constant 6 : i32
      %dma_wait3A_163 = arith.constant 0 : i32
      %dma_wait3A_164 = tpu.memref_slice %arg6[%dma_wait3A_162, %dma_wait3A_163] : memref<8x128xi32, #tpu.memory_space<vmem>> -> memref<1x128xi32, #tpu.memory_space<vmem>>
      %dma_wait3A_165 = tpu.memref_squeeze %dma_wait3A_164 : memref<1x128xi32, #tpu.memory_space<vmem>> -> memref<128xi32, #tpu.memory_space<vmem>>
      %dma_wait3A_166 = arith.constant 0 : i32
      %dma_wait3A_167 = arith.constant 0 : i32
      %dma_wait3A_168 = tpu.memref_slice %arg2[%dma_wait3A_166, %dma_wait3A_167] : memref<10240x128xf32, #tpu.memory_space<hbm>> -> memref<10240x128xf32, #tpu.memory_space<hbm>>
      tpu.wait_indirect_dma semaphore(%arg11 : memref<!tpu.dma_semaphore, #tpu.memory_space<semaphore_mem>>) src(%dma_wait3A_168 : memref<10240x128xf32, #tpu.memory_space<hbm>>) dst(%arg8 : memref<128x128xf32, #tpu.memory_space<vmem>>)
      %run_scoped3A_169 = arith.constant 6 : i32
      "tpu.region"() ({
        %run_scoped3A_179 = tpu.sem_alloc : memref<!tpu.dma_semaphore, #tpu.memory_space<semaphore_mem>>
        %dma_start3A_180 = arith.constant 0 : i32
        %dma_start3A_181 = tpu.memref_slice %arg7[%run_scoped3A_169, %dma_start3A_180] : memref<8x128xi32, #tpu.memory_space<vmem>> -> memref<1x128xi32, #tpu.memory_space<vmem>>
        %dma_start3A_182 = tpu.memref_squeeze %dma_start3A_181 : memref<1x128xi32, #tpu.memory_space<vmem>> -> memref<128xi32, #tpu.memory_space<vmem>>
        %dma_start3A_183 = arith.constant 0 : i32
        %dma_start3A_184 = arith.constant 0 : i32
        %dma_start3A_185 = tpu.memref_slice %arg10[%dma_start3A_183, %dma_start3A_184] : memref<10240x128xf32, #tpu.memory_space<vmem_shared>> -> memref<10240x128xf32, #tpu.memory_space<vmem_shared>>
        tpu.enqueue_indirect_dma source(%arg8 : memref<128x128xf32, #tpu.memory_space<vmem>>) target(%dma_start3A_185 : memref<10240x128xf32, #tpu.memory_space<vmem_shared>>) offsets(%dma_start3A_182 : memref<128xi32, #tpu.memory_space<vmem>>) semaphore(%run_scoped3A_179 : memref<!tpu.dma_semaphore, #tpu.memory_space<semaphore_mem>>) {add = true}
        %dma_wait3A_186 = arith.constant 0 : i32
        %dma_wait3A_187 = tpu.memref_slice %arg7[%run_scoped3A_169, %dma_wait3A_186] : memref<8x128xi32, #tpu.memory_space<vmem>> -> memref<1x128xi32, #tpu.memory_space<vmem>>
        %dma_wait3A_188 = tpu.memref_squeeze %dma_wait3A_187 : memref<1x128xi32, #tpu.memory_space<vmem>> -> memref<128xi32, #tpu.memory_space<vmem>>
        %dma_wait3A_189 = arith.constant 0 : i32
        %dma_wait3A_190 = arith.constant 0 : i32
        %dma_wait3A_191 = tpu.memref_slice %arg10[%dma_wait3A_189, %dma_wait3A_190] : memref<10240x128xf32, #tpu.memory_space<vmem_shared>> -> memref<10240x128xf32, #tpu.memory_space<vmem_shared>>
        tpu.wait_indirect_dma semaphore(%run_scoped3A_179 : memref<!tpu.dma_semaphore, #tpu.memory_space<semaphore_mem>>) src(%arg8 : memref<128x128xf32, #tpu.memory_space<vmem>>) dst(%dma_wait3A_191 : memref<10240x128xf32, #tpu.memory_space<vmem_shared>>)
        tpu.yield
      }) : () -> ()
      %dma_wait3A_170 = arith.constant 7 : i32
      %dma_wait3A_171 = arith.constant 0 : i32
      %dma_wait3A_172 = tpu.memref_slice %arg6[%dma_wait3A_170, %dma_wait3A_171] : memref<8x128xi32, #tpu.memory_space<vmem>> -> memref<1x128xi32, #tpu.memory_space<vmem>>
      %dma_wait3A_173 = tpu.memref_squeeze %dma_wait3A_172 : memref<1x128xi32, #tpu.memory_space<vmem>> -> memref<128xi32, #tpu.memory_space<vmem>>
      %dma_wait3A_174 = arith.constant 0 : i32
      %dma_wait3A_175 = arith.constant 0 : i32
      %dma_wait3A_176 = tpu.memref_slice %arg2[%dma_wait3A_174, %dma_wait3A_175] : memref<10240x128xf32, #tpu.memory_space<hbm>> -> memref<10240x128xf32, #tpu.memory_space<hbm>>
      tpu.wait_indirect_dma semaphore(%arg12 : memref<!tpu.dma_semaphore, #tpu.memory_space<semaphore_mem>>) src(%dma_wait3A_176 : memref<10240x128xf32, #tpu.memory_space<hbm>>) dst(%arg9 : memref<128x128xf32, #tpu.memory_space<vmem>>)
      %run_scoped3A_177 = arith.constant 7 : i32
      "tpu.region"() ({
        %run_scoped3A_179 = tpu.sem_alloc : memref<!tpu.dma_semaphore, #tpu.memory_space<semaphore_mem>>
        %dma_start3A_180 = arith.constant 0 : i32
        %dma_start3A_181 = tpu.memref_slice %arg7[%run_scoped3A_177, %dma_start3A_180] : memref<8x128xi32, #tpu.memory_space<vmem>> -> memref<1x128xi32, #tpu.memory_space<vmem>>
        %dma_start3A_182 = tpu.memref_squeeze %dma_start3A_181 : memref<1x128xi32, #tpu.memory_space<vmem>> -> memref<128xi32, #tpu.memory_space<vmem>>
        %dma_start3A_183 = arith.constant 0 : i32
        %dma_start3A_184 = arith.constant 0 : i32
        %dma_start3A_185 = tpu.memref_slice %arg10[%dma_start3A_183, %dma_start3A_184] : memref<10240x128xf32, #tpu.memory_space<vmem_shared>> -> memref<10240x128xf32, #tpu.memory_space<vmem_shared>>
        tpu.enqueue_indirect_dma source(%arg9 : memref<128x128xf32, #tpu.memory_space<vmem>>) target(%dma_start3A_185 : memref<10240x128xf32, #tpu.memory_space<vmem_shared>>) offsets(%dma_start3A_182 : memref<128xi32, #tpu.memory_space<vmem>>) semaphore(%run_scoped3A_179 : memref<!tpu.dma_semaphore, #tpu.memory_space<semaphore_mem>>) {add = true}
        %dma_wait3A_186 = arith.constant 0 : i32
        %dma_wait3A_187 = tpu.memref_slice %arg7[%run_scoped3A_177, %dma_wait3A_186] : memref<8x128xi32, #tpu.memory_space<vmem>> -> memref<1x128xi32, #tpu.memory_space<vmem>>
        %dma_wait3A_188 = tpu.memref_squeeze %dma_wait3A_187 : memref<1x128xi32, #tpu.memory_space<vmem>> -> memref<128xi32, #tpu.memory_space<vmem>>
        %dma_wait3A_189 = arith.constant 0 : i32
        %dma_wait3A_190 = arith.constant 0 : i32
        %dma_wait3A_191 = tpu.memref_slice %arg10[%dma_wait3A_189, %dma_wait3A_190] : memref<10240x128xf32, #tpu.memory_space<vmem_shared>> -> memref<10240x128xf32, #tpu.memory_space<vmem_shared>>
        tpu.wait_indirect_dma semaphore(%run_scoped3A_179 : memref<!tpu.dma_semaphore, #tpu.memory_space<semaphore_mem>>) src(%arg9 : memref<128x128xf32, #tpu.memory_space<vmem>>) dst(%dma_wait3A_191 : memref<10240x128xf32, #tpu.memory_space<vmem_shared>>)
        tpu.yield
      }) : () -> ()
      %scan3A_178 = arith.constant 0 : i32
      scf.yield %scan3A_178 : i32
    }
    %scan3A_33 = arith.constant 10 : i32
    %barrier3A_34 = arith.constant 0 : index
    tpu.barrier barrier_id(%barrier3A_34)
    %mul3A_35 = arith.constant 640 : i32
    %mul3A_36 = arith.muli %arg1, %mul3A_35 : i32
    %add3A_37 = arith.constant 0 : i32
    %add3A_38 = arith.addi %mul3A_36, %add3A_37 : i32
    "tpu.region"() ({
      %run_scoped3A = tpu.sem_alloc : memref<!tpu.dma_semaphore, #tpu.memory_space<semaphore_mem>>
      %dma_start3A = arith.constant 0 : i32
      %dma_start3A_55 = tpu.memref_slice %arg5[%arg0, %add3A_38, %dma_start3A] : memref<2x10240x128xf32, #tpu.memory_space<hbm>> -> memref<1x128x128xf32, #tpu.memory_space<hbm>>
      %dma_start3A_56 = tpu.memref_squeeze %dma_start3A_55 : memref<1x128x128xf32, #tpu.memory_space<hbm>> -> memref<128x128xf32, #tpu.memory_space<hbm>>
      %dma_start3A_57 = arith.constant 0 : i32
      %dma_start3A_58 = tpu.memref_slice %arg10[%add3A_38, %dma_start3A_57] : memref<10240x128xf32, #tpu.memory_space<vmem_shared>> -> memref<128x128xf32, #tpu.memory_space<vmem_shared>>
      tpu.enqueue_dma source(%dma_start3A_58 : memref<128x128xf32, #tpu.memory_space<vmem_shared>>) target(%dma_start3A_56 : memref<128x128xf32, #tpu.memory_space<hbm>>) target_semaphore(%run_scoped3A : memref<!tpu.dma_semaphore, #tpu.memory_space<semaphore_mem>>)
      %dma_wait3A = arith.constant 0 : i32
      %dma_wait3A_59 = tpu.memref_slice %arg5[%arg0, %add3A_38, %dma_wait3A] : memref<2x10240x128xf32, #tpu.memory_space<hbm>> -> memref<1x128x128xf32, #tpu.memory_space<hbm>>
      %dma_wait3A_60 = tpu.memref_squeeze %dma_wait3A_59 : memref<1x128x128xf32, #tpu.memory_space<hbm>> -> memref<128x128xf32, #tpu.memory_space<hbm>>
      %dma_wait3A_61 = arith.constant 0 : i32
      %dma_wait3A_62 = tpu.memref_slice %arg10[%add3A_38, %dma_wait3A_61] : memref<10240x128xf32, #tpu.memory_space<vmem_shared>> -> memref<128x128xf32, #tpu.memory_space<vmem_shared>>
      tpu.wait_dma2 semaphore(%run_scoped3A : memref<!tpu.dma_semaphore, #tpu.memory_space<semaphore_mem>>) src(%dma_wait3A_62 : memref<128x128xf32, #tpu.memory_space<vmem_shared>>) dst(%dma_wait3A_60 : memref<128x128xf32, #tpu.memory_space<hbm>>)
      tpu.yield
    }) : () -> ()
    %mul3A_39 = arith.constant 640 : i32
    %mul3A_40 = arith.muli %arg1, %mul3A_39 : i32
    %add3A_41 = arith.constant 128 : i32
    %add3A_42 = arith.addi %mul3A_40, %add3A_41 : i32
    "tpu.region"() ({
      %run_scoped3A = tpu.sem_alloc : memref<!tpu.dma_semaphore, #tpu.memory_space<semaphore_mem>>
      %dma_start3A = arith.constant 0 : i32
      %dma_start3A_55 = tpu.memref_slice %arg5[%arg0, %add3A_42, %dma_start3A] : memref<2x10240x128xf32, #tpu.memory_space<hbm>> -> memref<1x128x128xf32, #tpu.memory_space<hbm>>
      %dma_start3A_56 = tpu.memref_squeeze %dma_start3A_55 : memref<1x128x128xf32, #tpu.memory_space<hbm>> -> memref<128x128xf32, #tpu.memory_space<hbm>>
      %dma_start3A_57 = arith.constant 0 : i32
      %dma_start3A_58 = tpu.memref_slice %arg10[%add3A_42, %dma_start3A_57] : memref<10240x128xf32, #tpu.memory_space<vmem_shared>> -> memref<128x128xf32, #tpu.memory_space<vmem_shared>>
      tpu.enqueue_dma source(%dma_start3A_58 : memref<128x128xf32, #tpu.memory_space<vmem_shared>>) target(%dma_start3A_56 : memref<128x128xf32, #tpu.memory_space<hbm>>) target_semaphore(%run_scoped3A : memref<!tpu.dma_semaphore, #tpu.memory_space<semaphore_mem>>)
      %dma_wait3A = arith.constant 0 : i32
      %dma_wait3A_59 = tpu.memref_slice %arg5[%arg0, %add3A_42, %dma_wait3A] : memref<2x10240x128xf32, #tpu.memory_space<hbm>> -> memref<1x128x128xf32, #tpu.memory_space<hbm>>
      %dma_wait3A_60 = tpu.memref_squeeze %dma_wait3A_59 : memref<1x128x128xf32, #tpu.memory_space<hbm>> -> memref<128x128xf32, #tpu.memory_space<hbm>>
      %dma_wait3A_61 = arith.constant 0 : i32
      %dma_wait3A_62 = tpu.memref_slice %arg10[%add3A_42, %dma_wait3A_61] : memref<10240x128xf32, #tpu.memory_space<vmem_shared>> -> memref<128x128xf32, #tpu.memory_space<vmem_shared>>
      tpu.wait_dma2 semaphore(%run_scoped3A : memref<!tpu.dma_semaphore, #tpu.memory_space<semaphore_mem>>) src(%dma_wait3A_62 : memref<128x128xf32, #tpu.memory_space<vmem_shared>>) dst(%dma_wait3A_60 : memref<128x128xf32, #tpu.memory_space<hbm>>)
      tpu.yield
    }) : () -> ()
    %mul3A_43 = arith.constant 640 : i32
    %mul3A_44 = arith.muli %arg1, %mul3A_43 : i32
    %add3A_45 = arith.constant 256 : i32
    %add3A_46 = arith.addi %mul3A_44, %add3A_45 : i32
    "tpu.region"() ({
      %run_scoped3A = tpu.sem_alloc : memref<!tpu.dma_semaphore, #tpu.memory_space<semaphore_mem>>
      %dma_start3A = arith.constant 0 : i32
      %dma_start3A_55 = tpu.memref_slice %arg5[%arg0, %add3A_46, %dma_start3A] : memref<2x10240x128xf32, #tpu.memory_space<hbm>> -> memref<1x128x128xf32, #tpu.memory_space<hbm>>
      %dma_start3A_56 = tpu.memref_squeeze %dma_start3A_55 : memref<1x128x128xf32, #tpu.memory_space<hbm>> -> memref<128x128xf32, #tpu.memory_space<hbm>>
      %dma_start3A_57 = arith.constant 0 : i32
      %dma_start3A_58 = tpu.memref_slice %arg10[%add3A_46, %dma_start3A_57] : memref<10240x128xf32, #tpu.memory_space<vmem_shared>> -> memref<128x128xf32, #tpu.memory_space<vmem_shared>>
      tpu.enqueue_dma source(%dma_start3A_58 : memref<128x128xf32, #tpu.memory_space<vmem_shared>>) target(%dma_start3A_56 : memref<128x128xf32, #tpu.memory_space<hbm>>) target_semaphore(%run_scoped3A : memref<!tpu.dma_semaphore, #tpu.memory_space<semaphore_mem>>)
      %dma_wait3A = arith.constant 0 : i32
      %dma_wait3A_59 = tpu.memref_slice %arg5[%arg0, %add3A_46, %dma_wait3A] : memref<2x10240x128xf32, #tpu.memory_space<hbm>> -> memref<1x128x128xf32, #tpu.memory_space<hbm>>
      %dma_wait3A_60 = tpu.memref_squeeze %dma_wait3A_59 : memref<1x128x128xf32, #tpu.memory_space<hbm>> -> memref<128x128xf32, #tpu.memory_space<hbm>>
      %dma_wait3A_61 = arith.constant 0 : i32
      %dma_wait3A_62 = tpu.memref_slice %arg10[%add3A_46, %dma_wait3A_61] : memref<10240x128xf32, #tpu.memory_space<vmem_shared>> -> memref<128x128xf32, #tpu.memory_space<vmem_shared>>
      tpu.wait_dma2 semaphore(%run_scoped3A : memref<!tpu.dma_semaphore, #tpu.memory_space<semaphore_mem>>) src(%dma_wait3A_62 : memref<128x128xf32, #tpu.memory_space<vmem_shared>>) dst(%dma_wait3A_60 : memref<128x128xf32, #tpu.memory_space<hbm>>)
      tpu.yield
    }) : () -> ()
    %mul3A_47 = arith.constant 640 : i32
    %mul3A_48 = arith.muli %arg1, %mul3A_47 : i32
    %add3A_49 = arith.constant 384 : i32
    %add3A_50 = arith.addi %mul3A_48, %add3A_49 : i32
    "tpu.region"() ({
      %run_scoped3A = tpu.sem_alloc : memref<!tpu.dma_semaphore, #tpu.memory_space<semaphore_mem>>
      %dma_start3A = arith.constant 0 : i32
      %dma_start3A_55 = tpu.memref_slice %arg5[%arg0, %add3A_50, %dma_start3A] : memref<2x10240x128xf32, #tpu.memory_space<hbm>> -> memref<1x128x128xf32, #tpu.memory_space<hbm>>
      %dma_start3A_56 = tpu.memref_squeeze %dma_start3A_55 : memref<1x128x128xf32, #tpu.memory_space<hbm>> -> memref<128x128xf32, #tpu.memory_space<hbm>>
      %dma_start3A_57 = arith.constant 0 : i32
      %dma_start3A_58 = tpu.memref_slice %arg10[%add3A_50, %dma_start3A_57] : memref<10240x128xf32, #tpu.memory_space<vmem_shared>> -> memref<128x128xf32, #tpu.memory_space<vmem_shared>>
      tpu.enqueue_dma source(%dma_start3A_58 : memref<128x128xf32, #tpu.memory_space<vmem_shared>>) target(%dma_start3A_56 : memref<128x128xf32, #tpu.memory_space<hbm>>) target_semaphore(%run_scoped3A : memref<!tpu.dma_semaphore, #tpu.memory_space<semaphore_mem>>)
      %dma_wait3A = arith.constant 0 : i32
      %dma_wait3A_59 = tpu.memref_slice %arg5[%arg0, %add3A_50, %dma_wait3A] : memref<2x10240x128xf32, #tpu.memory_space<hbm>> -> memref<1x128x128xf32, #tpu.memory_space<hbm>>
      %dma_wait3A_60 = tpu.memref_squeeze %dma_wait3A_59 : memref<1x128x128xf32, #tpu.memory_space<hbm>> -> memref<128x128xf32, #tpu.memory_space<hbm>>
      %dma_wait3A_61 = arith.constant 0 : i32
      %dma_wait3A_62 = tpu.memref_slice %arg10[%add3A_50, %dma_wait3A_61] : memref<10240x128xf32, #tpu.memory_space<vmem_shared>> -> memref<128x128xf32, #tpu.memory_space<vmem_shared>>
      tpu.wait_dma2 semaphore(%run_scoped3A : memref<!tpu.dma_semaphore, #tpu.memory_space<semaphore_mem>>) src(%dma_wait3A_62 : memref<128x128xf32, #tpu.memory_space<vmem_shared>>) dst(%dma_wait3A_60 : memref<128x128xf32, #tpu.memory_space<hbm>>)
      tpu.yield
    }) : () -> ()
    %mul3A_51 = arith.constant 640 : i32
    %mul3A_52 = arith.muli %arg1, %mul3A_51 : i32
    %add3A_53 = arith.constant 512 : i32
    %add3A_54 = arith.addi %mul3A_52, %add3A_53 : i32
    "tpu.region"() ({
      %run_scoped3A = tpu.sem_alloc : memref<!tpu.dma_semaphore, #tpu.memory_space<semaphore_mem>>
      %dma_start3A = arith.constant 0 : i32
      %dma_start3A_55 = tpu.memref_slice %arg5[%arg0, %add3A_54, %dma_start3A] : memref<2x10240x128xf32, #tpu.memory_space<hbm>> -> memref<1x128x128xf32, #tpu.memory_space<hbm>>
      %dma_start3A_56 = tpu.memref_squeeze %dma_start3A_55 : memref<1x128x128xf32, #tpu.memory_space<hbm>> -> memref<128x128xf32, #tpu.memory_space<hbm>>
      %dma_start3A_57 = arith.constant 0 : i32
      %dma_start3A_58 = tpu.memref_slice %arg10[%add3A_54, %dma_start3A_57] : memref<10240x128xf32, #tpu.memory_space<vmem_shared>> -> memref<128x128xf32, #tpu.memory_space<vmem_shared>>
      tpu.enqueue_dma source(%dma_start3A_58 : memref<128x128xf32, #tpu.memory_space<vmem_shared>>) target(%dma_start3A_56 : memref<128x128xf32, #tpu.memory_space<hbm>>) target_semaphore(%run_scoped3A : memref<!tpu.dma_semaphore, #tpu.memory_space<semaphore_mem>>)
      %dma_wait3A = arith.constant 0 : i32
      %dma_wait3A_59 = tpu.memref_slice %arg5[%arg0, %add3A_54, %dma_wait3A] : memref<2x10240x128xf32, #tpu.memory_space<hbm>> -> memref<1x128x128xf32, #tpu.memory_space<hbm>>
      %dma_wait3A_60 = tpu.memref_squeeze %dma_wait3A_59 : memref<1x128x128xf32, #tpu.memory_space<hbm>> -> memref<128x128xf32, #tpu.memory_space<hbm>>
      %dma_wait3A_61 = arith.constant 0 : i32
      %dma_wait3A_62 = tpu.memref_slice %arg10[%add3A_54, %dma_wait3A_61] : memref<10240x128xf32, #tpu.memory_space<vmem_shared>> -> memref<128x128xf32, #tpu.memory_space<vmem_shared>>
      tpu.wait_dma2 semaphore(%run_scoped3A : memref<!tpu.dma_semaphore, #tpu.memory_space<semaphore_mem>>) src(%dma_wait3A_62 : memref<128x128xf32, #tpu.memory_space<vmem_shared>>) dst(%dma_wait3A_60 : memref<128x128xf32, #tpu.memory_space<hbm>>)
      tpu.yield
    }) : () -> ()
    return
  }
}

module attributes {stable_mosaic.version = 14 : i64} {
  func.func @gcn_mm1_tc(%arg0: i32, %arg1: memref<1280x128xf32, #tpu.memory_space<vmem>>, %arg2: memref<128x128xf32, #tpu.memory_space<vmem>>, %arg3: memref<1280x128xf32, #tpu.memory_space<vmem>>) attributes {dimension_semantics = [#tpu.dimension_semantics<arbitrary>], iteration_bounds = array<i64: 8>, scalar_prefetch = 0 : i64, scratch_operands = 0 : i64, tpu.core_type = #tpu.core_type<tc>, window_params = [{transform_indices = @transform_0, window_bounds = array<i64: 1280, 128>}, {pipeline_mode = #tpu.pipeline_mode<synchronous>, transform_indices = @transform_1, window_bounds = array<i64: 128, 128>}, {transform_indices = @transform_2, window_bounds = array<i64: 1280, 128>}]} {
    %get3A = arith.constant 0 : index
    %get3A_0 = arith.constant 0 : index
    %get3A_1 = vector.load %arg1[%get3A, %get3A_0] : memref<1280x128xf32, #tpu.memory_space<vmem>>, vector<1280x128xf32>
    %get3A_2 = arith.constant 0 : index
    %get3A_3 = arith.constant 0 : index
    %get3A_4 = vector.load %arg2[%get3A_2, %get3A_3] : memref<128x128xf32, #tpu.memory_space<vmem>>, vector<128x128xf32>
    %dot_general3A = arith.constant dense<0.000000e+00> : vector<1280x128xf32>
    %dot_general3A_5 = tpu.matmul %get3A_1, %get3A_4, %dot_general3A {dimension_numbers = #tpu.dot_dimension_numbers<[1], [0], [0], [1], [0, 0, 1, 1], [], []>, transpose_lhs_hint = false} : vector<1280x128xf32>, vector<128x128xf32>, vector<1280x128xf32> -> vector<1280x128xf32>
    %swap3A = arith.constant 0 : index
    %swap3A_6 = arith.constant 0 : index
    %swap3A_7 = vector.load %arg3[%swap3A, %swap3A_6] : memref<1280x128xf32, #tpu.memory_space<vmem>>, vector<1280x128xf32>
    tpu.vector_store %arg3[%swap3A, %swap3A_6], %dot_general3A_5 {strides = array<i32>} : memref<1280x128xf32, #tpu.memory_space<vmem>>, vector<1280x128xf32>,
    return
  }
  func.func @transform_0(%arg0: i32) -> (i32, i32) {
    %c0_i32 = arith.constant 0 : i32
    %c0_i32_0 = arith.constant 0 : i32
    return %arg0, %c0_i32 : i32, i32
  }
  func.func @transform_1(%arg0: i32) -> (i32, i32) {
    %c0_i32 = arith.constant 0 : i32
    %c0_i32_0 = arith.constant 0 : i32
    %c0_i32_1 = arith.constant 0 : i32
    return %c0_i32, %c0_i32_0 : i32, i32
  }
  func.func @transform_2(%arg0: i32) -> (i32, i32) {
    %c0_i32 = arith.constant 0 : i32
    %c0_i32_0 = arith.constant 0 : i32
    return %arg0, %c0_i32 : i32, i32
  }
}

module attributes {stable_mosaic.version = 14 : i64} {
  func.func @gcn_stage1_tc(%arg0: i32, %arg1: memref<1280x1xf32, #tpu.memory_space<vmem>>, %arg2: memref<1280x1xf32, #tpu.memory_space<vmem>>, %arg3: memref<1280x128xf32, #tpu.memory_space<vmem>>, %arg4: memref<1280x1xf32, #tpu.memory_space<vmem>>, %arg5: memref<1280x128xf32, #tpu.memory_space<vmem>>) attributes {dimension_semantics = [#tpu.dimension_semantics<arbitrary>], iteration_bounds = array<i64: 8>, scalar_prefetch = 0 : i64, scratch_operands = 0 : i64, tpu.core_type = #tpu.core_type<tc>, window_params = [{transform_indices = @transform_0, window_bounds = array<i64: 1280, 1>}, {transform_indices = @transform_1, window_bounds = array<i64: 1280, 1>}, {transform_indices = @transform_2, window_bounds = array<i64: 1280, 128>}, {transform_indices = @transform_3, window_bounds = array<i64: 1280, 1>}, {transform_indices = @transform_4, window_bounds = array<i64: 1280, 128>}]} {
    %get3A = arith.constant 0 : index
    %get3A_0 = arith.constant 0 : index
    %get3A_1 = vector.load %arg1[%get3A, %get3A_0] : memref<1280x1xf32, #tpu.memory_space<vmem>>, vector<1280x1xf32>
    %get3A_2 = arith.constant 0 : index
    %get3A_3 = arith.constant 0 : index
    %get3A_4 = vector.load %arg2[%get3A_2, %get3A_3] : memref<1280x1xf32, #tpu.memory_space<vmem>>, vector<1280x1xf32>
    %add3A = arith.addf %get3A_1, %get3A_4 : vector<1280x1xf32>
    %add3A_5 = arith.constant 1.000000e+00 : f32
    %add3A_6 = vector.broadcast %add3A_5 : f32 to vector<1280x1xf32>
    %add3A_7 = arith.addf %add3A, %add3A_6 : vector<1280x1xf32>
    %rsqrt3A = math.rsqrt %add3A_7 : vector<1280x1xf32>
    %swap3A = arith.constant 0 : index
    %swap3A_8 = arith.constant 0 : index
    %swap3A_9 = vector.load %arg4[%swap3A, %swap3A_8] : memref<1280x1xf32, #tpu.memory_space<vmem>>, vector<1280x1xf32>
    tpu.vector_store %arg4[%swap3A, %swap3A_8], %rsqrt3A {strides = array<i32>} : memref<1280x1xf32, #tpu.memory_space<vmem>>, vector<1280x1xf32>,
    %get3A_10 = arith.constant 0 : index
    %get3A_11 = arith.constant 0 : index
    %get3A_12 = vector.load %arg3[%get3A_10, %get3A_11] : memref<1280x128xf32, #tpu.memory_space<vmem>>, vector<1280x128xf32>
    %mul3A = vector.broadcast %rsqrt3A : vector<1280x1xf32> to vector<1280x128xf32>
    %mul3A_13 = arith.mulf %get3A_12, %mul3A : vector<1280x128xf32>
    %swap3A_14 = arith.constant 0 : index
    %swap3A_15 = arith.constant 0 : index
    %swap3A_16 = vector.load %arg5[%swap3A_14, %swap3A_15] : memref<1280x128xf32, #tpu.memory_space<vmem>>, vector<1280x128xf32>
    tpu.vector_store %arg5[%swap3A_14, %swap3A_15], %mul3A_13 {strides = array<i32>} : memref<1280x128xf32, #tpu.memory_space<vmem>>, vector<1280x128xf32>,
    return
  }
  func.func @transform_0(%arg0: i32) -> (i32, i32) {
    %c0_i32 = arith.constant 0 : i32
    %c0_i32_0 = arith.constant 0 : i32
    return %arg0, %c0_i32 : i32, i32
  }
  func.func @transform_1(%arg0: i32) -> (i32, i32) {
    %c0_i32 = arith.constant 0 : i32
    %c0_i32_0 = arith.constant 0 : i32
    return %arg0, %c0_i32 : i32, i32
  }
  func.func @transform_2(%arg0: i32) -> (i32, i32) {
    %c0_i32 = arith.constant 0 : i32
    %c0_i32_0 = arith.constant 0 : i32
    return %arg0, %c0_i32 : i32, i32
  }
  func.func @transform_3(%arg0: i32) -> (i32, i32) {
    %c0_i32 = arith.constant 0 : i32
    %c0_i32_0 = arith.constant 0 : i32
    return %arg0, %c0_i32 : i32, i32
  }
  func.func @transform_4(%arg0: i32) -> (i32, i32) {
    %c0_i32 = arith.constant 0 : i32
    %c0_i32_0 = arith.constant 0 : i32
    return %arg0, %c0_i32 : i32, i32
  }
}

module attributes {stable_mosaic.version = 14 : i64} {
  func.func @gcn_stage2_tc(%arg0: i32, %arg1: memref<1280x128xf32, #tpu.memory_space<vmem>>, %arg2: memref<1280x128xf32, #tpu.memory_space<vmem>>, %arg3: memref<1280x128xf32, #tpu.memory_space<vmem>>, %arg4: memref<1280x1xf32, #tpu.memory_space<vmem>>, %arg5: memref<1x128xf32, #tpu.memory_space<vmem>>, %arg6: memref<1x128xf32, #tpu.memory_space<vmem>>, %arg7: memref<1x128xf32, #tpu.memory_space<vmem>>, %arg8: memref<128x128xf32, #tpu.memory_space<vmem>>, %arg9: memref<1280x128xf32, #tpu.memory_space<vmem>>) attributes {dimension_semantics = [#tpu.dimension_semantics<arbitrary>], iteration_bounds = array<i64: 8>, scalar_prefetch = 0 : i64, scratch_operands = 0 : i64, tpu.core_type = #tpu.core_type<tc>, window_params = [{transform_indices = @transform_0, window_bounds = array<i64: 1280, 128>}, {transform_indices = @transform_1, window_bounds = array<i64: 1280, 128>}, {transform_indices = @transform_2, window_bounds = array<i64: 1280, 128>}, {transform_indices = @transform_3, window_bounds = array<i64: 1280, 1>}, {pipeline_mode = #tpu.pipeline_mode<synchronous>, transform_indices = @transform_4, window_bounds = array<i64: 1, 128>}, {pipeline_mode = #tpu.pipeline_mode<synchronous>, transform_indices = @transform_5, window_bounds = array<i64: 1, 128>}, {pipeline_mode = #tpu.pipeline_mode<synchronous>, transform_indices = @transform_6, window_bounds = array<i64: 1, 128>}, {pipeline_mode = #tpu.pipeline_mode<synchronous>, transform_indices = @transform_7, window_bounds = array<i64: 128, 128>}, {transform_indices = @transform_8, window_bounds = array<i64: 1280, 128>}]} {
    %get3A = arith.constant 0 : index
    %get3A_0 = arith.constant 0 : index
    %get3A_1 = vector.load %arg4[%get3A, %get3A_0] : memref<1280x1xf32, #tpu.memory_space<vmem>>, vector<1280x1xf32>
    %get3A_2 = arith.constant 0 : index
    %get3A_3 = arith.constant 0 : index
    %get3A_4 = vector.load %arg1[%get3A_2, %get3A_3] : memref<1280x128xf32, #tpu.memory_space<vmem>>, vector<1280x128xf32>
    %get3A_5 = arith.constant 0 : index
    %get3A_6 = arith.constant 0 : index
    %get3A_7 = vector.load %arg2[%get3A_5, %get3A_6] : memref<1280x128xf32, #tpu.memory_space<vmem>>, vector<1280x128xf32>
    %add3A = arith.addf %get3A_4, %get3A_7 : vector<1280x128xf32>
    %get3A_8 = arith.constant 0 : index
    %get3A_9 = arith.constant 0 : index
    %get3A_10 = vector.load %arg3[%get3A_8, %get3A_9] : memref<1280x128xf32, #tpu.memory_space<vmem>>, vector<1280x128xf32>
    %add3A_11 = arith.addf %add3A, %get3A_10 : vector<1280x128xf32>
    %mul3A = vector.broadcast %get3A_1 : vector<1280x1xf32> to vector<1280x128xf32>
    %mul3A_12 = arith.mulf %mul3A, %add3A_11 : vector<1280x128xf32>
    %get3A_13 = arith.constant 0 : index
    %get3A_14 = arith.constant 0 : index
    %get3A_15 = vector.load %arg5[%get3A_13, %get3A_14] : memref<1x128xf32, #tpu.memory_space<vmem>>, vector<1x128xf32>
    %add3A_16 = vector.broadcast %get3A_15 : vector<1x128xf32> to vector<1280x128xf32>
    %add3A_17 = arith.addf %mul3A_12, %add3A_16 : vector<1280x128xf32>
    %get3A_18 = arith.constant 0 : index
    %get3A_19 = arith.constant 0 : index
    %get3A_20 = vector.load %arg6[%get3A_18, %get3A_19] : memref<1x128xf32, #tpu.memory_space<vmem>>, vector<1x128xf32>
    %mul3A_21 = arith.constant 0.999994993 : f32
    %mul3A_22 = vector.broadcast %mul3A_21 : f32 to vector<1x128xf32>
    %mul3A_23 = arith.mulf %get3A_20, %mul3A_22 : vector<1x128xf32>
    %mul3A_24 = vector.broadcast %mul3A_23 : vector<1x128xf32> to vector<1280x128xf32>
    %mul3A_25 = arith.mulf %add3A_17, %mul3A_24 : vector<1280x128xf32>
    %get3A_26 = arith.constant 0 : index
    %get3A_27 = arith.constant 0 : index
    %get3A_28 = vector.load %arg7[%get3A_26, %get3A_27] : memref<1x128xf32, #tpu.memory_space<vmem>>, vector<1x128xf32>
    %add3A_29 = vector.broadcast %get3A_28 : vector<1x128xf32> to vector<1280x128xf32>
    %add3A_30 = arith.addf %mul3A_25, %add3A_29 : vector<1280x128xf32>
    %max3A = arith.constant 0.000000e+00 : f32
    %max3A_31 = vector.broadcast %max3A : f32 to vector<1280x128xf32>
    %max3A_32 = arith.maximumf %add3A_30, %max3A_31 : vector<1280x128xf32>
    %get3A_33 = arith.constant 0 : index
    %get3A_34 = arith.constant 0 : index
    %get3A_35 = vector.load %arg8[%get3A_33, %get3A_34] : memref<128x128xf32, #tpu.memory_space<vmem>>, vector<128x128xf32>
    %dot_general3A = arith.constant dense<0.000000e+00> : vector<1280x128xf32>
    %dot_general3A_36 = tpu.matmul %max3A_32, %get3A_35, %dot_general3A {dimension_numbers = #tpu.dot_dimension_numbers<[1], [0], [0], [1], [0, 0, 1, 1], [], []>, transpose_lhs_hint = false} : vector<1280x128xf32>, vector<128x128xf32>, vector<1280x128xf32> -> vector<1280x128xf32>
    %get3A_37 = arith.constant 0 : index
    %get3A_38 = arith.constant 0 : index
    %get3A_39 = vector.load %arg4[%get3A_37, %get3A_38] : memref<1280x1xf32, #tpu.memory_space<vmem>>, vector<1280x1xf32>
    %mul3A_40 = vector.broadcast %get3A_39 : vector<1280x1xf32> to vector<1280x128xf32>
    %mul3A_41 = arith.mulf %dot_general3A_36, %mul3A_40 : vector<1280x128xf32>
    %swap3A = arith.constant 0 : index
    %swap3A_42 = arith.constant 0 : index
    %swap3A_43 = vector.load %arg9[%swap3A, %swap3A_42] : memref<1280x128xf32, #tpu.memory_space<vmem>>, vector<1280x128xf32>
    tpu.vector_store %arg9[%swap3A, %swap3A_42], %mul3A_41 {strides = array<i32>} : memref<1280x128xf32, #tpu.memory_space<vmem>>, vector<1280x128xf32>,
    return
  }
  func.func @transform_0(%arg0: i32) -> (i32, i32) {
    %c0_i32 = arith.constant 0 : i32
    %c0_i32_0 = arith.constant 0 : i32
    return %arg0, %c0_i32 : i32, i32
  }
  func.func @transform_1(%arg0: i32) -> (i32, i32) {
    %c0_i32 = arith.constant 0 : i32
    %c0_i32_0 = arith.constant 0 : i32
    return %arg0, %c0_i32 : i32, i32
  }
  func.func @transform_2(%arg0: i32) -> (i32, i32) {
    %c0_i32 = arith.constant 0 : i32
    %c0_i32_0 = arith.constant 0 : i32
    return %arg0, %c0_i32 : i32, i32
  }
  func.func @transform_3(%arg0: i32) -> (i32, i32) {
    %c0_i32 = arith.constant 0 : i32
    %c0_i32_0 = arith.constant 0 : i32
    return %arg0, %c0_i32 : i32, i32
  }
  func.func @transform_4(%arg0: i32) -> (i32, i32) {
    %c0_i32 = arith.constant 0 : i32
    %c0_i32_0 = arith.constant 0 : i32
    %c0_i32_1 = arith.constant 0 : i32
    return %c0_i32, %c0_i32_0 : i32, i32
  }
  func.func @transform_5(%arg0: i32) -> (i32, i32) {
    %c0_i32 = arith.constant 0 : i32
    %c0_i32_0 = arith.constant 0 : i32
    %c0_i32_1 = arith.constant 0 : i32
    return %c0_i32, %c0_i32_0 : i32, i32
  }
  func.func @transform_6(%arg0: i32) -> (i32, i32) {
    %c0_i32 = arith.constant 0 : i32
    %c0_i32_0 = arith.constant 0 : i32
    %c0_i32_1 = arith.constant 0 : i32
    return %c0_i32, %c0_i32_0 : i32, i32
  }
  func.func @transform_7(%arg0: i32) -> (i32, i32) {
    %c0_i32 = arith.constant 0 : i32
    %c0_i32_0 = arith.constant 0 : i32
    %c0_i32_1 = arith.constant 0 : i32
    return %c0_i32, %c0_i32_0 : i32, i32
  }
  func.func @transform_8(%arg0: i32) -> (i32, i32) {
    %c0_i32 = arith.constant 0 : i32
    %c0_i32_0 = arith.constant 0 : i32
    return %arg0, %c0_i32 : i32, i32
  }
}

module attributes {stable_mosaic.version = 14 : i64} {
  func.func @gcn_stage3_tc(%arg0: i32, %arg1: memref<1280x128xf32, #tpu.memory_space<vmem>>, %arg2: memref<1280x128xf32, #tpu.memory_space<vmem>>, %arg3: memref<1280x128xf32, #tpu.memory_space<vmem>>, %arg4: memref<1280x1xf32, #tpu.memory_space<vmem>>, %arg5: memref<1x128xf32, #tpu.memory_space<vmem>>, %arg6: memref<1x128xf32, #tpu.memory_space<vmem>>, %arg7: memref<1x128xf32, #tpu.memory_space<vmem>>, %arg8: memref<128x128xf32, #tpu.memory_space<vmem>>, %arg9: memref<1x128xf32, #tpu.memory_space<vmem>>, %arg10: memref<128x128xf32, #tpu.memory_space<vmem>>, %arg11: memref<1x128xf32, #tpu.memory_space<vmem>>, %arg12: memref<1280x128xf32, #tpu.memory_space<vmem>>, %arg13: memref<1280x128xf32, #tpu.memory_space<vmem>>) attributes {dimension_semantics = [#tpu.dimension_semantics<arbitrary>], iteration_bounds = array<i64: 8>, scalar_prefetch = 0 : i64, scratch_operands = 0 : i64, tpu.core_type = #tpu.core_type<tc>, window_params = [{transform_indices = @transform_0, window_bounds = array<i64: 1280, 128>}, {transform_indices = @transform_1, window_bounds = array<i64: 1280, 128>}, {transform_indices = @transform_2, window_bounds = array<i64: 1280, 128>}, {transform_indices = @transform_3, window_bounds = array<i64: 1280, 1>}, {pipeline_mode = #tpu.pipeline_mode<synchronous>, transform_indices = @transform_4, window_bounds = array<i64: 1, 128>}, {pipeline_mode = #tpu.pipeline_mode<synchronous>, transform_indices = @transform_5, window_bounds = array<i64: 1, 128>}, {pipeline_mode = #tpu.pipeline_mode<synchronous>, transform_indices = @transform_6, window_bounds = array<i64: 1, 128>}, {pipeline_mode = #tpu.pipeline_mode<synchronous>, transform_indices = @transform_7, window_bounds = array<i64: 128, 128>}, {pipeline_mode = #tpu.pipeline_mode<synchronous>, transform_indices = @transform_8, window_bounds = array<i64: 1, 128>}, {pipeline_mode = #tpu.pipeline_mode<synchronous>, transform_indices = @transform_9, window_bounds = array<i64: 128, 128>}, {pipeline_mode = #tpu.pipeline_mode<synchronous>, transform_indices = @transform_10, window_bounds = array<i64: 1, 128>}, {transform_indices = @transform_11, window_bounds = array<i64: 1280, 128>}, {transform_indices = @transform_12, window_bounds = array<i64: 1280, 128>}]} {
    %get3A = arith.constant 0 : index
    %get3A_0 = arith.constant 0 : index
    %get3A_1 = vector.load %arg4[%get3A, %get3A_0] : memref<1280x1xf32, #tpu.memory_space<vmem>>, vector<1280x1xf32>
    %get3A_2 = arith.constant 0 : index
    %get3A_3 = arith.constant 0 : index
    %get3A_4 = vector.load %arg1[%get3A_2, %get3A_3] : memref<1280x128xf32, #tpu.memory_space<vmem>>, vector<1280x128xf32>
    %get3A_5 = arith.constant 0 : index
    %get3A_6 = arith.constant 0 : index
    %get3A_7 = vector.load %arg2[%get3A_5, %get3A_6] : memref<1280x128xf32, #tpu.memory_space<vmem>>, vector<1280x128xf32>
    %add3A = arith.addf %get3A_4, %get3A_7 : vector<1280x128xf32>
    %get3A_8 = arith.constant 0 : index
    %get3A_9 = arith.constant 0 : index
    %get3A_10 = vector.load %arg3[%get3A_8, %get3A_9] : memref<1280x128xf32, #tpu.memory_space<vmem>>, vector<1280x128xf32>
    %add3A_11 = arith.addf %add3A, %get3A_10 : vector<1280x128xf32>
    %mul3A = vector.broadcast %get3A_1 : vector<1280x1xf32> to vector<1280x128xf32>
    %mul3A_12 = arith.mulf %mul3A, %add3A_11 : vector<1280x128xf32>
    %get3A_13 = arith.constant 0 : index
    %get3A_14 = arith.constant 0 : index
    %get3A_15 = vector.load %arg5[%get3A_13, %get3A_14] : memref<1x128xf32, #tpu.memory_space<vmem>>, vector<1x128xf32>
    %add3A_16 = vector.broadcast %get3A_15 : vector<1x128xf32> to vector<1280x128xf32>
    %add3A_17 = arith.addf %mul3A_12, %add3A_16 : vector<1280x128xf32>
    %get3A_18 = arith.constant 0 : index
    %get3A_19 = arith.constant 0 : index
    %get3A_20 = vector.load %arg6[%get3A_18, %get3A_19] : memref<1x128xf32, #tpu.memory_space<vmem>>, vector<1x128xf32>
    %mul3A_21 = arith.constant 0.999994993 : f32
    %mul3A_22 = vector.broadcast %mul3A_21 : f32 to vector<1x128xf32>
    %mul3A_23 = arith.mulf %get3A_20, %mul3A_22 : vector<1x128xf32>
    %mul3A_24 = vector.broadcast %mul3A_23 : vector<1x128xf32> to vector<1280x128xf32>
    %mul3A_25 = arith.mulf %add3A_17, %mul3A_24 : vector<1280x128xf32>
    %get3A_26 = arith.constant 0 : index
    %get3A_27 = arith.constant 0 : index
    %get3A_28 = vector.load %arg7[%get3A_26, %get3A_27] : memref<1x128xf32, #tpu.memory_space<vmem>>, vector<1x128xf32>
    %add3A_29 = vector.broadcast %get3A_28 : vector<1x128xf32> to vector<1280x128xf32>
    %add3A_30 = arith.addf %mul3A_25, %add3A_29 : vector<1280x128xf32>
    %swap3A = arith.constant 0 : index
    %swap3A_31 = arith.constant 0 : index
    %swap3A_32 = vector.load %arg12[%swap3A, %swap3A_31] : memref<1280x128xf32, #tpu.memory_space<vmem>>, vector<1280x128xf32>
    tpu.vector_store %arg12[%swap3A, %swap3A_31], %add3A_30 {strides = array<i32>} : memref<1280x128xf32, #tpu.memory_space<vmem>>, vector<1280x128xf32>,
    %get3A_33 = arith.constant 0 : index
    %get3A_34 = arith.constant 0 : index
    %get3A_35 = vector.load %arg8[%get3A_33, %get3A_34] : memref<128x128xf32, #tpu.memory_space<vmem>>, vector<128x128xf32>
    %dot_general3A = arith.constant dense<0.000000e+00> : vector<1280x128xf32>
    %dot_general3A_36 = tpu.matmul %add3A_30, %get3A_35, %dot_general3A {dimension_numbers = #tpu.dot_dimension_numbers<[1], [0], [0], [1], [0, 0, 1, 1], [], []>, transpose_lhs_hint = false} : vector<1280x128xf32>, vector<128x128xf32>, vector<1280x128xf32> -> vector<1280x128xf32>
    %get3A_37 = arith.constant 0 : index
    %get3A_38 = arith.constant 0 : index
    %get3A_39 = vector.load %arg9[%get3A_37, %get3A_38] : memref<1x128xf32, #tpu.memory_space<vmem>>, vector<1x128xf32>
    %add3A_40 = vector.broadcast %get3A_39 : vector<1x128xf32> to vector<1280x128xf32>
    %add3A_41 = arith.addf %dot_general3A_36, %add3A_40 : vector<1280x128xf32>
    %max3A = arith.constant 0.000000e+00 : f32
    %max3A_42 = vector.broadcast %max3A : f32 to vector<1280x128xf32>
    %max3A_43 = arith.maximumf %add3A_41, %max3A_42 : vector<1280x128xf32>
    %get3A_44 = arith.constant 0 : index
    %get3A_45 = arith.constant 0 : index
    %get3A_46 = vector.load %arg10[%get3A_44, %get3A_45] : memref<128x128xf32, #tpu.memory_space<vmem>>, vector<128x128xf32>
    %dot_general3A_47 = arith.constant dense<0.000000e+00> : vector<1280x128xf32>
    %dot_general3A_48 = tpu.matmul %max3A_43, %get3A_46, %dot_general3A_47 {dimension_numbers = #tpu.dot_dimension_numbers<[1], [0], [0], [1], [0, 0, 1, 1], [], []>, transpose_lhs_hint = false} : vector<1280x128xf32>, vector<128x128xf32>, vector<1280x128xf32> -> vector<1280x128xf32>
    %get3A_49 = arith.constant 0 : index
    %get3A_50 = arith.constant 0 : index
    %get3A_51 = vector.load %arg11[%get3A_49, %get3A_50] : memref<1x128xf32, #tpu.memory_space<vmem>>, vector<1x128xf32>
    %add3A_52 = vector.broadcast %get3A_51 : vector<1x128xf32> to vector<1280x128xf32>
    %add3A_53 = arith.addf %dot_general3A_48, %add3A_52 : vector<1280x128xf32>
    %swap3A_54 = arith.constant 0 : index
    %swap3A_55 = arith.constant 0 : index
    %swap3A_56 = vector.load %arg13[%swap3A_54, %swap3A_55] : memref<1280x128xf32, #tpu.memory_space<vmem>>, vector<1280x128xf32>
    tpu.vector_store %arg13[%swap3A_54, %swap3A_55], %add3A_53 {strides = array<i32>} : memref<1280x128xf32, #tpu.memory_space<vmem>>, vector<1280x128xf32>,
    return
  }
  func.func @transform_0(%arg0: i32) -> (i32, i32) {
    %c0_i32 = arith.constant 0 : i32
    %c0_i32_0 = arith.constant 0 : i32
    return %arg0, %c0_i32 : i32, i32
  }
  func.func @transform_1(%arg0: i32) -> (i32, i32) {
    %c0_i32 = arith.constant 0 : i32
    %c0_i32_0 = arith.constant 0 : i32
    return %arg0, %c0_i32 : i32, i32
  }
  func.func @transform_2(%arg0: i32) -> (i32, i32) {
    %c0_i32 = arith.constant 0 : i32
    %c0_i32_0 = arith.constant 0 : i32
    return %arg0, %c0_i32 : i32, i32
  }
  func.func @transform_3(%arg0: i32) -> (i32, i32) {
    %c0_i32 = arith.constant 0 : i32
    %c0_i32_0 = arith.constant 0 : i32
    return %arg0, %c0_i32 : i32, i32
  }
  func.func @transform_4(%arg0: i32) -> (i32, i32) {
    %c0_i32 = arith.constant 0 : i32
    %c0_i32_0 = arith.constant 0 : i32
    %c0_i32_1 = arith.constant 0 : i32
    return %c0_i32, %c0_i32_0 : i32, i32
  }
  func.func @transform_5(%arg0: i32) -> (i32, i32) {
    %c0_i32 = arith.constant 0 : i32
    %c0_i32_0 = arith.constant 0 : i32
    %c0_i32_1 = arith.constant 0 : i32
    return %c0_i32, %c0_i32_0 : i32, i32
  }
  func.func @transform_6(%arg0: i32) -> (i32, i32) {
    %c0_i32 = arith.constant 0 : i32
    %c0_i32_0 = arith.constant 0 : i32
    %c0_i32_1 = arith.constant 0 : i32
    return %c0_i32, %c0_i32_0 : i32, i32
  }
  func.func @transform_7(%arg0: i32) -> (i32, i32) {
    %c0_i32 = arith.constant 0 : i32
    %c0_i32_0 = arith.constant 0 : i32
    %c0_i32_1 = arith.constant 0 : i32
    return %c0_i32, %c0_i32_0 : i32, i32
  }
  func.func @transform_8(%arg0: i32) -> (i32, i32) {
    %c0_i32 = arith.constant 0 : i32
    %c0_i32_0 = arith.constant 0 : i32
    %c0_i32_1 = arith.constant 0 : i32
    return %c0_i32, %c0_i32_0 : i32, i32
  }
  func.func @transform_9(%arg0: i32) -> (i32, i32) {
    %c0_i32 = arith.constant 0 : i32
    %c0_i32_0 = arith.constant 0 : i32
    %c0_i32_1 = arith.constant 0 : i32
    return %c0_i32, %c0_i32_0 : i32, i32
  }
  func.func @transform_10(%arg0: i32) -> (i32, i32) {
    %c0_i32 = arith.constant 0 : i32
    %c0_i32_0 = arith.constant 0 : i32
    %c0_i32_1 = arith.constant 0 : i32
    return %c0_i32, %c0_i32_0 : i32, i32
  }
  func.func @transform_11(%arg0: i32) -> (i32, i32) {
    %c0_i32 = arith.constant 0 : i32
    %c0_i32_0 = arith.constant 0 : i32
    return %arg0, %c0_i32 : i32, i32
  }
  func.func @transform_12(%arg0: i32) -> (i32, i32) {
    %c0_i32 = arith.constant 0 : i32
    %c0_i32_0 = arith.constant 0 : i32
    return %arg0, %c0_i32 : i32, i32
  }
}

</mosaic_0001>

<sc_bundles>
// kernel: gcn_aggregate_sc.11.cloned.1.call-start
scs
__scs_entry_jumppad:
0x0: {  	(pc) =	sbr.rel $0x88, $3  }
0x1: {  	(tag) =	ssettag $0x0;
	lr =	simm.s32 $0x1  }
0x2: {  	[smem:$0x3F93] =	sst lr;
	_ =	strace $0xD0000000  }
0x3: {  	_ = 	snop  }
0x4: {  	_ = 	snop  }
0x5: {  	_ = 	snop  }
0x6: {  	_ = 	snop  }
0x7: {  	_ = 	snop  }
__scs_overlays_trampoline_lowered:
0x8: {  	[smem:$0x3FA2] =	sst s0  }
0x9: {  	[smem:$0x3FA3] =	sst s1  }
0xa: {  	[smem:$0x3FA4] =	sst s2  }
0xb: {  	[smem:$0x3FA5] =	sst s3  }
0xc: {  	[smem:$0x3FA6] =	sst s4  }
0xd: {  	[smem:$0x3FA7] =	sst s5  }
0xe: {  	[smem:$0x3FA8] =	sst s6  }
0xf: {  	[smem:$0x3FA9] =	sst s7  }
0x10: {  	[smem:$0x3FAA] =	sst s8  }
0x11: {  	[smem:$0x3FAB] =	sst s9;
	s0 =	simm.s32 @!p0 $0x0  }
0x12: {  	s1 =	sld [smem:$0x3F91];
	s0 =	simm.s32 @p0 $0x1  }
0x13: {  	[smem:$0x3FAC] =	sst s0;
	s0 =	simm.s32 @!p1 $0x0  }
0x14: {  	s2 =	sld [smem:$0x3F90];
	s0 =	simm.s32 @p1 $0x1  }
0x15: {  	[smem:$0x3FAD] =	sst s0;
	s0 =	simm.s32 @!p2 $0x0  }
0x16: {  	s3 =	sld [smem:$0x3FDB];
	s0 =	simm.s32 @p2 $0x1  }
0x17: {  	s4 =	simm.s32 $0x1BF5;
	[smem:$0x3FAF] =	sst s0  }
0x18: {  	s0 =	sld [smem:$0x3F92];
	_ =	swait.ge [sflag:s4], $0x0  }
0x19: {  	s7 =	sld [smem:$0x3F93]  }
0x1a: {  	s8 =	sadd.s32 $0xFFFFE003, lr  }
0x1b: {  	s9 =	sadd.s32 $0xFFFFFEF7, lr;
	s5 =	simm.s32 $0xFFFFFFFF;
	p2 =	slt.u32 s8, $0xFFFFF086  }
0x1c: {  	p1 =	slt.u32 s9, $0xF7A;
	s5 =	simm.s32 @!p2 $0x0  }
0x1d: {  	s5 =	simm.s32 @p1 $0x1;
	p0 =	seq.s32 s7, s2  }
0x1e: {  	s7 =	smul.u32 @!p0 $0xF7A, s2;
	p2 =	seq.s32 @!p0 s5, $0x0  }
0x1f: {  	s9 =	smul.u32 $0xF7A, s1;
	s8 =	simm.s32 @!p0 $0x1BF5;
	p2 =	por !p2, p0  }
0x20: {  	[sflag:s8] =	ssyncset.s32 @!p0 $0xFFFFF086;
	s6 =	sadd.s32 @!p0 s3, s7;
	s7 =	simm.s32 @!p0 $0x108  }
0x21: {  	s3 =	sadd.s32 s3, s9;
	s6 =	sadd.s32 @!p0 $0x88, s6;
	s7 =	simm.s32 @p2 $0x1082  }
0x22: {  	[simem:s7], [sflag:s8] =	dma.local @!p0 [hbm:s6], $0xF7A  }
0x23: {  	s9 =	sor.u32 $0xD0000000, s2;
	s6 =	simm.s32 $0x108;
	_ =	swait.ge @!p0 [sflag:s8], $0x0  }
0x24: {  	s3 =	sadd.s32 $0x88, s3;
	s6 =	simm.s32 @!p1 $0x1082;
	[sflag:s4] =	ssyncset.s32 $0xFFFFF086  }
0x25: {  	[simem:s6], [sflag:s4] =	dma.local [hbm:s3], $0xF7A  }
0x26: {  	[smem:$0x3F93] =	sst s1;
	(tag) =	ssettag s2;
	_ =	strace s9  }
0x27: {  	s1 =	sld [smem:$0x3FA3]  }
0x28: {  	s2 =	sld [smem:$0x3FA4]  }
0x29: {  	s4 =	sld [smem:$0x3FA6]  }
0x2a: {  	p0 =	seq.s32 s5, $0x0;
	s5 =	sld [smem:$0x3FA7]  }
0x2b: {  	s6 =	sld [smem:$0x3FA8]  }
0x2c: {  	s7 =	sld [smem:$0x3FA9]  }
0x2d: {  	s3 =	simm.s32 $0x108;
	s8 =	sld [smem:$0x3FAA]  }
0x2e: {  	s3 =	simm.s32 @!p0 $0x1082;
	s9 =	sld [smem:$0x3FAB]  }
0x2f: {  	lr =	sadd.s32 s0, s3;
	s0 =	sld [smem:$0x3FA2]  }
0x30: {  	s3 =	sld [smem:$0x3FA5]  }
0x31: {  	[smem:$0x3FAE] =	sst s10  }
0x32: {  	s10 =	sld [smem:$0x3FAC];
	_ =	sdelay $0x3  }
0x33: {  	p0 =	seq.s32 s10, $0x1;
	s10 =	sld [smem:$0x3FAE];
	_ =	sdelay $0x3  }
0x34: {  	[smem:$0x3FAE] =	sst s10  }
0x35: {  	s10 =	sld [smem:$0x3FAD];
	_ =	sdelay $0x3  }
0x36: {  	p1 =	seq.s32 s10, $0x1;
	s10 =	sld [smem:$0x3FAE];
	_ =	sdelay $0x3  }
0x37: {  	[smem:$0x3FAE] =	sst s10  }
0x38: {  	s10 =	sld [smem:$0x3FAF]  }
0x39: {  	_ = 	snop;
	(pc) =	sbr.ind lr, $3  }
0x3a: {  	_ = 	snop  }
0x3b: {  	_ = 	snop  }
0x3c: {  	p2 =	seq.s32 s10, $0x1;
	s10 =	sld [smem:$0x3FAE]  }
0x3d: {  	_ =	shalt  }
0x3e: {  	_ =	shalt  }
0x3f: {  	_ =	shalt  }
0x40: {  	_ =	shalt  }
0x41: {  	_ =	shalt  }
0x42: {  	_ =	shalt  }
0x43: {  	_ =	shalt  }
0x44: {  	_ =	shalt  }
0x45: {  	_ =	shalt  }
0x46: {  	_ =	shalt  }
0x47: {  	_ =	shalt  }
0x48: {  	_ =	shalt  }
0x49: {  	_ =	shalt  }
0x4a: {  	_ =	shalt  }
0x4b: {  	_ =	shalt  }
0x4c: {  	_ =	shalt  }
0x4d: {  	_ =	shalt  }
0x4e: {  	_ =	shalt  }
0x4f: {  	_ =	shalt  }
0x50: {  	_ =	shalt  }
0x51: {  	_ =	shalt  }
0x52: {  	_ =	shalt  }
0x53: {  	_ =	shalt  }
0x54: {  	_ =	shalt  }
0x55: {  	_ =	shalt  }
0x56: {  	_ =	shalt  }
0x57: {  	_ =	shalt  }
0x58: {  	_ =	shalt  }
0x59: {  	_ =	shalt  }
0x5a: {  	_ =	shalt  }
0x5b: {  	_ =	shalt  }
0x5c: {  	_ =	shalt  }
0x5d: {  	_ =	shalt  }
0x5e: {  	_ =	shalt  }
0x5f: {  	_ =	shalt  }
0x60: {  	_ =	shalt  }
0x61: {  	_ =	shalt  }
0x62: {  	_ =	shalt  }
0x63: {  	_ =	shalt  }
0x64: {  	_ =	shalt  }
0x65: {  	_ =	shalt  }
0x66: {  	_ =	shalt  }
0x67: {  	_ =	shalt  }
0x68: {  	_ =	shalt  }
0x69: {  	_ =	shalt  }
0x6a: {  	_ =	shalt  }
0x6b: {  	_ =	shalt  }
0x6c: {  	_ =	shalt  }
0x6d: {  	_ =	shalt  }
0x6e: {  	_ =	shalt  }
0x6f: {  	_ =	shalt  }
0x70: {  	_ =	shalt  }
0x71: {  	_ =	shalt  }
0x72: {  	_ =	shalt  }
0x73: {  	_ =	shalt  }
0x74: {  	_ =	shalt  }
0x75: {  	_ =	shalt  }
0x76: {  	_ =	shalt  }
0x77: {  	_ =	shalt  }
0x78: {  	_ =	shalt  }
0x79: {  	_ =	shalt  }
0x7a: {  	_ =	shalt  }
0x7b: {  	_ =	shalt  }
0x7c: {  	_ =	shalt  }
0x7d: {  	_ =	shalt  }
0x7e: {  	_ =	shalt  }
0x7f: {  	_ =	shalt  }
0x80: {  	_ =	shalt  }
0x81: {  	_ =	shalt  }
0x82: {  	_ =	shalt  }
0x83: {  	_ =	shalt  }
0x84: {  	_ =	shalt  }
0x85: {  	_ =	shalt  }
0x86: {  	_ =	shalt  }
0x87: {  	_ =	shalt  }
.Lfunc_end0:
.L_simem_size_0:
called_computation.2_lowered:
.L_overlay_start_0:
0x88: {  	s2 =	sld [smem:$0x3FD9]  }
0x89: {  	s3 =	sld [smem:$0x3FFE];
	_ =	sdelay $0x1  }
0x8a: {  	s1 =	srdreg.scid  }
0x8b: {  	s0 =	sand.u32 $0x1, s1  }
0x8c: {  	s14 =	sshll.u32 s0, $0xA;
	s2 =	sadd.s32 s3, s2  }
0x8d: {  	s2 =	sadd.s32 s2, s14  }
0x8e: {  	[smem:$0x3FBA] =	sst s2  }
0x8f: {  	_ = 	snop  }
0x90: {  	s2 =	sld [smem:$0x3FD0];
	_ =	sdelay $0x2  }
0x91: {  	s15 =	simm.s32 $0xA;
	s4 =	simm.s32 $0x10  }
0x92: {  	[smem:s4], [sflag:s15] =	dma.local [hbm:s2], $0x1  }
0x93: {  	_ =	swait.eq [sflag:s15], $0x1  }
0x94: {  	[sflag:s15] =	ssyncset.done $0x0  }
0x95: {  	[sflag:s15] =	ssyncadd.s32 $0xFFFFFFFF  }
0x96: {  	s16 =	sld [smem:$0x10];
	(tm) =	ssettm $0x1  }
0x97: {  	s17 =	sld [smem:$0x3FFB];
	_ =	sdelay $0x3  }
0x98: {  	_ =	strace s17  }
0x99: {  	s3 =	sld [smem:$0x3FFC];
	_ =	sdelay $0x3  }
0x9a: {  	_ =	strace s3  }
0x9b: {  	s3 =	sld [smem:$0x3FFD];
	_ =	sdelay $0x3  }
0x9c: {  	_ =	strace s3  }
0x9d: {  	_ =	strace $0x8FFFFFFF  }
0x9e: {  	s18 =	sld [smem:$0x3FDB];
	_ =	sdelay $0x1  }
0x9f: {  	s19 =	simm.s32 $_scs_section_size  }
0xa0: {  	s5 =	simm.s32 $_size__tile_overlayer_lowered;
	s6 =	simm.s32 $_tile_overlayer_lowered  }
0xa1: {  	s22 =	simm.s32 $0x1BFF;
	s21 =	sshll.u32 s6, $0x1;
	s3 =	sadd.s32 s19, s18  }
0xa2: {  	s7 =	simm.s32 $0x0;
	s20 =	sshll.u32 s5, $0x1;
	s5 =	sadd.s32 s21, s3  }
0xa3: {  	[timem:s7], [sflag:s22] =	dma.local [hbm:s5], s20  }
0xa4: {  	_ =	swait.ge [sflag:s22], s20  }
0xa5: {  	s4 =	ssub.s32 $0x0, s20;
	[sflag:s22] =	ssyncset.done $0x0  }
0xa6: {  	[sflag:s22] =	ssyncadd.s32 s4;
	_ =	sdelay $0x1  }
0xa7: {  	s23 =	simm.s32 $0x1B8B  }
0xa8: {  	_ =	swait.ge [sflag:s23], $0x1  }
0xa9: {  	[sflag:s23] =	ssyncset.done $0x0  }
0xaa: {  	s25 =	simm.s32 $0x1B8E;
	s24 =	sld [smem:$0x3FFE];
	[sflag:s23] =	ssyncadd.s32 $0xFFFFFFFF  }
0xab: {  	s26 =	simm.s32 $execute0_lowered;
	[smem:$0x3FD2] =	sst s25  }
0xac: {  	s5 =	sshll.u32 s26, $0x1;
	_ =	strace $0x8000004C;
	[dreg:$0x1] =	wrdreg $0xFFFFFFFF  }
0xad: {  	s28 =	simm.s32 $_size_execute0_lowered;
	s3 =	sadd.s32 s3, s5;
	[dreg:$0x0] =	wrdreg $0x0  }
0xae: {  	s5 =	sshll.u32 s28, $0x1;
	[dreg:$0x2] =	wrdreg s3  }
0xaf: {  	[dreg:$0x3] =	wrdreg s5  }
0xb0: {  	[dreg:$0x4] =	wrdreg $0xC0  }
0xb1: {  	_ =	task [dreg:s7], $0x5FFFF  }
0xb2: {  	[dreg:$0x1] =	wrdreg $0xFFFFFFFF  }
0xb3: {  	[dreg:$0x0] =	wrdreg $0x60  }
0xb4: {  	[dreg:$0x2] =	wrdreg s24  }
0xb5: {  	[dreg:$0x3] =	wrdreg s16  }
0xb6: {  	[dreg:$0x4] =	wrdreg $0x88000  }
0xb7: {  	[dreg:$0x5] =	wrdreg $0x9  }
0xb8: {  	_ =	task.clear_ibuf [dreg:s7], $0x6FFFF;
	_ =	strace $0x9000004C  }
0xb9: {  	s29 =	simm.s32 $0x9;
	_ =	strace $0x8000004E  }
0xba: {  	_ =	swait.ge [sflag:s29], $0x1  }
0xbb: {  	[sflag:s29] =	ssyncadd.s32 $0xFFFFFFFF  }
0xbc: {  	_ =	strace $0x9000004E  }
0xbd: {  	_ =	sfence  }
0xbe: {  	s30 =	sld [smem:$0x0];
	_ =	sdelay $0x2  }
0xbf: {  	s31 =	sshll.u32 s1, $0xD;
	s1 =	sshrl.u32 s1, $0x2  }
0xc0: {  	s3 =	sand.u32 $0x4000, s31;
	s1 =	sadd.s32 s1, s30  }
0xc1: {  	s0 =	sor.u32 s3, s0;
	s1 =	sshll.u32 s1, $0x11  }
0xc2: {  	s0 =	sor.u32 s1, s0  }
0xc3: {  	s0 =	sadd.s32 $0x8F2B, s0  }
0xc4: {  	[sflag:s0] =	ssyncadd.remote.s32 $0x1  }
0xc5: {  	_ =	sfence.sel $0xFFFF  }
0xc6: {  	[dreg:$0x0] =	wrdreg $0xFFFFFFFF;
	(pc) =	sbr.abs _section_cstart, $3  }
0xc7: {  	[dreg:$0x1] =	wrdreg $0xFFFFFFFF  }
0xc8: {  	_ =	task.clear_ibuf [dreg:s7], $0x2FFFF;
	_ =	strace $0x9FFFFFFF  }
0xc9: {  	(tm) =	ssettm $0x7FFFFFFF  }
tec
execute0_lowered:
.L_overlay_start_1:
0x0: {  	(tag) =	ssettag $0x1  }
0x1: {  	s0 =	rddreg [dreg:$0x0];
	s1 =	srdreg.scid  }
0x2: {  	s5 =	rddreg [dreg:$0x1];
	s11 =	stileid.u32  }
0x3: {  	s2 =	rddreg [dreg:$0x2];
	s3 =	simm.s32 $0x0;
	s6 =	smul.u32 $0x2800, s11  }
0x4: {  	s28 =	simm.s32 $0x180;
	s29 =	simm.s32 $0x500;
	s7 =	smul.u32 $0x50000, s11  }
0x5: {  	s30 =	simm.s32 $0x200;
	s1 =	sand.u32 $0x1, s1;
	s11 =	smul.u32 $0x14000, s11  }
0x6: {  	s31 =	simm.s32 $0x580;
	[smem:$0x7FF] =	sst s3;
	s4 =	smul.u32 $0x28000, s1  }
0x7: {  	_ =	strace $0x8000004D;
	s8 =	ssub.s32 $0x2, s1;
	s1 =	smul.u32 $0x140000, s1  }
0x8: {  	s9 =	sshrl.u32 s8, $0x1;
	s7 =	sshrl.u32 s7, $0x2;
	s17 =	sadd.s32 $0x4000, s11  }
0x9: {  	s13 =	sadd.s32 $0x8000, s11;
	s14 =	sadd.s32 $0xC000, s11;
	s4 =	sadd.s32 s6, s4  }
0xa: {  	s12 =	ssub.s32 s8, s9;
	s8 =	sadd.s32 s7, s2;
	s18 =	sadd.s32 s17, s2  }
0xb: {  	s19 =	sadd.s32 s13, s2;
	s20 =	sadd.s32 s14, s2;
	s21 =	sadd.s32 s11, s1  }
0xc: {  	s7 =	sadd.s32 s1, s17;
	s11 =	sadd.s32 $0x10000, s11;
	s22 =	sadd.s32 s1, s13  }
0xd: {  	s23 =	sadd.s32 s1, s14;
	s13 =	simm.s32 $0x700;
	[dreg:$0x5] =	wrdreg s18  }
0xe: {  	s14 =	simm.s32 $0x780;
	s6 =	sshrl.u32 s4, $0x3;
	[dreg:$0x6] =	wrdreg s19  }
0xf: {  	s4 =	sadd.s32 $0x3E00, s0;
	[dreg:$0x7] =	wrdreg s20;
	s15 =	sshrl.u32 s21, $0x3  }
0x10: {  	s7 =	sshrl.u32 s7, $0x3;
	s9 =	sadd.s32 s11, s2;
	s1 =	sadd.s32 s1, s11  }
0x11: {  	s24 =	sshrl.u32 s23, $0x3;
	s26 =	smax.u32 s12, $0x1;
	s18 =	simm.s32 $0x800  }
0x12: {  	s19 =	simm.s32 $0x3;
	s20 =	simm.s32 $0x400;
	s21 =	simm.s32 $0x80  }
0x13: {  	s23 =	simm.s32 $0x1;
	s11 =	simm.s32 $0x680;
	s12 =	simm.s32 $0x380  }
0x14: {  	[dreg:$0x4] =	wrdreg s8;
	s10 =	sadd.s32 s6, s0;
	s0 =	sadd.s32 $0x85E00, s0  }
0x15: {  	s1 =	sshrl.u32 s1, $0x3;
	[dreg:$0xe] =	wrdreg s26;
	s16 =	sadd.s32 s6, s5  }
0x16: {  	s26 =	simm.s32 $0x480;
	[dreg:$0x8] =	wrdreg s9;
	s15 =	sadd.s32 s0, s15  }
0x17: {  	s7 =	sadd.s32 s0, s7;
	s25 =	sadd.s32 s0, s24;
	[dreg:$0x9] =	wrdreg s15  }
0x18: {  	s17 =	sadd.s32 $0x7BE00, s10;
	s24 =	simm.s32 $0x100;
	[dreg:$0xa] =	wrdreg s7  }
0x19: {  	s10 =	simm.s32 $0x300;
	s7 =	sshrl.u32 s22, $0x3;
	[dreg:$0xc] =	wrdreg s25  }
0x1a: {  	s22 =	simm.s32 $0x4800;
	s25 =	simm.s32 $0x2;
	s7 =	sadd.s32 s0, s7  }
0x1b: {  	s15 =	simm.s32 $0x0;
	s0 =	sadd.s32 s0, s1;
	[dreg:$0xb] =	wrdreg s7  }
0x1c: {  	v0 =	vimm.f32 $0.0e+00;
	s1 =	simm.s32 $0x280;
	[dreg:$0xd] =	wrdreg s0;
	s0 =	simm.s32 $0x600  }
.LBB2_1:
0x1d: {  	s5 =	simm.s32 $0x0;
	s6 =	simm.s32 $0x200  }
.LBB2_2:
0x1e: {  	p0 =	sne.s32 s6, $0xFE00;
	[tilespmem:s5+$0x870] =	vst v0  }
0x1f: {  	[tilespmem:s5+$0x800] =	vst v0  }
0x20: {  	[tilespmem:s5+$0x810] =	vst v0  }
.Ltmp0:
0x21: {  	[tilespmem:s5+$0x820] =	vst v0;
	(pc) =	sbr.rel @p0 .LBB2_2-.Ltmp0, $4  }
0x22: {  	[tilespmem:s5+$0x830] =	vst v0  }
0x23: {  	[tilespmem:s5+$0x840] =	vst v0  }
0x24: {  	[tilespmem:s5+$0x850] =	vst v0  }
0x25: {  	[tilespmem:s5+$0x860] =	vst v0;
	s5 =	sshra.s32 s6, $0x2;
	s6 =	sadd.s32 $0x200, s6  }
0x26: {  	[tilespmem:s5+$0x870] =	vst v0  }
0x27: {  	[tilespmem:s5+$0x800] =	vst v0  }
0x28: {  	[tilespmem:s5+$0x810] =	vst v0  }
0x29: {  	[tilespmem:s5+$0x820] =	vst v0  }
0x2a: {  	[tilespmem:s5+$0x830] =	vst v0  }
0x2b: {  	[tilespmem:s5+$0x840] =	vst v0  }
0x2c: {  	[tilespmem:s5+$0x850] =	vst v0  }
0x2d: {  	[tilespmem:s5+$0x860] =	vst v0  }
0x2e: {  	[spmem:s8] =	stream.linear.scatter [tilespmem:s18], [sflag:$0x3], $0x4000, $0x38;
	[tilespmem:$0x1C800] =	vst v63  }
0x2f: {  	_ =	swait.ge [sflag:s19], $0x4000  }
0x30: {  	[sflag:s19] =	ssyncset.done $0x0  }
0x31: {  	s8 =	rddreg [dreg:$0x5];
	[sflag:s19] =	ssyncadd.s32 $0xFFFFC000  }
0x32: {  	[spmem:s8] =	stream.linear.scatter [tilespmem:s18], [sflag:$0x3], $0x4000, $0x38;
	[tilespmem:$0x1C800] =	vst v63  }
0x33: {  	_ =	swait.ge [sflag:s19], $0x4000  }
0x34: {  	[sflag:s19] =	ssyncset.done $0x0  }
0x35: {  	s6 =	rddreg [dreg:$0x6];
	[sflag:s19] =	ssyncadd.s32 $0xFFFFC000  }
0x36: {  	[spmem:s6] =	stream.linear.scatter [tilespmem:s18], [sflag:$0x3], $0x4000, $0x38;
	[tilespmem:$0x1C800] =	vst v63  }
0x37: {  	_ =	swait.ge [sflag:s19], $0x4000  }
0x38: {  	[sflag:s19] =	ssyncset.done $0x0  }
0x39: {  	s7 =	rddreg [dreg:$0x7];
	[sflag:s19] =	ssyncadd.s32 $0xFFFFC000  }
0x3a: {  	[spmem:s7] =	stream.linear.scatter [tilespmem:s18], [sflag:$0x3], $0x4000, $0x38;
	[tilespmem:$0x1C800] =	vst v63  }
0x3b: {  	_ =	swait.ge [sflag:s19], $0x4000  }
0x3c: {  	[sflag:s19] =	ssyncset.done $0x0  }
0x3d: {  	[sflag:s19] =	ssyncadd.s32 $0xFFFFC000  }
0x3e: {  	[spmem:s9] =	stream.linear.scatter [tilespmem:s18], [sflag:$0x3], $0x4000, $0x38;
	[tilespmem:$0x1C800] =	vst v63  }
0x3f: {  	_ =	swait.ge [sflag:s19], $0x4000  }
0x40: {  	[sflag:s19] =	ssyncset.done $0x0  }
0x41: {  	[sflag:s19] =	ssyncadd.s32 $0xFFFFC000  }
0x42: {  	s8 =	sadd.s32 $0x0, s17;
	[bflag:$0x0] =	sbarrier.arrive $0xFFFF  }
0x43: {  	[tilespmem:s3], [sflag:$0x3] =	stream.linear.gather [hbm4b:s8+s3], $0x400, $0x38;
	[tilespmem:$0x1C800] =	vst v63  }
0x44: {  	_ =	swait.ge [sflag:s19], $0x400  }
0x45: {  	[sflag:s19] =	ssyncset.done $0x0  }
0x46: {  	s9 =	sadd.s32 $0x0, s16;
	[sflag:s19] =	ssyncadd.s32 $0xFFFFFC00  }
0x47: {  	[tilespmem:s20], [sflag:$0x3] =	stream.linear.gather [hbm4b:s9+s3], $0x400, $0x38;
	[tilespmem:$0x1C800] =	vst v63  }
0x48: {  	_ =	swait.ge [sflag:s19], $0x400  }
0x49: {  	[sflag:s19] =	ssyncset.done $0x0  }
0x4a: {  	[sflag:s19] =	ssyncadd.s32 $0xFFFFFC00  }
0x4b: {  	[tilespmem:s18], [sflag:$0x1] =	stream.indirect.gather [hbm4b:s4+s21], $0x80, s3, s21, $0xb8;
	[tilespmem:$0x1C800] =	vst v63  }
0x4c: {  	_ = 	snop  }
0x4d: {  	[tilespmem:s22], [sflag:$0x2] =	stream.indirect.gather [hbm4b:s4+s21], $0x80, s21, s21, $0xb8;
	[tilespmem:$0x1C800] =	vst v63  }
0x4e: {  	_ =	swait.ge [sflag:s23], $0x4000  }
0x4f: {  	[sflag:s23] =	ssyncset.done $0x0  }
0x50: {  	[sflag:s23] =	ssyncadd.s32 $0xFFFFC000  }
0x51: {  	[spmem:s2] =	stream.indirect.scatter.add.f32 [tilespmem:s18], [sflag:$0x3], $0x80, s20, s21, $0xb8;
	[tilespmem:$0x1C800] =	vst v63  }
0x52: {  	_ =	swait.ge [sflag:s19], $0x4000  }
0x53: {  	[sflag:s19] =	ssyncset.done $0x0  }
0x54: {  	[sflag:s19] =	ssyncadd.s32 $0xFFFFC000  }
0x55: {  	[tilespmem:s18], [sflag:$0x1] =	stream.indirect.gather [hbm4b:s4+s21], $0x80, s24, s21, $0xb8;
	[tilespmem:$0x1C800] =	vst v63  }
0x56: {  	_ =	swait.ge [sflag:s25], $0x4000  }
0x57: {  	[sflag:s25] =	ssyncset.done $0x0  }
0x58: {  	[sflag:s25] =	ssyncadd.s32 $0xFFFFC000  }
0x59: {  	[spmem:s2] =	stream.indirect.scatter.add.f32 [tilespmem:s22], [sflag:$0x3], $0x80, s26, s21, $0xb8;
	[tilespmem:$0x1C800] =	vst v63  }
0x5a: {  	_ =	swait.ge [sflag:s19], $0x4000  }
0x5b: {  	[sflag:s19] =	ssyncset.done $0x0  }
0x5c: {  	[sflag:s19] =	ssyncadd.s32 $0xFFFFC000  }
0x5d: {  	[tilespmem:s22], [sflag:$0x2] =	stream.indirect.gather [hbm4b:s4+s21], $0x80, s28, s21, $0xb8;
	[tilespmem:$0x1C800] =	vst v63  }
0x5e: {  	_ =	swait.ge [sflag:s23], $0x4000  }
0x5f: {  	[sflag:s23] =	ssyncset.done $0x0  }
0x60: {  	[sflag:s23] =	ssyncadd.s32 $0xFFFFC000  }
0x61: {  	[spmem:s2] =	stream.indirect.scatter.add.f32 [tilespmem:s18], [sflag:$0x3], $0x80, s29, s21, $0xb8;
	[tilespmem:$0x1C800] =	vst v63  }
0x62: {  	_ =	swait.ge [sflag:s19], $0x4000  }
0x63: {  	[sflag:s19] =	ssyncset.done $0x0  }
0x64: {  	[sflag:s19] =	ssyncadd.s32 $0xFFFFC000  }
0x65: {  	[tilespmem:s18], [sflag:$0x1] =	stream.indirect.gather [hbm4b:s4+s21], $0x80, s30, s21, $0xb8;
	[tilespmem:$0x1C800] =	vst v63  }
0x66: {  	_ =	swait.ge [sflag:s25], $0x4000  }
0x67: {  	[sflag:s25] =	ssyncset.done $0x0  }
0x68: {  	[sflag:s25] =	ssyncadd.s32 $0xFFFFC000  }
0x69: {  	[spmem:s2] =	stream.indirect.scatter.add.f32 [tilespmem:s22], [sflag:$0x3], $0x80, s31, s21, $0xb8;
	[tilespmem:$0x1C800] =	vst v63  }
0x6a: {  	_ =	swait.ge [sflag:s19], $0x4000  }
0x6b: {  	[sflag:s19] =	ssyncset.done $0x0  }
0x6c: {  	[sflag:s19] =	ssyncadd.s32 $0xFFFFC000  }
0x6d: {  	[tilespmem:s22], [sflag:$0x2] =	stream.indirect.gather [hbm4b:s4+s21], $0x80, s1, s21, $0xb8;
	[tilespmem:$0x1C800] =	vst v63  }
0x6e: {  	_ =	swait.ge [sflag:s23], $0x4000  }
0x6f: {  	[sflag:s23] =	ssyncset.done $0x0  }
0x70: {  	[sflag:s23] =	ssyncadd.s32 $0xFFFFC000  }
0x71: {  	[spmem:s2] =	stream.indirect.scatter.add.f32 [tilespmem:s18], [sflag:$0x3], $0x80, s0, s21, $0xb8;
	[tilespmem:$0x1C800] =	vst v63  }
0x72: {  	_ =	swait.ge [sflag:s19], $0x4000  }
0x73: {  	[sflag:s19] =	ssyncset.done $0x0  }
0x74: {  	[sflag:s19] =	ssyncadd.s32 $0xFFFFC000  }
0x75: {  	[tilespmem:s18], [sflag:$0x1] =	stream.indirect.gather [hbm4b:s4+s21], $0x80, s10, s21, $0xb8;
	[tilespmem:$0x1C800] =	vst v63  }
0x76: {  	_ =	swait.ge [sflag:s25], $0x4000  }
0x77: {  	[sflag:s25] =	ssyncset.done $0x0  }
0x78: {  	[sflag:s25] =	ssyncadd.s32 $0xFFFFC000  }
0x79: {  	[spmem:s2] =	stream.indirect.scatter.add.f32 [tilespmem:s22], [sflag:$0x3], $0x80, s11, s21, $0xb8;
	[tilespmem:$0x1C800] =	vst v63  }
0x7a: {  	_ =	swait.ge [sflag:s19], $0x4000  }
0x7b: {  	[sflag:s19] =	ssyncset.done $0x0  }
0x7c: {  	[sflag:s19] =	ssyncadd.s32 $0xFFFFC000  }
0x7d: {  	[tilespmem:s22], [sflag:$0x2] =	stream.indirect.gather [hbm4b:s4+s21], $0x80, s12, s21, $0xb8;
	[tilespmem:$0x1C800] =	vst v63  }
0x7e: {  	_ =	swait.ge [sflag:s23], $0x4000  }
0x7f: {  	[sflag:s23] =	ssyncset.done $0x0  }
0x80: {  	[sflag:s23] =	ssyncadd.s32 $0xFFFFC000  }
0x81: {  	[spmem:s2] =	stream.indirect.scatter.add.f32 [tilespmem:s18], [sflag:$0x3], $0x80, s13, s21, $0xb8;
	[tilespmem:$0x1C800] =	vst v63  }
0x82: {  	_ =	swait.ge [sflag:s19], $0x4000  }
0x83: {  	[sflag:s19] =	ssyncset.done $0x0  }
0x84: {  	[sflag:s19] =	ssyncadd.s32 $0xFFFFC000  }
0x85: {  	_ =	swait.ge [sflag:s25], $0x4000  }
0x86: {  	[sflag:s25] =	ssyncset.done $0x0  }
0x87: {  	[sflag:s25] =	ssyncadd.s32 $0xFFFFC000  }
0x88: {  	[spmem:s2] =	stream.indirect.scatter.add.f32 [tilespmem:s22], [sflag:$0x3], $0x80, s14, s21, $0xb8;
	[tilespmem:$0x1C800] =	vst v63  }
0x89: {  	_ =	swait.ge [sflag:s19], $0x4000  }
0x8a: {  	s5 =	simm.s32 $0x80;
	s6 =	simm.s32 $0x100;
	[sflag:s19] =	ssyncset.done $0x0  }
.LBB2_4:
0x8b: {  	s8 =	sadd.s32 s5, s17  }
0x8c: {  	[sflag:s19] =	ssyncadd.s32 $0xFFFFC000;
	s9 =	smov.u32 s6;
	s7 =	sadd.s32 $0x80, s6  }
0x8d: {  	[tilespmem:s3], [sflag:$0x3] =	stream.linear.gather [hbm4b:s8+s3], $0x400, $0x38;
	[tilespmem:$0x1C800] =	vst v63  }
0x8e: {  	p0 =	sne.s32 s6, $0x480;
	_ =	swait.ge [sflag:s19], $0x400  }
0x8f: {  	[sflag:s19] =	ssyncset.done $0x0  }
0x90: {  	s6 =	sadd.s32 s5, s16;
	s5 =	smov.u32 s9;
	[sflag:s19] =	ssyncadd.s32 $0xFFFFFC00  }
0x91: {  	[tilespmem:s20], [sflag:$0x3] =	stream.linear.gather [hbm4b:s6+s3], $0x400, $0x38;
	[tilespmem:$0x1C800] =	vst v63  }
0x92: {  	_ =	swait.ge [sflag:s19], $0x400  }
0x93: {  	[sflag:s19] =	ssyncset.done $0x0  }
0x94: {  	[sflag:s19] =	ssyncadd.s32 $0xFFFFFC00  }
0x95: {  	[tilespmem:s18], [sflag:$0x1] =	stream.indirect.gather [hbm4b:s4+s21], $0x80, s3, s21, $0xb8;
	[tilespmem:$0x1C800] =	vst v63  }
0x96: {  	_ = 	snop  }
0x97: {  	[tilespmem:s22], [sflag:$0x2] =	stream.indirect.gather [hbm4b:s4+s21], $0x80, s21, s21, $0xb8;
	[tilespmem:$0x1C800] =	vst v63  }
0x98: {  	_ =	swait.ge [sflag:s23], $0x4000  }
0x99: {  	[sflag:s23] =	ssyncset.done $0x0  }
0x9a: {  	[sflag:s23] =	ssyncadd.s32 $0xFFFFC000  }
0x9b: {  	[spmem:s2] =	stream.indirect.scatter.add.f32 [tilespmem:s18], [sflag:$0x3], $0x80, s20, s21, $0xb8;
	[tilespmem:$0x1C800] =	vst v63  }
0x9c: {  	_ =	swait.ge [sflag:s19], $0x4000  }
0x9d: {  	[sflag:s19] =	ssyncset.done $0x0  }
0x9e: {  	[sflag:s19] =	ssyncadd.s32 $0xFFFFC000  }
0x9f: {  	[tilespmem:s18], [sflag:$0x1] =	stream.indirect.gather [hbm4b:s4+s21], $0x80, s24, s21, $0xb8;
	[tilespmem:$0x1C800] =	vst v63  }
0xa0: {  	_ =	swait.ge [sflag:s25], $0x4000  }
0xa1: {  	[sflag:s25] =	ssyncset.done $0x0  }
0xa2: {  	[sflag:s25] =	ssyncadd.s32 $0xFFFFC000  }
0xa3: {  	[spmem:s2] =	stream.indirect.scatter.add.f32 [tilespmem:s22], [sflag:$0x3], $0x80, s26, s21, $0xb8;
	[tilespmem:$0x1C800] =	vst v63  }
0xa4: {  	_ =	swait.ge [sflag:s19], $0x4000  }
0xa5: {  	[sflag:s19] =	ssyncset.done $0x0  }
0xa6: {  	[sflag:s19] =	ssyncadd.s32 $0xFFFFC000  }
0xa7: {  	[tilespmem:s22], [sflag:$0x2] =	stream.indirect.gather [hbm4b:s4+s21], $0x80, s28, s21, $0xb8;
	[tilespmem:$0x1C800] =	vst v63  }
0xa8: {  	_ =	swait.ge [sflag:s23], $0x4000  }
0xa9: {  	[sflag:s23] =	ssyncset.done $0x0  }
0xaa: {  	[sflag:s23] =	ssyncadd.s32 $0xFFFFC000  }
0xab: {  	[spmem:s2] =	stream.indirect.scatter.add.f32 [tilespmem:s18], [sflag:$0x3], $0x80, s29, s21, $0xb8;
	[tilespmem:$0x1C800] =	vst v63  }
0xac: {  	_ =	swait.ge [sflag:s19], $0x4000  }
0xad: {  	[sflag:s19] =	ssyncset.done $0x0  }
0xae: {  	[sflag:s19] =	ssyncadd.s32 $0xFFFFC000  }
0xaf: {  	[tilespmem:s18], [sflag:$0x1] =	stream.indirect.gather [hbm4b:s4+s21], $0x80, s30, s21, $0xb8;
	[tilespmem:$0x1C800] =	vst v63  }
0xb0: {  	_ =	swait.ge [sflag:s25], $0x4000  }
0xb1: {  	[sflag:s25] =	ssyncset.done $0x0  }
0xb2: {  	[sflag:s25] =	ssyncadd.s32 $0xFFFFC000  }
0xb3: {  	[spmem:s2] =	stream.indirect.scatter.add.f32 [tilespmem:s22], [sflag:$0x3], $0x80, s31, s21, $0xb8;
	[tilespmem:$0x1C800] =	vst v63  }
0xb4: {  	_ =	swait.ge [sflag:s19], $0x4000  }
0xb5: {  	[sflag:s19] =	ssyncset.done $0x0  }
0xb6: {  	[sflag:s19] =	ssyncadd.s32 $0xFFFFC000  }
0xb7: {  	[tilespmem:s22], [sflag:$0x2] =	stream.indirect.gather [hbm4b:s4+s21], $0x80, s1, s21, $0xb8;
	[tilespmem:$0x1C800] =	vst v63  }
0xb8: {  	_ =	swait.ge [sflag:s23], $0x4000  }
0xb9: {  	[sflag:s23] =	ssyncset.done $0x0  }
0xba: {  	[sflag:s23] =	ssyncadd.s32 $0xFFFFC000  }
0xbb: {  	[spmem:s2] =	stream.indirect.scatter.add.f32 [tilespmem:s18], [sflag:$0x3], $0x80, s0, s21, $0xb8;
	[tilespmem:$0x1C800] =	vst v63  }
0xbc: {  	_ =	swait.ge [sflag:s19], $0x4000  }
0xbd: {  	[sflag:s19] =	ssyncset.done $0x0  }
0xbe: {  	[sflag:s19] =	ssyncadd.s32 $0xFFFFC000  }
0xbf: {  	[tilespmem:s18], [sflag:$0x1] =	stream.indirect.gather [hbm4b:s4+s21], $0x80, s10, s21, $0xb8;
	[tilespmem:$0x1C800] =	vst v63  }
0xc0: {  	_ =	swait.ge [sflag:s25], $0x4000  }
0xc1: {  	[sflag:s25] =	ssyncset.done $0x0  }
0xc2: {  	[sflag:s25] =	ssyncadd.s32 $0xFFFFC000  }
0xc3: {  	[spmem:s2] =	stream.indirect.scatter.add.f32 [tilespmem:s22], [sflag:$0x3], $0x80, s11, s21, $0xb8;
	[tilespmem:$0x1C800] =	vst v63  }
0xc4: {  	_ =	swait.ge [sflag:s19], $0x4000  }
0xc5: {  	[sflag:s19] =	ssyncset.done $0x0  }
0xc6: {  	[sflag:s19] =	ssyncadd.s32 $0xFFFFC000  }
0xc7: {  	[tilespmem:s22], [sflag:$0x2] =	stream.indirect.gather [hbm4b:s4+s21], $0x80, s12, s21, $0xb8;
	[tilespmem:$0x1C800] =	vst v63  }
0xc8: {  	_ =	swait.ge [sflag:s23], $0x4000  }
0xc9: {  	[sflag:s23] =	ssyncset.done $0x0  }
0xca: {  	[sflag:s23] =	ssyncadd.s32 $0xFFFFC000  }
0xcb: {  	[spmem:s2] =	stream.indirect.scatter.add.f32 [tilespmem:s18], [sflag:$0x3], $0x80, s13, s21, $0xb8;
	[tilespmem:$0x1C800] =	vst v63  }
0xcc: {  	_ =	swait.ge [sflag:s19], $0x4000  }
0xcd: {  	[sflag:s19] =	ssyncset.done $0x0  }
0xce: {  	[sflag:s19] =	ssyncadd.s32 $0xFFFFC000  }
0xcf: {  	_ =	swait.ge [sflag:s25], $0x4000  }
.Ltmp1:
0xd0: {  	[sflag:s25] =	ssyncset.done $0x0;
	(pc) =	sbr.rel @p0 .LBB2_4-.Ltmp1, $4  }
0xd1: {  	[sflag:s25] =	ssyncadd.s32 $0xFFFFC000  }
0xd2: {  	[spmem:s2] =	stream.indirect.scatter.add.f32 [tilespmem:s22], [sflag:$0x3], $0x80, s14, s21, $0xb8;
	[tilespmem:$0x1C800] =	vst v63  }
0xd3: {  	_ =	swait.ge [sflag:s19], $0x4000  }
0xd4: {  	s6 =	smov.u32 s7;
	[sflag:s19] =	ssyncset.done $0x0  }
0xd5: {  	s6 =	sadd.s32 s5, s17;
	[sflag:s19] =	ssyncadd.s32 $0xFFFFC000  }
0xd6: {  	[tilespmem:s3], [sflag:$0x3] =	stream.linear.gather [hbm4b:s6+s3], $0x400, $0x38;
	[tilespmem:$0x1C800] =	vst v63  }
0xd7: {  	_ =	swait.ge [sflag:s19], $0x400  }
0xd8: {  	[sflag:s19] =	ssyncset.done $0x0  }
0xd9: {  	s7 =	sadd.s32 s5, s16;
	[sflag:s19] =	ssyncadd.s32 $0xFFFFFC00  }
0xda: {  	[tilespmem:s20], [sflag:$0x3] =	stream.linear.gather [hbm4b:s7+s3], $0x400, $0x38;
	[tilespmem:$0x1C800] =	vst v63  }
0xdb: {  	_ =	swait.ge [sflag:s19], $0x400  }
0xdc: {  	[sflag:s19] =	ssyncset.done $0x0  }
0xdd: {  	[sflag:s19] =	ssyncadd.s32 $0xFFFFFC00  }
0xde: {  	[tilespmem:s18], [sflag:$0x1] =	stream.indirect.gather [hbm4b:s4+s21], $0x80, s3, s21, $0xb8;
	[tilespmem:$0x1C800] =	vst v63  }
0xdf: {  	_ = 	snop  }
0xe0: {  	[tilespmem:s22], [sflag:$0x2] =	stream.indirect.gather [hbm4b:s4+s21], $0x80, s21, s21, $0xb8;
	[tilespmem:$0x1C800] =	vst v63  }
0xe1: {  	_ =	swait.ge [sflag:s23], $0x4000  }
0xe2: {  	[sflag:s23] =	ssyncset.done $0x0  }
0xe3: {  	[sflag:s23] =	ssyncadd.s32 $0xFFFFC000  }
0xe4: {  	[spmem:s2] =	stream.indirect.scatter.add.f32 [tilespmem:s18], [sflag:$0x3], $0x80, s20, s21, $0xb8;
	[tilespmem:$0x1C800] =	vst v63  }
0xe5: {  	_ =	swait.ge [sflag:s19], $0x4000  }
0xe6: {  	[sflag:s19] =	ssyncset.done $0x0  }
0xe7: {  	[sflag:s19] =	ssyncadd.s32 $0xFFFFC000  }
0xe8: {  	[tilespmem:s18], [sflag:$0x1] =	stream.indirect.gather [hbm4b:s4+s21], $0x80, s24, s21, $0xb8;
	[tilespmem:$0x1C800] =	vst v63  }
0xe9: {  	_ =	swait.ge [sflag:s25], $0x4000  }
0xea: {  	[sflag:s25] =	ssyncset.done $0x0  }
0xeb: {  	[sflag:s25] =	ssyncadd.s32 $0xFFFFC000  }
0xec: {  	[spmem:s2] =	stream.indirect.scatter.add.f32 [tilespmem:s22], [sflag:$0x3], $0x80, s26, s21, $0xb8;
	[tilespmem:$0x1C800] =	vst v63  }
0xed: {  	_ =	swait.ge [sflag:s19], $0x4000  }
0xee: {  	[sflag:s19] =	ssyncset.done $0x0  }
0xef: {  	[sflag:s19] =	ssyncadd.s32 $0xFFFFC000  }
0xf0: {  	[tilespmem:s22], [sflag:$0x2] =	stream.indirect.gather [hbm4b:s4+s21], $0x80, s28, s21, $0xb8;
	[tilespmem:$0x1C800] =	vst v63  }
0xf1: {  	_ =	swait.ge [sflag:s23], $0x4000  }
0xf2: {  	[sflag:s23] =	ssyncset.done $0x0  }
0xf3: {  	[sflag:s23] =	ssyncadd.s32 $0xFFFFC000  }
0xf4: {  	[spmem:s2] =	stream.indirect.scatter.add.f32 [tilespmem:s18], [sflag:$0x3], $0x80, s29, s21, $0xb8;
	[tilespmem:$0x1C800] =	vst v63  }
0xf5: {  	_ =	swait.ge [sflag:s19], $0x4000  }
0xf6: {  	[sflag:s19] =	ssyncset.done $0x0  }
0xf7: {  	[sflag:s19] =	ssyncadd.s32 $0xFFFFC000  }
0xf8: {  	[tilespmem:s18], [sflag:$0x1] =	stream.indirect.gather [hbm4b:s4+s21], $0x80, s30, s21, $0xb8;
	[tilespmem:$0x1C800] =	vst v63  }
0xf9: {  	_ =	swait.ge [sflag:s25], $0x4000  }
0xfa: {  	[sflag:s25] =	ssyncset.done $0x0  }
0xfb: {  	[sflag:s25] =	ssyncadd.s32 $0xFFFFC000  }
0xfc: {  	[spmem:s2] =	stream.indirect.scatter.add.f32 [tilespmem:s22], [sflag:$0x3], $0x80, s31, s21, $0xb8;
	[tilespmem:$0x1C800] =	vst v63  }
0xfd: {  	_ =	swait.ge [sflag:s19], $0x4000  }
0xfe: {  	[sflag:s19] =	ssyncset.done $0x0  }
0xff: {  	[sflag:s19] =	ssyncadd.s32 $0xFFFFC000  }
0x100: {  	[tilespmem:s22], [sflag:$0x2] =	stream.indirect.gather [hbm4b:s4+s21], $0x80, s1, s21, $0xb8;
	[tilespmem:$0x1C800] =	vst v63  }
0x101: {  	_ =	swait.ge [sflag:s23], $0x4000  }
0x102: {  	[sflag:s23] =	ssyncset.done $0x0  }
0x103: {  	[sflag:s23] =	ssyncadd.s32 $0xFFFFC000  }
0x104: {  	[spmem:s2] =	stream.indirect.scatter.add.f32 [tilespmem:s18], [sflag:$0x3], $0x80, s0, s21, $0xb8;
	[tilespmem:$0x1C800] =	vst v63  }
0x105: {  	_ =	swait.ge [sflag:s19], $0x4000  }
0x106: {  	[sflag:s19] =	ssyncset.done $0x0  }
0x107: {  	[sflag:s19] =	ssyncadd.s32 $0xFFFFC000  }
0x108: {  	[tilespmem:s18], [sflag:$0x1] =	stream.indirect.gather [hbm4b:s4+s21], $0x80, s10, s21, $0xb8;
	[tilespmem:$0x1C800] =	vst v63  }
0x109: {  	_ =	swait.ge [sflag:s25], $0x4000  }
0x10a: {  	[sflag:s25] =	ssyncset.done $0x0  }
0x10b: {  	[sflag:s25] =	ssyncadd.s32 $0xFFFFC000  }
0x10c: {  	[spmem:s2] =	stream.indirect.scatter.add.f32 [tilespmem:s22], [sflag:$0x3], $0x80, s11, s21, $0xb8;
	[tilespmem:$0x1C800] =	vst v63  }
0x10d: {  	_ =	swait.ge [sflag:s19], $0x4000  }
0x10e: {  	[sflag:s19] =	ssyncset.done $0x0  }
0x10f: {  	[sflag:s19] =	ssyncadd.s32 $0xFFFFC000  }
0x110: {  	[tilespmem:s22], [sflag:$0x2] =	stream.indirect.gather [hbm4b:s4+s21], $0x80, s12, s21, $0xb8;
	[tilespmem:$0x1C800] =	vst v63  }
0x111: {  	_ =	swait.ge [sflag:s23], $0x4000  }
0x112: {  	[sflag:s23] =	ssyncset.done $0x0  }
0x113: {  	[sflag:s23] =	ssyncadd.s32 $0xFFFFC000  }
0x114: {  	[spmem:s2] =	stream.indirect.scatter.add.f32 [tilespmem:s18], [sflag:$0x3], $0x80, s13, s21, $0xb8;
	[tilespmem:$0x1C800] =	vst v63  }
0x115: {  	_ =	swait.ge [sflag:s19], $0x4000  }
0x116: {  	[sflag:s19] =	ssyncset.done $0x0  }
0x117: {  	[sflag:s19] =	ssyncadd.s32 $0xFFFFC000  }
0x118: {  	_ =	swait.ge [sflag:s25], $0x4000  }
0x119: {  	[sflag:s25] =	ssyncset.done $0x0  }
0x11a: {  	[sflag:s25] =	ssyncadd.s32 $0xFFFFC000  }
0x11b: {  	[spmem:s2] =	stream.indirect.scatter.add.f32 [tilespmem:s22], [sflag:$0x3], $0x80, s14, s21, $0xb8;
	[tilespmem:$0x1C800] =	vst v63  }
0x11c: {  	_ =	swait.ge [sflag:s19], $0x4000  }
0x11d: {  	[sflag:s19] =	ssyncset.done $0x0  }
0x11e: {  	[sflag:s19] =	ssyncadd.s32 $0xFFFFC000  }
0x11f: {  	s8 =	stileid.u32;
	[bflag:$0x0] =	sbarrier.arrive $0xFFFF  }
0x120: {  	s5 =	sshll.u32 s8, $0x6;
	s8 =	rddreg [dreg:$0x4]  }
0x121: {  	s5 =	sor.u32 $0x1C03, s5;
	s7 =	rddreg [dreg:$0x9];
	s9 =	sshrl.u32 s8, $0x3  }
0x122: {  	[hbm:s7], [sflag:s5] =	dma.local [spmem:s9], $0x800  }
0x123: {  	_ =	swait.ge [sflag:s19], $0x800  }
0x124: {  	[sflag:s19] =	ssyncset.done $0x0;
	s7 =	rddreg [dreg:$0x5]  }
0x125: {  	s9 =	rddreg [dreg:$0xa];
	[sflag:s19] =	ssyncadd.s32 $0xFFFFF800;
	s6 =	sshrl.u32 s7, $0x3  }
0x126: {  	[hbm:s9], [sflag:s5] =	dma.local [spmem:s6], $0x800  }
0x127: {  	_ =	swait.ge [sflag:s19], $0x800  }
0x128: {  	[sflag:s19] =	ssyncset.done $0x0;
	s7 =	rddreg [dreg:$0x6]  }
0x129: {  	s9 =	rddreg [dreg:$0xb];
	[sflag:s19] =	ssyncadd.s32 $0xFFFFF800;
	s6 =	sshrl.u32 s7, $0x3  }
0x12a: {  	[hbm:s9], [sflag:s5] =	dma.local [spmem:s6], $0x800  }
0x12b: {  	_ =	swait.ge [sflag:s19], $0x800  }
0x12c: {  	[sflag:s19] =	ssyncset.done $0x0;
	s7 =	rddreg [dreg:$0x7]  }
0x12d: {  	s9 =	rddreg [dreg:$0xc];
	[sflag:s19] =	ssyncadd.s32 $0xFFFFF800;
	s6 =	sshrl.u32 s7, $0x3  }
0x12e: {  	[hbm:s9], [sflag:s5] =	dma.local [spmem:s6], $0x800  }
0x12f: {  	_ =	swait.ge [sflag:s19], $0x800  }
0x130: {  	[sflag:s19] =	ssyncset.done $0x0;
	s9 =	rddreg [dreg:$0x8]  }
0x131: {  	s7 =	rddreg [dreg:$0xd];
	[sflag:s19] =	ssyncadd.s32 $0xFFFFF800;
	s6 =	sshrl.u32 s9, $0x3  }
0x132: {  	[hbm:s7], [sflag:s5] =	dma.local [spmem:s6], $0x800  }
0x133: {  	_ =	swait.ge [sflag:s19], $0x800  }
0x134: {  	s15 =	sadd.s32 $0x1, s15;
	s7 =	rddreg [dreg:$0xe]  }
0x135: {  	p0 =	sne.s32 s15, s7  }
.Ltmp2:
0x136: {  	_ = 	snop;
	(pc) =	sbr.rel @p0 .LBB2_1-.Ltmp2, $3  }
0x137: {  	_ =	sdelay $0x1  }
0x138: {  	[sflag:s19] =	ssyncset.done $0x0  }
0x139: {  	[sflag:s19] =	ssyncadd.s32 $0xFFFFF800  }
0x13a: {  	_ =	sfence.sel $0x180000  }
0x13b: {  	[bflag:$0x0] =	sbarrier.arrive $0xFFFF  }
0x13c: {  	_ =	strace $0x9000004D  }
0x13d: {  	s0 =	stileid.u32;
	[bflag:$0x2] =	sbarrier.arrive $0xFFFF  }
0x13e: {  	p0 =	sne.s32 s0, $0x0;
	s0 =	rddreg [dreg:$0x3]  }
0x13f: {  	s0 =	sadd.s32 @!p0 $0x100000, s0  }
0x140: {  	[sflag:s0] =	ssyncadd.tile.s32 @!p0 $0x1;
	_ =	shalt  }
.Lfunc_end2:
_tile_overlayer_lowered:
.L_overlay_start_2:
0x141: {  	(tag) =	ssettag $0x2  }
0x142: {  	s0 =	rddreg [dreg:$0x0];
	s2 =	stileid.u32  }
0x143: {  	s1 =	rddreg [dreg:$0x1];
	p0 =	sne.s32 s2, $0x0  }
0x144: {  	s3 =	rddreg [dreg:$0x2];
	[bflag:$0x3] =	sbarrier.arrive $0xFFFF;
	s2 =	simm.s32 @!p0 $0x1C03  }
0x145: {  	[timem:s3], [sflag:s2] =	dma.local @!p0 [hbm:s0], s1  }
0x146: {  	s0 =	simm.s32 @!p0 $0x3  }
0x147: {  	_ =	swait.ge @!p0 [sflag:s0], s1  }
0x148: {  	s1 =	ssub.s32 @!p0 $0x0, s1;
	[sflag:s0] =	ssyncset.done @!p0 $0x0  }
0x149: {  	[sflag:s0] =	ssyncadd.s32 @!p0 s1  }
0x14a: {  	[bflag:$0x3] =	sbarrier.arrive $0xFFFF  }
0x14b: {  	_ =	shalt  }

// kernel: gcn_aggregate_sc.5.cloned.1.call-start
scs
__scs_entry_jumppad:
0x0: {  	(pc) =	sbr.rel $0x88, $3  }
0x1: {  	(tag) =	ssettag $0x0;
	lr =	simm.s32 $0x1  }
0x2: {  	[smem:$0x3F93] =	sst lr;
	_ =	strace $0xD0000000  }
0x3: {  	_ = 	snop  }
0x4: {  	_ = 	snop  }
0x5: {  	_ = 	snop  }
0x6: {  	_ = 	snop  }
0x7: {  	_ = 	snop  }
__scs_overlays_trampoline_lowered:
0x8: {  	[smem:$0x3FA2] =	sst s0  }
0x9: {  	[smem:$0x3FA3] =	sst s1  }
0xa: {  	[smem:$0x3FA4] =	sst s2  }
0xb: {  	[smem:$0x3FA5] =	sst s3  }
0xc: {  	[smem:$0x3FA6] =	sst s4  }
0xd: {  	[smem:$0x3FA7] =	sst s5  }
0xe: {  	[smem:$0x3FA8] =	sst s6  }
0xf: {  	[smem:$0x3FA9] =	sst s7  }
0x10: {  	[smem:$0x3FAA] =	sst s8  }
0x11: {  	[smem:$0x3FAB] =	sst s9;
	s0 =	simm.s32 @!p0 $0x0  }
0x12: {  	s1 =	sld [smem:$0x3F91];
	s0 =	simm.s32 @p0 $0x1  }
0x13: {  	[smem:$0x3FAC] =	sst s0;
	s0 =	simm.s32 @!p1 $0x0  }
0x14: {  	s2 =	sld [smem:$0x3F90];
	s0 =	simm.s32 @p1 $0x1  }
0x15: {  	[smem:$0x3FAD] =	sst s0;
	s0 =	simm.s32 @!p2 $0x0  }
0x16: {  	s3 =	sld [smem:$0x3FDB];
	s0 =	simm.s32 @p2 $0x1  }
0x17: {  	s4 =	simm.s32 $0x1BF5;
	[smem:$0x3FAF] =	sst s0  }
0x18: {  	s0 =	sld [smem:$0x3F92];
	_ =	swait.ge [sflag:s4], $0x0  }
0x19: {  	s7 =	sld [smem:$0x3F93]  }
0x1a: {  	s8 =	sadd.s32 $0xFFFFE003, lr  }
0x1b: {  	s9 =	sadd.s32 $0xFFFFFEF7, lr;
	s5 =	simm.s32 $0xFFFFFFFF;
	p2 =	slt.u32 s8, $0xFFFFF086  }
0x1c: {  	p1 =	slt.u32 s9, $0xF7A;
	s5 =	simm.s32 @!p2 $0x0  }
0x1d: {  	s5 =	simm.s32 @p1 $0x1;
	p0 =	seq.s32 s7, s2  }
0x1e: {  	s7 =	smul.u32 @!p0 $0xF7A, s2;
	p2 =	seq.s32 @!p0 s5, $0x0  }
0x1f: {  	s9 =	smul.u32 $0xF7A, s1;
	s8 =	simm.s32 @!p0 $0x1BF5;
	p2 =	por !p2, p0  }
0x20: {  	[sflag:s8] =	ssyncset.s32 @!p0 $0xFFFFF086;
	s6 =	sadd.s32 @!p0 s3, s7;
	s7 =	simm.s32 @!p0 $0x108  }
0x21: {  	s3 =	sadd.s32 s3, s9;
	s6 =	sadd.s32 @!p0 $0x88, s6;
	s7 =	simm.s32 @p2 $0x1082  }
0x22: {  	[simem:s7], [sflag:s8] =	dma.local @!p0 [hbm:s6], $0xF7A  }
0x23: {  	s9 =	sor.u32 $0xD0000000, s2;
	s6 =	simm.s32 $0x108;
	_ =	swait.ge @!p0 [sflag:s8], $0x0  }
0x24: {  	s3 =	sadd.s32 $0x88, s3;
	s6 =	simm.s32 @!p1 $0x1082;
	[sflag:s4] =	ssyncset.s32 $0xFFFFF086  }
0x25: {  	[simem:s6], [sflag:s4] =	dma.local [hbm:s3], $0xF7A  }
0x26: {  	[smem:$0x3F93] =	sst s1;
	(tag) =	ssettag s2;
	_ =	strace s9  }
0x27: {  	s1 =	sld [smem:$0x3FA3]  }
0x28: {  	s2 =	sld [smem:$0x3FA4]  }
0x29: {  	s4 =	sld [smem:$0x3FA6]  }
0x2a: {  	p0 =	seq.s32 s5, $0x0;
	s5 =	sld [smem:$0x3FA7]  }
0x2b: {  	s6 =	sld [smem:$0x3FA8]  }
0x2c: {  	s7 =	sld [smem:$0x3FA9]  }
0x2d: {  	s3 =	simm.s32 $0x108;
	s8 =	sld [smem:$0x3FAA]  }
0x2e: {  	s3 =	simm.s32 @!p0 $0x1082;
	s9 =	sld [smem:$0x3FAB]  }
0x2f: {  	lr =	sadd.s32 s0, s3;
	s0 =	sld [smem:$0x3FA2]  }
0x30: {  	s3 =	sld [smem:$0x3FA5]  }
0x31: {  	[smem:$0x3FAE] =	sst s10  }
0x32: {  	s10 =	sld [smem:$0x3FAC];
	_ =	sdelay $0x3  }
0x33: {  	p0 =	seq.s32 s10, $0x1;
	s10 =	sld [smem:$0x3FAE];
	_ =	sdelay $0x3  }
0x34: {  	[smem:$0x3FAE] =	sst s10  }
0x35: {  	s10 =	sld [smem:$0x3FAD];
	_ =	sdelay $0x3  }
0x36: {  	p1 =	seq.s32 s10, $0x1;
	s10 =	sld [smem:$0x3FAE];
	_ =	sdelay $0x3  }
0x37: {  	[smem:$0x3FAE] =	sst s10  }
0x38: {  	s10 =	sld [smem:$0x3FAF]  }
0x39: {  	_ = 	snop;
	(pc) =	sbr.ind lr, $3  }
0x3a: {  	_ = 	snop  }
0x3b: {  	_ = 	snop  }
0x3c: {  	p2 =	seq.s32 s10, $0x1;
	s10 =	sld [smem:$0x3FAE]  }
0x3d: {  	_ =	shalt  }
0x3e: {  	_ =	shalt  }
0x3f: {  	_ =	shalt  }
0x40: {  	_ =	shalt  }
0x41: {  	_ =	shalt  }
0x42: {  	_ =	shalt  }
0x43: {  	_ =	shalt  }
0x44: {  	_ =	shalt  }
0x45: {  	_ =	shalt  }
0x46: {  	_ =	shalt  }
0x47: {  	_ =	shalt  }
0x48: {  	_ =	shalt  }
0x49: {  	_ =	shalt  }
0x4a: {  	_ =	shalt  }
0x4b: {  	_ =	shalt  }
0x4c: {  	_ =	shalt  }
0x4d: {  	_ =	shalt  }
0x4e: {  	_ =	shalt  }
0x4f: {  	_ =	shalt  }
0x50: {  	_ =	shalt  }
0x51: {  	_ =	shalt  }
0x52: {  	_ =	shalt  }
0x53: {  	_ =	shalt  }
0x54: {  	_ =	shalt  }
0x55: {  	_ =	shalt  }
0x56: {  	_ =	shalt  }
0x57: {  	_ =	shalt  }
0x58: {  	_ =	shalt  }
0x59: {  	_ =	shalt  }
0x5a: {  	_ =	shalt  }
0x5b: {  	_ =	shalt  }
0x5c: {  	_ =	shalt  }
0x5d: {  	_ =	shalt  }
0x5e: {  	_ =	shalt  }
0x5f: {  	_ =	shalt  }
0x60: {  	_ =	shalt  }
0x61: {  	_ =	shalt  }
0x62: {  	_ =	shalt  }
0x63: {  	_ =	shalt  }
0x64: {  	_ =	shalt  }
0x65: {  	_ =	shalt  }
0x66: {  	_ =	shalt  }
0x67: {  	_ =	shalt  }
0x68: {  	_ =	shalt  }
0x69: {  	_ =	shalt  }
0x6a: {  	_ =	shalt  }
0x6b: {  	_ =	shalt  }
0x6c: {  	_ =	shalt  }
0x6d: {  	_ =	shalt  }
0x6e: {  	_ =	shalt  }
0x6f: {  	_ =	shalt  }
0x70: {  	_ =	shalt  }
0x71: {  	_ =	shalt  }
0x72: {  	_ =	shalt  }
0x73: {  	_ =	shalt  }
0x74: {  	_ =	shalt  }
0x75: {  	_ =	shalt  }
0x76: {  	_ =	shalt  }
0x77: {  	_ =	shalt  }
0x78: {  	_ =	shalt  }
0x79: {  	_ =	shalt  }
0x7a: {  	_ =	shalt  }
0x7b: {  	_ =	shalt  }
0x7c: {  	_ =	shalt  }
0x7d: {  	_ =	shalt  }
0x7e: {  	_ =	shalt  }
0x7f: {  	_ =	shalt  }
0x80: {  	_ =	shalt  }
0x81: {  	_ =	shalt  }
0x82: {  	_ =	shalt  }
0x83: {  	_ =	shalt  }
0x84: {  	_ =	shalt  }
0x85: {  	_ =	shalt  }
0x86: {  	_ =	shalt  }
0x87: {  	_ =	shalt  }
.Lfunc_end0:
.L_simem_size_0:
called_computation_lowered:
.L_overlay_start_0:
0x88: {  	s2 =	sld [smem:$0x3FD9]  }
0x89: {  	s3 =	sld [smem:$0x3FFE];
	_ =	sdelay $0x1  }
0x8a: {  	s1 =	srdreg.scid  }
0x8b: {  	s0 =	sand.u32 $0x1, s1  }
0x8c: {  	s14 =	sshll.u32 s0, $0xA;
	s2 =	sadd.s32 s3, s2  }
0x8d: {  	s2 =	sadd.s32 s2, s14  }
0x8e: {  	[smem:$0x3FBA] =	sst s2  }
0x8f: {  	_ = 	snop  }
0x90: {  	s2 =	sld [smem:$0x3FD0];
	_ =	sdelay $0x2  }
0x91: {  	s15 =	simm.s32 $0xA;
	s4 =	simm.s32 $0x10  }
0x92: {  	[smem:s4], [sflag:s15] =	dma.local [hbm:s2], $0x1  }
0x93: {  	_ =	swait.eq [sflag:s15], $0x1  }
0x94: {  	[sflag:s15] =	ssyncset.done $0x0  }
0x95: {  	s16 =	sld [smem:$0x10];
	[sflag:s15] =	ssyncadd.s32 $0xFFFFFFFF  }
0x96: {  	s17 =	sld [smem:$0x11];
	(tm) =	ssettm $0x1  }
0x97: {  	s18 =	sld [smem:$0x3FFB];
	_ =	sdelay $0x3  }
0x98: {  	_ =	strace s18  }
0x99: {  	s4 =	sld [smem:$0x3FFC];
	_ =	sdelay $0x3  }
0x9a: {  	_ =	strace s4  }
0x9b: {  	s4 =	sld [smem:$0x3FFD];
	_ =	sdelay $0x3  }
0x9c: {  	_ =	strace s4  }
0x9d: {  	_ =	strace $0x8FFFFFFF  }
0x9e: {  	s19 =	sld [smem:$0x3FDB];
	_ =	sdelay $0x1  }
0x9f: {  	s5 =	simm.s32 $_scs_section_size  }
0xa0: {  	s6 =	simm.s32 $_size__tile_overlayer_lowered;
	s7 =	simm.s32 $_tile_overlayer_lowered  }
0xa1: {  	s22 =	simm.s32 $0x1BFF;
	s21 =	sshll.u32 s7, $0x1;
	s4 =	sadd.s32 s5, s19  }
0xa2: {  	s8 =	simm.s32 $0x0;
	s20 =	sshll.u32 s6, $0x1;
	s6 =	sadd.s32 s21, s4  }
0xa3: {  	[timem:s8], [sflag:s22] =	dma.local [hbm:s6], s20  }
0xa4: {  	_ =	swait.ge [sflag:s22], s20  }
0xa5: {  	s5 =	ssub.s32 $0x0, s20;
	[sflag:s22] =	ssyncset.done $0x0  }
0xa6: {  	[sflag:s22] =	ssyncadd.s32 s5;
	_ =	sdelay $0x1  }
0xa7: {  	s23 =	simm.s32 $0x1B8B  }
0xa8: {  	_ =	swait.ge [sflag:s23], $0x1  }
0xa9: {  	[sflag:s23] =	ssyncset.done $0x0  }
0xaa: {  	s25 =	simm.s32 $0x1B8E;
	s24 =	sld [smem:$0x3FFE];
	[sflag:s23] =	ssyncadd.s32 $0xFFFFFFFF  }
0xab: {  	s26 =	simm.s32 $execute0_lowered;
	[smem:$0x3FD2] =	sst s25  }
0xac: {  	s6 =	sshll.u32 s26, $0x1;
	_ =	strace $0x80000046;
	[dreg:$0x1] =	wrdreg $0xFFFFFFFF  }
0xad: {  	s28 =	simm.s32 $_size_execute0_lowered;
	s4 =	sadd.s32 s4, s6;
	[dreg:$0x0] =	wrdreg $0x0  }
0xae: {  	s6 =	sshll.u32 s28, $0x1;
	[dreg:$0x2] =	wrdreg s4  }
0xaf: {  	[dreg:$0x3] =	wrdreg s6  }
0xb0: {  	[dreg:$0x4] =	wrdreg $0xC0  }
0xb1: {  	_ =	task [dreg:s8], $0x5FFFF  }
0xb2: {  	[dreg:$0x1] =	wrdreg $0xFFFFFFFF  }
0xb3: {  	[dreg:$0x0] =	wrdreg $0x60  }
0xb4: {  	[dreg:$0x2] =	wrdreg s24  }
0xb5: {  	[dreg:$0x3] =	wrdreg s17  }
0xb6: {  	[dreg:$0x4] =	wrdreg s16  }
0xb7: {  	[dreg:$0x5] =	wrdreg $0x88000  }
0xb8: {  	[dreg:$0x6] =	wrdreg $0x9  }
0xb9: {  	_ =	task.clear_ibuf [dreg:s8], $0x7FFFF;
	_ =	strace $0x90000046  }
0xba: {  	s29 =	simm.s32 $0x9;
	_ =	strace $0x80000048  }
0xbb: {  	_ =	swait.ge [sflag:s29], $0x1  }
0xbc: {  	[sflag:s29] =	ssyncadd.s32 $0xFFFFFFFF  }
0xbd: {  	_ =	strace $0x90000048  }
0xbe: {  	_ =	sfence  }
0xbf: {  	s30 =	sld [smem:$0x0];
	_ =	sdelay $0x2  }
0xc0: {  	s31 =	sshll.u32 s1, $0xD;
	s1 =	sshrl.u32 s1, $0x2  }
0xc1: {  	s3 =	sand.u32 $0x4000, s31;
	s1 =	sadd.s32 s1, s30  }
0xc2: {  	s0 =	sor.u32 s3, s0;
	s1 =	sshll.u32 s1, $0x11  }
0xc3: {  	s0 =	sor.u32 s1, s0  }
0xc4: {  	s0 =	sadd.s32 $0x8F2B, s0  }
0xc5: {  	[sflag:s0] =	ssyncadd.remote.s32 $0x1  }
0xc6: {  	_ =	sfence.sel $0xFFFF  }
0xc7: {  	[dreg:$0x0] =	wrdreg $0xFFFFFFFF;
	(pc) =	sbr.abs _section_cstart, $3  }
0xc8: {  	[dreg:$0x1] =	wrdreg $0xFFFFFFFF  }
0xc9: {  	_ =	task.clear_ibuf [dreg:s8], $0x2FFFF;
	_ =	strace $0x9FFFFFFF  }
0xca: {  	(tm) =	ssettm $0x7FFFFFFF  }
0xcb: {  	_ =	shalt  }
tec
execute0_lowered:
.L_overlay_start_1:
0x0: {  	(tag) =	ssettag $0x1  }
0x1: {  	s0 =	rddreg [dreg:$0x0]  }
0x2: {  	s1 =	rddreg [dreg:$0x1]  }
0x3: {  	s5 =	rddreg [dreg:$0x2]  }
0x4: {  	s2 =	rddreg [dreg:$0x3]  }
0x5: {  	s4 =	srdreg.scid;
	s3 =	simm.s32 $0x0;
	s16 =	stileid.u32  }
0x6: {  	s28 =	simm.s32 $0x180;
	s29 =	simm.s32 $0x500;
	s8 =	smul.u32 $0x50000, s16  }
0x7: {  	s30 =	simm.s32 $0x200;
	s31 =	simm.s32 $0x580;
	s10 =	smul.u32 $0x14000, s16  }
0x8: {  	s6 =	sand.u32 $0x1, s4;
	[smem:$0x7FF] =	sst s3;
	s23 =	smul.u32 $0x2800, s16  }
0x9: {  	s4 =	sadd.s32 $0x3E00, s0;
	s0 =	sadd.s32 $0x2BE00, s0;
	s12 =	smul.u32 $0x140000, s6  }
0xa: {  	s7 =	ssub.s32 $0x2, s6;
	_ =	strace $0x80000047;
	s6 =	smul.u32 $0x28000, s6  }
0xb: {  	s9 =	sshrl.u32 s7, $0x1;
	s8 =	sshrl.u32 s8, $0x2;
	s11 =	sadd.s32 $0x4000, s10  }
0xc: {  	s13 =	sadd.s32 $0x8000, s10;
	s14 =	sadd.s32 $0xC000, s10;
	s7 =	ssub.s32 s7, s9  }
0xd: {  	s8 =	sadd.s32 s8, s2;
	s18 =	sadd.s32 s11, s2;
	s19 =	sadd.s32 s13, s2  }
0xe: {  	s20 =	sadd.s32 s10, s12;
	s15 =	sadd.s32 s14, s2;
	s10 =	sadd.s32 $0x10000, s10  }
0xf: {  	s11 =	sadd.s32 s12, s11;
	s13 =	sadd.s32 s12, s13;
	[dreg:$0x6] =	wrdreg s18  }
0x10: {  	s24 =	sadd.s32 s12, s14;
	s6 =	sadd.s32 s23, s6;
	[dreg:$0x7] =	wrdreg s19  }
0x11: {  	s23 =	simm.s32 $0x1;
	s14 =	simm.s32 $0x780;
	[dreg:$0x8] =	wrdreg s15  }
0x12: {  	s21 =	sshrl.u32 s20, $0x3;
	s9 =	sadd.s32 s10, s2;
	s11 =	sshrl.u32 s11, $0x3  }
0x13: {  	s22 =	sshrl.u32 s13, $0x3;
	s10 =	sadd.s32 s12, s10;
	s25 =	sshrl.u32 s6, $0x3  }
0x14: {  	s26 =	smax.u32 s7, $0x1;
	s18 =	simm.s32 $0x800;
	s19 =	simm.s32 $0x3  }
0x15: {  	s20 =	simm.s32 $0x400;
	s12 =	simm.s32 $0x380;
	s13 =	simm.s32 $0x700  }
0x16: {  	[dreg:$0x5] =	wrdreg s8;
	s15 =	sadd.s32 s0, s21;
	s11 =	sadd.s32 s0, s11  }
0x17: {  	s10 =	sshrl.u32 s10, $0x3;
	[dreg:$0xf] =	wrdreg s26;
	s16 =	sadd.s32 s25, s5  }
0x18: {  	s17 =	sadd.s32 s25, s1;
	s21 =	simm.s32 $0x80;
	[dreg:$0x9] =	wrdreg s9  }
0x19: {  	s25 =	simm.s32 $0x2;
	s26 =	simm.s32 $0x480;
	[dreg:$0xa] =	wrdreg s15  }
0x1a: {  	s1 =	simm.s32 $0x600;
	[dreg:$0xb] =	wrdreg s11;
	s11 =	sadd.s32 s0, s22  }
0x1b: {  	s22 =	simm.s32 $0x4800;
	[dreg:$0xc] =	wrdreg s11;
	s11 =	sshrl.u32 s24, $0x3  }
0x1c: {  	s15 =	simm.s32 $0x0;
	s24 =	simm.s32 $0x100;
	s11 =	sadd.s32 s0, s11  }
0x1d: {  	s0 =	sadd.s32 s0, s10;
	s10 =	simm.s32 $0x300;
	[dreg:$0xd] =	wrdreg s11  }
0x1e: {  	v0 =	vimm.f32 $0.0e+00;
	[dreg:$0xe] =	wrdreg s0;
	s0 =	simm.s32 $0x280;
	s11 =	simm.s32 $0x680  }
.LBB2_1:
0x1f: {  	s5 =	simm.s32 $0x0;
	s6 =	simm.s32 $0x200  }
.LBB2_2:
0x20: {  	p0 =	sne.s32 s6, $0xFE00;
	[tilespmem:s5+$0x870] =	vst v0  }
0x21: {  	[tilespmem:s5+$0x800] =	vst v0  }
0x22: {  	[tilespmem:s5+$0x810] =	vst v0  }
.Ltmp0:
0x23: {  	[tilespmem:s5+$0x820] =	vst v0;
	(pc) =	sbr.rel @p0 .LBB2_2-.Ltmp0, $4  }
0x24: {  	[tilespmem:s5+$0x830] =	vst v0  }
0x25: {  	[tilespmem:s5+$0x840] =	vst v0  }
0x26: {  	[tilespmem:s5+$0x850] =	vst v0  }
0x27: {  	[tilespmem:s5+$0x860] =	vst v0;
	s5 =	sshra.s32 s6, $0x2;
	s6 =	sadd.s32 $0x200, s6  }
0x28: {  	[tilespmem:s5+$0x870] =	vst v0  }
0x29: {  	[tilespmem:s5+$0x800] =	vst v0  }
0x2a: {  	[tilespmem:s5+$0x810] =	vst v0  }
0x2b: {  	[tilespmem:s5+$0x820] =	vst v0  }
0x2c: {  	[tilespmem:s5+$0x830] =	vst v0  }
0x2d: {  	[tilespmem:s5+$0x840] =	vst v0  }
0x2e: {  	[tilespmem:s5+$0x850] =	vst v0  }
0x2f: {  	[tilespmem:s5+$0x860] =	vst v0  }
0x30: {  	[spmem:s8] =	stream.linear.scatter [tilespmem:s18], [sflag:$0x3], $0x4000, $0x38;
	[tilespmem:$0x1C800] =	vst v63  }
0x31: {  	_ =	swait.ge [sflag:s19], $0x4000  }
0x32: {  	[sflag:s19] =	ssyncset.done $0x0  }
0x33: {  	s8 =	rddreg [dreg:$0x6];
	[sflag:s19] =	ssyncadd.s32 $0xFFFFC000  }
0x34: {  	[spmem:s8] =	stream.linear.scatter [tilespmem:s18], [sflag:$0x3], $0x4000, $0x38;
	[tilespmem:$0x1C800] =	vst v63  }
0x35: {  	_ =	swait.ge [sflag:s19], $0x4000  }
0x36: {  	[sflag:s19] =	ssyncset.done $0x0  }
0x37: {  	s6 =	rddreg [dreg:$0x7];
	[sflag:s19] =	ssyncadd.s32 $0xFFFFC000  }
0x38: {  	[spmem:s6] =	stream.linear.scatter [tilespmem:s18], [sflag:$0x3], $0x4000, $0x38;
	[tilespmem:$0x1C800] =	vst v63  }
0x39: {  	_ =	swait.ge [sflag:s19], $0x4000  }
0x3a: {  	[sflag:s19] =	ssyncset.done $0x0  }
0x3b: {  	s7 =	rddreg [dreg:$0x8];
	[sflag:s19] =	ssyncadd.s32 $0xFFFFC000  }
0x3c: {  	[spmem:s7] =	stream.linear.scatter [tilespmem:s18], [sflag:$0x3], $0x4000, $0x38;
	[tilespmem:$0x1C800] =	vst v63  }
0x3d: {  	_ =	swait.ge [sflag:s19], $0x4000  }
0x3e: {  	[sflag:s19] =	ssyncset.done $0x0  }
0x3f: {  	[sflag:s19] =	ssyncadd.s32 $0xFFFFC000  }
0x40: {  	[spmem:s9] =	stream.linear.scatter [tilespmem:s18], [sflag:$0x3], $0x4000, $0x38;
	[tilespmem:$0x1C800] =	vst v63  }
0x41: {  	_ =	swait.ge [sflag:s19], $0x4000  }
0x42: {  	[sflag:s19] =	ssyncset.done $0x0  }
0x43: {  	[sflag:s19] =	ssyncadd.s32 $0xFFFFC000  }
0x44: {  	s8 =	sadd.s32 $0x0, s17;
	[bflag:$0x0] =	sbarrier.arrive $0xFFFF  }
0x45: {  	[tilespmem:s3], [sflag:$0x3] =	stream.linear.gather [hbm4b:s8+s3], $0x400, $0x38;
	[tilespmem:$0x1C800] =	vst v63  }
0x46: {  	_ =	swait.ge [sflag:s19], $0x400  }
0x47: {  	[sflag:s19] =	ssyncset.done $0x0  }
0x48: {  	s9 =	sadd.s32 $0x0, s16;
	[sflag:s19] =	ssyncadd.s32 $0xFFFFFC00  }
0x49: {  	[tilespmem:s20], [sflag:$0x3] =	stream.linear.gather [hbm4b:s9+s3], $0x400, $0x38;
	[tilespmem:$0x1C800] =	vst v63  }
0x4a: {  	_ =	swait.ge [sflag:s19], $0x400  }
0x4b: {  	[sflag:s19] =	ssyncset.done $0x0  }
0x4c: {  	[sflag:s19] =	ssyncadd.s32 $0xFFFFFC00  }
0x4d: {  	[tilespmem:s18], [sflag:$0x1] =	stream.indirect.gather [hbm4b:s4+s21], $0x80, s3, s21, $0xb8;
	[tilespmem:$0x1C800] =	vst v63  }
0x4e: {  	_ = 	snop  }
0x4f: {  	[tilespmem:s22], [sflag:$0x2] =	stream.indirect.gather [hbm4b:s4+s21], $0x80, s21, s21, $0xb8;
	[tilespmem:$0x1C800] =	vst v63  }
0x50: {  	_ =	swait.ge [sflag:s23], $0x4000  }
0x51: {  	[sflag:s23] =	ssyncset.done $0x0  }
0x52: {  	[sflag:s23] =	ssyncadd.s32 $0xFFFFC000  }
0x53: {  	[spmem:s2] =	stream.indirect.scatter.add.f32 [tilespmem:s18], [sflag:$0x3], $0x80, s20, s21, $0xb8;
	[tilespmem:$0x1C800] =	vst v63  }
0x54: {  	_ =	swait.ge [sflag:s19], $0x4000  }
0x55: {  	[sflag:s19] =	ssyncset.done $0x0  }
0x56: {  	[sflag:s19] =	ssyncadd.s32 $0xFFFFC000  }
0x57: {  	[tilespmem:s18], [sflag:$0x1] =	stream.indirect.gather [hbm4b:s4+s21], $0x80, s24, s21, $0xb8;
	[tilespmem:$0x1C800] =	vst v63  }
0x58: {  	_ =	swait.ge [sflag:s25], $0x4000  }
0x59: {  	[sflag:s25] =	ssyncset.done $0x0  }
0x5a: {  	[sflag:s25] =	ssyncadd.s32 $0xFFFFC000  }
0x5b: {  	[spmem:s2] =	stream.indirect.scatter.add.f32 [tilespmem:s22], [sflag:$0x3], $0x80, s26, s21, $0xb8;
	[tilespmem:$0x1C800] =	vst v63  }
0x5c: {  	_ =	swait.ge [sflag:s19], $0x4000  }
0x5d: {  	[sflag:s19] =	ssyncset.done $0x0  }
0x5e: {  	[sflag:s19] =	ssyncadd.s32 $0xFFFFC000  }
0x5f: {  	[tilespmem:s22], [sflag:$0x2] =	stream.indirect.gather [hbm4b:s4+s21], $0x80, s28, s21, $0xb8;
	[tilespmem:$0x1C800] =	vst v63  }
0x60: {  	_ =	swait.ge [sflag:s23], $0x4000  }
0x61: {  	[sflag:s23] =	ssyncset.done $0x0  }
0x62: {  	[sflag:s23] =	ssyncadd.s32 $0xFFFFC000  }
0x63: {  	[spmem:s2] =	stream.indirect.scatter.add.f32 [tilespmem:s18], [sflag:$0x3], $0x80, s29, s21, $0xb8;
	[tilespmem:$0x1C800] =	vst v63  }
0x64: {  	_ =	swait.ge [sflag:s19], $0x4000  }
0x65: {  	[sflag:s19] =	ssyncset.done $0x0  }
0x66: {  	[sflag:s19] =	ssyncadd.s32 $0xFFFFC000  }
0x67: {  	[tilespmem:s18], [sflag:$0x1] =	stream.indirect.gather [hbm4b:s4+s21], $0x80, s30, s21, $0xb8;
	[tilespmem:$0x1C800] =	vst v63  }
0x68: {  	_ =	swait.ge [sflag:s25], $0x4000  }
0x69: {  	[sflag:s25] =	ssyncset.done $0x0  }
0x6a: {  	[sflag:s25] =	ssyncadd.s32 $0xFFFFC000  }
0x6b: {  	[spmem:s2] =	stream.indirect.scatter.add.f32 [tilespmem:s22], [sflag:$0x3], $0x80, s31, s21, $0xb8;
	[tilespmem:$0x1C800] =	vst v63  }
0x6c: {  	_ =	swait.ge [sflag:s19], $0x4000  }
0x6d: {  	[sflag:s19] =	ssyncset.done $0x0  }
0x6e: {  	[sflag:s19] =	ssyncadd.s32 $0xFFFFC000  }
0x6f: {  	[tilespmem:s22], [sflag:$0x2] =	stream.indirect.gather [hbm4b:s4+s21], $0x80, s0, s21, $0xb8;
	[tilespmem:$0x1C800] =	vst v63  }
0x70: {  	_ =	swait.ge [sflag:s23], $0x4000  }
0x71: {  	[sflag:s23] =	ssyncset.done $0x0  }
0x72: {  	[sflag:s23] =	ssyncadd.s32 $0xFFFFC000  }
0x73: {  	[spmem:s2] =	stream.indirect.scatter.add.f32 [tilespmem:s18], [sflag:$0x3], $0x80, s1, s21, $0xb8;
	[tilespmem:$0x1C800] =	vst v63  }
0x74: {  	_ =	swait.ge [sflag:s19], $0x4000  }
0x75: {  	[sflag:s19] =	ssyncset.done $0x0  }
0x76: {  	[sflag:s19] =	ssyncadd.s32 $0xFFFFC000  }
0x77: {  	[tilespmem:s18], [sflag:$0x1] =	stream.indirect.gather [hbm4b:s4+s21], $0x80, s10, s21, $0xb8;
	[tilespmem:$0x1C800] =	vst v63  }
0x78: {  	_ =	swait.ge [sflag:s25], $0x4000  }
0x79: {  	[sflag:s25] =	ssyncset.done $0x0  }
0x7a: {  	[sflag:s25] =	ssyncadd.s32 $0xFFFFC000  }
0x7b: {  	[spmem:s2] =	stream.indirect.scatter.add.f32 [tilespmem:s22], [sflag:$0x3], $0x80, s11, s21, $0xb8;
	[tilespmem:$0x1C800] =	vst v63  }
0x7c: {  	_ =	swait.ge [sflag:s19], $0x4000  }
0x7d: {  	[sflag:s19] =	ssyncset.done $0x0  }
0x7e: {  	[sflag:s19] =	ssyncadd.s32 $0xFFFFC000  }
0x7f: {  	[tilespmem:s22], [sflag:$0x2] =	stream.indirect.gather [hbm4b:s4+s21], $0x80, s12, s21, $0xb8;
	[tilespmem:$0x1C800] =	vst v63  }
0x80: {  	_ =	swait.ge [sflag:s23], $0x4000  }
0x81: {  	[sflag:s23] =	ssyncset.done $0x0  }
0x82: {  	[sflag:s23] =	ssyncadd.s32 $0xFFFFC000  }
0x83: {  	[spmem:s2] =	stream.indirect.scatter.add.f32 [tilespmem:s18], [sflag:$0x3], $0x80, s13, s21, $0xb8;
	[tilespmem:$0x1C800] =	vst v63  }
0x84: {  	_ =	swait.ge [sflag:s19], $0x4000  }
0x85: {  	[sflag:s19] =	ssyncset.done $0x0  }
0x86: {  	[sflag:s19] =	ssyncadd.s32 $0xFFFFC000  }
0x87: {  	_ =	swait.ge [sflag:s25], $0x4000  }
0x88: {  	[sflag:s25] =	ssyncset.done $0x0  }
0x89: {  	[sflag:s25] =	ssyncadd.s32 $0xFFFFC000  }
0x8a: {  	[spmem:s2] =	stream.indirect.scatter.add.f32 [tilespmem:s22], [sflag:$0x3], $0x80, s14, s21, $0xb8;
	[tilespmem:$0x1C800] =	vst v63  }
0x8b: {  	_ =	swait.ge [sflag:s19], $0x4000  }
0x8c: {  	s5 =	simm.s32 $0x80;
	s6 =	simm.s32 $0x100;
	[sflag:s19] =	ssyncset.done $0x0  }
.LBB2_4:
0x8d: {  	s8 =	sadd.s32 s5, s17  }
0x8e: {  	[sflag:s19] =	ssyncadd.s32 $0xFFFFC000;
	s9 =	smov.u32 s6;
	s7 =	sadd.s32 $0x80, s6  }
0x8f: {  	[tilespmem:s3], [sflag:$0x3] =	stream.linear.gather [hbm4b:s8+s3], $0x400, $0x38;
	[tilespmem:$0x1C800] =	vst v63  }
0x90: {  	p0 =	sne.s32 s6, $0x480;
	_ =	swait.ge [sflag:s19], $0x400  }
0x91: {  	[sflag:s19] =	ssyncset.done $0x0  }
0x92: {  	s6 =	sadd.s32 s5, s16;
	s5 =	smov.u32 s9;
	[sflag:s19] =	ssyncadd.s32 $0xFFFFFC00  }
0x93: {  	[tilespmem:s20], [sflag:$0x3] =	stream.linear.gather [hbm4b:s6+s3], $0x400, $0x38;
	[tilespmem:$0x1C800] =	vst v63  }
0x94: {  	_ =	swait.ge [sflag:s19], $0x400  }
0x95: {  	[sflag:s19] =	ssyncset.done $0x0  }
0x96: {  	[sflag:s19] =	ssyncadd.s32 $0xFFFFFC00  }
0x97: {  	[tilespmem:s18], [sflag:$0x1] =	stream.indirect.gather [hbm4b:s4+s21], $0x80, s3, s21, $0xb8;
	[tilespmem:$0x1C800] =	vst v63  }
0x98: {  	_ = 	snop  }
0x99: {  	[tilespmem:s22], [sflag:$0x2] =	stream.indirect.gather [hbm4b:s4+s21], $0x80, s21, s21, $0xb8;
	[tilespmem:$0x1C800] =	vst v63  }
0x9a: {  	_ =	swait.ge [sflag:s23], $0x4000  }
0x9b: {  	[sflag:s23] =	ssyncset.done $0x0  }
0x9c: {  	[sflag:s23] =	ssyncadd.s32 $0xFFFFC000  }
0x9d: {  	[spmem:s2] =	stream.indirect.scatter.add.f32 [tilespmem:s18], [sflag:$0x3], $0x80, s20, s21, $0xb8;
	[tilespmem:$0x1C800] =	vst v63  }
0x9e: {  	_ =	swait.ge [sflag:s19], $0x4000  }
0x9f: {  	[sflag:s19] =	ssyncset.done $0x0  }
0xa0: {  	[sflag:s19] =	ssyncadd.s32 $0xFFFFC000  }
0xa1: {  	[tilespmem:s18], [sflag:$0x1] =	stream.indirect.gather [hbm4b:s4+s21], $0x80, s24, s21, $0xb8;
	[tilespmem:$0x1C800] =	vst v63  }
0xa2: {  	_ =	swait.ge [sflag:s25], $0x4000  }
0xa3: {  	[sflag:s25] =	ssyncset.done $0x0  }
0xa4: {  	[sflag:s25] =	ssyncadd.s32 $0xFFFFC000  }
0xa5: {  	[spmem:s2] =	stream.indirect.scatter.add.f32 [tilespmem:s22], [sflag:$0x3], $0x80, s26, s21, $0xb8;
	[tilespmem:$0x1C800] =	vst v63  }
0xa6: {  	_ =	swait.ge [sflag:s19], $0x4000  }
0xa7: {  	[sflag:s19] =	ssyncset.done $0x0  }
0xa8: {  	[sflag:s19] =	ssyncadd.s32 $0xFFFFC000  }
0xa9: {  	[tilespmem:s22], [sflag:$0x2] =	stream.indirect.gather [hbm4b:s4+s21], $0x80, s28, s21, $0xb8;
	[tilespmem:$0x1C800] =	vst v63  }
0xaa: {  	_ =	swait.ge [sflag:s23], $0x4000  }
0xab: {  	[sflag:s23] =	ssyncset.done $0x0  }
0xac: {  	[sflag:s23] =	ssyncadd.s32 $0xFFFFC000  }
0xad: {  	[spmem:s2] =	stream.indirect.scatter.add.f32 [tilespmem:s18], [sflag:$0x3], $0x80, s29, s21, $0xb8;
	[tilespmem:$0x1C800] =	vst v63  }
0xae: {  	_ =	swait.ge [sflag:s19], $0x4000  }
0xaf: {  	[sflag:s19] =	ssyncset.done $0x0  }
0xb0: {  	[sflag:s19] =	ssyncadd.s32 $0xFFFFC000  }
0xb1: {  	[tilespmem:s18], [sflag:$0x1] =	stream.indirect.gather [hbm4b:s4+s21], $0x80, s30, s21, $0xb8;
	[tilespmem:$0x1C800] =	vst v63  }
0xb2: {  	_ =	swait.ge [sflag:s25], $0x4000  }
0xb3: {  	[sflag:s25] =	ssyncset.done $0x0  }
0xb4: {  	[sflag:s25] =	ssyncadd.s32 $0xFFFFC000  }
0xb5: {  	[spmem:s2] =	stream.indirect.scatter.add.f32 [tilespmem:s22], [sflag:$0x3], $0x80, s31, s21, $0xb8;
	[tilespmem:$0x1C800] =	vst v63  }
0xb6: {  	_ =	swait.ge [sflag:s19], $0x4000  }
0xb7: {  	[sflag:s19] =	ssyncset.done $0x0  }
0xb8: {  	[sflag:s19] =	ssyncadd.s32 $0xFFFFC000  }
0xb9: {  	[tilespmem:s22], [sflag:$0x2] =	stream.indirect.gather [hbm4b:s4+s21], $0x80, s0, s21, $0xb8;
	[tilespmem:$0x1C800] =	vst v63  }
0xba: {  	_ =	swait.ge [sflag:s23], $0x4000  }
0xbb: {  	[sflag:s23] =	ssyncset.done $0x0  }
0xbc: {  	[sflag:s23] =	ssyncadd.s32 $0xFFFFC000  }
0xbd: {  	[spmem:s2] =	stream.indirect.scatter.add.f32 [tilespmem:s18], [sflag:$0x3], $0x80, s1, s21, $0xb8;
	[tilespmem:$0x1C800] =	vst v63  }
0xbe: {  	_ =	swait.ge [sflag:s19], $0x4000  }
0xbf: {  	[sflag:s19] =	ssyncset.done $0x0  }
0xc0: {  	[sflag:s19] =	ssyncadd.s32 $0xFFFFC000  }
0xc1: {  	[tilespmem:s18], [sflag:$0x1] =	stream.indirect.gather [hbm4b:s4+s21], $0x80, s10, s21, $0xb8;
	[tilespmem:$0x1C800] =	vst v63  }
0xc2: {  	_ =	swait.ge [sflag:s25], $0x4000  }
0xc3: {  	[sflag:s25] =	ssyncset.done $0x0  }
0xc4: {  	[sflag:s25] =	ssyncadd.s32 $0xFFFFC000  }
0xc5: {  	[spmem:s2] =	stream.indirect.scatter.add.f32 [tilespmem:s22], [sflag:$0x3], $0x80, s11, s21, $0xb8;
	[tilespmem:$0x1C800] =	vst v63  }
0xc6: {  	_ =	swait.ge [sflag:s19], $0x4000  }
0xc7: {  	[sflag:s19] =	ssyncset.done $0x0  }
0xc8: {  	[sflag:s19] =	ssyncadd.s32 $0xFFFFC000  }
0xc9: {  	[tilespmem:s22], [sflag:$0x2] =	stream.indirect.gather [hbm4b:s4+s21], $0x80, s12, s21, $0xb8;
	[tilespmem:$0x1C800] =	vst v63  }
0xca: {  	_ =	swait.ge [sflag:s23], $0x4000  }
0xcb: {  	[sflag:s23] =	ssyncset.done $0x0  }
0xcc: {  	[sflag:s23] =	ssyncadd.s32 $0xFFFFC000  }
0xcd: {  	[spmem:s2] =	stream.indirect.scatter.add.f32 [tilespmem:s18], [sflag:$0x3], $0x80, s13, s21, $0xb8;
	[tilespmem:$0x1C800] =	vst v63  }
0xce: {  	_ =	swait.ge [sflag:s19], $0x4000  }
0xcf: {  	[sflag:s19] =	ssyncset.done $0x0  }
0xd0: {  	[sflag:s19] =	ssyncadd.s32 $0xFFFFC000  }
0xd1: {  	_ =	swait.ge [sflag:s25], $0x4000  }
.Ltmp1:
0xd2: {  	[sflag:s25] =	ssyncset.done $0x0;
	(pc) =	sbr.rel @p0 .LBB2_4-.Ltmp1, $4  }
0xd3: {  	[sflag:s25] =	ssyncadd.s32 $0xFFFFC000  }
0xd4: {  	[spmem:s2] =	stream.indirect.scatter.add.f32 [tilespmem:s22], [sflag:$0x3], $0x80, s14, s21, $0xb8;
	[tilespmem:$0x1C800] =	vst v63  }
0xd5: {  	_ =	swait.ge [sflag:s19], $0x4000  }
0xd6: {  	s6 =	smov.u32 s7;
	[sflag:s19] =	ssyncset.done $0x0  }
0xd7: {  	s6 =	sadd.s32 s5, s17;
	[sflag:s19] =	ssyncadd.s32 $0xFFFFC000  }
0xd8: {  	[tilespmem:s3], [sflag:$0x3] =	stream.linear.gather [hbm4b:s6+s3], $0x400, $0x38;
	[tilespmem:$0x1C800] =	vst v63  }
0xd9: {  	_ =	swait.ge [sflag:s19], $0x400  }
0xda: {  	[sflag:s19] =	ssyncset.done $0x0  }
0xdb: {  	s7 =	sadd.s32 s5, s16;
	[sflag:s19] =	ssyncadd.s32 $0xFFFFFC00  }
0xdc: {  	[tilespmem:s20], [sflag:$0x3] =	stream.linear.gather [hbm4b:s7+s3], $0x400, $0x38;
	[tilespmem:$0x1C800] =	vst v63  }
0xdd: {  	_ =	swait.ge [sflag:s19], $0x400  }
0xde: {  	[sflag:s19] =	ssyncset.done $0x0  }
0xdf: {  	[sflag:s19] =	ssyncadd.s32 $0xFFFFFC00  }
0xe0: {  	[tilespmem:s18], [sflag:$0x1] =	stream.indirect.gather [hbm4b:s4+s21], $0x80, s3, s21, $0xb8;
	[tilespmem:$0x1C800] =	vst v63  }
0xe1: {  	_ = 	snop  }
0xe2: {  	[tilespmem:s22], [sflag:$0x2] =	stream.indirect.gather [hbm4b:s4+s21], $0x80, s21, s21, $0xb8;
	[tilespmem:$0x1C800] =	vst v63  }
0xe3: {  	_ =	swait.ge [sflag:s23], $0x4000  }
0xe4: {  	[sflag:s23] =	ssyncset.done $0x0  }
0xe5: {  	[sflag:s23] =	ssyncadd.s32 $0xFFFFC000  }
0xe6: {  	[spmem:s2] =	stream.indirect.scatter.add.f32 [tilespmem:s18], [sflag:$0x3], $0x80, s20, s21, $0xb8;
	[tilespmem:$0x1C800] =	vst v63  }
0xe7: {  	_ =	swait.ge [sflag:s19], $0x4000  }
0xe8: {  	[sflag:s19] =	ssyncset.done $0x0  }
0xe9: {  	[sflag:s19] =	ssyncadd.s32 $0xFFFFC000  }
0xea: {  	[tilespmem:s18], [sflag:$0x1] =	stream.indirect.gather [hbm4b:s4+s21], $0x80, s24, s21, $0xb8;
	[tilespmem:$0x1C800] =	vst v63  }
0xeb: {  	_ =	swait.ge [sflag:s25], $0x4000  }
0xec: {  	[sflag:s25] =	ssyncset.done $0x0  }
0xed: {  	[sflag:s25] =	ssyncadd.s32 $0xFFFFC000  }
0xee: {  	[spmem:s2] =	stream.indirect.scatter.add.f32 [tilespmem:s22], [sflag:$0x3], $0x80, s26, s21, $0xb8;
	[tilespmem:$0x1C800] =	vst v63  }
0xef: {  	_ =	swait.ge [sflag:s19], $0x4000  }
0xf0: {  	[sflag:s19] =	ssyncset.done $0x0  }
0xf1: {  	[sflag:s19] =	ssyncadd.s32 $0xFFFFC000  }
0xf2: {  	[tilespmem:s22], [sflag:$0x2] =	stream.indirect.gather [hbm4b:s4+s21], $0x80, s28, s21, $0xb8;
	[tilespmem:$0x1C800] =	vst v63  }
0xf3: {  	_ =	swait.ge [sflag:s23], $0x4000  }
0xf4: {  	[sflag:s23] =	ssyncset.done $0x0  }
0xf5: {  	[sflag:s23] =	ssyncadd.s32 $0xFFFFC000  }
0xf6: {  	[spmem:s2] =	stream.indirect.scatter.add.f32 [tilespmem:s18], [sflag:$0x3], $0x80, s29, s21, $0xb8;
	[tilespmem:$0x1C800] =	vst v63  }
0xf7: {  	_ =	swait.ge [sflag:s19], $0x4000  }
0xf8: {  	[sflag:s19] =	ssyncset.done $0x0  }
0xf9: {  	[sflag:s19] =	ssyncadd.s32 $0xFFFFC000  }
0xfa: {  	[tilespmem:s18], [sflag:$0x1] =	stream.indirect.gather [hbm4b:s4+s21], $0x80, s30, s21, $0xb8;
	[tilespmem:$0x1C800] =	vst v63  }
0xfb: {  	_ =	swait.ge [sflag:s25], $0x4000  }
0xfc: {  	[sflag:s25] =	ssyncset.done $0x0  }
0xfd: {  	[sflag:s25] =	ssyncadd.s32 $0xFFFFC000  }
0xfe: {  	[spmem:s2] =	stream.indirect.scatter.add.f32 [tilespmem:s22], [sflag:$0x3], $0x80, s31, s21, $0xb8;
	[tilespmem:$0x1C800] =	vst v63  }
0xff: {  	_ =	swait.ge [sflag:s19], $0x4000  }
0x100: {  	[sflag:s19] =	ssyncset.done $0x0  }
0x101: {  	[sflag:s19] =	ssyncadd.s32 $0xFFFFC000  }
0x102: {  	[tilespmem:s22], [sflag:$0x2] =	stream.indirect.gather [hbm4b:s4+s21], $0x80, s0, s21, $0xb8;
	[tilespmem:$0x1C800] =	vst v63  }
0x103: {  	_ =	swait.ge [sflag:s23], $0x4000  }
0x104: {  	[sflag:s23] =	ssyncset.done $0x0  }
0x105: {  	[sflag:s23] =	ssyncadd.s32 $0xFFFFC000  }
0x106: {  	[spmem:s2] =	stream.indirect.scatter.add.f32 [tilespmem:s18], [sflag:$0x3], $0x80, s1, s21, $0xb8;
	[tilespmem:$0x1C800] =	vst v63  }
0x107: {  	_ =	swait.ge [sflag:s19], $0x4000  }
0x108: {  	[sflag:s19] =	ssyncset.done $0x0  }
0x109: {  	[sflag:s19] =	ssyncadd.s32 $0xFFFFC000  }
0x10a: {  	[tilespmem:s18], [sflag:$0x1] =	stream.indirect.gather [hbm4b:s4+s21], $0x80, s10, s21, $0xb8;
	[tilespmem:$0x1C800] =	vst v63  }
0x10b: {  	_ =	swait.ge [sflag:s25], $0x4000  }
0x10c: {  	[sflag:s25] =	ssyncset.done $0x0  }
0x10d: {  	[sflag:s25] =	ssyncadd.s32 $0xFFFFC000  }
0x10e: {  	[spmem:s2] =	stream.indirect.scatter.add.f32 [tilespmem:s22], [sflag:$0x3], $0x80, s11, s21, $0xb8;
	[tilespmem:$0x1C800] =	vst v63  }
0x10f: {  	_ =	swait.ge [sflag:s19], $0x4000  }
0x110: {  	[sflag:s19] =	ssyncset.done $0x0  }
0x111: {  	[sflag:s19] =	ssyncadd.s32 $0xFFFFC000  }
0x112: {  	[tilespmem:s22], [sflag:$0x2] =	stream.indirect.gather [hbm4b:s4+s21], $0x80, s12, s21, $0xb8;
	[tilespmem:$0x1C800] =	vst v63  }
0x113: {  	_ =	swait.ge [sflag:s23], $0x4000  }
0x114: {  	[sflag:s23] =	ssyncset.done $0x0  }
0x115: {  	[sflag:s23] =	ssyncadd.s32 $0xFFFFC000  }
0x116: {  	[spmem:s2] =	stream.indirect.scatter.add.f32 [tilespmem:s18], [sflag:$0x3], $0x80, s13, s21, $0xb8;
	[tilespmem:$0x1C800] =	vst v63  }
0x117: {  	_ =	swait.ge [sflag:s19], $0x4000  }
0x118: {  	[sflag:s19] =	ssyncset.done $0x0  }
0x119: {  	[sflag:s19] =	ssyncadd.s32 $0xFFFFC000  }
0x11a: {  	_ =	swait.ge [sflag:s25], $0x4000  }
0x11b: {  	[sflag:s25] =	ssyncset.done $0x0  }
0x11c: {  	[sflag:s25] =	ssyncadd.s32 $0xFFFFC000  }
0x11d: {  	[spmem:s2] =	stream.indirect.scatter.add.f32 [tilespmem:s22], [sflag:$0x3], $0x80, s14, s21, $0xb8;
	[tilespmem:$0x1C800] =	vst v63  }
0x11e: {  	_ =	swait.ge [sflag:s19], $0x4000  }
0x11f: {  	[sflag:s19] =	ssyncset.done $0x0  }
0x120: {  	[sflag:s19] =	ssyncadd.s32 $0xFFFFC000  }
0x121: {  	s8 =	stileid.u32;
	[bflag:$0x0] =	sbarrier.arrive $0xFFFF  }
0x122: {  	s5 =	sshll.u32 s8, $0x6;
	s8 =	rddreg [dreg:$0x5]  }
0x123: {  	s5 =	sor.u32 $0x1C03, s5;
	s7 =	rddreg [dreg:$0xa];
	s9 =	sshrl.u32 s8, $0x3  }
0x124: {  	[hbm:s7], [sflag:s5] =	dma.local [spmem:s9], $0x800  }
0x125: {  	_ =	swait.ge [sflag:s19], $0x800  }
0x126: {  	[sflag:s19] =	ssyncset.done $0x0;
	s7 =	rddreg [dreg:$0x6]  }
0x127: {  	s9 =	rddreg [dreg:$0xb];
	[sflag:s19] =	ssyncadd.s32 $0xFFFFF800;
	s6 =	sshrl.u32 s7, $0x3  }
0x128: {  	[hbm:s9], [sflag:s5] =	dma.local [spmem:s6], $0x800  }
0x129: {  	_ =	swait.ge [sflag:s19], $0x800  }
0x12a: {  	[sflag:s19] =	ssyncset.done $0x0;
	s7 =	rddreg [dreg:$0x7]  }
0x12b: {  	s9 =	rddreg [dreg:$0xc];
	[sflag:s19] =	ssyncadd.s32 $0xFFFFF800;
	s6 =	sshrl.u32 s7, $0x3  }
0x12c: {  	[hbm:s9], [sflag:s5] =	dma.local [spmem:s6], $0x800  }
0x12d: {  	_ =	swait.ge [sflag:s19], $0x800  }
0x12e: {  	[sflag:s19] =	ssyncset.done $0x0;
	s7 =	rddreg [dreg:$0x8]  }
0x12f: {  	s9 =	rddreg [dreg:$0xd];
	[sflag:s19] =	ssyncadd.s32 $0xFFFFF800;
	s6 =	sshrl.u32 s7, $0x3  }
0x130: {  	[hbm:s9], [sflag:s5] =	dma.local [spmem:s6], $0x800  }
0x131: {  	_ =	swait.ge [sflag:s19], $0x800  }
0x132: {  	[sflag:s19] =	ssyncset.done $0x0;
	s9 =	rddreg [dreg:$0x9]  }
0x133: {  	s7 =	rddreg [dreg:$0xe];
	[sflag:s19] =	ssyncadd.s32 $0xFFFFF800;
	s6 =	sshrl.u32 s9, $0x3  }
0x134: {  	[hbm:s7], [sflag:s5] =	dma.local [spmem:s6], $0x800  }
0x135: {  	_ =	swait.ge [sflag:s19], $0x800  }
0x136: {  	s15 =	sadd.s32 $0x1, s15;
	s7 =	rddreg [dreg:$0xf]  }
0x137: {  	p0 =	sne.s32 s15, s7  }
.Ltmp2:
0x138: {  	_ = 	snop;
	(pc) =	sbr.rel @p0 .LBB2_1-.Ltmp2, $3  }
0x139: {  	_ =	sdelay $0x1  }
0x13a: {  	[sflag:s19] =	ssyncset.done $0x0  }
0x13b: {  	[sflag:s19] =	ssyncadd.s32 $0xFFFFF800  }
0x13c: {  	_ =	sfence.sel $0x180000  }
0x13d: {  	[bflag:$0x0] =	sbarrier.arrive $0xFFFF  }
0x13e: {  	_ =	strace $0x90000047  }
0x13f: {  	s0 =	stileid.u32;
	[bflag:$0x2] =	sbarrier.arrive $0xFFFF  }
0x140: {  	p0 =	sne.s32 s0, $0x0;
	s0 =	rddreg [dreg:$0x4]  }
0x141: {  	s0 =	sadd.s32 @!p0 $0x100000, s0  }
0x142: {  	[sflag:s0] =	ssyncadd.tile.s32 @!p0 $0x1;
	_ =	shalt  }
.Lfunc_end2:
_tile_overlayer_lowered:
.L_overlay_start_2:
0x143: {  	(tag) =	ssettag $0x2  }
0x144: {  	s0 =	rddreg [dreg:$0x0];
	s2 =	stileid.u32  }
0x145: {  	s1 =	rddreg [dreg:$0x1];
	p0 =	sne.s32 s2, $0x0  }
0x146: {  	s3 =	rddreg [dreg:$0x2];
	[bflag:$0x3] =	sbarrier.arrive $0xFFFF;
	s2 =	simm.s32 @!p0 $0x1C03  }
0x147: {  	[timem:s3], [sflag:s2] =	dma.local @!p0 [hbm:s0], s1  }
0x148: {  	s0 =	simm.s32 @!p0 $0x3  }
0x149: {  	_ =	swait.ge @!p0 [sflag:s0], s1  }
0x14a: {  	s1 =	ssub.s32 @!p0 $0x0, s1;
	[sflag:s0] =	ssyncset.done @!p0 $0x0  }
0x14b: {  	[sflag:s0] =	ssyncadd.s32 @!p0 s1  }
0x14c: {  	[bflag:$0x3] =	sbarrier.arrive $0xFFFF  }
0x14d: {  	_ =	shalt  }

// kernel: gcn_aggregate_sc.8.cloned.1.call-start
scs
__scs_entry_jumppad:
0x0: {  	(pc) =	sbr.rel $0x88, $3  }
0x1: {  	(tag) =	ssettag $0x0;
	lr =	simm.s32 $0x1  }
0x2: {  	[smem:$0x3F93] =	sst lr;
	_ =	strace $0xD0000000  }
0x3: {  	_ = 	snop  }
0x4: {  	_ = 	snop  }
0x5: {  	_ = 	snop  }
0x6: {  	_ = 	snop  }
0x7: {  	_ = 	snop  }
__scs_overlays_trampoline_lowered:
0x8: {  	[smem:$0x3FA2] =	sst s0  }
0x9: {  	[smem:$0x3FA3] =	sst s1  }
0xa: {  	[smem:$0x3FA4] =	sst s2  }
0xb: {  	[smem:$0x3FA5] =	sst s3  }
0xc: {  	[smem:$0x3FA6] =	sst s4  }
0xd: {  	[smem:$0x3FA7] =	sst s5  }
0xe: {  	[smem:$0x3FA8] =	sst s6  }
0xf: {  	[smem:$0x3FA9] =	sst s7  }
0x10: {  	[smem:$0x3FAA] =	sst s8  }
0x11: {  	[smem:$0x3FAB] =	sst s9;
	s0 =	simm.s32 @!p0 $0x0  }
0x12: {  	s1 =	sld [smem:$0x3F91];
	s0 =	simm.s32 @p0 $0x1  }
0x13: {  	[smem:$0x3FAC] =	sst s0;
	s0 =	simm.s32 @!p1 $0x0  }
0x14: {  	s2 =	sld [smem:$0x3F90];
	s0 =	simm.s32 @p1 $0x1  }
0x15: {  	[smem:$0x3FAD] =	sst s0;
	s0 =	simm.s32 @!p2 $0x0  }
0x16: {  	s3 =	sld [smem:$0x3FDB];
	s0 =	simm.s32 @p2 $0x1  }
0x17: {  	s4 =	simm.s32 $0x1BF5;
	[smem:$0x3FAF] =	sst s0  }
0x18: {  	s0 =	sld [smem:$0x3F92];
	_ =	swait.ge [sflag:s4], $0x0  }
0x19: {  	s7 =	sld [smem:$0x3F93]  }
0x1a: {  	s8 =	sadd.s32 $0xFFFFE003, lr  }
0x1b: {  	s9 =	sadd.s32 $0xFFFFFEF7, lr;
	s5 =	simm.s32 $0xFFFFFFFF;
	p2 =	slt.u32 s8, $0xFFFFF086  }
0x1c: {  	p1 =	slt.u32 s9, $0xF7A;
	s5 =	simm.s32 @!p2 $0x0  }
0x1d: {  	s5 =	simm.s32 @p1 $0x1;
	p0 =	seq.s32 s7, s2  }
0x1e: {  	s7 =	smul.u32 @!p0 $0xF7A, s2;
	p2 =	seq.s32 @!p0 s5, $0x0  }
0x1f: {  	s9 =	smul.u32 $0xF7A, s1;
	s8 =	simm.s32 @!p0 $0x1BF5;
	p2 =	por !p2, p0  }
0x20: {  	[sflag:s8] =	ssyncset.s32 @!p0 $0xFFFFF086;
	s6 =	sadd.s32 @!p0 s3, s7;
	s7 =	simm.s32 @!p0 $0x108  }
0x21: {  	s3 =	sadd.s32 s3, s9;
	s6 =	sadd.s32 @!p0 $0x88, s6;
	s7 =	simm.s32 @p2 $0x1082  }
0x22: {  	[simem:s7], [sflag:s8] =	dma.local @!p0 [hbm:s6], $0xF7A  }
0x23: {  	s9 =	sor.u32 $0xD0000000, s2;
	s6 =	simm.s32 $0x108;
	_ =	swait.ge @!p0 [sflag:s8], $0x0  }
0x24: {  	s3 =	sadd.s32 $0x88, s3;
	s6 =	simm.s32 @!p1 $0x1082;
	[sflag:s4] =	ssyncset.s32 $0xFFFFF086  }
0x25: {  	[simem:s6], [sflag:s4] =	dma.local [hbm:s3], $0xF7A  }
0x26: {  	[smem:$0x3F93] =	sst s1;
	(tag) =	ssettag s2;
	_ =	strace s9  }
0x27: {  	s1 =	sld [smem:$0x3FA3]  }
0x28: {  	s2 =	sld [smem:$0x3FA4]  }
0x29: {  	s4 =	sld [smem:$0x3FA6]  }
0x2a: {  	p0 =	seq.s32 s5, $0x0;
	s5 =	sld [smem:$0x3FA7]  }
0x2b: {  	s6 =	sld [smem:$0x3FA8]  }
0x2c: {  	s7 =	sld [smem:$0x3FA9]  }
0x2d: {  	s3 =	simm.s32 $0x108;
	s8 =	sld [smem:$0x3FAA]  }
0x2e: {  	s3 =	simm.s32 @!p0 $0x1082;
	s9 =	sld [smem:$0x3FAB]  }
0x2f: {  	lr =	sadd.s32 s0, s3;
	s0 =	sld [smem:$0x3FA2]  }
0x30: {  	s3 =	sld [smem:$0x3FA5]  }
0x31: {  	[smem:$0x3FAE] =	sst s10  }
0x32: {  	s10 =	sld [smem:$0x3FAC];
	_ =	sdelay $0x3  }
0x33: {  	p0 =	seq.s32 s10, $0x1;
	s10 =	sld [smem:$0x3FAE];
	_ =	sdelay $0x3  }
0x34: {  	[smem:$0x3FAE] =	sst s10  }
0x35: {  	s10 =	sld [smem:$0x3FAD];
	_ =	sdelay $0x3  }
0x36: {  	p1 =	seq.s32 s10, $0x1;
	s10 =	sld [smem:$0x3FAE];
	_ =	sdelay $0x3  }
0x37: {  	[smem:$0x3FAE] =	sst s10  }
0x38: {  	s10 =	sld [smem:$0x3FAF]  }
0x39: {  	_ = 	snop;
	(pc) =	sbr.ind lr, $3  }
0x3a: {  	_ = 	snop  }
0x3b: {  	_ = 	snop  }
0x3c: {  	p2 =	seq.s32 s10, $0x1;
	s10 =	sld [smem:$0x3FAE]  }
0x3d: {  	_ =	shalt  }
0x3e: {  	_ =	shalt  }
0x3f: {  	_ =	shalt  }
0x40: {  	_ =	shalt  }
0x41: {  	_ =	shalt  }
0x42: {  	_ =	shalt  }
0x43: {  	_ =	shalt  }
0x44: {  	_ =	shalt  }
0x45: {  	_ =	shalt  }
0x46: {  	_ =	shalt  }
0x47: {  	_ =	shalt  }
0x48: {  	_ =	shalt  }
0x49: {  	_ =	shalt  }
0x4a: {  	_ =	shalt  }
0x4b: {  	_ =	shalt  }
0x4c: {  	_ =	shalt  }
0x4d: {  	_ =	shalt  }
0x4e: {  	_ =	shalt  }
0x4f: {  	_ =	shalt  }
0x50: {  	_ =	shalt  }
0x51: {  	_ =	shalt  }
0x52: {  	_ =	shalt  }
0x53: {  	_ =	shalt  }
0x54: {  	_ =	shalt  }
0x55: {  	_ =	shalt  }
0x56: {  	_ =	shalt  }
0x57: {  	_ =	shalt  }
0x58: {  	_ =	shalt  }
0x59: {  	_ =	shalt  }
0x5a: {  	_ =	shalt  }
0x5b: {  	_ =	shalt  }
0x5c: {  	_ =	shalt  }
0x5d: {  	_ =	shalt  }
0x5e: {  	_ =	shalt  }
0x5f: {  	_ =	shalt  }
0x60: {  	_ =	shalt  }
0x61: {  	_ =	shalt  }
0x62: {  	_ =	shalt  }
0x63: {  	_ =	shalt  }
0x64: {  	_ =	shalt  }
0x65: {  	_ =	shalt  }
0x66: {  	_ =	shalt  }
0x67: {  	_ =	shalt  }
0x68: {  	_ =	shalt  }
0x69: {  	_ =	shalt  }
0x6a: {  	_ =	shalt  }
0x6b: {  	_ =	shalt  }
0x6c: {  	_ =	shalt  }
0x6d: {  	_ =	shalt  }
0x6e: {  	_ =	shalt  }
0x6f: {  	_ =	shalt  }
0x70: {  	_ =	shalt  }
0x71: {  	_ =	shalt  }
0x72: {  	_ =	shalt  }
0x73: {  	_ =	shalt  }
0x74: {  	_ =	shalt  }
0x75: {  	_ =	shalt  }
0x76: {  	_ =	shalt  }
0x77: {  	_ =	shalt  }
0x78: {  	_ =	shalt  }
0x79: {  	_ =	shalt  }
0x7a: {  	_ =	shalt  }
0x7b: {  	_ =	shalt  }
0x7c: {  	_ =	shalt  }
0x7d: {  	_ =	shalt  }
0x7e: {  	_ =	shalt  }
0x7f: {  	_ =	shalt  }
0x80: {  	_ =	shalt  }
0x81: {  	_ =	shalt  }
0x82: {  	_ =	shalt  }
0x83: {  	_ =	shalt  }
0x84: {  	_ =	shalt  }
0x85: {  	_ =	shalt  }
0x86: {  	_ =	shalt  }
0x87: {  	_ =	shalt  }
.Lfunc_end0:
.L_simem_size_0:
called_computation.1_lowered:
.L_overlay_start_0:
0x88: {  	s2 =	sld [smem:$0x3FD9]  }
0x89: {  	s3 =	sld [smem:$0x3FFE];
	_ =	sdelay $0x1  }
0x8a: {  	s1 =	srdreg.scid  }
0x8b: {  	s0 =	sand.u32 $0x1, s1  }
0x8c: {  	s14 =	sshll.u32 s0, $0xA;
	s2 =	sadd.s32 s3, s2  }
0x8d: {  	s2 =	sadd.s32 s2, s14  }
0x8e: {  	[smem:$0x3FBA] =	sst s2  }
0x8f: {  	_ = 	snop  }
0x90: {  	s2 =	sld [smem:$0x3FD0];
	_ =	sdelay $0x2  }
0x91: {  	s15 =	simm.s32 $0xA;
	s4 =	simm.s32 $0x10  }
0x92: {  	[smem:s4], [sflag:s15] =	dma.local [hbm:s2], $0x1  }
0x93: {  	_ =	swait.eq [sflag:s15], $0x1  }
0x94: {  	[sflag:s15] =	ssyncset.done $0x0  }
0x95: {  	[sflag:s15] =	ssyncadd.s32 $0xFFFFFFFF  }
0x96: {  	s16 =	sld [smem:$0x10];
	(tm) =	ssettm $0x1  }
0x97: {  	s17 =	sld [smem:$0x3FFB];
	_ =	sdelay $0x3  }
0x98: {  	_ =	strace s17  }
0x99: {  	s3 =	sld [smem:$0x3FFC];
	_ =	sdelay $0x3  }
0x9a: {  	_ =	strace s3  }
0x9b: {  	s3 =	sld [smem:$0x3FFD];
	_ =	sdelay $0x3  }
0x9c: {  	_ =	strace s3  }
0x9d: {  	_ =	strace $0x8FFFFFFF  }
0x9e: {  	s18 =	sld [smem:$0x3FDB];
	_ =	sdelay $0x1  }
0x9f: {  	s19 =	simm.s32 $_scs_section_size  }
0xa0: {  	s5 =	simm.s32 $_size__tile_overlayer_lowered;
	s6 =	simm.s32 $_tile_overlayer_lowered  }
0xa1: {  	s22 =	simm.s32 $0x1BFF;
	s21 =	sshll.u32 s6, $0x1;
	s3 =	sadd.s32 s19, s18  }
0xa2: {  	s7 =	simm.s32 $0x0;
	s20 =	sshll.u32 s5, $0x1;
	s5 =	sadd.s32 s21, s3  }
0xa3: {  	[timem:s7], [sflag:s22] =	dma.local [hbm:s5], s20  }
0xa4: {  	_ =	swait.ge [sflag:s22], s20  }
0xa5: {  	s4 =	ssub.s32 $0x0, s20;
	[sflag:s22] =	ssyncset.done $0x0  }
0xa6: {  	[sflag:s22] =	ssyncadd.s32 s4;
	_ =	sdelay $0x1  }
0xa7: {  	s23 =	simm.s32 $0x1B8B  }
0xa8: {  	_ =	swait.ge [sflag:s23], $0x1  }
0xa9: {  	[sflag:s23] =	ssyncset.done $0x0  }
0xaa: {  	s25 =	simm.s32 $0x1B8E;
	s24 =	sld [smem:$0x3FFE];
	[sflag:s23] =	ssyncadd.s32 $0xFFFFFFFF  }
0xab: {  	s26 =	simm.s32 $execute0_lowered;
	[smem:$0x3FD2] =	sst s25  }
0xac: {  	s5 =	sshll.u32 s26, $0x1;
	_ =	strace $0x80000049;
	[dreg:$0x1] =	wrdreg $0xFFFFFFFF  }
0xad: {  	s28 =	simm.s32 $_size_execute0_lowered;
	s3 =	sadd.s32 s3, s5;
	[dreg:$0x0] =	wrdreg $0x0  }
0xae: {  	s5 =	sshll.u32 s28, $0x1;
	[dreg:$0x2] =	wrdreg s3  }
0xaf: {  	[dreg:$0x3] =	wrdreg s5  }
0xb0: {  	[dreg:$0x4] =	wrdreg $0xC0  }
0xb1: {  	_ =	task [dreg:s7], $0x5FFFF  }
0xb2: {  	[dreg:$0x1] =	wrdreg $0xFFFFFFFF  }
0xb3: {  	[dreg:$0x0] =	wrdreg $0x60  }
0xb4: {  	[dreg:$0x2] =	wrdreg s24  }
0xb5: {  	[dreg:$0x3] =	wrdreg s16  }
0xb6: {  	[dreg:$0x4] =	wrdreg $0x88000  }
0xb7: {  	[dreg:$0x5] =	wrdreg $0x9  }
0xb8: {  	_ =	task.clear_ibuf [dreg:s7], $0x6FFFF;
	_ =	strace $0x90000049  }
0xb9: {  	s29 =	simm.s32 $0x9;
	_ =	strace $0x8000004B  }
0xba: {  	_ =	swait.ge [sflag:s29], $0x1  }
0xbb: {  	[sflag:s29] =	ssyncadd.s32 $0xFFFFFFFF  }
0xbc: {  	_ =	strace $0x9000004B  }
0xbd: {  	_ =	sfence  }
0xbe: {  	s30 =	sld [smem:$0x0];
	_ =	sdelay $0x2  }
0xbf: {  	s31 =	sshll.u32 s1, $0xD;
	s1 =	sshrl.u32 s1, $0x2  }
0xc0: {  	s3 =	sand.u32 $0x4000, s31;
	s1 =	sadd.s32 s1, s30  }
0xc1: {  	s0 =	sor.u32 s3, s0;
	s1 =	sshll.u32 s1, $0x11  }
0xc2: {  	s0 =	sor.u32 s1, s0  }
0xc3: {  	s0 =	sadd.s32 $0x8F2B, s0  }
0xc4: {  	[sflag:s0] =	ssyncadd.remote.s32 $0x1  }
0xc5: {  	_ =	sfence.sel $0xFFFF  }
0xc6: {  	[dreg:$0x0] =	wrdreg $0xFFFFFFFF;
	(pc) =	sbr.abs _section_cstart, $3  }
0xc7: {  	[dreg:$0x1] =	wrdreg $0xFFFFFFFF  }
0xc8: {  	_ =	task.clear_ibuf [dreg:s7], $0x2FFFF;
	_ =	strace $0x9FFFFFFF  }
0xc9: {  	(tm) =	ssettm $0x7FFFFFFF  }
tec
execute0_lowered:
.L_overlay_start_1:
0x0: {  	(tag) =	ssettag $0x1  }
0x1: {  	s0 =	rddreg [dreg:$0x0];
	s1 =	srdreg.scid  }
0x2: {  	s5 =	rddreg [dreg:$0x1];
	s11 =	stileid.u32  }
0x3: {  	s2 =	rddreg [dreg:$0x2];
	s3 =	simm.s32 $0x0;
	s6 =	smul.u32 $0x2800, s11  }
0x4: {  	s28 =	simm.s32 $0x180;
	s29 =	simm.s32 $0x500;
	s7 =	smul.u32 $0x50000, s11  }
0x5: {  	s30 =	simm.s32 $0x200;
	s1 =	sand.u32 $0x1, s1;
	s11 =	smul.u32 $0x14000, s11  }
0x6: {  	s31 =	simm.s32 $0x580;
	[smem:$0x7FF] =	sst s3;
	s4 =	smul.u32 $0x28000, s1  }
0x7: {  	_ =	strace $0x8000004A;
	s8 =	ssub.s32 $0x2, s1;
	s1 =	smul.u32 $0x140000, s1  }
0x8: {  	s9 =	sshrl.u32 s8, $0x1;
	s7 =	sshrl.u32 s7, $0x2;
	s17 =	sadd.s32 $0x4000, s11  }
0x9: {  	s13 =	sadd.s32 $0x8000, s11;
	s14 =	sadd.s32 $0xC000, s11;
	s4 =	sadd.s32 s6, s4  }
0xa: {  	s12 =	ssub.s32 s8, s9;
	s8 =	sadd.s32 s7, s2;
	s18 =	sadd.s32 s17, s2  }
0xb: {  	s19 =	sadd.s32 s13, s2;
	s20 =	sadd.s32 s14, s2;
	s21 =	sadd.s32 s11, s1  }
0xc: {  	s7 =	sadd.s32 s1, s17;
	s11 =	sadd.s32 $0x10000, s11;
	s22 =	sadd.s32 s1, s13  }
0xd: {  	s23 =	sadd.s32 s1, s14;
	s13 =	simm.s32 $0x700;
	[dreg:$0x5] =	wrdreg s18  }
0xe: {  	s14 =	simm.s32 $0x780;
	s6 =	sshrl.u32 s4, $0x3;
	[dreg:$0x6] =	wrdreg s19  }
0xf: {  	s4 =	sadd.s32 $0x3E00, s0;
	[dreg:$0x7] =	wrdreg s20;
	s15 =	sshrl.u32 s21, $0x3  }
0x10: {  	s7 =	sshrl.u32 s7, $0x3;
	s9 =	sadd.s32 s11, s2;
	s1 =	sadd.s32 s1, s11  }
0x11: {  	s24 =	sshrl.u32 s23, $0x3;
	s26 =	smax.u32 s12, $0x1;
	s18 =	simm.s32 $0x800  }
0x12: {  	s19 =	simm.s32 $0x3;
	s20 =	simm.s32 $0x400;
	s21 =	simm.s32 $0x80  }
0x13: {  	s23 =	simm.s32 $0x1;
	s11 =	simm.s32 $0x680;
	s12 =	simm.s32 $0x380  }
0x14: {  	[dreg:$0x4] =	wrdreg s8;
	s10 =	sadd.s32 s6, s0;
	s0 =	sadd.s32 $0x85E00, s0  }
0x15: {  	s1 =	sshrl.u32 s1, $0x3;
	[dreg:$0xe] =	wrdreg s26;
	s16 =	sadd.s32 s6, s5  }
0x16: {  	s26 =	simm.s32 $0x480;
	[dreg:$0x8] =	wrdreg s9;
	s15 =	sadd.s32 s0, s15  }
0x17: {  	s7 =	sadd.s32 s0, s7;
	s25 =	sadd.s32 s0, s24;
	[dreg:$0x9] =	wrdreg s15  }
0x18: {  	s17 =	sadd.s32 $0x7BE00, s10;
	s24 =	simm.s32 $0x100;
	[dreg:$0xa] =	wrdreg s7  }
0x19: {  	s10 =	simm.s32 $0x300;
	s7 =	sshrl.u32 s22, $0x3;
	[dreg:$0xc] =	wrdreg s25  }
0x1a: {  	s22 =	simm.s32 $0x4800;
	s25 =	simm.s32 $0x2;
	s7 =	sadd.s32 s0, s7  }
0x1b: {  	s15 =	simm.s32 $0x0;
	s0 =	sadd.s32 s0, s1;
	[dreg:$0xb] =	wrdreg s7  }
0x1c: {  	v0 =	vimm.f32 $0.0e+00;
	s1 =	simm.s32 $0x280;
	[dreg:$0xd] =	wrdreg s0;
	s0 =	simm.s32 $0x600  }
.LBB2_1:
0x1d: {  	s5 =	simm.s32 $0x0;
	s6 =	simm.s32 $0x200  }
.LBB2_2:
0x1e: {  	p0 =	sne.s32 s6, $0xFE00;
	[tilespmem:s5+$0x870] =	vst v0  }
0x1f: {  	[tilespmem:s5+$0x800] =	vst v0  }
0x20: {  	[tilespmem:s5+$0x810] =	vst v0  }
.Ltmp0:
0x21: {  	[tilespmem:s5+$0x820] =	vst v0;
	(pc) =	sbr.rel @p0 .LBB2_2-.Ltmp0, $4  }
0x22: {  	[tilespmem:s5+$0x830] =	vst v0  }
0x23: {  	[tilespmem:s5+$0x840] =	vst v0  }
0x24: {  	[tilespmem:s5+$0x850] =	vst v0  }
0x25: {  	[tilespmem:s5+$0x860] =	vst v0;
	s5 =	sshra.s32 s6, $0x2;
	s6 =	sadd.s32 $0x200, s6  }
0x26: {  	[tilespmem:s5+$0x870] =	vst v0  }
0x27: {  	[tilespmem:s5+$0x800] =	vst v0  }
0x28: {  	[tilespmem:s5+$0x810] =	vst v0  }
0x29: {  	[tilespmem:s5+$0x820] =	vst v0  }
0x2a: {  	[tilespmem:s5+$0x830] =	vst v0  }
0x2b: {  	[tilespmem:s5+$0x840] =	vst v0  }
0x2c: {  	[tilespmem:s5+$0x850] =	vst v0  }
0x2d: {  	[tilespmem:s5+$0x860] =	vst v0  }
0x2e: {  	[spmem:s8] =	stream.linear.scatter [tilespmem:s18], [sflag:$0x3], $0x4000, $0x38;
	[tilespmem:$0x1C800] =	vst v63  }
0x2f: {  	_ =	swait.ge [sflag:s19], $0x4000  }
0x30: {  	[sflag:s19] =	ssyncset.done $0x0  }
0x31: {  	s8 =	rddreg [dreg:$0x5];
	[sflag:s19] =	ssyncadd.s32 $0xFFFFC000  }
0x32: {  	[spmem:s8] =	stream.linear.scatter [tilespmem:s18], [sflag:$0x3], $0x4000, $0x38;
	[tilespmem:$0x1C800] =	vst v63  }
0x33: {  	_ =	swait.ge [sflag:s19], $0x4000  }
0x34: {  	[sflag:s19] =	ssyncset.done $0x0  }
0x35: {  	s6 =	rddreg [dreg:$0x6];
	[sflag:s19] =	ssyncadd.s32 $0xFFFFC000  }
0x36: {  	[spmem:s6] =	stream.linear.scatter [tilespmem:s18], [sflag:$0x3], $0x4000, $0x38;
	[tilespmem:$0x1C800] =	vst v63  }
0x37: {  	_ =	swait.ge [sflag:s19], $0x4000  }
0x38: {  	[sflag:s19] =	ssyncset.done $0x0  }
0x39: {  	s7 =	rddreg [dreg:$0x7];
	[sflag:s19] =	ssyncadd.s32 $0xFFFFC000  }
0x3a: {  	[spmem:s7] =	stream.linear.scatter [tilespmem:s18], [sflag:$0x3], $0x4000, $0x38;
	[tilespmem:$0x1C800] =	vst v63  }
0x3b: {  	_ =	swait.ge [sflag:s19], $0x4000  }
0x3c: {  	[sflag:s19] =	ssyncset.done $0x0  }
0x3d: {  	[sflag:s19] =	ssyncadd.s32 $0xFFFFC000  }
0x3e: {  	[spmem:s9] =	stream.linear.scatter [tilespmem:s18], [sflag:$0x3], $0x4000, $0x38;
	[tilespmem:$0x1C800] =	vst v63  }
0x3f: {  	_ =	swait.ge [sflag:s19], $0x4000  }
0x40: {  	[sflag:s19] =	ssyncset.done $0x0  }
0x41: {  	[sflag:s19] =	ssyncadd.s32 $0xFFFFC000  }
0x42: {  	s8 =	sadd.s32 $0x0, s17;
	[bflag:$0x0] =	sbarrier.arrive $0xFFFF  }
0x43: {  	[tilespmem:s3], [sflag:$0x3] =	stream.linear.gather [hbm4b:s8+s3], $0x400, $0x38;
	[tilespmem:$0x1C800] =	vst v63  }
0x44: {  	_ =	swait.ge [sflag:s19], $0x400  }
0x45: {  	[sflag:s19] =	ssyncset.done $0x0  }
0x46: {  	s9 =	sadd.s32 $0x0, s16;
	[sflag:s19] =	ssyncadd.s32 $0xFFFFFC00  }
0x47: {  	[tilespmem:s20], [sflag:$0x3] =	stream.linear.gather [hbm4b:s9+s3], $0x400, $0x38;
	[tilespmem:$0x1C800] =	vst v63  }
0x48: {  	_ =	swait.ge [sflag:s19], $0x400  }
0x49: {  	[sflag:s19] =	ssyncset.done $0x0  }
0x4a: {  	[sflag:s19] =	ssyncadd.s32 $0xFFFFFC00  }
0x4b: {  	[tilespmem:s18], [sflag:$0x1] =	stream.indirect.gather [hbm4b:s4+s21], $0x80, s3, s21, $0xb8;
	[tilespmem:$0x1C800] =	vst v63  }
0x4c: {  	_ = 	snop  }
0x4d: {  	[tilespmem:s22], [sflag:$0x2] =	stream.indirect.gather [hbm4b:s4+s21], $0x80, s21, s21, $0xb8;
	[tilespmem:$0x1C800] =	vst v63  }
0x4e: {  	_ =	swait.ge [sflag:s23], $0x4000  }
0x4f: {  	[sflag:s23] =	ssyncset.done $0x0  }
0x50: {  	[sflag:s23] =	ssyncadd.s32 $0xFFFFC000  }
0x51: {  	[spmem:s2] =	stream.indirect.scatter.add.f32 [tilespmem:s18], [sflag:$0x3], $0x80, s20, s21, $0xb8;
	[tilespmem:$0x1C800] =	vst v63  }
0x52: {  	_ =	swait.ge [sflag:s19], $0x4000  }
0x53: {  	[sflag:s19] =	ssyncset.done $0x0  }
0x54: {  	[sflag:s19] =	ssyncadd.s32 $0xFFFFC000  }
0x55: {  	[tilespmem:s18], [sflag:$0x1] =	stream.indirect.gather [hbm4b:s4+s21], $0x80, s24, s21, $0xb8;
	[tilespmem:$0x1C800] =	vst v63  }
0x56: {  	_ =	swait.ge [sflag:s25], $0x4000  }
0x57: {  	[sflag:s25] =	ssyncset.done $0x0  }
0x58: {  	[sflag:s25] =	ssyncadd.s32 $0xFFFFC000  }
0x59: {  	[spmem:s2] =	stream.indirect.scatter.add.f32 [tilespmem:s22], [sflag:$0x3], $0x80, s26, s21, $0xb8;
	[tilespmem:$0x1C800] =	vst v63  }
0x5a: {  	_ =	swait.ge [sflag:s19], $0x4000  }
0x5b: {  	[sflag:s19] =	ssyncset.done $0x0  }
0x5c: {  	[sflag:s19] =	ssyncadd.s32 $0xFFFFC000  }
0x5d: {  	[tilespmem:s22], [sflag:$0x2] =	stream.indirect.gather [hbm4b:s4+s21], $0x80, s28, s21, $0xb8;
	[tilespmem:$0x1C800] =	vst v63  }
0x5e: {  	_ =	swait.ge [sflag:s23], $0x4000  }
0x5f: {  	[sflag:s23] =	ssyncset.done $0x0  }
0x60: {  	[sflag:s23] =	ssyncadd.s32 $0xFFFFC000  }
0x61: {  	[spmem:s2] =	stream.indirect.scatter.add.f32 [tilespmem:s18], [sflag:$0x3], $0x80, s29, s21, $0xb8;
	[tilespmem:$0x1C800] =	vst v63  }
0x62: {  	_ =	swait.ge [sflag:s19], $0x4000  }
0x63: {  	[sflag:s19] =	ssyncset.done $0x0  }
0x64: {  	[sflag:s19] =	ssyncadd.s32 $0xFFFFC000  }
0x65: {  	[tilespmem:s18], [sflag:$0x1] =	stream.indirect.gather [hbm4b:s4+s21], $0x80, s30, s21, $0xb8;
	[tilespmem:$0x1C800] =	vst v63  }
0x66: {  	_ =	swait.ge [sflag:s25], $0x4000  }
0x67: {  	[sflag:s25] =	ssyncset.done $0x0  }
0x68: {  	[sflag:s25] =	ssyncadd.s32 $0xFFFFC000  }
0x69: {  	[spmem:s2] =	stream.indirect.scatter.add.f32 [tilespmem:s22], [sflag:$0x3], $0x80, s31, s21, $0xb8;
	[tilespmem:$0x1C800] =	vst v63  }
0x6a: {  	_ =	swait.ge [sflag:s19], $0x4000  }
0x6b: {  	[sflag:s19] =	ssyncset.done $0x0  }
0x6c: {  	[sflag:s19] =	ssyncadd.s32 $0xFFFFC000  }
0x6d: {  	[tilespmem:s22], [sflag:$0x2] =	stream.indirect.gather [hbm4b:s4+s21], $0x80, s1, s21, $0xb8;
	[tilespmem:$0x1C800] =	vst v63  }
0x6e: {  	_ =	swait.ge [sflag:s23], $0x4000  }
0x6f: {  	[sflag:s23] =	ssyncset.done $0x0  }
0x70: {  	[sflag:s23] =	ssyncadd.s32 $0xFFFFC000  }
0x71: {  	[spmem:s2] =	stream.indirect.scatter.add.f32 [tilespmem:s18], [sflag:$0x3], $0x80, s0, s21, $0xb8;
	[tilespmem:$0x1C800] =	vst v63  }
0x72: {  	_ =	swait.ge [sflag:s19], $0x4000  }
0x73: {  	[sflag:s19] =	ssyncset.done $0x0  }
0x74: {  	[sflag:s19] =	ssyncadd.s32 $0xFFFFC000  }
0x75: {  	[tilespmem:s18], [sflag:$0x1] =	stream.indirect.gather [hbm4b:s4+s21], $0x80, s10, s21, $0xb8;
	[tilespmem:$0x1C800] =	vst v63  }
0x76: {  	_ =	swait.ge [sflag:s25], $0x4000  }
0x77: {  	[sflag:s25] =	ssyncset.done $0x0  }
0x78: {  	[sflag:s25] =	ssyncadd.s32 $0xFFFFC000  }
0x79: {  	[spmem:s2] =	stream.indirect.scatter.add.f32 [tilespmem:s22], [sflag:$0x3], $0x80, s11, s21, $0xb8;
	[tilespmem:$0x1C800] =	vst v63  }
0x7a: {  	_ =	swait.ge [sflag:s19], $0x4000  }
0x7b: {  	[sflag:s19] =	ssyncset.done $0x0  }
0x7c: {  	[sflag:s19] =	ssyncadd.s32 $0xFFFFC000  }
0x7d: {  	[tilespmem:s22], [sflag:$0x2] =	stream.indirect.gather [hbm4b:s4+s21], $0x80, s12, s21, $0xb8;
	[tilespmem:$0x1C800] =	vst v63  }
0x7e: {  	_ =	swait.ge [sflag:s23], $0x4000  }
0x7f: {  	[sflag:s23] =	ssyncset.done $0x0  }
0x80: {  	[sflag:s23] =	ssyncadd.s32 $0xFFFFC000  }
0x81: {  	[spmem:s2] =	stream.indirect.scatter.add.f32 [tilespmem:s18], [sflag:$0x3], $0x80, s13, s21, $0xb8;
	[tilespmem:$0x1C800] =	vst v63  }
0x82: {  	_ =	swait.ge [sflag:s19], $0x4000  }
0x83: {  	[sflag:s19] =	ssyncset.done $0x0  }
0x84: {  	[sflag:s19] =	ssyncadd.s32 $0xFFFFC000  }
0x85: {  	_ =	swait.ge [sflag:s25], $0x4000  }
0x86: {  	[sflag:s25] =	ssyncset.done $0x0  }
0x87: {  	[sflag:s25] =	ssyncadd.s32 $0xFFFFC000  }
0x88: {  	[spmem:s2] =	stream.indirect.scatter.add.f32 [tilespmem:s22], [sflag:$0x3], $0x80, s14, s21, $0xb8;
	[tilespmem:$0x1C800] =	vst v63  }
0x89: {  	_ =	swait.ge [sflag:s19], $0x4000  }
0x8a: {  	s5 =	simm.s32 $0x80;
	s6 =	simm.s32 $0x100;
	[sflag:s19] =	ssyncset.done $0x0  }
.LBB2_4:
0x8b: {  	s8 =	sadd.s32 s5, s17  }
0x8c: {  	[sflag:s19] =	ssyncadd.s32 $0xFFFFC000;
	s9 =	smov.u32 s6;
	s7 =	sadd.s32 $0x80, s6  }
0x8d: {  	[tilespmem:s3], [sflag:$0x3] =	stream.linear.gather [hbm4b:s8+s3], $0x400, $0x38;
	[tilespmem:$0x1C800] =	vst v63  }
0x8e: {  	p0 =	sne.s32 s6, $0x480;
	_ =	swait.ge [sflag:s19], $0x400  }
0x8f: {  	[sflag:s19] =	ssyncset.done $0x0  }
0x90: {  	s6 =	sadd.s32 s5, s16;
	s5 =	smov.u32 s9;
	[sflag:s19] =	ssyncadd.s32 $0xFFFFFC00  }
0x91: {  	[tilespmem:s20], [sflag:$0x3] =	stream.linear.gather [hbm4b:s6+s3], $0x400, $0x38;
	[tilespmem:$0x1C800] =	vst v63  }
0x92: {  	_ =	swait.ge [sflag:s19], $0x400  }
0x93: {  	[sflag:s19] =	ssyncset.done $0x0  }
0x94: {  	[sflag:s19] =	ssyncadd.s32 $0xFFFFFC00  }
0x95: {  	[tilespmem:s18], [sflag:$0x1] =	stream.indirect.gather [hbm4b:s4+s21], $0x80, s3, s21, $0xb8;
	[tilespmem:$0x1C800] =	vst v63  }
0x96: {  	_ = 	snop  }
0x97: {  	[tilespmem:s22], [sflag:$0x2] =	stream.indirect.gather [hbm4b:s4+s21], $0x80, s21, s21, $0xb8;
	[tilespmem:$0x1C800] =	vst v63  }
0x98: {  	_ =	swait.ge [sflag:s23], $0x4000  }
0x99: {  	[sflag:s23] =	ssyncset.done $0x0  }
0x9a: {  	[sflag:s23] =	ssyncadd.s32 $0xFFFFC000  }
0x9b: {  	[spmem:s2] =	stream.indirect.scatter.add.f32 [tilespmem:s18], [sflag:$0x3], $0x80, s20, s21, $0xb8;
	[tilespmem:$0x1C800] =	vst v63  }
0x9c: {  	_ =	swait.ge [sflag:s19], $0x4000  }
0x9d: {  	[sflag:s19] =	ssyncset.done $0x0  }
0x9e: {  	[sflag:s19] =	ssyncadd.s32 $0xFFFFC000  }
0x9f: {  	[tilespmem:s18], [sflag:$0x1] =	stream.indirect.gather [hbm4b:s4+s21], $0x80, s24, s21, $0xb8;
	[tilespmem:$0x1C800] =	vst v63  }
0xa0: {  	_ =	swait.ge [sflag:s25], $0x4000  }
0xa1: {  	[sflag:s25] =	ssyncset.done $0x0  }
0xa2: {  	[sflag:s25] =	ssyncadd.s32 $0xFFFFC000  }
0xa3: {  	[spmem:s2] =	stream.indirect.scatter.add.f32 [tilespmem:s22], [sflag:$0x3], $0x80, s26, s21, $0xb8;
	[tilespmem:$0x1C800] =	vst v63  }
0xa4: {  	_ =	swait.ge [sflag:s19], $0x4000  }
0xa5: {  	[sflag:s19] =	ssyncset.done $0x0  }
0xa6: {  	[sflag:s19] =	ssyncadd.s32 $0xFFFFC000  }
0xa7: {  	[tilespmem:s22], [sflag:$0x2] =	stream.indirect.gather [hbm4b:s4+s21], $0x80, s28, s21, $0xb8;
	[tilespmem:$0x1C800] =	vst v63  }
0xa8: {  	_ =	swait.ge [sflag:s23], $0x4000  }
0xa9: {  	[sflag:s23] =	ssyncset.done $0x0  }
0xaa: {  	[sflag:s23] =	ssyncadd.s32 $0xFFFFC000  }
0xab: {  	[spmem:s2] =	stream.indirect.scatter.add.f32 [tilespmem:s18], [sflag:$0x3], $0x80, s29, s21, $0xb8;
	[tilespmem:$0x1C800] =	vst v63  }
0xac: {  	_ =	swait.ge [sflag:s19], $0x4000  }
0xad: {  	[sflag:s19] =	ssyncset.done $0x0  }
0xae: {  	[sflag:s19] =	ssyncadd.s32 $0xFFFFC000  }
0xaf: {  	[tilespmem:s18], [sflag:$0x1] =	stream.indirect.gather [hbm4b:s4+s21], $0x80, s30, s21, $0xb8;
	[tilespmem:$0x1C800] =	vst v63  }
0xb0: {  	_ =	swait.ge [sflag:s25], $0x4000  }
0xb1: {  	[sflag:s25] =	ssyncset.done $0x0  }
0xb2: {  	[sflag:s25] =	ssyncadd.s32 $0xFFFFC000  }
0xb3: {  	[spmem:s2] =	stream.indirect.scatter.add.f32 [tilespmem:s22], [sflag:$0x3], $0x80, s31, s21, $0xb8;
	[tilespmem:$0x1C800] =	vst v63  }
0xb4: {  	_ =	swait.ge [sflag:s19], $0x4000  }
0xb5: {  	[sflag:s19] =	ssyncset.done $0x0  }
0xb6: {  	[sflag:s19] =	ssyncadd.s32 $0xFFFFC000  }
0xb7: {  	[tilespmem:s22], [sflag:$0x2] =	stream.indirect.gather [hbm4b:s4+s21], $0x80, s1, s21, $0xb8;
	[tilespmem:$0x1C800] =	vst v63  }
0xb8: {  	_ =	swait.ge [sflag:s23], $0x4000  }
0xb9: {  	[sflag:s23] =	ssyncset.done $0x0  }
0xba: {  	[sflag:s23] =	ssyncadd.s32 $0xFFFFC000  }
0xbb: {  	[spmem:s2] =	stream.indirect.scatter.add.f32 [tilespmem:s18], [sflag:$0x3], $0x80, s0, s21, $0xb8;
	[tilespmem:$0x1C800] =	vst v63  }
0xbc: {  	_ =	swait.ge [sflag:s19], $0x4000  }
0xbd: {  	[sflag:s19] =	ssyncset.done $0x0  }
0xbe: {  	[sflag:s19] =	ssyncadd.s32 $0xFFFFC000  }
0xbf: {  	[tilespmem:s18], [sflag:$0x1] =	stream.indirect.gather [hbm4b:s4+s21], $0x80, s10, s21, $0xb8;
	[tilespmem:$0x1C800] =	vst v63  }
0xc0: {  	_ =	swait.ge [sflag:s25], $0x4000  }
0xc1: {  	[sflag:s25] =	ssyncset.done $0x0  }
0xc2: {  	[sflag:s25] =	ssyncadd.s32 $0xFFFFC000  }
0xc3: {  	[spmem:s2] =	stream.indirect.scatter.add.f32 [tilespmem:s22], [sflag:$0x3], $0x80, s11, s21, $0xb8;
	[tilespmem:$0x1C800] =	vst v63  }
0xc4: {  	_ =	swait.ge [sflag:s19], $0x4000  }
0xc5: {  	[sflag:s19] =	ssyncset.done $0x0  }
0xc6: {  	[sflag:s19] =	ssyncadd.s32 $0xFFFFC000  }
0xc7: {  	[tilespmem:s22], [sflag:$0x2] =	stream.indirect.gather [hbm4b:s4+s21], $0x80, s12, s21, $0xb8;
	[tilespmem:$0x1C800] =	vst v63  }
0xc8: {  	_ =	swait.ge [sflag:s23], $0x4000  }
0xc9: {  	[sflag:s23] =	ssyncset.done $0x0  }
0xca: {  	[sflag:s23] =	ssyncadd.s32 $0xFFFFC000  }
0xcb: {  	[spmem:s2] =	stream.indirect.scatter.add.f32 [tilespmem:s18], [sflag:$0x3], $0x80, s13, s21, $0xb8;
	[tilespmem:$0x1C800] =	vst v63  }
0xcc: {  	_ =	swait.ge [sflag:s19], $0x4000  }
0xcd: {  	[sflag:s19] =	ssyncset.done $0x0  }
0xce: {  	[sflag:s19] =	ssyncadd.s32 $0xFFFFC000  }
0xcf: {  	_ =	swait.ge [sflag:s25], $0x4000  }
.Ltmp1:
0xd0: {  	[sflag:s25] =	ssyncset.done $0x0;
	(pc) =	sbr.rel @p0 .LBB2_4-.Ltmp1, $4  }
0xd1: {  	[sflag:s25] =	ssyncadd.s32 $0xFFFFC000  }
0xd2: {  	[spmem:s2] =	stream.indirect.scatter.add.f32 [tilespmem:s22], [sflag:$0x3], $0x80, s14, s21, $0xb8;
	[tilespmem:$0x1C800] =	vst v63  }
0xd3: {  	_ =	swait.ge [sflag:s19], $0x4000  }
0xd4: {  	s6 =	smov.u32 s7;
	[sflag:s19] =	ssyncset.done $0x0  }
0xd5: {  	s6 =	sadd.s32 s5, s17;
	[sflag:s19] =	ssyncadd.s32 $0xFFFFC000  }
0xd6: {  	[tilespmem:s3], [sflag:$0x3] =	stream.linear.gather [hbm4b:s6+s3], $0x400, $0x38;
	[tilespmem:$0x1C800] =	vst v63  }
0xd7: {  	_ =	swait.ge [sflag:s19], $0x400  }
0xd8: {  	[sflag:s19] =	ssyncset.done $0x0  }
0xd9: {  	s7 =	sadd.s32 s5, s16;
	[sflag:s19] =	ssyncadd.s32 $0xFFFFFC00  }
0xda: {  	[tilespmem:s20], [sflag:$0x3] =	stream.linear.gather [hbm4b:s7+s3], $0x400, $0x38;
	[tilespmem:$0x1C800] =	vst v63  }
0xdb: {  	_ =	swait.ge [sflag:s19], $0x400  }
0xdc: {  	[sflag:s19] =	ssyncset.done $0x0  }
0xdd: {  	[sflag:s19] =	ssyncadd.s32 $0xFFFFFC00  }
0xde: {  	[tilespmem:s18], [sflag:$0x1] =	stream.indirect.gather [hbm4b:s4+s21], $0x80, s3, s21, $0xb8;
	[tilespmem:$0x1C800] =	vst v63  }
0xdf: {  	_ = 	snop  }
0xe0: {  	[tilespmem:s22], [sflag:$0x2] =	stream.indirect.gather [hbm4b:s4+s21], $0x80, s21, s21, $0xb8;
	[tilespmem:$0x1C800] =	vst v63  }
0xe1: {  	_ =	swait.ge [sflag:s23], $0x4000  }
0xe2: {  	[sflag:s23] =	ssyncset.done $0x0  }
0xe3: {  	[sflag:s23] =	ssyncadd.s32 $0xFFFFC000  }
0xe4: {  	[spmem:s2] =	stream.indirect.scatter.add.f32 [tilespmem:s18], [sflag:$0x3], $0x80, s20, s21, $0xb8;
	[tilespmem:$0x1C800] =	vst v63  }
0xe5: {  	_ =	swait.ge [sflag:s19], $0x4000  }
0xe6: {  	[sflag:s19] =	ssyncset.done $0x0  }
0xe7: {  	[sflag:s19] =	ssyncadd.s32 $0xFFFFC000  }
0xe8: {  	[tilespmem:s18], [sflag:$0x1] =	stream.indirect.gather [hbm4b:s4+s21], $0x80, s24, s21, $0xb8;
	[tilespmem:$0x1C800] =	vst v63  }
0xe9: {  	_ =	swait.ge [sflag:s25], $0x4000  }
0xea: {  	[sflag:s25] =	ssyncset.done $0x0  }
0xeb: {  	[sflag:s25] =	ssyncadd.s32 $0xFFFFC000  }
0xec: {  	[spmem:s2] =	stream.indirect.scatter.add.f32 [tilespmem:s22], [sflag:$0x3], $0x80, s26, s21, $0xb8;
	[tilespmem:$0x1C800] =	vst v63  }
0xed: {  	_ =	swait.ge [sflag:s19], $0x4000  }
0xee: {  	[sflag:s19] =	ssyncset.done $0x0  }
0xef: {  	[sflag:s19] =	ssyncadd.s32 $0xFFFFC000  }
0xf0: {  	[tilespmem:s22], [sflag:$0x2] =	stream.indirect.gather [hbm4b:s4+s21], $0x80, s28, s21, $0xb8;
	[tilespmem:$0x1C800] =	vst v63  }
0xf1: {  	_ =	swait.ge [sflag:s23], $0x4000  }
0xf2: {  	[sflag:s23] =	ssyncset.done $0x0  }
0xf3: {  	[sflag:s23] =	ssyncadd.s32 $0xFFFFC000  }
0xf4: {  	[spmem:s2] =	stream.indirect.scatter.add.f32 [tilespmem:s18], [sflag:$0x3], $0x80, s29, s21, $0xb8;
	[tilespmem:$0x1C800] =	vst v63  }
0xf5: {  	_ =	swait.ge [sflag:s19], $0x4000  }
0xf6: {  	[sflag:s19] =	ssyncset.done $0x0  }
0xf7: {  	[sflag:s19] =	ssyncadd.s32 $0xFFFFC000  }
0xf8: {  	[tilespmem:s18], [sflag:$0x1] =	stream.indirect.gather [hbm4b:s4+s21], $0x80, s30, s21, $0xb8;
	[tilespmem:$0x1C800] =	vst v63  }
0xf9: {  	_ =	swait.ge [sflag:s25], $0x4000  }
0xfa: {  	[sflag:s25] =	ssyncset.done $0x0  }
0xfb: {  	[sflag:s25] =	ssyncadd.s32 $0xFFFFC000  }
0xfc: {  	[spmem:s2] =	stream.indirect.scatter.add.f32 [tilespmem:s22], [sflag:$0x3], $0x80, s31, s21, $0xb8;
	[tilespmem:$0x1C800] =	vst v63  }
0xfd: {  	_ =	swait.ge [sflag:s19], $0x4000  }
0xfe: {  	[sflag:s19] =	ssyncset.done $0x0  }
0xff: {  	[sflag:s19] =	ssyncadd.s32 $0xFFFFC000  }
0x100: {  	[tilespmem:s22], [sflag:$0x2] =	stream.indirect.gather [hbm4b:s4+s21], $0x80, s1, s21, $0xb8;
	[tilespmem:$0x1C800] =	vst v63  }
0x101: {  	_ =	swait.ge [sflag:s23], $0x4000  }
0x102: {  	[sflag:s23] =	ssyncset.done $0x0  }
0x103: {  	[sflag:s23] =	ssyncadd.s32 $0xFFFFC000  }
0x104: {  	[spmem:s2] =	stream.indirect.scatter.add.f32 [tilespmem:s18], [sflag:$0x3], $0x80, s0, s21, $0xb8;
	[tilespmem:$0x1C800] =	vst v63  }
0x105: {  	_ =	swait.ge [sflag:s19], $0x4000  }
0x106: {  	[sflag:s19] =	ssyncset.done $0x0  }
0x107: {  	[sflag:s19] =	ssyncadd.s32 $0xFFFFC000  }
0x108: {  	[tilespmem:s18], [sflag:$0x1] =	stream.indirect.gather [hbm4b:s4+s21], $0x80, s10, s21, $0xb8;
	[tilespmem:$0x1C800] =	vst v63  }
0x109: {  	_ =	swait.ge [sflag:s25], $0x4000  }
0x10a: {  	[sflag:s25] =	ssyncset.done $0x0  }
0x10b: {  	[sflag:s25] =	ssyncadd.s32 $0xFFFFC000  }
0x10c: {  	[spmem:s2] =	stream.indirect.scatter.add.f32 [tilespmem:s22], [sflag:$0x3], $0x80, s11, s21, $0xb8;
	[tilespmem:$0x1C800] =	vst v63  }
0x10d: {  	_ =	swait.ge [sflag:s19], $0x4000  }
0x10e: {  	[sflag:s19] =	ssyncset.done $0x0  }
0x10f: {  	[sflag:s19] =	ssyncadd.s32 $0xFFFFC000  }
0x110: {  	[tilespmem:s22], [sflag:$0x2] =	stream.indirect.gather [hbm4b:s4+s21], $0x80, s12, s21, $0xb8;
	[tilespmem:$0x1C800] =	vst v63  }
0x111: {  	_ =	swait.ge [sflag:s23], $0x4000  }
0x112: {  	[sflag:s23] =	ssyncset.done $0x0  }
0x113: {  	[sflag:s23] =	ssyncadd.s32 $0xFFFFC000  }
0x114: {  	[spmem:s2] =	stream.indirect.scatter.add.f32 [tilespmem:s18], [sflag:$0x3], $0x80, s13, s21, $0xb8;
	[tilespmem:$0x1C800] =	vst v63  }
0x115: {  	_ =	swait.ge [sflag:s19], $0x4000  }
0x116: {  	[sflag:s19] =	ssyncset.done $0x0  }
0x117: {  	[sflag:s19] =	ssyncadd.s32 $0xFFFFC000  }
0x118: {  	_ =	swait.ge [sflag:s25], $0x4000  }
0x119: {  	[sflag:s25] =	ssyncset.done $0x0  }
0x11a: {  	[sflag:s25] =	ssyncadd.s32 $0xFFFFC000  }
0x11b: {  	[spmem:s2] =	stream.indirect.scatter.add.f32 [tilespmem:s22], [sflag:$0x3], $0x80, s14, s21, $0xb8;
	[tilespmem:$0x1C800] =	vst v63  }
0x11c: {  	_ =	swait.ge [sflag:s19], $0x4000  }
0x11d: {  	[sflag:s19] =	ssyncset.done $0x0  }
0x11e: {  	[sflag:s19] =	ssyncadd.s32 $0xFFFFC000  }
0x11f: {  	s8 =	stileid.u32;
	[bflag:$0x0] =	sbarrier.arrive $0xFFFF  }
0x120: {  	s5 =	sshll.u32 s8, $0x6;
	s8 =	rddreg [dreg:$0x4]  }
0x121: {  	s5 =	sor.u32 $0x1C03, s5;
	s7 =	rddreg [dreg:$0x9];
	s9 =	sshrl.u32 s8, $0x3  }
0x122: {  	[hbm:s7], [sflag:s5] =	dma.local [spmem:s9], $0x800  }
0x123: {  	_ =	swait.ge [sflag:s19], $0x800  }
0x124: {  	[sflag:s19] =	ssyncset.done $0x0;
	s7 =	rddreg [dreg:$0x5]  }
0x125: {  	s9 =	rddreg [dreg:$0xa];
	[sflag:s19] =	ssyncadd.s32 $0xFFFFF800;
	s6 =	sshrl.u32 s7, $0x3  }
0x126: {  	[hbm:s9], [sflag:s5] =	dma.local [spmem:s6], $0x800  }
0x127: {  	_ =	swait.ge [sflag:s19], $0x800  }
0x128: {  	[sflag:s19] =	ssyncset.done $0x0;
	s7 =	rddreg [dreg:$0x6]  }
0x129: {  	s9 =	rddreg [dreg:$0xb];
	[sflag:s19] =	ssyncadd.s32 $0xFFFFF800;
	s6 =	sshrl.u32 s7, $0x3  }
0x12a: {  	[hbm:s9], [sflag:s5] =	dma.local [spmem:s6], $0x800  }
0x12b: {  	_ =	swait.ge [sflag:s19], $0x800  }
0x12c: {  	[sflag:s19] =	ssyncset.done $0x0;
	s7 =	rddreg [dreg:$0x7]  }
0x12d: {  	s9 =	rddreg [dreg:$0xc];
	[sflag:s19] =	ssyncadd.s32 $0xFFFFF800;
	s6 =	sshrl.u32 s7, $0x3  }
0x12e: {  	[hbm:s9], [sflag:s5] =	dma.local [spmem:s6], $0x800  }
0x12f: {  	_ =	swait.ge [sflag:s19], $0x800  }
0x130: {  	[sflag:s19] =	ssyncset.done $0x0;
	s9 =	rddreg [dreg:$0x8]  }
0x131: {  	s7 =	rddreg [dreg:$0xd];
	[sflag:s19] =	ssyncadd.s32 $0xFFFFF800;
	s6 =	sshrl.u32 s9, $0x3  }
0x132: {  	[hbm:s7], [sflag:s5] =	dma.local [spmem:s6], $0x800  }
0x133: {  	_ =	swait.ge [sflag:s19], $0x800  }
0x134: {  	s15 =	sadd.s32 $0x1, s15;
	s7 =	rddreg [dreg:$0xe]  }
0x135: {  	p0 =	sne.s32 s15, s7  }
.Ltmp2:
0x136: {  	_ = 	snop;
	(pc) =	sbr.rel @p0 .LBB2_1-.Ltmp2, $3  }
0x137: {  	_ =	sdelay $0x1  }
0x138: {  	[sflag:s19] =	ssyncset.done $0x0  }
0x139: {  	[sflag:s19] =	ssyncadd.s32 $0xFFFFF800  }
0x13a: {  	_ =	sfence.sel $0x180000  }
0x13b: {  	[bflag:$0x0] =	sbarrier.arrive $0xFFFF  }
0x13c: {  	_ =	strace $0x9000004A  }
0x13d: {  	s0 =	stileid.u32;
	[bflag:$0x2] =	sbarrier.arrive $0xFFFF  }
0x13e: {  	p0 =	sne.s32 s0, $0x0;
	s0 =	rddreg [dreg:$0x3]  }
0x13f: {  	s0 =	sadd.s32 @!p0 $0x100000, s0  }
0x140: {  	[sflag:s0] =	ssyncadd.tile.s32 @!p0 $0x1;
	_ =	shalt  }
.Lfunc_end2:
_tile_overlayer_lowered:
.L_overlay_start_2:
0x141: {  	(tag) =	ssettag $0x2  }
0x142: {  	s0 =	rddreg [dreg:$0x0];
	s2 =	stileid.u32  }
0x143: {  	s1 =	rddreg [dreg:$0x1];
	p0 =	sne.s32 s2, $0x0  }
0x144: {  	s3 =	rddreg [dreg:$0x2];
	[bflag:$0x3] =	sbarrier.arrive $0xFFFF;
	s2 =	simm.s32 @!p0 $0x1C03  }
0x145: {  	[timem:s3], [sflag:s2] =	dma.local @!p0 [hbm:s0], s1  }
0x146: {  	s0 =	simm.s32 @!p0 $0x3  }
0x147: {  	_ =	swait.ge @!p0 [sflag:s0], s1  }
0x148: {  	s1 =	ssub.s32 @!p0 $0x0, s1;
	[sflag:s0] =	ssyncset.done @!p0 $0x0  }
0x149: {  	[sflag:s0] =	ssyncadd.s32 @!p0 s1  }
0x14a: {  	[bflag:$0x3] =	sbarrier.arrive $0xFFFF  }
0x14b: {  	_ =	shalt  }

</sc_bundles>
